<compile_context>
chip_gen: v7x
topology: tpu7x:2x2x1
jax: 0.10.2.dev20260603
libtpu: 0.0.44.dev20260713+nightly
codegen_flags: <defaults>
</compile_context>

<pallas_src>
import functools
import math

import jax
import jax.numpy as jnp
from jax import lax
from jax.experimental import pallas as pl
from jax.experimental.pallas import tpu as pltpu
from jax.experimental.pallas import tpu_sc as plsc

N = 10000
E = 320000
F = 128
R_MAX = 5.0
_GAP = R_MAX / 128.0
_COEFF = -0.5 / (_GAP * _GAP)
_LOG2 = math.log(2.0)

_EDGE_BLK = 8192
_EDGE_GRID = (E + _EDGE_BLK - 1) // _EDGE_BLK
_CHUNK = 128
_NCHUNK = E // _CHUNK
_TILES = 16
_CPT = 160
_DST_ROWS = _CPT * _TILES
_ROWS_PER_TILE = 624
_ROWS_REM = N - _TILES * _ROWS_PER_TILE

_EPAD = 2560 * 128

_PLOG = (-3.0283249744104577, 6.065858861121359, -5.264155524116715,
         3.218869813800031, -1.234279899429953, 0.26686276780638246,
         -0.024825984442692788)


def _prep_stage(d_ref, dt_ref, lt_ref):
    dd = d_ref[...]
    cut = 0.5 * (jnp.cos(dd * (math.pi / R_MAX)) + 1.0)
    cut = jnp.where(dd < R_MAX, cut, 0.0)
    lc2 = jnp.maximum(2.0 * jnp.log(cut), -1e30)
    for j in range(5):
        dt_ref[j] = jnp.transpose(dd[j * 64:(j + 1) * 64, :])
        lt_ref[j] = jnp.transpose(lc2[j * 64:(j + 1) * 64, :])


def _edge_stage(dt_ref, lt_ref, eh_ref, m_ref, q_ref):
    mu = m_ref[...]
    dt = dt_ref[0]
    lt = lt_ref[0]
    for r in range(_EDGE_BLK // 128):
        dd = dt[:, r:r + 1]
        lc2 = lt[:, r:r + 1]
        eh = eh_ref[pl.ds(r * 128, 128), :]
        diff = dd - mu
        lbf = _COEFF * diff * diff + lc2
        bits = lax.bitcast_convert_type(jnp.abs(eh), jnp.int32)
        ex = (bits >> 23) - 127
        frac = lax.bitcast_convert_type((bits & 0x007FFFFF) | 0x3F800000,
                                        jnp.float32)
        lg = jnp.float32(_PLOG[6])
        for k in (5, 4, 3, 2, 1, 0):
            lg = lg * frac + jnp.float32(_PLOG[k])
        lm = (ex.astype(jnp.float32) + lg) * _LOG2 + lbf
        ehbits = lax.bitcast_convert_type(eh, jnp.int32)
        neg = lax.shift_right_logical(ehbits, 31).astype(jnp.float32)
        q_ref[0, pl.ds(r * 128, 128), :] = lm
        q_ref[1, pl.ds(r * 128, 128), :] = neg


def _build_scatter():
    mesh = plsc.VectorSubcoreMesh(core_axis_name="c", subcore_axis_name="s")

    @functools.partial(
        pl.kernel,
        mesh=mesh,
        out_type=jax.ShapeDtypeStruct((2, N, F), jnp.float32),
        scratch_types=[
            pltpu.VMEM((_CPT // 2, _CHUNK), jnp.int32),
            pltpu.VMEM((_CHUNK, F), jnp.float32),
            pltpu.VMEM((_CHUNK, F), jnp.float32),
            pltpu.SemaphoreType.DMA,
            pltpu.SemaphoreType.DMA,
            pltpu.VMEM_SHARED((N, F), jnp.float32),
        ],
    )
    def scatter_k(q_hbm, dst2_hbm, zero_hbm, out_hbm,
                  idx_all, buf0, buf1, sem0, sem1, acc):
        c = lax.axis_index("c")
        s = lax.axis_index("s")
        r0 = s * _CPT
        nc = jnp.minimum(_CPT, _NCHUNK - r0)

        rz = s * _ROWS_PER_TILE
        pltpu.sync_copy(zero_hbm, acc.at[pl.ds(rz, _ROWS_PER_TILE)])

        @pl.when(s == 0)
        def _zrem():
            pltpu.sync_copy(zero_hbm.at[pl.ds(0, _ROWS_REM)],
                            acc.at[pl.ds(_TILES * _ROWS_PER_TILE, _ROWS_REM)])

        plsc.subcore_barrier()

        def src(i):
            return q_hbm.at[c, pl.ds((r0 + i) * _CHUNK, _CHUNK)]

        _HALF = _CPT // 2
        for ph in (0, 1):
            base = _HALF * ph
            cnt = jnp.clip(nc - base, 0, _HALF)

            @pl.when(cnt > 0)
            def _phase(base=base, cnt=cnt):
                pltpu.sync_copy(dst2_hbm.at[pl.ds(r0 + base, _HALF)], idx_all)
                pltpu.async_copy(src(base), buf0, sem0)

                def body(j, carry):
                    i0 = 2 * j

                    @pl.when(i0 < cnt)
                    def _even():
                        pltpu.make_async_copy(src(base + i0), buf0, sem0).wait()

                        @pl.when(i0 + 1 < cnt)
                        def _s1():
                            pltpu.async_copy(src(base + i0 + 1), buf1, sem1)

                        pltpu.sync_copy(buf0, acc.at[idx_all.at[i0]], add=True)

                        @pl.when(i0 + 1 < cnt)
                        def _odd():
                            pltpu.make_async_copy(src(base + i0 + 1), buf1,
                                                  sem1).wait()

                            @pl.when(i0 + 2 < cnt)
                            def _s2():
                                pltpu.async_copy(src(base + i0 + 2), buf0, sem0)

                            pltpu.sync_copy(buf1, acc.at[idx_all.at[i0 + 1]],
                                            add=True)

                    return carry

                lax.fori_loop(0, _HALF // 2, body, 0)

        plsc.subcore_barrier()
        pltpu.sync_copy(acc.at[pl.ds(rz, _ROWS_PER_TILE)],
                        out_hbm.at[c, pl.ds(rz, _ROWS_PER_TILE)])

        @pl.when(s == 0)
        def _wrem():
            base = _TILES * _ROWS_PER_TILE
            pltpu.sync_copy(acc.at[pl.ds(base, _ROWS_REM)],
                            out_hbm.at[c, pl.ds(base, _ROWS_REM)])

    return scatter_k


def _node_stage(a_ref, w_ref, b_ref, o_ref):
    ssum = a_ref[0]
    pcnt = a_ref[1]
    parity = pcnt - 2.0 * jnp.floor(pcnt * 0.5)
    h = jnp.exp(ssum) * (1.0 - 2.0 * parity)
    x = jnp.dot(h, w_ref[...], preferred_element_type=jnp.float32) + b_ref[...]
    o_ref[...] = jnp.maximum(x, 0.0) + jnp.log(1.0 + jnp.exp(-jnp.abs(x))) - _LOG2


def kernel(edge_index, d, edge_h, W1, b1, W2, b2, W3, b3):
    dst = edge_index[1]
    mg = jnp.linspace(0.0, R_MAX, F, dtype=jnp.float32).reshape(1, F)

    _ROWS = _EPAD // 128
    _CB = _EDGE_BLK // 128
    dpad = jnp.pad(d, (0, _EPAD - E)).reshape(_ROWS, 128)
    dT, lT = pl.pallas_call(
        _prep_stage,
        grid=(8,),
        in_specs=[pl.BlockSpec((_ROWS // 8, 128), lambda i: (i, 0))],
        out_specs=[pl.BlockSpec((5, 128, _CB), lambda i: (i, 0, 0)),
                   pl.BlockSpec((5, 128, _CB), lambda i: (i, 0, 0))],
        out_shape=[jax.ShapeDtypeStruct((_EDGE_GRID, 128, _CB), jnp.float32),
                   jax.ShapeDtypeStruct((_EDGE_GRID, 128, _CB), jnp.float32)],
    )(dpad)

    q = pl.pallas_call(
        _edge_stage,
        grid=(_EDGE_GRID,),
        in_specs=[
            pl.BlockSpec((1, 128, _CB), lambda i: (i, 0, 0)),
            pl.BlockSpec((1, 128, _CB), lambda i: (i, 0, 0)),
            pl.BlockSpec((_EDGE_BLK, F), lambda i: (i, 0)),
            pl.BlockSpec((1, F), lambda i: (0, 0)),
        ],
        out_specs=pl.BlockSpec((2, _EDGE_BLK, F), lambda i: (0, i, 0)),
        out_shape=jax.ShapeDtypeStruct((2, E, F), jnp.float32),
    )(dT, lT, edge_h, mg)

    dst2 = jnp.pad(dst.reshape(_NCHUNK, _CHUNK),
                   ((0, _DST_ROWS - _NCHUNK), (0, 0)))
    zeros = jnp.zeros((_ROWS_PER_TILE, F), jnp.float32)
    acc = _build_scatter()(q, dst2, zeros)

    nb = 1000
    out = pl.pallas_call(
        _node_stage,
        grid=(N // nb,),
        in_specs=[
            pl.BlockSpec((2, nb, F), lambda i: (0, i, 0)),
            pl.BlockSpec((F, F), lambda i: (0, 0)),
            pl.BlockSpec((1, F), lambda i: (0, 0)),
        ],
        out_specs=pl.BlockSpec((nb, F), lambda i: (i, 0)),
        out_shape=jax.ShapeDtypeStruct((N, F), jnp.float32),
    )(acc, W3, b3.reshape(1, F))
    return out

# --- scband reference (transcript-rebuilt; emitter-appended) ---
"""Pipeline reference for scband-schnet-embedding-17772574671135 (READ-ONLY COPY).

The authoritative reference and input builder live on the scoring server;
editing this copy changes nothing except your own understanding.
"""

import jax, jax.numpy as jnp
import numpy as np

N = 10000
E = 320000
IN_FEATS = 128
RADIAL_FEATS = 128
OUT_FEATS = 128
R_MIN, R_MAX = 0.0, 5.0


def _ssp(x):
    # shifted softplus, the standard SchNet nonlinearity
    return jax.nn.softplus(x) - jnp.log(2.0)


def _mlp(x, W, b):
    return _ssp(x @ W + b)


def _radial_basis(d):
    mu = jnp.linspace(R_MIN, R_MAX, RADIAL_FEATS)
    gap = (R_MAX - R_MIN) / RADIAL_FEATS
    coeff = -0.5 / (gap * gap)
    diff = d[:, None] - mu[None, :]
    return jnp.exp(coeff * diff * diff)


def _smooth_cutoff(d):
    c = 0.5 * (jnp.cos(jnp.pi * d / R_MAX) + 1.0)
    return jnp.where(d < R_MAX, c, 0.0)


def setup_inputs(seed: int = 0):
    key = jax.random.key(seed)
    ks = jax.random.split(key, 8)
    edge_index = jax.random.randint(ks[0], (2, E), 0, N, dtype=jnp.int32)
    d = jax.random.uniform(ks[1], (E,), dtype=jnp.float32) * R_MAX
    edge_h = jax.random.normal(ks[2], (E, IN_FEATS), dtype=jnp.float32)
    s1 = 1.0 / np.sqrt(RADIAL_FEATS)
    s2 = 1.0 / np.sqrt(IN_FEATS)
    W1 = jax.random.normal(ks[3], (RADIAL_FEATS, IN_FEATS), dtype=jnp.float32) * s1
    b1 = jnp.zeros((IN_FEATS,), dtype=jnp.float32)
    W2 = jax.random.normal(ks[4], (IN_FEATS, IN_FEATS), dtype=jnp.float32) * s2
    b2 = jnp.zeros((IN_FEATS,), dtype=jnp.float32)
    W3 = jax.random.normal(ks[5], (IN_FEATS, OUT_FEATS), dtype=jnp.float32) * s2
    b3 = jnp.zeros((OUT_FEATS,), dtype=jnp.float32)
    return {"edge_index": edge_index, "d": d, "edge_h": edge_h,
            "W1": W1, "b1": b1, "W2": W2, "b2": b2, "W3": W3, "b3": b3}


def reference(edge_index, d, edge_h, W1, b1, W2, b2, W3, b3):
    # g.edata['d'] -> d; g.edata['h'] -> edge_h (pre-existing edge features)
    bf = _radial_basis(d)                      # basis_func(e_var)
    cutoff = _smooth_cutoff(d)                 # cutoff(e_var), shape [E]
    bf_e = bf * cutoff[:, None]                # g.edata['bf'] = bf * cutoff
    # FGN MLPs: computed in the original forward but their result is never
    # written back to g.edata, so it does not affect the output (faithful).
    _filt = _mlp(_mlp(bf, W1, b1), W2, b2)
    # cfconv message: edata['h'] * edata['bf'] * cutoff.unsqueeze(-1)
    messages = edge_h * bf_e * cutoff[:, None]
    dst = edge_index[1]
    # reduce_func: product over each node's mailbox -> segment product by dst
    h = jax.ops.segment_prod(messages, dst, num_segments=N)
    out = _mlp(h, W3, b3)                      # IB_MLP
    return out

if __name__ == "__main__":
    import jax
    _d = setup_inputs()
    print(jax.jit(kernel)(*tuple(_d.values())))

</pallas_src>

<mosaic_0001>
#map = affine_map<(d0, d1) -> (0, 0, 0)>
#map1 = affine_map<(d0, d1) -> (0, 0)>
module attributes {stable_mosaic.version = 14 : i64} {
  func.func @scatter_k(%arg0: i32, %arg1: i32, %arg2: memref<2x320000x128xf32, #tpu.memory_space<hbm>>, %arg3: memref<2560x128xi32, #tpu.memory_space<hbm>>, %arg4: memref<624x128xf32, #tpu.memory_space<hbm>>, %arg5: memref<2x10000x128xf32, #tpu.memory_space<hbm>>, %arg6: memref<80x128xi32, #tpu.memory_space<vmem>>, %arg7: memref<128x128xf32, #tpu.memory_space<vmem>>, %arg8: memref<128x128xf32, #tpu.memory_space<vmem>>, %arg9: memref<!tpu.dma_semaphore, #tpu.memory_space<semaphore_mem>>, %arg10: memref<!tpu.dma_semaphore, #tpu.memory_space<semaphore_mem>>, %arg11: memref<10000x128xf32, #tpu.memory_space<vmem_shared>>) attributes {dimension_semantics = [#tpu.dimension_semantics<core_parallel>, #tpu.dimension_semantics<subcore_parallel>], iteration_bounds = array<i64: 2, 16>, scalar_prefetch = 0 : i64, scratch_operands = 6 : i64, tpu.core_type = #tpu.core_type<sc_vector_subcore>, window_params = [{transform_indices = #map}, {transform_indices = #map1}, {transform_indices = #map1}, {transform_indices = #map}]} {
    %mul3A = arith.constant 160 : i32
    %mul3A_0 = arith.muli %arg1, %mul3A : i32
    %sub3A = arith.constant 2500 : i32
    %sub3A_1 = arith.subi %sub3A, %mul3A_0 : i32
    %min3A = arith.constant 160 : i32
    %min3A_2 = arith.minsi %min3A, %sub3A_1 : i32
    %mul3A_3 = arith.constant 624 : i32
    %mul3A_4 = arith.muli %arg1, %mul3A_3 : i32
    "tpu.region"() ({
      %run_scoped3A = tpu.sem_alloc : memref<!tpu.dma_semaphore, #tpu.memory_space<semaphore_mem>>
      %dma_start3A = arith.constant 0 : i32
      %dma_start3A_32 = tpu.memref_slice %arg11[%mul3A_4, %dma_start3A] : memref<10000x128xf32, #tpu.memory_space<vmem_shared>> -> memref<624x128xf32, #tpu.memory_space<vmem_shared>>
      tpu.enqueue_dma source(%arg4 : memref<624x128xf32, #tpu.memory_space<hbm>>) target(%dma_start3A_32 : memref<624x128xf32, #tpu.memory_space<vmem_shared>>) target_semaphore(%run_scoped3A : memref<!tpu.dma_semaphore, #tpu.memory_space<semaphore_mem>>)
      %dma_wait3A = arith.constant 0 : i32
      %dma_wait3A_33 = tpu.memref_slice %arg11[%mul3A_4, %dma_wait3A] : memref<10000x128xf32, #tpu.memory_space<vmem_shared>> -> memref<624x128xf32, #tpu.memory_space<vmem_shared>>
      tpu.wait_dma2 semaphore(%run_scoped3A : memref<!tpu.dma_semaphore, #tpu.memory_space<semaphore_mem>>) src(%arg4 : memref<624x128xf32, #tpu.memory_space<hbm>>) dst(%dma_wait3A_33 : memref<624x128xf32, #tpu.memory_space<vmem_shared>>)
      tpu.yield
    }) : () -> ()
    %eq3A = arith.constant 0 : i32
    %eq3A_5 = arith.cmpi eq, %arg1, %eq3A : i32
    %convert_element_type3A = arith.extui %eq3A_5 : i1 to i32
    %cond3A = arith.constant 0 : i32
    %cond3A_6 = arith.cmpi ne, %convert_element_type3A, %cond3A : i32
    scf.if %cond3A_6 {
      "tpu.region"() ({
        %run_scoped3A = tpu.sem_alloc : memref<!tpu.dma_semaphore, #tpu.memory_space<semaphore_mem>>
        %dma_start3A = arith.constant 9984 : i32
        %dma_start3A_32 = arith.constant 0 : i32
        %dma_start3A_33 = tpu.memref_slice %arg11[%dma_start3A, %dma_start3A_32] : memref<10000x128xf32, #tpu.memory_space<vmem_shared>> -> memref<16x128xf32, #tpu.memory_space<vmem_shared>>
        %dma_start3A_34 = arith.constant 0 : i32
        %dma_start3A_35 = arith.constant 0 : i32
        %dma_start3A_36 = tpu.memref_slice %arg4[%dma_start3A_34, %dma_start3A_35] : memref<624x128xf32, #tpu.memory_space<hbm>> -> memref<16x128xf32, #tpu.memory_space<hbm>>
        tpu.enqueue_dma source(%dma_start3A_36 : memref<16x128xf32, #tpu.memory_space<hbm>>) target(%dma_start3A_33 : memref<16x128xf32, #tpu.memory_space<vmem_shared>>) target_semaphore(%run_scoped3A : memref<!tpu.dma_semaphore, #tpu.memory_space<semaphore_mem>>)
        %dma_wait3A = arith.constant 9984 : i32
        %dma_wait3A_37 = arith.constant 0 : i32
        %dma_wait3A_38 = tpu.memref_slice %arg11[%dma_wait3A, %dma_wait3A_37] : memref<10000x128xf32, #tpu.memory_space<vmem_shared>> -> memref<16x128xf32, #tpu.memory_space<vmem_shared>>
        %dma_wait3A_39 = arith.constant 0 : i32
        %dma_wait3A_40 = arith.constant 0 : i32
        %dma_wait3A_41 = tpu.memref_slice %arg4[%dma_wait3A_39, %dma_wait3A_40] : memref<624x128xf32, #tpu.memory_space<hbm>> -> memref<16x128xf32, #tpu.memory_space<hbm>>
        tpu.wait_dma2 semaphore(%run_scoped3A : memref<!tpu.dma_semaphore, #tpu.memory_space<semaphore_mem>>) src(%dma_wait3A_41 : memref<16x128xf32, #tpu.memory_space<hbm>>) dst(%dma_wait3A_38 : memref<16x128xf32, #tpu.memory_space<vmem_shared>>)
        tpu.yield
      }) : () -> ()
    } else {
    }
    %barrier3A = arith.constant 0 : index
    tpu.barrier barrier_id(%barrier3A)
    %sub3A_7 = arith.constant 0 : i32
    %sub3A_8 = arith.subi %min3A_2, %sub3A_7 : i32
    %jit3A = arith.constant 0 : i32
    %jit3A_9 = arith.constant 80 : i32
    %max3A = arith.maxsi %jit3A, %sub3A_8 : i32
    %min3A_10 = arith.minsi %jit3A_9, %max3A : i32
    %gt3A = arith.constant 0 : i32
    %gt3A_11 = arith.cmpi sgt, %min3A_10, %gt3A : i32
    %convert_element_type3A_12 = arith.extui %gt3A_11 : i1 to i32
    %cond3A_13 = arith.constant 0 : i32
    %cond3A_14 = arith.cmpi ne, %convert_element_type3A_12, %cond3A_13 : i32
    scf.if %cond3A_14 {
      %add3A = arith.constant 0 : i32
      %add3A_32 = arith.addi %mul3A_0, %add3A : i32
      "tpu.region"() ({
        %run_scoped3A = tpu.sem_alloc : memref<!tpu.dma_semaphore, #tpu.memory_space<semaphore_mem>>
        %dma_start3A_47 = arith.constant 0 : i32
        %dma_start3A_48 = tpu.memref_slice %arg3[%add3A_32, %dma_start3A_47] : memref<2560x128xi32, #tpu.memory_space<hbm>> -> memref<80x128xi32, #tpu.memory_space<hbm>>
        %dma_start3A_49 = arith.constant 0 : i32
        %dma_start3A_50 = tpu.memref_slice %arg3[%add3A_32, %dma_start3A_49] : memref<2560x128xi32, #tpu.memory_space<hbm>> -> memref<80x128xi32, #tpu.memory_space<hbm>>
        tpu.enqueue_dma source(%dma_start3A_50 : memref<80x128xi32, #tpu.memory_space<hbm>>) target(%arg6 : memref<80x128xi32, #tpu.memory_space<vmem>>) target_semaphore(%run_scoped3A : memref<!tpu.dma_semaphore, #tpu.memory_space<semaphore_mem>>)
        %dma_wait3A = arith.constant 0 : i32
        %dma_wait3A_51 = tpu.memref_slice %arg3[%add3A_32, %dma_wait3A] : memref<2560x128xi32, #tpu.memory_space<hbm>> -> memref<80x128xi32, #tpu.memory_space<hbm>>
        %dma_wait3A_52 = arith.constant 0 : i32
        %dma_wait3A_53 = tpu.memref_slice %arg3[%add3A_32, %dma_wait3A_52] : memref<2560x128xi32, #tpu.memory_space<hbm>> -> memref<80x128xi32, #tpu.memory_space<hbm>>
        tpu.wait_dma2 semaphore(%run_scoped3A : memref<!tpu.dma_semaphore, #tpu.memory_space<semaphore_mem>>) src(%dma_wait3A_53 : memref<80x128xi32, #tpu.memory_space<hbm>>) dst(%arg6 : memref<80x128xi32, #tpu.memory_space<vmem>>)
        tpu.yield
      }) : () -> ()
      %add3A_33 = arith.constant 0 : i32
      %add3A_34 = arith.addi %mul3A_0, %add3A_33 : i32
      %mul3A_35 = arith.constant 128 : i32
      %mul3A_36 = arith.muli %add3A_34, %mul3A_35 : i32
      %dma_start3A = arith.constant 0 : i32
      %dma_start3A_37 = tpu.memref_slice %arg2[%arg0, %mul3A_36, %dma_start3A] : memref<2x320000x128xf32, #tpu.memory_space<hbm>> -> memref<1x128x128xf32, #tpu.memory_space<hbm>>
      %dma_start3A_38 = tpu.memref_squeeze %dma_start3A_37 : memref<1x128x128xf32, #tpu.memory_space<hbm>> -> memref<128x128xf32, #tpu.memory_space<hbm>>
      %dma_start3A_39 = arith.constant 0 : i32
      %dma_start3A_40 = tpu.memref_slice %arg2[%arg0, %mul3A_36, %dma_start3A_39] : memref<2x320000x128xf32, #tpu.memory_space<hbm>> -> memref<1x128x128xf32, #tpu.memory_space<hbm>>
      %dma_start3A_41 = tpu.memref_squeeze %dma_start3A_40 : memref<1x128x128xf32, #tpu.memory_space<hbm>> -> memref<128x128xf32, #tpu.memory_space<hbm>>
      tpu.enqueue_dma source(%dma_start3A_41 : memref<128x128xf32, #tpu.memory_space<hbm>>) target(%arg7 : memref<128x128xf32, #tpu.memory_space<vmem>>) target_semaphore(%arg9 : memref<!tpu.dma_semaphore, #tpu.memory_space<semaphore_mem>>)
      %scan3A = arith.constant 0 : i32
      %scan3A_42 = arith.constant 0 : i32
      %scan3A_43 = arith.constant 40 : i32
      %scan3A_44 = arith.addi %scan3A_42, %scan3A_43 : i32
      %scan3A_45 = arith.constant 1 : i32
      scf.for %scan3A_47 = %scan3A_42 to %scan3A_44 step %scan3A_45  : i32 {
        %mul3A_48 = arith.constant 2 : i32
        %mul3A_49 = arith.muli %mul3A_48, %scan3A_47 : i32
        %lt3A = arith.cmpi slt, %mul3A_49, %min3A_10 : i32
        %convert_element_type3A_50 = arith.extui %lt3A : i1 to i32
        %cond3A_51 = arith.constant 0 : i32
        %cond3A_52 = arith.cmpi ne, %convert_element_type3A_50, %cond3A_51 : i32
        scf.if %cond3A_52 {
          %add3A_53 = arith.constant 0 : i32
          %add3A_54 = arith.addi %add3A_53, %mul3A_49 : i32
          %add3A_55 = arith.addi %mul3A_0, %add3A_54 : i32
          %mul3A_56 = arith.constant 128 : i32
          %mul3A_57 = arith.muli %add3A_55, %mul3A_56 : i32
          %dma_wait3A = arith.constant 0 : i32
          %dma_wait3A_58 = tpu.memref_slice %arg2[%arg0, %mul3A_57, %dma_wait3A] : memref<2x320000x128xf32, #tpu.memory_space<hbm>> -> memref<1x128x128xf32, #tpu.memory_space<hbm>>
          %dma_wait3A_59 = tpu.memref_squeeze %dma_wait3A_58 : memref<1x128x128xf32, #tpu.memory_space<hbm>> -> memref<128x128xf32, #tpu.memory_space<hbm>>
          %dma_wait3A_60 = arith.constant 0 : i32
          %dma_wait3A_61 = tpu.memref_slice %arg2[%arg0, %mul3A_57, %dma_wait3A_60] : memref<2x320000x128xf32, #tpu.memory_space<hbm>> -> memref<1x128x128xf32, #tpu.memory_space<hbm>>
          %dma_wait3A_62 = tpu.memref_squeeze %dma_wait3A_61 : memref<1x128x128xf32, #tpu.memory_space<hbm>> -> memref<128x128xf32, #tpu.memory_space<hbm>>
          tpu.wait_dma2 semaphore(%arg9 : memref<!tpu.dma_semaphore, #tpu.memory_space<semaphore_mem>>) src(%dma_wait3A_62 : memref<128x128xf32, #tpu.memory_space<hbm>>) dst(%arg7 : memref<128x128xf32, #tpu.memory_space<vmem>>)
          %add3A_63 = arith.constant 1 : i32
          %add3A_64 = arith.addi %mul3A_49, %add3A_63 : i32
          %lt3A_65 = arith.cmpi slt, %add3A_64, %min3A_10 : i32
          %convert_element_type3A_66 = arith.extui %lt3A_65 : i1 to i32
          %cond3A_67 = arith.constant 0 : i32
          %cond3A_68 = arith.cmpi ne, %convert_element_type3A_66, %cond3A_67 : i32
          scf.if %cond3A_68 {
            %add3A_75 = arith.constant 0 : i32
            %add3A_76 = arith.addi %add3A_75, %mul3A_49 : i32
            %add3A_77 = arith.constant 1 : i32
            %add3A_78 = arith.addi %add3A_76, %add3A_77 : i32
            %add3A_79 = arith.addi %mul3A_0, %add3A_78 : i32
            %mul3A_80 = arith.constant 128 : i32
            %mul3A_81 = arith.muli %add3A_79, %mul3A_80 : i32
            %dma_start3A_82 = arith.constant 0 : i32
            %dma_start3A_83 = tpu.memref_slice %arg2[%arg0, %mul3A_81, %dma_start3A_82] : memref<2x320000x128xf32, #tpu.memory_space<hbm>> -> memref<1x128x128xf32, #tpu.memory_space<hbm>>
            %dma_start3A_84 = tpu.memref_squeeze %dma_start3A_83 : memref<1x128x128xf32, #tpu.memory_space<hbm>> -> memref<128x128xf32, #tpu.memory_space<hbm>>
            %dma_start3A_85 = arith.constant 0 : i32
            %dma_start3A_86 = tpu.memref_slice %arg2[%arg0, %mul3A_81, %dma_start3A_85] : memref<2x320000x128xf32, #tpu.memory_space<hbm>> -> memref<1x128x128xf32, #tpu.memory_space<hbm>>
            %dma_start3A_87 = tpu.memref_squeeze %dma_start3A_86 : memref<1x128x128xf32, #tpu.memory_space<hbm>> -> memref<128x128xf32, #tpu.memory_space<hbm>>
            tpu.enqueue_dma source(%dma_start3A_87 : memref<128x128xf32, #tpu.memory_space<hbm>>) target(%arg8 : memref<128x128xf32, #tpu.memory_space<vmem>>) target_semaphore(%arg10 : memref<!tpu.dma_semaphore, #tpu.memory_space<semaphore_mem>>)
          } else {
          }
          "tpu.region"() ({
            %run_scoped3A = tpu.sem_alloc : memref<!tpu.dma_semaphore, #tpu.memory_space<semaphore_mem>>
            %dma_start3A_75 = arith.constant 0 : i32
            %dma_start3A_76 = tpu.memref_slice %arg6[%mul3A_49, %dma_start3A_75] : memref<80x128xi32, #tpu.memory_space<vmem>> -> memref<1x128xi32, #tpu.memory_space<vmem>>
            %dma_start3A_77 = tpu.memref_squeeze %dma_start3A_76 : memref<1x128xi32, #tpu.memory_space<vmem>> -> memref<128xi32, #tpu.memory_space<vmem>>
            %dma_start3A_78 = arith.constant 0 : i32
            %dma_start3A_79 = arith.constant 0 : i32
            %dma_start3A_80 = tpu.memref_slice %arg11[%dma_start3A_78, %dma_start3A_79] : memref<10000x128xf32, #tpu.memory_space<vmem_shared>> -> memref<10000x128xf32, #tpu.memory_space<vmem_shared>>
            tpu.enqueue_indirect_dma source(%arg7 : memref<128x128xf32, #tpu.memory_space<vmem>>) target(%dma_start3A_80 : memref<10000x128xf32, #tpu.memory_space<vmem_shared>>) offsets(%dma_start3A_77 : memref<128xi32, #tpu.memory_space<vmem>>) semaphore(%run_scoped3A : memref<!tpu.dma_semaphore, #tpu.memory_space<semaphore_mem>>) {add = true}
            %dma_wait3A_81 = arith.constant 0 : i32
            %dma_wait3A_82 = tpu.memref_slice %arg6[%mul3A_49, %dma_wait3A_81] : memref<80x128xi32, #tpu.memory_space<vmem>> -> memref<1x128xi32, #tpu.memory_space<vmem>>
            %dma_wait3A_83 = tpu.memref_squeeze %dma_wait3A_82 : memref<1x128xi32, #tpu.memory_space<vmem>> -> memref<128xi32, #tpu.memory_space<vmem>>
            %dma_wait3A_84 = arith.constant 0 : i32
            %dma_wait3A_85 = arith.constant 0 : i32
            %dma_wait3A_86 = tpu.memref_slice %arg11[%dma_wait3A_84, %dma_wait3A_85] : memref<10000x128xf32, #tpu.memory_space<vmem_shared>> -> memref<10000x128xf32, #tpu.memory_space<vmem_shared>>
            tpu.wait_indirect_dma semaphore(%run_scoped3A : memref<!tpu.dma_semaphore, #tpu.memory_space<semaphore_mem>>) src(%arg7 : memref<128x128xf32, #tpu.memory_space<vmem>>) dst(%dma_wait3A_86 : memref<10000x128xf32, #tpu.memory_space<vmem_shared>>)
            tpu.yield
          }) : () -> ()
          %add3A_69 = arith.constant 1 : i32
          %add3A_70 = arith.addi %mul3A_49, %add3A_69 : i32
          %lt3A_71 = arith.cmpi slt, %add3A_70, %min3A_10 : i32
          %convert_element_type3A_72 = arith.extui %lt3A_71 : i1 to i32
          %cond3A_73 = arith.constant 0 : i32
          %cond3A_74 = arith.cmpi ne, %convert_element_type3A_72, %cond3A_73 : i32
          scf.if %cond3A_74 {
            %add3A_75 = arith.constant 0 : i32
            %add3A_76 = arith.addi %add3A_75, %mul3A_49 : i32
            %add3A_77 = arith.constant 1 : i32
            %add3A_78 = arith.addi %add3A_76, %add3A_77 : i32
            %add3A_79 = arith.addi %mul3A_0, %add3A_78 : i32
            %mul3A_80 = arith.constant 128 : i32
            %mul3A_81 = arith.muli %add3A_79, %mul3A_80 : i32
            %dma_wait3A_82 = arith.constant 0 : i32
            %dma_wait3A_83 = tpu.memref_slice %arg2[%arg0, %mul3A_81, %dma_wait3A_82] : memref<2x320000x128xf32, #tpu.memory_space<hbm>> -> memref<1x128x128xf32, #tpu.memory_space<hbm>>
            %dma_wait3A_84 = tpu.memref_squeeze %dma_wait3A_83 : memref<1x128x128xf32, #tpu.memory_space<hbm>> -> memref<128x128xf32, #tpu.memory_space<hbm>>
            %dma_wait3A_85 = arith.constant 0 : i32
            %dma_wait3A_86 = tpu.memref_slice %arg2[%arg0, %mul3A_81, %dma_wait3A_85] : memref<2x320000x128xf32, #tpu.memory_space<hbm>> -> memref<1x128x128xf32, #tpu.memory_space<hbm>>
            %dma_wait3A_87 = tpu.memref_squeeze %dma_wait3A_86 : memref<1x128x128xf32, #tpu.memory_space<hbm>> -> memref<128x128xf32, #tpu.memory_space<hbm>>
            tpu.wait_dma2 semaphore(%arg10 : memref<!tpu.dma_semaphore, #tpu.memory_space<semaphore_mem>>) src(%dma_wait3A_87 : memref<128x128xf32, #tpu.memory_space<hbm>>) dst(%arg8 : memref<128x128xf32, #tpu.memory_space<vmem>>)
            %add3A_88 = arith.constant 2 : i32
            %add3A_89 = arith.addi %mul3A_49, %add3A_88 : i32
            %lt3A_90 = arith.cmpi slt, %add3A_89, %min3A_10 : i32
            %convert_element_type3A_91 = arith.extui %lt3A_90 : i1 to i32
            %cond3A_92 = arith.constant 0 : i32
            %cond3A_93 = arith.cmpi ne, %convert_element_type3A_91, %cond3A_92 : i32
            scf.if %cond3A_93 {
              %add3A_96 = arith.constant 0 : i32
              %add3A_97 = arith.addi %add3A_96, %mul3A_49 : i32
              %add3A_98 = arith.constant 2 : i32
              %add3A_99 = arith.addi %add3A_97, %add3A_98 : i32
              %add3A_100 = arith.addi %mul3A_0, %add3A_99 : i32
              %mul3A_101 = arith.constant 128 : i32
              %mul3A_102 = arith.muli %add3A_100, %mul3A_101 : i32
              %dma_start3A_103 = arith.constant 0 : i32
              %dma_start3A_104 = tpu.memref_slice %arg2[%arg0, %mul3A_102, %dma_start3A_103] : memref<2x320000x128xf32, #tpu.memory_space<hbm>> -> memref<1x128x128xf32, #tpu.memory_space<hbm>>
              %dma_start3A_105 = tpu.memref_squeeze %dma_start3A_104 : memref<1x128x128xf32, #tpu.memory_space<hbm>> -> memref<128x128xf32, #tpu.memory_space<hbm>>
              %dma_start3A_106 = arith.constant 0 : i32
              %dma_start3A_107 = tpu.memref_slice %arg2[%arg0, %mul3A_102, %dma_start3A_106] : memref<2x320000x128xf32, #tpu.memory_space<hbm>> -> memref<1x128x128xf32, #tpu.memory_space<hbm>>
              %dma_start3A_108 = tpu.memref_squeeze %dma_start3A_107 : memref<1x128x128xf32, #tpu.memory_space<hbm>> -> memref<128x128xf32, #tpu.memory_space<hbm>>
              tpu.enqueue_dma source(%dma_start3A_108 : memref<128x128xf32, #tpu.memory_space<hbm>>) target(%arg7 : memref<128x128xf32, #tpu.memory_space<vmem>>) target_semaphore(%arg9 : memref<!tpu.dma_semaphore, #tpu.memory_space<semaphore_mem>>)
            } else {
            }
            %add3A_94 = arith.constant 1 : i32
            %add3A_95 = arith.addi %mul3A_49, %add3A_94 : i32
            "tpu.region"() ({
              %run_scoped3A = tpu.sem_alloc : memref<!tpu.dma_semaphore, #tpu.memory_space<semaphore_mem>>
              %dma_start3A_96 = arith.constant 0 : i32
              %dma_start3A_97 = tpu.memref_slice %arg6[%add3A_95, %dma_start3A_96] : memref<80x128xi32, #tpu.memory_space<vmem>> -> memref<1x128xi32, #tpu.memory_space<vmem>>
              %dma_start3A_98 = tpu.memref_squeeze %dma_start3A_97 : memref<1x128xi32, #tpu.memory_space<vmem>> -> memref<128xi32, #tpu.memory_space<vmem>>
              %dma_start3A_99 = arith.constant 0 : i32
              %dma_start3A_100 = arith.constant 0 : i32
              %dma_start3A_101 = tpu.memref_slice %arg11[%dma_start3A_99, %dma_start3A_100] : memref<10000x128xf32, #tpu.memory_space<vmem_shared>> -> memref<10000x128xf32, #tpu.memory_space<vmem_shared>>
              tpu.enqueue_indirect_dma source(%arg8 : memref<128x128xf32, #tpu.memory_space<vmem>>) target(%dma_start3A_101 : memref<10000x128xf32, #tpu.memory_space<vmem_shared>>) offsets(%dma_start3A_98 : memref<128xi32, #tpu.memory_space<vmem>>) semaphore(%run_scoped3A : memref<!tpu.dma_semaphore, #tpu.memory_space<semaphore_mem>>) {add = true}
              %dma_wait3A_102 = arith.constant 0 : i32
              %dma_wait3A_103 = tpu.memref_slice %arg6[%add3A_95, %dma_wait3A_102] : memref<80x128xi32, #tpu.memory_space<vmem>> -> memref<1x128xi32, #tpu.memory_space<vmem>>
              %dma_wait3A_104 = tpu.memref_squeeze %dma_wait3A_103 : memref<1x128xi32, #tpu.memory_space<vmem>> -> memref<128xi32, #tpu.memory_space<vmem>>
              %dma_wait3A_105 = arith.constant 0 : i32
              %dma_wait3A_106 = arith.constant 0 : i32
              %dma_wait3A_107 = tpu.memref_slice %arg11[%dma_wait3A_105, %dma_wait3A_106] : memref<10000x128xf32, #tpu.memory_space<vmem_shared>> -> memref<10000x128xf32, #tpu.memory_space<vmem_shared>>
              tpu.wait_indirect_dma semaphore(%run_scoped3A : memref<!tpu.dma_semaphore, #tpu.memory_space<semaphore_mem>>) src(%arg8 : memref<128x128xf32, #tpu.memory_space<vmem>>) dst(%dma_wait3A_107 : memref<10000x128xf32, #tpu.memory_space<vmem_shared>>)
              tpu.yield
            }) : () -> ()
          } else {
          }
        } else {
        }
      }
      %scan3A_46 = arith.constant 40 : i32
    } else {
    }
    %sub3A_15 = arith.constant 80 : i32
    %sub3A_16 = arith.subi %min3A_2, %sub3A_15 : i32
    %jit3A_17 = arith.constant 0 : i32
    %jit3A_18 = arith.constant 80 : i32
    %max3A_19 = arith.maxsi %jit3A_17, %sub3A_16 : i32
    %min3A_20 = arith.minsi %jit3A_18, %max3A_19 : i32
    %gt3A_21 = arith.constant 0 : i32
    %gt3A_22 = arith.cmpi sgt, %min3A_20, %gt3A_21 : i32
    %convert_element_type3A_23 = arith.extui %gt3A_22 : i1 to i32
    %cond3A_24 = arith.constant 0 : i32
    %cond3A_25 = arith.cmpi ne, %convert_element_type3A_23, %cond3A_24 : i32
    scf.if %cond3A_25 {
      %add3A = arith.constant 80 : i32
      %add3A_32 = arith.addi %mul3A_0, %add3A : i32
      "tpu.region"() ({
        %run_scoped3A = tpu.sem_alloc : memref<!tpu.dma_semaphore, #tpu.memory_space<semaphore_mem>>
        %dma_start3A_47 = arith.constant 0 : i32
        %dma_start3A_48 = tpu.memref_slice %arg3[%add3A_32, %dma_start3A_47] : memref<2560x128xi32, #tpu.memory_space<hbm>> -> memref<80x128xi32, #tpu.memory_space<hbm>>
        %dma_start3A_49 = arith.constant 0 : i32
        %dma_start3A_50 = tpu.memref_slice %arg3[%add3A_32, %dma_start3A_49] : memref<2560x128xi32, #tpu.memory_space<hbm>> -> memref<80x128xi32, #tpu.memory_space<hbm>>
        tpu.enqueue_dma source(%dma_start3A_50 : memref<80x128xi32, #tpu.memory_space<hbm>>) target(%arg6 : memref<80x128xi32, #tpu.memory_space<vmem>>) target_semaphore(%run_scoped3A : memref<!tpu.dma_semaphore, #tpu.memory_space<semaphore_mem>>)
        %dma_wait3A = arith.constant 0 : i32
        %dma_wait3A_51 = tpu.memref_slice %arg3[%add3A_32, %dma_wait3A] : memref<2560x128xi32, #tpu.memory_space<hbm>> -> memref<80x128xi32, #tpu.memory_space<hbm>>
        %dma_wait3A_52 = arith.constant 0 : i32
        %dma_wait3A_53 = tpu.memref_slice %arg3[%add3A_32, %dma_wait3A_52] : memref<2560x128xi32, #tpu.memory_space<hbm>> -> memref<80x128xi32, #tpu.memory_space<hbm>>
        tpu.wait_dma2 semaphore(%run_scoped3A : memref<!tpu.dma_semaphore, #tpu.memory_space<semaphore_mem>>) src(%dma_wait3A_53 : memref<80x128xi32, #tpu.memory_space<hbm>>) dst(%arg6 : memref<80x128xi32, #tpu.memory_space<vmem>>)
        tpu.yield
      }) : () -> ()
      %add3A_33 = arith.constant 80 : i32
      %add3A_34 = arith.addi %mul3A_0, %add3A_33 : i32
      %mul3A_35 = arith.constant 128 : i32
      %mul3A_36 = arith.muli %add3A_34, %mul3A_35 : i32
      %dma_start3A = arith.constant 0 : i32
      %dma_start3A_37 = tpu.memref_slice %arg2[%arg0, %mul3A_36, %dma_start3A] : memref<2x320000x128xf32, #tpu.memory_space<hbm>> -> memref<1x128x128xf32, #tpu.memory_space<hbm>>
      %dma_start3A_38 = tpu.memref_squeeze %dma_start3A_37 : memref<1x128x128xf32, #tpu.memory_space<hbm>> -> memref<128x128xf32, #tpu.memory_space<hbm>>
      %dma_start3A_39 = arith.constant 0 : i32
      %dma_start3A_40 = tpu.memref_slice %arg2[%arg0, %mul3A_36, %dma_start3A_39] : memref<2x320000x128xf32, #tpu.memory_space<hbm>> -> memref<1x128x128xf32, #tpu.memory_space<hbm>>
      %dma_start3A_41 = tpu.memref_squeeze %dma_start3A_40 : memref<1x128x128xf32, #tpu.memory_space<hbm>> -> memref<128x128xf32, #tpu.memory_space<hbm>>
      tpu.enqueue_dma source(%dma_start3A_41 : memref<128x128xf32, #tpu.memory_space<hbm>>) target(%arg7 : memref<128x128xf32, #tpu.memory_space<vmem>>) target_semaphore(%arg9 : memref<!tpu.dma_semaphore, #tpu.memory_space<semaphore_mem>>)
      %scan3A = arith.constant 0 : i32
      %scan3A_42 = arith.constant 0 : i32
      %scan3A_43 = arith.constant 40 : i32
      %scan3A_44 = arith.addi %scan3A_42, %scan3A_43 : i32
      %scan3A_45 = arith.constant 1 : i32
      scf.for %scan3A_47 = %scan3A_42 to %scan3A_44 step %scan3A_45  : i32 {
        %mul3A_48 = arith.constant 2 : i32
        %mul3A_49 = arith.muli %mul3A_48, %scan3A_47 : i32
        %lt3A = arith.cmpi slt, %mul3A_49, %min3A_20 : i32
        %convert_element_type3A_50 = arith.extui %lt3A : i1 to i32
        %cond3A_51 = arith.constant 0 : i32
        %cond3A_52 = arith.cmpi ne, %convert_element_type3A_50, %cond3A_51 : i32
        scf.if %cond3A_52 {
          %add3A_53 = arith.constant 80 : i32
          %add3A_54 = arith.addi %add3A_53, %mul3A_49 : i32
          %add3A_55 = arith.addi %mul3A_0, %add3A_54 : i32
          %mul3A_56 = arith.constant 128 : i32
          %mul3A_57 = arith.muli %add3A_55, %mul3A_56 : i32
          %dma_wait3A = arith.constant 0 : i32
          %dma_wait3A_58 = tpu.memref_slice %arg2[%arg0, %mul3A_57, %dma_wait3A] : memref<2x320000x128xf32, #tpu.memory_space<hbm>> -> memref<1x128x128xf32, #tpu.memory_space<hbm>>
          %dma_wait3A_59 = tpu.memref_squeeze %dma_wait3A_58 : memref<1x128x128xf32, #tpu.memory_space<hbm>> -> memref<128x128xf32, #tpu.memory_space<hbm>>
          %dma_wait3A_60 = arith.constant 0 : i32
          %dma_wait3A_61 = tpu.memref_slice %arg2[%arg0, %mul3A_57, %dma_wait3A_60] : memref<2x320000x128xf32, #tpu.memory_space<hbm>> -> memref<1x128x128xf32, #tpu.memory_space<hbm>>
          %dma_wait3A_62 = tpu.memref_squeeze %dma_wait3A_61 : memref<1x128x128xf32, #tpu.memory_space<hbm>> -> memref<128x128xf32, #tpu.memory_space<hbm>>
          tpu.wait_dma2 semaphore(%arg9 : memref<!tpu.dma_semaphore, #tpu.memory_space<semaphore_mem>>) src(%dma_wait3A_62 : memref<128x128xf32, #tpu.memory_space<hbm>>) dst(%arg7 : memref<128x128xf32, #tpu.memory_space<vmem>>)
          %add3A_63 = arith.constant 1 : i32
          %add3A_64 = arith.addi %mul3A_49, %add3A_63 : i32
          %lt3A_65 = arith.cmpi slt, %add3A_64, %min3A_20 : i32
          %convert_element_type3A_66 = arith.extui %lt3A_65 : i1 to i32
          %cond3A_67 = arith.constant 0 : i32
          %cond3A_68 = arith.cmpi ne, %convert_element_type3A_66, %cond3A_67 : i32
          scf.if %cond3A_68 {
            %add3A_75 = arith.constant 80 : i32
            %add3A_76 = arith.addi %add3A_75, %mul3A_49 : i32
            %add3A_77 = arith.constant 1 : i32
            %add3A_78 = arith.addi %add3A_76, %add3A_77 : i32
            %add3A_79 = arith.addi %mul3A_0, %add3A_78 : i32
            %mul3A_80 = arith.constant 128 : i32
            %mul3A_81 = arith.muli %add3A_79, %mul3A_80 : i32
            %dma_start3A_82 = arith.constant 0 : i32
            %dma_start3A_83 = tpu.memref_slice %arg2[%arg0, %mul3A_81, %dma_start3A_82] : memref<2x320000x128xf32, #tpu.memory_space<hbm>> -> memref<1x128x128xf32, #tpu.memory_space<hbm>>
            %dma_start3A_84 = tpu.memref_squeeze %dma_start3A_83 : memref<1x128x128xf32, #tpu.memory_space<hbm>> -> memref<128x128xf32, #tpu.memory_space<hbm>>
            %dma_start3A_85 = arith.constant 0 : i32
            %dma_start3A_86 = tpu.memref_slice %arg2[%arg0, %mul3A_81, %dma_start3A_85] : memref<2x320000x128xf32, #tpu.memory_space<hbm>> -> memref<1x128x128xf32, #tpu.memory_space<hbm>>
            %dma_start3A_87 = tpu.memref_squeeze %dma_start3A_86 : memref<1x128x128xf32, #tpu.memory_space<hbm>> -> memref<128x128xf32, #tpu.memory_space<hbm>>
            tpu.enqueue_dma source(%dma_start3A_87 : memref<128x128xf32, #tpu.memory_space<hbm>>) target(%arg8 : memref<128x128xf32, #tpu.memory_space<vmem>>) target_semaphore(%arg10 : memref<!tpu.dma_semaphore, #tpu.memory_space<semaphore_mem>>)
          } else {
          }
          "tpu.region"() ({
            %run_scoped3A = tpu.sem_alloc : memref<!tpu.dma_semaphore, #tpu.memory_space<semaphore_mem>>
            %dma_start3A_75 = arith.constant 0 : i32
            %dma_start3A_76 = tpu.memref_slice %arg6[%mul3A_49, %dma_start3A_75] : memref<80x128xi32, #tpu.memory_space<vmem>> -> memref<1x128xi32, #tpu.memory_space<vmem>>
            %dma_start3A_77 = tpu.memref_squeeze %dma_start3A_76 : memref<1x128xi32, #tpu.memory_space<vmem>> -> memref<128xi32, #tpu.memory_space<vmem>>
            %dma_start3A_78 = arith.constant 0 : i32
            %dma_start3A_79 = arith.constant 0 : i32
            %dma_start3A_80 = tpu.memref_slice %arg11[%dma_start3A_78, %dma_start3A_79] : memref<10000x128xf32, #tpu.memory_space<vmem_shared>> -> memref<10000x128xf32, #tpu.memory_space<vmem_shared>>
            tpu.enqueue_indirect_dma source(%arg7 : memref<128x128xf32, #tpu.memory_space<vmem>>) target(%dma_start3A_80 : memref<10000x128xf32, #tpu.memory_space<vmem_shared>>) offsets(%dma_start3A_77 : memref<128xi32, #tpu.memory_space<vmem>>) semaphore(%run_scoped3A : memref<!tpu.dma_semaphore, #tpu.memory_space<semaphore_mem>>) {add = true}
            %dma_wait3A_81 = arith.constant 0 : i32
            %dma_wait3A_82 = tpu.memref_slice %arg6[%mul3A_49, %dma_wait3A_81] : memref<80x128xi32, #tpu.memory_space<vmem>> -> memref<1x128xi32, #tpu.memory_space<vmem>>
            %dma_wait3A_83 = tpu.memref_squeeze %dma_wait3A_82 : memref<1x128xi32, #tpu.memory_space<vmem>> -> memref<128xi32, #tpu.memory_space<vmem>>
            %dma_wait3A_84 = arith.constant 0 : i32
            %dma_wait3A_85 = arith.constant 0 : i32
            %dma_wait3A_86 = tpu.memref_slice %arg11[%dma_wait3A_84, %dma_wait3A_85] : memref<10000x128xf32, #tpu.memory_space<vmem_shared>> -> memref<10000x128xf32, #tpu.memory_space<vmem_shared>>
            tpu.wait_indirect_dma semaphore(%run_scoped3A : memref<!tpu.dma_semaphore, #tpu.memory_space<semaphore_mem>>) src(%arg7 : memref<128x128xf32, #tpu.memory_space<vmem>>) dst(%dma_wait3A_86 : memref<10000x128xf32, #tpu.memory_space<vmem_shared>>)
            tpu.yield
          }) : () -> ()
          %add3A_69 = arith.constant 1 : i32
          %add3A_70 = arith.addi %mul3A_49, %add3A_69 : i32
          %lt3A_71 = arith.cmpi slt, %add3A_70, %min3A_20 : i32
          %convert_element_type3A_72 = arith.extui %lt3A_71 : i1 to i32
          %cond3A_73 = arith.constant 0 : i32
          %cond3A_74 = arith.cmpi ne, %convert_element_type3A_72, %cond3A_73 : i32
          scf.if %cond3A_74 {
            %add3A_75 = arith.constant 80 : i32
            %add3A_76 = arith.addi %add3A_75, %mul3A_49 : i32
            %add3A_77 = arith.constant 1 : i32
            %add3A_78 = arith.addi %add3A_76, %add3A_77 : i32
            %add3A_79 = arith.addi %mul3A_0, %add3A_78 : i32
            %mul3A_80 = arith.constant 128 : i32
            %mul3A_81 = arith.muli %add3A_79, %mul3A_80 : i32
            %dma_wait3A_82 = arith.constant 0 : i32
            %dma_wait3A_83 = tpu.memref_slice %arg2[%arg0, %mul3A_81, %dma_wait3A_82] : memref<2x320000x128xf32, #tpu.memory_space<hbm>> -> memref<1x128x128xf32, #tpu.memory_space<hbm>>
            %dma_wait3A_84 = tpu.memref_squeeze %dma_wait3A_83 : memref<1x128x128xf32, #tpu.memory_space<hbm>> -> memref<128x128xf32, #tpu.memory_space<hbm>>
            %dma_wait3A_85 = arith.constant 0 : i32
            %dma_wait3A_86 = tpu.memref_slice %arg2[%arg0, %mul3A_81, %dma_wait3A_85] : memref<2x320000x128xf32, #tpu.memory_space<hbm>> -> memref<1x128x128xf32, #tpu.memory_space<hbm>>
            %dma_wait3A_87 = tpu.memref_squeeze %dma_wait3A_86 : memref<1x128x128xf32, #tpu.memory_space<hbm>> -> memref<128x128xf32, #tpu.memory_space<hbm>>
            tpu.wait_dma2 semaphore(%arg10 : memref<!tpu.dma_semaphore, #tpu.memory_space<semaphore_mem>>) src(%dma_wait3A_87 : memref<128x128xf32, #tpu.memory_space<hbm>>) dst(%arg8 : memref<128x128xf32, #tpu.memory_space<vmem>>)
            %add3A_88 = arith.constant 2 : i32
            %add3A_89 = arith.addi %mul3A_49, %add3A_88 : i32
            %lt3A_90 = arith.cmpi slt, %add3A_89, %min3A_20 : i32
            %convert_element_type3A_91 = arith.extui %lt3A_90 : i1 to i32
            %cond3A_92 = arith.constant 0 : i32
            %cond3A_93 = arith.cmpi ne, %convert_element_type3A_91, %cond3A_92 : i32
            scf.if %cond3A_93 {
              %add3A_96 = arith.constant 80 : i32
              %add3A_97 = arith.addi %add3A_96, %mul3A_49 : i32
              %add3A_98 = arith.constant 2 : i32
              %add3A_99 = arith.addi %add3A_97, %add3A_98 : i32
              %add3A_100 = arith.addi %mul3A_0, %add3A_99 : i32
              %mul3A_101 = arith.constant 128 : i32
              %mul3A_102 = arith.muli %add3A_100, %mul3A_101 : i32
              %dma_start3A_103 = arith.constant 0 : i32
              %dma_start3A_104 = tpu.memref_slice %arg2[%arg0, %mul3A_102, %dma_start3A_103] : memref<2x320000x128xf32, #tpu.memory_space<hbm>> -> memref<1x128x128xf32, #tpu.memory_space<hbm>>
              %dma_start3A_105 = tpu.memref_squeeze %dma_start3A_104 : memref<1x128x128xf32, #tpu.memory_space<hbm>> -> memref<128x128xf32, #tpu.memory_space<hbm>>
              %dma_start3A_106 = arith.constant 0 : i32
              %dma_start3A_107 = tpu.memref_slice %arg2[%arg0, %mul3A_102, %dma_start3A_106] : memref<2x320000x128xf32, #tpu.memory_space<hbm>> -> memref<1x128x128xf32, #tpu.memory_space<hbm>>
              %dma_start3A_108 = tpu.memref_squeeze %dma_start3A_107 : memref<1x128x128xf32, #tpu.memory_space<hbm>> -> memref<128x128xf32, #tpu.memory_space<hbm>>
              tpu.enqueue_dma source(%dma_start3A_108 : memref<128x128xf32, #tpu.memory_space<hbm>>) target(%arg7 : memref<128x128xf32, #tpu.memory_space<vmem>>) target_semaphore(%arg9 : memref<!tpu.dma_semaphore, #tpu.memory_space<semaphore_mem>>)
            } else {
            }
            %add3A_94 = arith.constant 1 : i32
            %add3A_95 = arith.addi %mul3A_49, %add3A_94 : i32
            "tpu.region"() ({
              %run_scoped3A = tpu.sem_alloc : memref<!tpu.dma_semaphore, #tpu.memory_space<semaphore_mem>>
              %dma_start3A_96 = arith.constant 0 : i32
              %dma_start3A_97 = tpu.memref_slice %arg6[%add3A_95, %dma_start3A_96] : memref<80x128xi32, #tpu.memory_space<vmem>> -> memref<1x128xi32, #tpu.memory_space<vmem>>
              %dma_start3A_98 = tpu.memref_squeeze %dma_start3A_97 : memref<1x128xi32, #tpu.memory_space<vmem>> -> memref<128xi32, #tpu.memory_space<vmem>>
              %dma_start3A_99 = arith.constant 0 : i32
              %dma_start3A_100 = arith.constant 0 : i32
              %dma_start3A_101 = tpu.memref_slice %arg11[%dma_start3A_99, %dma_start3A_100] : memref<10000x128xf32, #tpu.memory_space<vmem_shared>> -> memref<10000x128xf32, #tpu.memory_space<vmem_shared>>
              tpu.enqueue_indirect_dma source(%arg8 : memref<128x128xf32, #tpu.memory_space<vmem>>) target(%dma_start3A_101 : memref<10000x128xf32, #tpu.memory_space<vmem_shared>>) offsets(%dma_start3A_98 : memref<128xi32, #tpu.memory_space<vmem>>) semaphore(%run_scoped3A : memref<!tpu.dma_semaphore, #tpu.memory_space<semaphore_mem>>) {add = true}
              %dma_wait3A_102 = arith.constant 0 : i32
              %dma_wait3A_103 = tpu.memref_slice %arg6[%add3A_95, %dma_wait3A_102] : memref<80x128xi32, #tpu.memory_space<vmem>> -> memref<1x128xi32, #tpu.memory_space<vmem>>
              %dma_wait3A_104 = tpu.memref_squeeze %dma_wait3A_103 : memref<1x128xi32, #tpu.memory_space<vmem>> -> memref<128xi32, #tpu.memory_space<vmem>>
              %dma_wait3A_105 = arith.constant 0 : i32
              %dma_wait3A_106 = arith.constant 0 : i32
              %dma_wait3A_107 = tpu.memref_slice %arg11[%dma_wait3A_105, %dma_wait3A_106] : memref<10000x128xf32, #tpu.memory_space<vmem_shared>> -> memref<10000x128xf32, #tpu.memory_space<vmem_shared>>
              tpu.wait_indirect_dma semaphore(%run_scoped3A : memref<!tpu.dma_semaphore, #tpu.memory_space<semaphore_mem>>) src(%arg8 : memref<128x128xf32, #tpu.memory_space<vmem>>) dst(%dma_wait3A_107 : memref<10000x128xf32, #tpu.memory_space<vmem_shared>>)
              tpu.yield
            }) : () -> ()
          } else {
          }
        } else {
        }
      }
      %scan3A_46 = arith.constant 40 : i32
    } else {
    }
    %barrier3A_26 = arith.constant 0 : index
    tpu.barrier barrier_id(%barrier3A_26)
    "tpu.region"() ({
      %run_scoped3A = tpu.sem_alloc : memref<!tpu.dma_semaphore, #tpu.memory_space<semaphore_mem>>
      %dma_start3A = arith.constant 0 : i32
      %dma_start3A_32 = tpu.memref_slice %arg5[%arg0, %mul3A_4, %dma_start3A] : memref<2x10000x128xf32, #tpu.memory_space<hbm>> -> memref<1x624x128xf32, #tpu.memory_space<hbm>>
      %dma_start3A_33 = tpu.memref_squeeze %dma_start3A_32 : memref<1x624x128xf32, #tpu.memory_space<hbm>> -> memref<624x128xf32, #tpu.memory_space<hbm>>
      %dma_start3A_34 = arith.constant 0 : i32
      %dma_start3A_35 = tpu.memref_slice %arg11[%mul3A_4, %dma_start3A_34] : memref<10000x128xf32, #tpu.memory_space<vmem_shared>> -> memref<624x128xf32, #tpu.memory_space<vmem_shared>>
      tpu.enqueue_dma source(%dma_start3A_35 : memref<624x128xf32, #tpu.memory_space<vmem_shared>>) target(%dma_start3A_33 : memref<624x128xf32, #tpu.memory_space<hbm>>) target_semaphore(%run_scoped3A : memref<!tpu.dma_semaphore, #tpu.memory_space<semaphore_mem>>)
      %dma_wait3A = arith.constant 0 : i32
      %dma_wait3A_36 = tpu.memref_slice %arg5[%arg0, %mul3A_4, %dma_wait3A] : memref<2x10000x128xf32, #tpu.memory_space<hbm>> -> memref<1x624x128xf32, #tpu.memory_space<hbm>>
      %dma_wait3A_37 = tpu.memref_squeeze %dma_wait3A_36 : memref<1x624x128xf32, #tpu.memory_space<hbm>> -> memref<624x128xf32, #tpu.memory_space<hbm>>
      %dma_wait3A_38 = arith.constant 0 : i32
      %dma_wait3A_39 = tpu.memref_slice %arg11[%mul3A_4, %dma_wait3A_38] : memref<10000x128xf32, #tpu.memory_space<vmem_shared>> -> memref<624x128xf32, #tpu.memory_space<vmem_shared>>
      tpu.wait_dma2 semaphore(%run_scoped3A : memref<!tpu.dma_semaphore, #tpu.memory_space<semaphore_mem>>) src(%dma_wait3A_39 : memref<624x128xf32, #tpu.memory_space<vmem_shared>>) dst(%dma_wait3A_37 : memref<624x128xf32, #tpu.memory_space<hbm>>)
      tpu.yield
    }) : () -> ()
    %eq3A_27 = arith.constant 0 : i32
    %eq3A_28 = arith.cmpi eq, %arg1, %eq3A_27 : i32
    %convert_element_type3A_29 = arith.extui %eq3A_28 : i1 to i32
    %cond3A_30 = arith.constant 0 : i32
    %cond3A_31 = arith.cmpi ne, %convert_element_type3A_29, %cond3A_30 : i32
    scf.if %cond3A_31 {
      "tpu.region"() ({
        %run_scoped3A = tpu.sem_alloc : memref<!tpu.dma_semaphore, #tpu.memory_space<semaphore_mem>>
        %dma_start3A = arith.constant 9984 : i32
        %dma_start3A_32 = arith.constant 0 : i32
        %dma_start3A_33 = tpu.memref_slice %arg5[%arg0, %dma_start3A, %dma_start3A_32] : memref<2x10000x128xf32, #tpu.memory_space<hbm>> -> memref<1x16x128xf32, #tpu.memory_space<hbm>>
        %dma_start3A_34 = tpu.memref_squeeze %dma_start3A_33 : memref<1x16x128xf32, #tpu.memory_space<hbm>> -> memref<16x128xf32, #tpu.memory_space<hbm>>
        %dma_start3A_35 = arith.constant 9984 : i32
        %dma_start3A_36 = arith.constant 0 : i32
        %dma_start3A_37 = tpu.memref_slice %arg11[%dma_start3A_35, %dma_start3A_36] : memref<10000x128xf32, #tpu.memory_space<vmem_shared>> -> memref<16x128xf32, #tpu.memory_space<vmem_shared>>
        tpu.enqueue_dma source(%dma_start3A_37 : memref<16x128xf32, #tpu.memory_space<vmem_shared>>) target(%dma_start3A_34 : memref<16x128xf32, #tpu.memory_space<hbm>>) target_semaphore(%run_scoped3A : memref<!tpu.dma_semaphore, #tpu.memory_space<semaphore_mem>>)
        %dma_wait3A = arith.constant 9984 : i32
        %dma_wait3A_38 = arith.constant 0 : i32
        %dma_wait3A_39 = tpu.memref_slice %arg5[%arg0, %dma_wait3A, %dma_wait3A_38] : memref<2x10000x128xf32, #tpu.memory_space<hbm>> -> memref<1x16x128xf32, #tpu.memory_space<hbm>>
        %dma_wait3A_40 = tpu.memref_squeeze %dma_wait3A_39 : memref<1x16x128xf32, #tpu.memory_space<hbm>> -> memref<16x128xf32, #tpu.memory_space<hbm>>
        %dma_wait3A_41 = arith.constant 9984 : i32
        %dma_wait3A_42 = arith.constant 0 : i32
        %dma_wait3A_43 = tpu.memref_slice %arg11[%dma_wait3A_41, %dma_wait3A_42] : memref<10000x128xf32, #tpu.memory_space<vmem_shared>> -> memref<16x128xf32, #tpu.memory_space<vmem_shared>>
        tpu.wait_dma2 semaphore(%run_scoped3A : memref<!tpu.dma_semaphore, #tpu.memory_space<semaphore_mem>>) src(%dma_wait3A_43 : memref<16x128xf32, #tpu.memory_space<vmem_shared>>) dst(%dma_wait3A_40 : memref<16x128xf32, #tpu.memory_space<hbm>>)
        tpu.yield
      }) : () -> ()
    } else {
    }
    return
  }
}

module attributes {stable_mosaic.version = 14 : i64} {
  func.func @_prep_stage(%arg0: i32, %arg1: memref<320x128xf32, #tpu.memory_space<vmem>>, %arg2: memref<5x128x64xf32, #tpu.memory_space<vmem>>, %arg3: memref<5x128x64xf32, #tpu.memory_space<vmem>>) attributes {dimension_semantics = [#tpu.dimension_semantics<arbitrary>], iteration_bounds = array<i64: 8>, scalar_prefetch = 0 : i64, scratch_operands = 0 : i64, tpu.core_type = #tpu.core_type<tc>, window_params = [{transform_indices = @transform_0, window_bounds = array<i64: 320, 128>}, {transform_indices = @transform_1, window_bounds = array<i64: 5, 128, 64>}, {transform_indices = @transform_2, window_bounds = array<i64: 5, 128, 64>}]} {
    %get3A = arith.constant 0 : index
    %get3A_0 = arith.constant 0 : index
    %get3A_1 = vector.load %arg1[%get3A, %get3A_0] : memref<320x128xf32, #tpu.memory_space<vmem>>, vector<320x128xf32>
    %mul3A = arith.constant 0.628318548 : f32
    %mul3A_2 = vector.broadcast %mul3A : f32 to vector<320x128xf32>
    %mul3A_3 = arith.mulf %get3A_1, %mul3A_2 : vector<320x128xf32>
    %cos3A = math.cos %mul3A_3 : vector<320x128xf32>
    %add3A = arith.constant 1.000000e+00 : f32
    %add3A_4 = vector.broadcast %add3A : f32 to vector<320x128xf32>
    %add3A_5 = arith.addf %cos3A, %add3A_4 : vector<320x128xf32>
    %mul3A_6 = arith.constant 5.000000e-01 : f32
    %mul3A_7 = vector.broadcast %mul3A_6 : f32 to vector<320x128xf32>
    %mul3A_8 = arith.mulf %mul3A_7, %add3A_5 : vector<320x128xf32>
    %lt3A = arith.constant 5.000000e+00 : f32
    %lt3A_9 = vector.broadcast %lt3A : f32 to vector<320x128xf32>
    %lt3A_10 = arith.cmpf olt, %get3A_1, %lt3A_9 : vector<320x128xf32>
    %jit3A = arith.constant 0.000000e+00 : f32
    %broadcast_in_dim3A = vector.broadcast %jit3A : f32 to vector<320x128xf32>
    %select_n3A = arith.select %lt3A_10, %mul3A_8, %broadcast_in_dim3A : vector<320x128xi1>, vector<320x128xf32>
    %log3A = math.log %select_n3A : vector<320x128xf32>
    %mul3A_11 = arith.constant 2.000000e+00 : f32
    %mul3A_12 = vector.broadcast %mul3A_11 : f32 to vector<320x128xf32>
    %mul3A_13 = arith.mulf %mul3A_12, %log3A : vector<320x128xf32>
    %max3A = arith.constant -1.000000e+30 : f32
    %max3A_14 = vector.broadcast %max3A : f32 to vector<320x128xf32>
    %max3A_15 = arith.maximumf %mul3A_13, %max3A_14 : vector<320x128xf32>
    %slice3A = vector.extract_strided_slice %get3A_1 {offsets = [0, 0], sizes = [64, 128], strides = [1, 1]} : vector<320x128xf32> to vector<64x128xf32>
    %transpose3A = tpu.transpose %slice3A, [1, 0] : vector<64x128xf32> -> vector<128x64xf32>
    %swap3A = arith.constant 0 : index
    %swap3A_16 = arith.constant 0 : index
    %swap3A_17 = arith.constant 0 : index
    %swap3A_18 = vector.load %arg2[%swap3A, %swap3A_16, %swap3A_17] : memref<5x128x64xf32, #tpu.memory_space<vmem>>, vector<1x128x64xf32>
    %swap3A_19 = vector.shape_cast %swap3A_18 : vector<1x128x64xf32> to vector<128x64xf32>
    %swap3A_20 = vector.shape_cast %transpose3A : vector<128x64xf32> to vector<1x128x64xf32>
    tpu.vector_store %arg2[%swap3A, %swap3A_16, %swap3A_17], %swap3A_20 {strides = array<i32>} : memref<5x128x64xf32, #tpu.memory_space<vmem>>, vector<1x128x64xf32>,
    %slice3A_21 = vector.extract_strided_slice %max3A_15 {offsets = [0, 0], sizes = [64, 128], strides = [1, 1]} : vector<320x128xf32> to vector<64x128xf32>
    %transpose3A_22 = tpu.transpose %slice3A_21, [1, 0] : vector<64x128xf32> -> vector<128x64xf32>
    %swap3A_23 = arith.constant 0 : index
    %swap3A_24 = arith.constant 0 : index
    %swap3A_25 = arith.constant 0 : index
    %swap3A_26 = vector.load %arg3[%swap3A_23, %swap3A_24, %swap3A_25] : memref<5x128x64xf32, #tpu.memory_space<vmem>>, vector<1x128x64xf32>
    %swap3A_27 = vector.shape_cast %swap3A_26 : vector<1x128x64xf32> to vector<128x64xf32>
    %swap3A_28 = vector.shape_cast %transpose3A_22 : vector<128x64xf32> to vector<1x128x64xf32>
    tpu.vector_store %arg3[%swap3A_23, %swap3A_24, %swap3A_25], %swap3A_28 {strides = array<i32>} : memref<5x128x64xf32, #tpu.memory_space<vmem>>, vector<1x128x64xf32>,
    %slice3A_29 = vector.extract_strided_slice %get3A_1 {offsets = [64, 0], sizes = [64, 128], strides = [1, 1]} : vector<320x128xf32> to vector<64x128xf32>
    %transpose3A_30 = tpu.transpose %slice3A_29, [1, 0] : vector<64x128xf32> -> vector<128x64xf32>
    %swap3A_31 = arith.constant 1 : index
    %swap3A_32 = arith.constant 0 : index
    %swap3A_33 = arith.constant 0 : index
    %swap3A_34 = vector.load %arg2[%swap3A_31, %swap3A_32, %swap3A_33] : memref<5x128x64xf32, #tpu.memory_space<vmem>>, vector<1x128x64xf32>
    %swap3A_35 = vector.shape_cast %swap3A_34 : vector<1x128x64xf32> to vector<128x64xf32>
    %swap3A_36 = vector.shape_cast %transpose3A_30 : vector<128x64xf32> to vector<1x128x64xf32>
    tpu.vector_store %arg2[%swap3A_31, %swap3A_32, %swap3A_33], %swap3A_36 {strides = array<i32>} : memref<5x128x64xf32, #tpu.memory_space<vmem>>, vector<1x128x64xf32>,
    %slice3A_37 = vector.extract_strided_slice %max3A_15 {offsets = [64, 0], sizes = [64, 128], strides = [1, 1]} : vector<320x128xf32> to vector<64x128xf32>
    %transpose3A_38 = tpu.transpose %slice3A_37, [1, 0] : vector<64x128xf32> -> vector<128x64xf32>
    %swap3A_39 = arith.constant 1 : index
    %swap3A_40 = arith.constant 0 : index
    %swap3A_41 = arith.constant 0 : index
    %swap3A_42 = vector.load %arg3[%swap3A_39, %swap3A_40, %swap3A_41] : memref<5x128x64xf32, #tpu.memory_space<vmem>>, vector<1x128x64xf32>
    %swap3A_43 = vector.shape_cast %swap3A_42 : vector<1x128x64xf32> to vector<128x64xf32>
    %swap3A_44 = vector.shape_cast %transpose3A_38 : vector<128x64xf32> to vector<1x128x64xf32>
    tpu.vector_store %arg3[%swap3A_39, %swap3A_40, %swap3A_41], %swap3A_44 {strides = array<i32>} : memref<5x128x64xf32, #tpu.memory_space<vmem>>, vector<1x128x64xf32>,
    %slice3A_45 = vector.extract_strided_slice %get3A_1 {offsets = [128, 0], sizes = [64, 128], strides = [1, 1]} : vector<320x128xf32> to vector<64x128xf32>
    %transpose3A_46 = tpu.transpose %slice3A_45, [1, 0] : vector<64x128xf32> -> vector<128x64xf32>
    %swap3A_47 = arith.constant 2 : index
    %swap3A_48 = arith.constant 0 : index
    %swap3A_49 = arith.constant 0 : index
    %swap3A_50 = vector.load %arg2[%swap3A_47, %swap3A_48, %swap3A_49] : memref<5x128x64xf32, #tpu.memory_space<vmem>>, vector<1x128x64xf32>
    %swap3A_51 = vector.shape_cast %swap3A_50 : vector<1x128x64xf32> to vector<128x64xf32>
    %swap3A_52 = vector.shape_cast %transpose3A_46 : vector<128x64xf32> to vector<1x128x64xf32>
    tpu.vector_store %arg2[%swap3A_47, %swap3A_48, %swap3A_49], %swap3A_52 {strides = array<i32>} : memref<5x128x64xf32, #tpu.memory_space<vmem>>, vector<1x128x64xf32>,
    %slice3A_53 = vector.extract_strided_slice %max3A_15 {offsets = [128, 0], sizes = [64, 128], strides = [1, 1]} : vector<320x128xf32> to vector<64x128xf32>
    %transpose3A_54 = tpu.transpose %slice3A_53, [1, 0] : vector<64x128xf32> -> vector<128x64xf32>
    %swap3A_55 = arith.constant 2 : index
    %swap3A_56 = arith.constant 0 : index
    %swap3A_57 = arith.constant 0 : index
    %swap3A_58 = vector.load %arg3[%swap3A_55, %swap3A_56, %swap3A_57] : memref<5x128x64xf32, #tpu.memory_space<vmem>>, vector<1x128x64xf32>
    %swap3A_59 = vector.shape_cast %swap3A_58 : vector<1x128x64xf32> to vector<128x64xf32>
    %swap3A_60 = vector.shape_cast %transpose3A_54 : vector<128x64xf32> to vector<1x128x64xf32>
    tpu.vector_store %arg3[%swap3A_55, %swap3A_56, %swap3A_57], %swap3A_60 {strides = array<i32>} : memref<5x128x64xf32, #tpu.memory_space<vmem>>, vector<1x128x64xf32>,
    %slice3A_61 = vector.extract_strided_slice %get3A_1 {offsets = [192, 0], sizes = [64, 128], strides = [1, 1]} : vector<320x128xf32> to vector<64x128xf32>
    %transpose3A_62 = tpu.transpose %slice3A_61, [1, 0] : vector<64x128xf32> -> vector<128x64xf32>
    %swap3A_63 = arith.constant 3 : index
    %swap3A_64 = arith.constant 0 : index
    %swap3A_65 = arith.constant 0 : index
    %swap3A_66 = vector.load %arg2[%swap3A_63, %swap3A_64, %swap3A_65] : memref<5x128x64xf32, #tpu.memory_space<vmem>>, vector<1x128x64xf32>
    %swap3A_67 = vector.shape_cast %swap3A_66 : vector<1x128x64xf32> to vector<128x64xf32>
    %swap3A_68 = vector.shape_cast %transpose3A_62 : vector<128x64xf32> to vector<1x128x64xf32>
    tpu.vector_store %arg2[%swap3A_63, %swap3A_64, %swap3A_65], %swap3A_68 {strides = array<i32>} : memref<5x128x64xf32, #tpu.memory_space<vmem>>, vector<1x128x64xf32>,
    %slice3A_69 = vector.extract_strided_slice %max3A_15 {offsets = [192, 0], sizes = [64, 128], strides = [1, 1]} : vector<320x128xf32> to vector<64x128xf32>
    %transpose3A_70 = tpu.transpose %slice3A_69, [1, 0] : vector<64x128xf32> -> vector<128x64xf32>
    %swap3A_71 = arith.constant 3 : index
    %swap3A_72 = arith.constant 0 : index
    %swap3A_73 = arith.constant 0 : index
    %swap3A_74 = vector.load %arg3[%swap3A_71, %swap3A_72, %swap3A_73] : memref<5x128x64xf32, #tpu.memory_space<vmem>>, vector<1x128x64xf32>
    %swap3A_75 = vector.shape_cast %swap3A_74 : vector<1x128x64xf32> to vector<128x64xf32>
    %swap3A_76 = vector.shape_cast %transpose3A_70 : vector<128x64xf32> to vector<1x128x64xf32>
    tpu.vector_store %arg3[%swap3A_71, %swap3A_72, %swap3A_73], %swap3A_76 {strides = array<i32>} : memref<5x128x64xf32, #tpu.memory_space<vmem>>, vector<1x128x64xf32>,
    %slice3A_77 = vector.extract_strided_slice %get3A_1 {offsets = [256, 0], sizes = [64, 128], strides = [1, 1]} : vector<320x128xf32> to vector<64x128xf32>
    %transpose3A_78 = tpu.transpose %slice3A_77, [1, 0] : vector<64x128xf32> -> vector<128x64xf32>
    %swap3A_79 = arith.constant 4 : index
    %swap3A_80 = arith.constant 0 : index
    %swap3A_81 = arith.constant 0 : index
    %swap3A_82 = vector.load %arg2[%swap3A_79, %swap3A_80, %swap3A_81] : memref<5x128x64xf32, #tpu.memory_space<vmem>>, vector<1x128x64xf32>
    %swap3A_83 = vector.shape_cast %swap3A_82 : vector<1x128x64xf32> to vector<128x64xf32>
    %swap3A_84 = vector.shape_cast %transpose3A_78 : vector<128x64xf32> to vector<1x128x64xf32>
    tpu.vector_store %arg2[%swap3A_79, %swap3A_80, %swap3A_81], %swap3A_84 {strides = array<i32>} : memref<5x128x64xf32, #tpu.memory_space<vmem>>, vector<1x128x64xf32>,
    %slice3A_85 = vector.extract_strided_slice %max3A_15 {offsets = [256, 0], sizes = [64, 128], strides = [1, 1]} : vector<320x128xf32> to vector<64x128xf32>
    %transpose3A_86 = tpu.transpose %slice3A_85, [1, 0] : vector<64x128xf32> -> vector<128x64xf32>
    %swap3A_87 = arith.constant 4 : index
    %swap3A_88 = arith.constant 0 : index
    %swap3A_89 = arith.constant 0 : index
    %swap3A_90 = vector.load %arg3[%swap3A_87, %swap3A_88, %swap3A_89] : memref<5x128x64xf32, #tpu.memory_space<vmem>>, vector<1x128x64xf32>
    %swap3A_91 = vector.shape_cast %swap3A_90 : vector<1x128x64xf32> to vector<128x64xf32>
    %swap3A_92 = vector.shape_cast %transpose3A_86 : vector<128x64xf32> to vector<1x128x64xf32>
    tpu.vector_store %arg3[%swap3A_87, %swap3A_88, %swap3A_89], %swap3A_92 {strides = array<i32>} : memref<5x128x64xf32, #tpu.memory_space<vmem>>, vector<1x128x64xf32>,
    return
  }
  func.func @transform_0(%arg0: i32) -> (i32, i32) {
    %c0_i32 = arith.constant 0 : i32
    %c0_i32_0 = arith.constant 0 : i32
    return %arg0, %c0_i32 : i32, i32
  }
  func.func @transform_1(%arg0: i32) -> (i32, i32, i32) {
    %c0_i32 = arith.constant 0 : i32
    %c0_i32_0 = arith.constant 0 : i32
    %c0_i32_1 = arith.constant 0 : i32
    return %arg0, %c0_i32, %c0_i32_0 : i32, i32, i32
  }
  func.func @transform_2(%arg0: i32) -> (i32, i32, i32) {
    %c0_i32 = arith.constant 0 : i32
    %c0_i32_0 = arith.constant 0 : i32
    %c0_i32_1 = arith.constant 0 : i32
    return %arg0, %c0_i32, %c0_i32_0 : i32, i32, i32
  }
}

module attributes {stable_mosaic.version = 14 : i64} {
  func.func @_node_stage(%arg0: i32, %arg1: memref<2x1000x128xf32, #tpu.memory_space<vmem>>, %arg2: memref<128x128xf32, #tpu.memory_space<vmem>>, %arg3: memref<1x128xf32, #tpu.memory_space<vmem>>, %arg4: memref<1000x128xf32, #tpu.memory_space<vmem>>) attributes {dimension_semantics = [#tpu.dimension_semantics<arbitrary>], iteration_bounds = array<i64: 10>, scalar_prefetch = 0 : i64, scratch_operands = 0 : i64, tpu.core_type = #tpu.core_type<tc>, window_params = [{transform_indices = @transform_0, window_bounds = array<i64: 2, 1000, 128>}, {pipeline_mode = #tpu.pipeline_mode<synchronous>, transform_indices = @transform_1, window_bounds = array<i64: 128, 128>}, {pipeline_mode = #tpu.pipeline_mode<synchronous>, transform_indices = @transform_2, window_bounds = array<i64: 1, 128>}, {transform_indices = @transform_3, window_bounds = array<i64: 1000, 128>}]} {
    %get3A = arith.constant 0 : index
    %get3A_0 = arith.constant 0 : index
    %get3A_1 = arith.constant 0 : index
    %get3A_2 = vector.load %arg1[%get3A, %get3A_0, %get3A_1] : memref<2x1000x128xf32, #tpu.memory_space<vmem>>, vector<1x1000x128xf32>
    %get3A_3 = vector.shape_cast %get3A_2 : vector<1x1000x128xf32> to vector<1000x128xf32>
    %get3A_4 = arith.constant 1 : index
    %get3A_5 = arith.constant 0 : index
    %get3A_6 = arith.constant 0 : index
    %get3A_7 = vector.load %arg1[%get3A_4, %get3A_5, %get3A_6] : memref<2x1000x128xf32, #tpu.memory_space<vmem>>, vector<1x1000x128xf32>
    %get3A_8 = vector.shape_cast %get3A_7 : vector<1x1000x128xf32> to vector<1000x128xf32>
    %mul3A = arith.constant 5.000000e-01 : f32
    %mul3A_9 = vector.broadcast %mul3A : f32 to vector<1000x128xf32>
    %mul3A_10 = arith.mulf %get3A_8, %mul3A_9 : vector<1000x128xf32>
    %floor3A = math.floor %mul3A_10 : vector<1000x128xf32>
    %mul3A_11 = arith.constant 2.000000e+00 : f32
    %mul3A_12 = vector.broadcast %mul3A_11 : f32 to vector<1000x128xf32>
    %mul3A_13 = arith.mulf %mul3A_12, %floor3A : vector<1000x128xf32>
    %sub3A = arith.subf %get3A_8, %mul3A_13 : vector<1000x128xf32>
    %exp3A = math.exp %get3A_3 : vector<1000x128xf32>
    %mul3A_14 = arith.constant 2.000000e+00 : f32
    %mul3A_15 = vector.broadcast %mul3A_14 : f32 to vector<1000x128xf32>
    %mul3A_16 = arith.mulf %mul3A_15, %sub3A : vector<1000x128xf32>
    %sub3A_17 = arith.constant 1.000000e+00 : f32
    %sub3A_18 = vector.broadcast %sub3A_17 : f32 to vector<1000x128xf32>
    %sub3A_19 = arith.subf %sub3A_18, %mul3A_16 : vector<1000x128xf32>
    %mul3A_20 = arith.mulf %exp3A, %sub3A_19 : vector<1000x128xf32>
    %get3A_21 = arith.constant 0 : index
    %get3A_22 = arith.constant 0 : index
    %get3A_23 = vector.load %arg2[%get3A_21, %get3A_22] : memref<128x128xf32, #tpu.memory_space<vmem>>, vector<128x128xf32>
    %dot_general3A = arith.constant dense<0.000000e+00> : vector<1000x128xf32>
    %dot_general3A_24 = tpu.matmul %mul3A_20, %get3A_23, %dot_general3A {dimension_numbers = #tpu.dot_dimension_numbers<[1], [0], [0], [1], [0, 0, 1, 1], [], []>, transpose_lhs_hint = false} : vector<1000x128xf32>, vector<128x128xf32>, vector<1000x128xf32> -> vector<1000x128xf32>
    %get3A_25 = arith.constant 0 : index
    %get3A_26 = arith.constant 0 : index
    %get3A_27 = vector.load %arg3[%get3A_25, %get3A_26] : memref<1x128xf32, #tpu.memory_space<vmem>>, vector<1x128xf32>
    %add3A = vector.broadcast %get3A_27 : vector<1x128xf32> to vector<1000x128xf32>
    %add3A_28 = arith.addf %dot_general3A_24, %add3A : vector<1000x128xf32>
    %max3A = arith.constant 0.000000e+00 : f32
    %max3A_29 = vector.broadcast %max3A : f32 to vector<1000x128xf32>
    %max3A_30 = arith.maximumf %add3A_28, %max3A_29 : vector<1000x128xf32>
    %abs3A = math.absf %add3A_28 : vector<1000x128xf32>
    %neg3A = arith.constant 0.000000e+00 : f32
    %neg3A_31 = vector.broadcast %neg3A : f32 to vector<1000x128xf32>
    %neg3A_32 = arith.subf %neg3A_31, %abs3A : vector<1000x128xf32>
    %exp3A_33 = math.exp %neg3A_32 : vector<1000x128xf32>
    %add3A_34 = arith.constant 1.000000e+00 : f32
    %add3A_35 = vector.broadcast %add3A_34 : f32 to vector<1000x128xf32>
    %add3A_36 = arith.addf %add3A_35, %exp3A_33 : vector<1000x128xf32>
    %log3A = math.log %add3A_36 : vector<1000x128xf32>
    %add3A_37 = arith.addf %max3A_30, %log3A : vector<1000x128xf32>
    %sub3A_38 = arith.constant 0.693147182 : f32
    %sub3A_39 = vector.broadcast %sub3A_38 : f32 to vector<1000x128xf32>
    %sub3A_40 = arith.subf %add3A_37, %sub3A_39 : vector<1000x128xf32>
    %swap3A = arith.constant 0 : index
    %swap3A_41 = arith.constant 0 : index
    %swap3A_42 = vector.load %arg4[%swap3A, %swap3A_41] : memref<1000x128xf32, #tpu.memory_space<vmem>>, vector<1000x128xf32>
    tpu.vector_store %arg4[%swap3A, %swap3A_41], %sub3A_40 {strides = array<i32>} : memref<1000x128xf32, #tpu.memory_space<vmem>>, vector<1000x128xf32>,
    return
  }
  func.func @transform_0(%arg0: i32) -> (i32, i32, i32) {
    %c0_i32 = arith.constant 0 : i32
    %c0_i32_0 = arith.constant 0 : i32
    %c0_i32_1 = arith.constant 0 : i32
    return %c0_i32, %arg0, %c0_i32_0 : i32, i32, i32
  }
  func.func @transform_1(%arg0: i32) -> (i32, i32) {
    %c0_i32 = arith.constant 0 : i32
    %c0_i32_0 = arith.constant 0 : i32
    %c0_i32_1 = arith.constant 0 : i32
    return %c0_i32, %c0_i32_0 : i32, i32
  }
  func.func @transform_2(%arg0: i32) -> (i32, i32) {
    %c0_i32 = arith.constant 0 : i32
    %c0_i32_0 = arith.constant 0 : i32
    %c0_i32_1 = arith.constant 0 : i32
    return %c0_i32, %c0_i32_0 : i32, i32
  }
  func.func @transform_3(%arg0: i32) -> (i32, i32) {
    %c0_i32 = arith.constant 0 : i32
    %c0_i32_0 = arith.constant 0 : i32
    return %arg0, %c0_i32 : i32, i32
  }
}

module attributes {stable_mosaic.version = 14 : i64} {
  func.func @_edge_stage(%arg0: i32, %arg1: memref<1x128x64xf32, #tpu.memory_space<vmem>>, %arg2: memref<1x128x64xf32, #tpu.memory_space<vmem>>, %arg3: memref<8192x128xf32, #tpu.memory_space<vmem>>, %arg4: memref<1x128xf32, #tpu.memory_space<vmem>>, %arg5: memref<2x8192x128xf32, #tpu.memory_space<vmem>>) attributes {dimension_semantics = [#tpu.dimension_semantics<arbitrary>], iteration_bounds = array<i64: 40>, scalar_prefetch = 0 : i64, scratch_operands = 0 : i64, tpu.core_type = #tpu.core_type<tc>, window_params = [{transform_indices = @transform_0, window_bounds = array<i64: 1, 128, 64>}, {transform_indices = @transform_1, window_bounds = array<i64: 1, 128, 64>}, {transform_indices = @transform_2, window_bounds = array<i64: 8192, 128>}, {pipeline_mode = #tpu.pipeline_mode<synchronous>, transform_indices = @transform_3, window_bounds = array<i64: 1, 128>}, {transform_indices = @transform_4, window_bounds = array<i64: 2, 8192, 128>}]} {
    %get3A = arith.constant 0 : index
    %get3A_0 = arith.constant 0 : index
    %get3A_1 = vector.load %arg4[%get3A, %get3A_0] : memref<1x128xf32, #tpu.memory_space<vmem>>, vector<1x128xf32>
    %get3A_2 = arith.constant 0 : index
    %get3A_3 = arith.constant 0 : index
    %get3A_4 = arith.constant 0 : index
    %get3A_5 = vector.load %arg1[%get3A_2, %get3A_3, %get3A_4] : memref<1x128x64xf32, #tpu.memory_space<vmem>>, vector<1x128x64xf32>
    %get3A_6 = vector.shape_cast %get3A_5 : vector<1x128x64xf32> to vector<128x64xf32>
    %get3A_7 = arith.constant 0 : index
    %get3A_8 = arith.constant 0 : index
    %get3A_9 = arith.constant 0 : index
    %get3A_10 = vector.load %arg2[%get3A_7, %get3A_8, %get3A_9] : memref<1x128x64xf32, #tpu.memory_space<vmem>>, vector<1x128x64xf32>
    %get3A_11 = vector.shape_cast %get3A_10 : vector<1x128x64xf32> to vector<128x64xf32>
    %slice3A = vector.extract_strided_slice %get3A_6 {offsets = [0, 0], sizes = [128, 1], strides = [1, 1]} : vector<128x64xf32> to vector<128x1xf32>
    %slice3A_12 = vector.extract_strided_slice %get3A_11 {offsets = [0, 0], sizes = [128, 1], strides = [1, 1]} : vector<128x64xf32> to vector<128x1xf32>
    %get3A_13 = arith.constant 0 : index
    %get3A_14 = arith.constant 0 : index
    %get3A_15 = vector.load %arg3[%get3A_13, %get3A_14] : memref<8192x128xf32, #tpu.memory_space<vmem>>, vector<128x128xf32>
    %sub3A = vector.broadcast %slice3A : vector<128x1xf32> to vector<128x128xf32>
    %sub3A_16 = vector.broadcast %get3A_1 : vector<1x128xf32> to vector<128x128xf32>
    %sub3A_17 = arith.subf %sub3A, %sub3A_16 : vector<128x128xf32>
    %mul3A = arith.constant -3.276800e+02 : f32
    %mul3A_18 = vector.broadcast %mul3A : f32 to vector<128x128xf32>
    %mul3A_19 = arith.mulf %mul3A_18, %sub3A_17 : vector<128x128xf32>
    %mul3A_20 = arith.mulf %mul3A_19, %sub3A_17 : vector<128x128xf32>
    %add3A = vector.broadcast %slice3A_12 : vector<128x1xf32> to vector<128x128xf32>
    %add3A_21 = arith.addf %mul3A_20, %add3A : vector<128x128xf32>
    %abs3A = math.absf %get3A_15 : vector<128x128xf32>
    %bitcast_convert_type3A = tpu.bitcast %abs3A : vector<128x128xf32> -> vector<128x128xi32>
    %shift_right_arithmetic3A = arith.constant 23 : i32
    %shift_right_arithmetic3A_22 = vector.broadcast %shift_right_arithmetic3A : i32 to vector<128x128xi32>
    %shift_right_arithmetic3A_23 = arith.shrsi %bitcast_convert_type3A, %shift_right_arithmetic3A_22 : vector<128x128xi32>
    %sub3A_24 = arith.constant 127 : i32
    %sub3A_25 = vector.broadcast %sub3A_24 : i32 to vector<128x128xi32>
    %sub3A_26 = arith.subi %shift_right_arithmetic3A_23, %sub3A_25 : vector<128x128xi32>
    %and3A = arith.constant 8388607 : i32
    %and3A_27 = vector.broadcast %and3A : i32 to vector<128x128xi32>
    %and3A_28 = arith.andi %bitcast_convert_type3A, %and3A_27 : vector<128x128xi32>
    %or3A = arith.constant 1065353216 : i32
    %or3A_29 = vector.broadcast %or3A : i32 to vector<128x128xi32>
    %or3A_30 = arith.ori %and3A_28, %or3A_29 : vector<128x128xi32>
    %bitcast_convert_type3A_31 = tpu.bitcast %or3A_30 : vector<128x128xi32> -> vector<128x128xf32>
    %mul3A_32 = arith.constant -0.0248259846 : f32
    %mul3A_33 = vector.broadcast %mul3A_32 : f32 to vector<128x128xf32>
    %mul3A_34 = arith.mulf %mul3A_33, %bitcast_convert_type3A_31 : vector<128x128xf32>
    %add3A_35 = arith.constant 0.26686278 : f32
    %add3A_36 = vector.broadcast %add3A_35 : f32 to vector<128x128xf32>
    %add3A_37 = arith.addf %mul3A_34, %add3A_36 : vector<128x128xf32>
    %mul3A_38 = arith.mulf %add3A_37, %bitcast_convert_type3A_31 : vector<128x128xf32>
    %add3A_39 = arith.constant -1.23427987 : f32
    %add3A_40 = vector.broadcast %add3A_39 : f32 to vector<128x128xf32>
    %add3A_41 = arith.addf %mul3A_38, %add3A_40 : vector<128x128xf32>
    %mul3A_42 = arith.mulf %add3A_41, %bitcast_convert_type3A_31 : vector<128x128xf32>
    %add3A_43 = arith.constant 3.218870e+00 : f32
    %add3A_44 = vector.broadcast %add3A_43 : f32 to vector<128x128xf32>
    %add3A_45 = arith.addf %mul3A_42, %add3A_44 : vector<128x128xf32>
    %mul3A_46 = arith.mulf %add3A_45, %bitcast_convert_type3A_31 : vector<128x128xf32>
    %add3A_47 = arith.constant -5.26415539 : f32
    %add3A_48 = vector.broadcast %add3A_47 : f32 to vector<128x128xf32>
    %add3A_49 = arith.addf %mul3A_46, %add3A_48 : vector<128x128xf32>
    %mul3A_50 = arith.mulf %add3A_49, %bitcast_convert_type3A_31 : vector<128x128xf32>
    %add3A_51 = arith.constant 6.06585884 : f32
    %add3A_52 = vector.broadcast %add3A_51 : f32 to vector<128x128xf32>
    %add3A_53 = arith.addf %mul3A_50, %add3A_52 : vector<128x128xf32>
    %mul3A_54 = arith.mulf %add3A_53, %bitcast_convert_type3A_31 : vector<128x128xf32>
    %add3A_55 = arith.constant -3.02832508 : f32
    %add3A_56 = vector.broadcast %add3A_55 : f32 to vector<128x128xf32>
    %add3A_57 = arith.addf %mul3A_54, %add3A_56 : vector<128x128xf32>
    %convert_element_type3A = arith.sitofp %sub3A_26 : vector<128x128xi32> to vector<128x128xf32>
    %add3A_58 = arith.addf %convert_element_type3A, %add3A_57 : vector<128x128xf32>
    %mul3A_59 = arith.constant 0.693147182 : f32
    %mul3A_60 = vector.broadcast %mul3A_59 : f32 to vector<128x128xf32>
    %mul3A_61 = arith.mulf %add3A_58, %mul3A_60 : vector<128x128xf32>
    %add3A_62 = arith.addf %mul3A_61, %add3A_21 : vector<128x128xf32>
    %bitcast_convert_type3A_63 = tpu.bitcast %get3A_15 : vector<128x128xf32> -> vector<128x128xi32>
    %shift_right_logical3A = arith.constant 31 : i32
    %shift_right_logical3A_64 = vector.broadcast %shift_right_logical3A : i32 to vector<128x128xi32>
    %shift_right_logical3A_65 = arith.shrui %bitcast_convert_type3A_63, %shift_right_logical3A_64 : vector<128x128xi32>
    %convert_element_type3A_66 = arith.sitofp %shift_right_logical3A_65 : vector<128x128xi32> to vector<128x128xf32>
    %swap3A = arith.constant 0 : index
    %swap3A_67 = arith.constant 0 : index
    %swap3A_68 = arith.constant 0 : index
    %swap3A_69 = vector.load %arg5[%swap3A, %swap3A_67, %swap3A_68] : memref<2x8192x128xf32, #tpu.memory_space<vmem>>, vector<1x128x128xf32>
    %swap3A_70 = vector.shape_cast %swap3A_69 : vector<1x128x128xf32> to vector<128x128xf32>
    %swap3A_71 = vector.shape_cast %add3A_62 : vector<128x128xf32> to vector<1x128x128xf32>
    tpu.vector_store %arg5[%swap3A, %swap3A_67, %swap3A_68], %swap3A_71 {strides = array<i32>} : memref<2x8192x128xf32, #tpu.memory_space<vmem>>, vector<1x128x128xf32>,
    %swap3A_72 = arith.constant 1 : index
    %swap3A_73 = arith.constant 0 : index
    %swap3A_74 = arith.constant 0 : index
    %swap3A_75 = vector.load %arg5[%swap3A_72, %swap3A_73, %swap3A_74] : memref<2x8192x128xf32, #tpu.memory_space<vmem>>, vector<1x128x128xf32>
    %swap3A_76 = vector.shape_cast %swap3A_75 : vector<1x128x128xf32> to vector<128x128xf32>
    %swap3A_77 = vector.shape_cast %convert_element_type3A_66 : vector<128x128xf32> to vector<1x128x128xf32>
    tpu.vector_store %arg5[%swap3A_72, %swap3A_73, %swap3A_74], %swap3A_77 {strides = array<i32>} : memref<2x8192x128xf32, #tpu.memory_space<vmem>>, vector<1x128x128xf32>,
    %slice3A_78 = vector.extract_strided_slice %get3A_6 {offsets = [0, 1], sizes = [128, 1], strides = [1, 1]} : vector<128x64xf32> to vector<128x1xf32>
    %slice3A_79 = vector.extract_strided_slice %get3A_11 {offsets = [0, 1], sizes = [128, 1], strides = [1, 1]} : vector<128x64xf32> to vector<128x1xf32>
    %get3A_80 = arith.constant 128 : index
    %get3A_81 = arith.constant 0 : index
    %get3A_82 = vector.load %arg3[%get3A_80, %get3A_81] : memref<8192x128xf32, #tpu.memory_space<vmem>>, vector<128x128xf32>
    %sub3A_83 = vector.broadcast %slice3A_78 : vector<128x1xf32> to vector<128x128xf32>
    %sub3A_84 = vector.broadcast %get3A_1 : vector<1x128xf32> to vector<128x128xf32>
    %sub3A_85 = arith.subf %sub3A_83, %sub3A_84 : vector<128x128xf32>
    %mul3A_86 = arith.constant -3.276800e+02 : f32
    %mul3A_87 = vector.broadcast %mul3A_86 : f32 to vector<128x128xf32>
    %mul3A_88 = arith.mulf %mul3A_87, %sub3A_85 : vector<128x128xf32>
    %mul3A_89 = arith.mulf %mul3A_88, %sub3A_85 : vector<128x128xf32>
    %add3A_90 = vector.broadcast %slice3A_79 : vector<128x1xf32> to vector<128x128xf32>
    %add3A_91 = arith.addf %mul3A_89, %add3A_90 : vector<128x128xf32>
    %abs3A_92 = math.absf %get3A_82 : vector<128x128xf32>
    %bitcast_convert_type3A_93 = tpu.bitcast %abs3A_92 : vector<128x128xf32> -> vector<128x128xi32>
    %shift_right_arithmetic3A_94 = arith.constant 23 : i32
    %shift_right_arithmetic3A_95 = vector.broadcast %shift_right_arithmetic3A_94 : i32 to vector<128x128xi32>
    %shift_right_arithmetic3A_96 = arith.shrsi %bitcast_convert_type3A_93, %shift_right_arithmetic3A_95 : vector<128x128xi32>
    %sub3A_97 = arith.constant 127 : i32
    %sub3A_98 = vector.broadcast %sub3A_97 : i32 to vector<128x128xi32>
    %sub3A_99 = arith.subi %shift_right_arithmetic3A_96, %sub3A_98 : vector<128x128xi32>
    %and3A_100 = arith.constant 8388607 : i32
    %and3A_101 = vector.broadcast %and3A_100 : i32 to vector<128x128xi32>
    %and3A_102 = arith.andi %bitcast_convert_type3A_93, %and3A_101 : vector<128x128xi32>
    %or3A_103 = arith.constant 1065353216 : i32
    %or3A_104 = vector.broadcast %or3A_103 : i32 to vector<128x128xi32>
    %or3A_105 = arith.ori %and3A_102, %or3A_104 : vector<128x128xi32>
    %bitcast_convert_type3A_106 = tpu.bitcast %or3A_105 : vector<128x128xi32> -> vector<128x128xf32>
    %mul3A_107 = arith.constant -0.0248259846 : f32
    %mul3A_108 = vector.broadcast %mul3A_107 : f32 to vector<128x128xf32>
    %mul3A_109 = arith.mulf %mul3A_108, %bitcast_convert_type3A_106 : vector<128x128xf32>
    %add3A_110 = arith.constant 0.26686278 : f32
    %add3A_111 = vector.broadcast %add3A_110 : f32 to vector<128x128xf32>
    %add3A_112 = arith.addf %mul3A_109, %add3A_111 : vector<128x128xf32>
    %mul3A_113 = arith.mulf %add3A_112, %bitcast_convert_type3A_106 : vector<128x128xf32>
    %add3A_114 = arith.constant -1.23427987 : f32
    %add3A_115 = vector.broadcast %add3A_114 : f32 to vector<128x128xf32>
    %add3A_116 = arith.addf %mul3A_113, %add3A_115 : vector<128x128xf32>
    %mul3A_117 = arith.mulf %add3A_116, %bitcast_convert_type3A_106 : vector<128x128xf32>
    %add3A_118 = arith.constant 3.218870e+00 : f32
    %add3A_119 = vector.broadcast %add3A_118 : f32 to vector<128x128xf32>
    %add3A_120 = arith.addf %mul3A_117, %add3A_119 : vector<128x128xf32>
    %mul3A_121 = arith.mulf %add3A_120, %bitcast_convert_type3A_106 : vector<128x128xf32>
    %add3A_122 = arith.constant -5.26415539 : f32
    %add3A_123 = vector.broadcast %add3A_122 : f32 to vector<128x128xf32>
    %add3A_124 = arith.addf %mul3A_121, %add3A_123 : vector<128x128xf32>
    %mul3A_125 = arith.mulf %add3A_124, %bitcast_convert_type3A_106 : vector<128x128xf32>
    %add3A_126 = arith.constant 6.06585884 : f32
    %add3A_127 = vector.broadcast %add3A_126 : f32 to vector<128x128xf32>
    %add3A_128 = arith.addf %mul3A_125, %add3A_127 : vector<128x128xf32>
    %mul3A_129 = arith.mulf %add3A_128, %bitcast_convert_type3A_106 : vector<128x128xf32>
    %add3A_130 = arith.constant -3.02832508 : f32
    %add3A_131 = vector.broadcast %add3A_130 : f32 to vector<128x128xf32>
    %add3A_132 = arith.addf %mul3A_129, %add3A_131 : vector<128x128xf32>
    %convert_element_type3A_133 = arith.sitofp %sub3A_99 : vector<128x128xi32> to vector<128x128xf32>
    %add3A_134 = arith.addf %convert_element_type3A_133, %add3A_132 : vector<128x128xf32>
    %mul3A_135 = arith.constant 0.693147182 : f32
    %mul3A_136 = vector.broadcast %mul3A_135 : f32 to vector<128x128xf32>
    %mul3A_137 = arith.mulf %add3A_134, %mul3A_136 : vector<128x128xf32>
    %add3A_138 = arith.addf %mul3A_137, %add3A_91 : vector<128x128xf32>
    %bitcast_convert_type3A_139 = tpu.bitcast %get3A_82 : vector<128x128xf32> -> vector<128x128xi32>
    %shift_right_logical3A_140 = arith.constant 31 : i32
    %shift_right_logical3A_141 = vector.broadcast %shift_right_logical3A_140 : i32 to vector<128x128xi32>
    %shift_right_logical3A_142 = arith.shrui %bitcast_convert_type3A_139, %shift_right_logical3A_141 : vector<128x128xi32>
    %convert_element_type3A_143 = arith.sitofp %shift_right_logical3A_142 : vector<128x128xi32> to vector<128x128xf32>
    %swap3A_144 = arith.constant 0 : index
    %swap3A_145 = arith.constant 128 : index
    %swap3A_146 = arith.constant 0 : index
    %swap3A_147 = vector.load %arg5[%swap3A_144, %swap3A_145, %swap3A_146] : memref<2x8192x128xf32, #tpu.memory_space<vmem>>, vector<1x128x128xf32>
    %swap3A_148 = vector.shape_cast %swap3A_147 : vector<1x128x128xf32> to vector<128x128xf32>
    %swap3A_149 = vector.shape_cast %add3A_138 : vector<128x128xf32> to vector<1x128x128xf32>
    tpu.vector_store %arg5[%swap3A_144, %swap3A_145, %swap3A_146], %swap3A_149 {strides = array<i32>} : memref<2x8192x128xf32, #tpu.memory_space<vmem>>, vector<1x128x128xf32>,
    %swap3A_150 = arith.constant 1 : index
    %swap3A_151 = arith.constant 128 : index
    %swap3A_152 = arith.constant 0 : index
    %swap3A_153 = vector.load %arg5[%swap3A_150, %swap3A_151, %swap3A_152] : memref<2x8192x128xf32, #tpu.memory_space<vmem>>, vector<1x128x128xf32>
    %swap3A_154 = vector.shape_cast %swap3A_153 : vector<1x128x128xf32> to vector<128x128xf32>
    %swap3A_155 = vector.shape_cast %convert_element_type3A_143 : vector<128x128xf32> to vector<1x128x128xf32>
    tpu.vector_store %arg5[%swap3A_150, %swap3A_151, %swap3A_152], %swap3A_155 {strides = array<i32>} : memref<2x8192x128xf32, #tpu.memory_space<vmem>>, vector<1x128x128xf32>,
    %slice3A_156 = vector.extract_strided_slice %get3A_6 {offsets = [0, 2], sizes = [128, 1], strides = [1, 1]} : vector<128x64xf32> to vector<128x1xf32>
    %slice3A_157 = vector.extract_strided_slice %get3A_11 {offsets = [0, 2], sizes = [128, 1], strides = [1, 1]} : vector<128x64xf32> to vector<128x1xf32>
    %get3A_158 = arith.constant 256 : index
    %get3A_159 = arith.constant 0 : index
    %get3A_160 = vector.load %arg3[%get3A_158, %get3A_159] : memref<8192x128xf32, #tpu.memory_space<vmem>>, vector<128x128xf32>
    %sub3A_161 = vector.broadcast %slice3A_156 : vector<128x1xf32> to vector<128x128xf32>
    %sub3A_162 = vector.broadcast %get3A_1 : vector<1x128xf32> to vector<128x128xf32>
    %sub3A_163 = arith.subf %sub3A_161, %sub3A_162 : vector<128x128xf32>
    %mul3A_164 = arith.constant -3.276800e+02 : f32
    %mul3A_165 = vector.broadcast %mul3A_164 : f32 to vector<128x128xf32>
    %mul3A_166 = arith.mulf %mul3A_165, %sub3A_163 : vector<128x128xf32>
    %mul3A_167 = arith.mulf %mul3A_166, %sub3A_163 : vector<128x128xf32>
    %add3A_168 = vector.broadcast %slice3A_157 : vector<128x1xf32> to vector<128x128xf32>
    %add3A_169 = arith.addf %mul3A_167, %add3A_168 : vector<128x128xf32>
    %abs3A_170 = math.absf %get3A_160 : vector<128x128xf32>
    %bitcast_convert_type3A_171 = tpu.bitcast %abs3A_170 : vector<128x128xf32> -> vector<128x128xi32>
    %shift_right_arithmetic3A_172 = arith.constant 23 : i32
    %shift_right_arithmetic3A_173 = vector.broadcast %shift_right_arithmetic3A_172 : i32 to vector<128x128xi32>
    %shift_right_arithmetic3A_174 = arith.shrsi %bitcast_convert_type3A_171, %shift_right_arithmetic3A_173 : vector<128x128xi32>
    %sub3A_175 = arith.constant 127 : i32
    %sub3A_176 = vector.broadcast %sub3A_175 : i32 to vector<128x128xi32>
    %sub3A_177 = arith.subi %shift_right_arithmetic3A_174, %sub3A_176 : vector<128x128xi32>
    %and3A_178 = arith.constant 8388607 : i32
    %and3A_179 = vector.broadcast %and3A_178 : i32 to vector<128x128xi32>
    %and3A_180 = arith.andi %bitcast_convert_type3A_171, %and3A_179 : vector<128x128xi32>
    %or3A_181 = arith.constant 1065353216 : i32
    %or3A_182 = vector.broadcast %or3A_181 : i32 to vector<128x128xi32>
    %or3A_183 = arith.ori %and3A_180, %or3A_182 : vector<128x128xi32>
    %bitcast_convert_type3A_184 = tpu.bitcast %or3A_183 : vector<128x128xi32> -> vector<128x128xf32>
    %mul3A_185 = arith.constant -0.0248259846 : f32
    %mul3A_186 = vector.broadcast %mul3A_185 : f32 to vector<128x128xf32>
    %mul3A_187 = arith.mulf %mul3A_186, %bitcast_convert_type3A_184 : vector<128x128xf32>
    %add3A_188 = arith.constant 0.26686278 : f32
    %add3A_189 = vector.broadcast %add3A_188 : f32 to vector<128x128xf32>
    %add3A_190 = arith.addf %mul3A_187, %add3A_189 : vector<128x128xf32>
    %mul3A_191 = arith.mulf %add3A_190, %bitcast_convert_type3A_184 : vector<128x128xf32>
    %add3A_192 = arith.constant -1.23427987 : f32
    %add3A_193 = vector.broadcast %add3A_192 : f32 to vector<128x128xf32>
    %add3A_194 = arith.addf %mul3A_191, %add3A_193 : vector<128x128xf32>
    %mul3A_195 = arith.mulf %add3A_194, %bitcast_convert_type3A_184 : vector<128x128xf32>
    %add3A_196 = arith.constant 3.218870e+00 : f32
    %add3A_197 = vector.broadcast %add3A_196 : f32 to vector<128x128xf32>
    %add3A_198 = arith.addf %mul3A_195, %add3A_197 : vector<128x128xf32>
    %mul3A_199 = arith.mulf %add3A_198, %bitcast_convert_type3A_184 : vector<128x128xf32>
    %add3A_200 = arith.constant -5.26415539 : f32
    %add3A_201 = vector.broadcast %add3A_200 : f32 to vector<128x128xf32>
    %add3A_202 = arith.addf %mul3A_199, %add3A_201 : vector<128x128xf32>
    %mul3A_203 = arith.mulf %add3A_202, %bitcast_convert_type3A_184 : vector<128x128xf32>
    %add3A_204 = arith.constant 6.06585884 : f32
    %add3A_205 = vector.broadcast %add3A_204 : f32 to vector<128x128xf32>
    %add3A_206 = arith.addf %mul3A_203, %add3A_205 : vector<128x128xf32>
    %mul3A_207 = arith.mulf %add3A_206, %bitcast_convert_type3A_184 : vector<128x128xf32>
    %add3A_208 = arith.constant -3.02832508 : f32
    %add3A_209 = vector.broadcast %add3A_208 : f32 to vector<128x128xf32>
    %add3A_210 = arith.addf %mul3A_207, %add3A_209 : vector<128x128xf32>
    %convert_element_type3A_211 = arith.sitofp %sub3A_177 : vector<128x128xi32> to vector<128x128xf32>
    %add3A_212 = arith.addf %convert_element_type3A_211, %add3A_210 : vector<128x128xf32>
    %mul3A_213 = arith.constant 0.693147182 : f32
    %mul3A_214 = vector.broadcast %mul3A_213 : f32 to vector<128x128xf32>
    %mul3A_215 = arith.mulf %add3A_212, %mul3A_214 : vector<128x128xf32>
    %add3A_216 = arith.addf %mul3A_215, %add3A_169 : vector<128x128xf32>
    %bitcast_convert_type3A_217 = tpu.bitcast %get3A_160 : vector<128x128xf32> -> vector<128x128xi32>
    %shift_right_logical3A_218 = arith.constant 31 : i32
    %shift_right_logical3A_219 = vector.broadcast %shift_right_logical3A_218 : i32 to vector<128x128xi32>
    %shift_right_logical3A_220 = arith.shrui %bitcast_convert_type3A_217, %shift_right_logical3A_219 : vector<128x128xi32>
    %convert_element_type3A_221 = arith.sitofp %shift_right_logical3A_220 : vector<128x128xi32> to vector<128x128xf32>
    %swap3A_222 = arith.constant 0 : index
    %swap3A_223 = arith.constant 256 : index
    %swap3A_224 = arith.constant 0 : index
    %swap3A_225 = vector.load %arg5[%swap3A_222, %swap3A_223, %swap3A_224] : memref<2x8192x128xf32, #tpu.memory_space<vmem>>, vector<1x128x128xf32>
    %swap3A_226 = vector.shape_cast %swap3A_225 : vector<1x128x128xf32> to vector<128x128xf32>
    %swap3A_227 = vector.shape_cast %add3A_216 : vector<128x128xf32> to vector<1x128x128xf32>
    tpu.vector_store %arg5[%swap3A_222, %swap3A_223, %swap3A_224], %swap3A_227 {strides = array<i32>} : memref<2x8192x128xf32, #tpu.memory_space<vmem>>, vector<1x128x128xf32>,
    %swap3A_228 = arith.constant 1 : index
    %swap3A_229 = arith.constant 256 : index
    %swap3A_230 = arith.constant 0 : index
    %swap3A_231 = vector.load %arg5[%swap3A_228, %swap3A_229, %swap3A_230] : memref<2x8192x128xf32, #tpu.memory_space<vmem>>, vector<1x128x128xf32>
    %swap3A_232 = vector.shape_cast %swap3A_231 : vector<1x128x128xf32> to vector<128x128xf32>
    %swap3A_233 = vector.shape_cast %convert_element_type3A_221 : vector<128x128xf32> to vector<1x128x128xf32>
    tpu.vector_store %arg5[%swap3A_228, %swap3A_229, %swap3A_230], %swap3A_233 {strides = array<i32>} : memref<2x8192x128xf32, #tpu.memory_space<vmem>>, vector<1x128x128xf32>,
    %slice3A_234 = vector.extract_strided_slice %get3A_6 {offsets = [0, 3], sizes = [128, 1], strides = [1, 1]} : vector<128x64xf32> to vector<128x1xf32>
    %slice3A_235 = vector.extract_strided_slice %get3A_11 {offsets = [0, 3], sizes = [128, 1], strides = [1, 1]} : vector<128x64xf32> to vector<128x1xf32>
    %get3A_236 = arith.constant 384 : index
    %get3A_237 = arith.constant 0 : index
    %get3A_238 = vector.load %arg3[%get3A_236, %get3A_237] : memref<8192x128xf32, #tpu.memory_space<vmem>>, vector<128x128xf32>
    %sub3A_239 = vector.broadcast %slice3A_234 : vector<128x1xf32> to vector<128x128xf32>
    %sub3A_240 = vector.broadcast %get3A_1 : vector<1x128xf32> to vector<128x128xf32>
    %sub3A_241 = arith.subf %sub3A_239, %sub3A_240 : vector<128x128xf32>
    %mul3A_242 = arith.constant -3.276800e+02 : f32
    %mul3A_243 = vector.broadcast %mul3A_242 : f32 to vector<128x128xf32>
    %mul3A_244 = arith.mulf %mul3A_243, %sub3A_241 : vector<128x128xf32>
    %mul3A_245 = arith.mulf %mul3A_244, %sub3A_241 : vector<128x128xf32>
    %add3A_246 = vector.broadcast %slice3A_235 : vector<128x1xf32> to vector<128x128xf32>
    %add3A_247 = arith.addf %mul3A_245, %add3A_246 : vector<128x128xf32>
    %abs3A_248 = math.absf %get3A_238 : vector<128x128xf32>
    %bitcast_convert_type3A_249 = tpu.bitcast %abs3A_248 : vector<128x128xf32> -> vector<128x128xi32>
    %shift_right_arithmetic3A_250 = arith.constant 23 : i32
    %shift_right_arithmetic3A_251 = vector.broadcast %shift_right_arithmetic3A_250 : i32 to vector<128x128xi32>
    %shift_right_arithmetic3A_252 = arith.shrsi %bitcast_convert_type3A_249, %shift_right_arithmetic3A_251 : vector<128x128xi32>
    %sub3A_253 = arith.constant 127 : i32
    %sub3A_254 = vector.broadcast %sub3A_253 : i32 to vector<128x128xi32>
    %sub3A_255 = arith.subi %shift_right_arithmetic3A_252, %sub3A_254 : vector<128x128xi32>
    %and3A_256 = arith.constant 8388607 : i32
    %and3A_257 = vector.broadcast %and3A_256 : i32 to vector<128x128xi32>
    %and3A_258 = arith.andi %bitcast_convert_type3A_249, %and3A_257 : vector<128x128xi32>
    %or3A_259 = arith.constant 1065353216 : i32
    %or3A_260 = vector.broadcast %or3A_259 : i32 to vector<128x128xi32>
    %or3A_261 = arith.ori %and3A_258, %or3A_260 : vector<128x128xi32>
    %bitcast_convert_type3A_262 = tpu.bitcast %or3A_261 : vector<128x128xi32> -> vector<128x128xf32>
    %mul3A_263 = arith.constant -0.0248259846 : f32
    %mul3A_264 = vector.broadcast %mul3A_263 : f32 to vector<128x128xf32>
    %mul3A_265 = arith.mulf %mul3A_264, %bitcast_convert_type3A_262 : vector<128x128xf32>
    %add3A_266 = arith.constant 0.26686278 : f32
    %add3A_267 = vector.broadcast %add3A_266 : f32 to vector<128x128xf32>
    %add3A_268 = arith.addf %mul3A_265, %add3A_267 : vector<128x128xf32>
    %mul3A_269 = arith.mulf %add3A_268, %bitcast_convert_type3A_262 : vector<128x128xf32>
    %add3A_270 = arith.constant -1.23427987 : f32
    %add3A_271 = vector.broadcast %add3A_270 : f32 to vector<128x128xf32>
    %add3A_272 = arith.addf %mul3A_269, %add3A_271 : vector<128x128xf32>
    %mul3A_273 = arith.mulf %add3A_272, %bitcast_convert_type3A_262 : vector<128x128xf32>
    %add3A_274 = arith.constant 3.218870e+00 : f32
    %add3A_275 = vector.broadcast %add3A_274 : f32 to vector<128x128xf32>
    %add3A_276 = arith.addf %mul3A_273, %add3A_275 : vector<128x128xf32>
    %mul3A_277 = arith.mulf %add3A_276, %bitcast_convert_type3A_262 : vector<128x128xf32>
    %add3A_278 = arith.constant -5.26415539 : f32
    %add3A_279 = vector.broadcast %add3A_278 : f32 to vector<128x128xf32>
    %add3A_280 = arith.addf %mul3A_277, %add3A_279 : vector<128x128xf32>
    %mul3A_281 = arith.mulf %add3A_280, %bitcast_convert_type3A_262 : vector<128x128xf32>
    %add3A_282 = arith.constant 6.06585884 : f32
    %add3A_283 = vector.broadcast %add3A_282 : f32 to vector<128x128xf32>
    %add3A_284 = arith.addf %mul3A_281, %add3A_283 : vector<128x128xf32>
    %mul3A_285 = arith.mulf %add3A_284, %bitcast_convert_type3A_262 : vector<128x128xf32>
    %add3A_286 = arith.constant -3.02832508 : f32
    %add3A_287 = vector.broadcast %add3A_286 : f32 to vector<128x128xf32>
    %add3A_288 = arith.addf %mul3A_285, %add3A_287 : vector<128x128xf32>
    %convert_element_type3A_289 = arith.sitofp %sub3A_255 : vector<128x128xi32> to vector<128x128xf32>
    %add3A_290 = arith.addf %convert_element_type3A_289, %add3A_288 : vector<128x128xf32>
    %mul3A_291 = arith.constant 0.693147182 : f32
    %mul3A_292 = vector.broadcast %mul3A_291 : f32 to vector<128x128xf32>
    %mul3A_293 = arith.mulf %add3A_290, %mul3A_292 : vector<128x128xf32>
    %add3A_294 = arith.addf %mul3A_293, %add3A_247 : vector<128x128xf32>
    %bitcast_convert_type3A_295 = tpu.bitcast %get3A_238 : vector<128x128xf32> -> vector<128x128xi32>
    %shift_right_logical3A_296 = arith.constant 31 : i32
    %shift_right_logical3A_297 = vector.broadcast %shift_right_logical3A_296 : i32 to vector<128x128xi32>
    %shift_right_logical3A_298 = arith.shrui %bitcast_convert_type3A_295, %shift_right_logical3A_297 : vector<128x128xi32>
    %convert_element_type3A_299 = arith.sitofp %shift_right_logical3A_298 : vector<128x128xi32> to vector<128x128xf32>
    %swap3A_300 = arith.constant 0 : index
    %swap3A_301 = arith.constant 384 : index
    %swap3A_302 = arith.constant 0 : index
    %swap3A_303 = vector.load %arg5[%swap3A_300, %swap3A_301, %swap3A_302] : memref<2x8192x128xf32, #tpu.memory_space<vmem>>, vector<1x128x128xf32>
    %swap3A_304 = vector.shape_cast %swap3A_303 : vector<1x128x128xf32> to vector<128x128xf32>
    %swap3A_305 = vector.shape_cast %add3A_294 : vector<128x128xf32> to vector<1x128x128xf32>
    tpu.vector_store %arg5[%swap3A_300, %swap3A_301, %swap3A_302], %swap3A_305 {strides = array<i32>} : memref<2x8192x128xf32, #tpu.memory_space<vmem>>, vector<1x128x128xf32>,
    %swap3A_306 = arith.constant 1 : index
    %swap3A_307 = arith.constant 384 : index
    %swap3A_308 = arith.constant 0 : index
    %swap3A_309 = vector.load %arg5[%swap3A_306, %swap3A_307, %swap3A_308] : memref<2x8192x128xf32, #tpu.memory_space<vmem>>, vector<1x128x128xf32>
    %swap3A_310 = vector.shape_cast %swap3A_309 : vector<1x128x128xf32> to vector<128x128xf32>
    %swap3A_311 = vector.shape_cast %convert_element_type3A_299 : vector<128x128xf32> to vector<1x128x128xf32>
    tpu.vector_store %arg5[%swap3A_306, %swap3A_307, %swap3A_308], %swap3A_311 {strides = array<i32>} : memref<2x8192x128xf32, #tpu.memory_space<vmem>>, vector<1x128x128xf32>,
    %slice3A_312 = vector.extract_strided_slice %get3A_6 {offsets = [0, 4], sizes = [128, 1], strides = [1, 1]} : vector<128x64xf32> to vector<128x1xf32>
    %slice3A_313 = vector.extract_strided_slice %get3A_11 {offsets = [0, 4], sizes = [128, 1], strides = [1, 1]} : vector<128x64xf32> to vector<128x1xf32>
    %get3A_314 = arith.constant 512 : index
    %get3A_315 = arith.constant 0 : index
    %get3A_316 = vector.load %arg3[%get3A_314, %get3A_315] : memref<8192x128xf32, #tpu.memory_space<vmem>>, vector<128x128xf32>
    %sub3A_317 = vector.broadcast %slice3A_312 : vector<128x1xf32> to vector<128x128xf32>
    %sub3A_318 = vector.broadcast %get3A_1 : vector<1x128xf32> to vector<128x128xf32>
    %sub3A_319 = arith.subf %sub3A_317, %sub3A_318 : vector<128x128xf32>
    %mul3A_320 = arith.constant -3.276800e+02 : f32
    %mul3A_321 = vector.broadcast %mul3A_320 : f32 to vector<128x128xf32>
    %mul3A_322 = arith.mulf %mul3A_321, %sub3A_319 : vector<128x128xf32>
    %mul3A_323 = arith.mulf %mul3A_322, %sub3A_319 : vector<128x128xf32>
    %add3A_324 = vector.broadcast %slice3A_313 : vector<128x1xf32> to vector<128x128xf32>
    %add3A_325 = arith.addf %mul3A_323, %add3A_324 : vector<128x128xf32>
    %abs3A_326 = math.absf %get3A_316 : vector<128x128xf32>
    %bitcast_convert_type3A_327 = tpu.bitcast %abs3A_326 : vector<128x128xf32> -> vector<128x128xi32>
    %shift_right_arithmetic3A_328 = arith.constant 23 : i32
    %shift_right_arithmetic3A_329 = vector.broadcast %shift_right_arithmetic3A_328 : i32 to vector<128x128xi32>
    %shift_right_arithmetic3A_330 = arith.shrsi %bitcast_convert_type3A_327, %shift_right_arithmetic3A_329 : vector<128x128xi32>
    %sub3A_331 = arith.constant 127 : i32
    %sub3A_332 = vector.broadcast %sub3A_331 : i32 to vector<128x128xi32>
    %sub3A_333 = arith.subi %shift_right_arithmetic3A_330, %sub3A_332 : vector<128x128xi32>
    %and3A_334 = arith.constant 8388607 : i32
    %and3A_335 = vector.broadcast %and3A_334 : i32 to vector<128x128xi32>
    %and3A_336 = arith.andi %bitcast_convert_type3A_327, %and3A_335 : vector<128x128xi32>
    %or3A_337 = arith.constant 1065353216 : i32
    %or3A_338 = vector.broadcast %or3A_337 : i32 to vector<128x128xi32>
    %or3A_339 = arith.ori %and3A_336, %or3A_338 : vector<128x128xi32>
    %bitcast_convert_type3A_340 = tpu.bitcast %or3A_339 : vector<128x128xi32> -> vector<128x128xf32>
    %mul3A_341 = arith.constant -0.0248259846 : f32
    %mul3A_342 = vector.broadcast %mul3A_341 : f32 to vector<128x128xf32>
    %mul3A_343 = arith.mulf %mul3A_342, %bitcast_convert_type3A_340 : vector<128x128xf32>
    %add3A_344 = arith.constant 0.26686278 : f32
    %add3A_345 = vector.broadcast %add3A_344 : f32 to vector<128x128xf32>
    %add3A_346 = arith.addf %mul3A_343, %add3A_345 : vector<128x128xf32>
    %mul3A_347 = arith.mulf %add3A_346, %bitcast_convert_type3A_340 : vector<128x128xf32>
    %add3A_348 = arith.constant -1.23427987 : f32
    %add3A_349 = vector.broadcast %add3A_348 : f32 to vector<128x128xf32>
    %add3A_350 = arith.addf %mul3A_347, %add3A_349 : vector<128x128xf32>
    %mul3A_351 = arith.mulf %add3A_350, %bitcast_convert_type3A_340 : vector<128x128xf32>
    %add3A_352 = arith.constant 3.218870e+00 : f32
    %add3A_353 = vector.broadcast %add3A_352 : f32 to vector<128x128xf32>
    %add3A_354 = arith.addf %mul3A_351, %add3A_353 : vector<128x128xf32>
    %mul3A_355 = arith.mulf %add3A_354, %bitcast_convert_type3A_340 : vector<128x128xf32>
    %add3A_356 = arith.constant -5.26415539 : f32
    %add3A_357 = vector.broadcast %add3A_356 : f32 to vector<128x128xf32>
    %add3A_358 = arith.addf %mul3A_355, %add3A_357 : vector<128x128xf32>
    %mul3A_359 = arith.mulf %add3A_358, %bitcast_convert_type3A_340 : vector<128x128xf32>
    %add3A_360 = arith.constant 6.06585884 : f32
    %add3A_361 = vector.broadcast %add3A_360 : f32 to vector<128x128xf32>
    %add3A_362 = arith.addf %mul3A_359, %add3A_361 : vector<128x128xf32>
    %mul3A_363 = arith.mulf %add3A_362, %bitcast_convert_type3A_340 : vector<128x128xf32>
    %add3A_364 = arith.constant -3.02832508 : f32
    %add3A_365 = vector.broadcast %add3A_364 : f32 to vector<128x128xf32>
    %add3A_366 = arith.addf %mul3A_363, %add3A_365 : vector<128x128xf32>
    %convert_element_type3A_367 = arith.sitofp %sub3A_333 : vector<128x128xi32> to vector<128x128xf32>
    %add3A_368 = arith.addf %convert_element_type3A_367, %add3A_366 : vector<128x128xf32>
    %mul3A_369 = arith.constant 0.693147182 : f32
    %mul3A_370 = vector.broadcast %mul3A_369 : f32 to vector<128x128xf32>
    %mul3A_371 = arith.mulf %add3A_368, %mul3A_370 : vector<128x128xf32>
    %add3A_372 = arith.addf %mul3A_371, %add3A_325 : vector<128x128xf32>
    %bitcast_convert_type3A_373 = tpu.bitcast %get3A_316 : vector<128x128xf32> -> vector<128x128xi32>
    %shift_right_logical3A_374 = arith.constant 31 : i32
    %shift_right_logical3A_375 = vector.broadcast %shift_right_logical3A_374 : i32 to vector<128x128xi32>
    %shift_right_logical3A_376 = arith.shrui %bitcast_convert_type3A_373, %shift_right_logical3A_375 : vector<128x128xi32>
    %convert_element_type3A_377 = arith.sitofp %shift_right_logical3A_376 : vector<128x128xi32> to vector<128x128xf32>
    %swap3A_378 = arith.constant 0 : index
    %swap3A_379 = arith.constant 512 : index
    %swap3A_380 = arith.constant 0 : index
    %swap3A_381 = vector.load %arg5[%swap3A_378, %swap3A_379, %swap3A_380] : memref<2x8192x128xf32, #tpu.memory_space<vmem>>, vector<1x128x128xf32>
    %swap3A_382 = vector.shape_cast %swap3A_381 : vector<1x128x128xf32> to vector<128x128xf32>
    %swap3A_383 = vector.shape_cast %add3A_372 : vector<128x128xf32> to vector<1x128x128xf32>
    tpu.vector_store %arg5[%swap3A_378, %swap3A_379, %swap3A_380], %swap3A_383 {strides = array<i32>} : memref<2x8192x128xf32, #tpu.memory_space<vmem>>, vector<1x128x128xf32>,
    %swap3A_384 = arith.constant 1 : index
    %swap3A_385 = arith.constant 512 : index
    %swap3A_386 = arith.constant 0 : index
    %swap3A_387 = vector.load %arg5[%swap3A_384, %swap3A_385, %swap3A_386] : memref<2x8192x128xf32, #tpu.memory_space<vmem>>, vector<1x128x128xf32>
    %swap3A_388 = vector.shape_cast %swap3A_387 : vector<1x128x128xf32> to vector<128x128xf32>
    %swap3A_389 = vector.shape_cast %convert_element_type3A_377 : vector<128x128xf32> to vector<1x128x128xf32>
    tpu.vector_store %arg5[%swap3A_384, %swap3A_385, %swap3A_386], %swap3A_389 {strides = array<i32>} : memref<2x8192x128xf32, #tpu.memory_space<vmem>>, vector<1x128x128xf32>,
    %slice3A_390 = vector.extract_strided_slice %get3A_6 {offsets = [0, 5], sizes = [128, 1], strides = [1, 1]} : vector<128x64xf32> to vector<128x1xf32>
    %slice3A_391 = vector.extract_strided_slice %get3A_11 {offsets = [0, 5], sizes = [128, 1], strides = [1, 1]} : vector<128x64xf32> to vector<128x1xf32>
    %get3A_392 = arith.constant 640 : index
    %get3A_393 = arith.constant 0 : index
    %get3A_394 = vector.load %arg3[%get3A_392, %get3A_393] : memref<8192x128xf32, #tpu.memory_space<vmem>>, vector<128x128xf32>
    %sub3A_395 = vector.broadcast %slice3A_390 : vector<128x1xf32> to vector<128x128xf32>
    %sub3A_396 = vector.broadcast %get3A_1 : vector<1x128xf32> to vector<128x128xf32>
    %sub3A_397 = arith.subf %sub3A_395, %sub3A_396 : vector<128x128xf32>
    %mul3A_398 = arith.constant -3.276800e+02 : f32
    %mul3A_399 = vector.broadcast %mul3A_398 : f32 to vector<128x128xf32>
    %mul3A_400 = arith.mulf %mul3A_399, %sub3A_397 : vector<128x128xf32>
    %mul3A_401 = arith.mulf %mul3A_400, %sub3A_397 : vector<128x128xf32>
    %add3A_402 = vector.broadcast %slice3A_391 : vector<128x1xf32> to vector<128x128xf32>
    %add3A_403 = arith.addf %mul3A_401, %add3A_402 : vector<128x128xf32>
    %abs3A_404 = math.absf %get3A_394 : vector<128x128xf32>
    %bitcast_convert_type3A_405 = tpu.bitcast %abs3A_404 : vector<128x128xf32> -> vector<128x128xi32>
    %shift_right_arithmetic3A_406 = arith.constant 23 : i32
    %shift_right_arithmetic3A_407 = vector.broadcast %shift_right_arithmetic3A_406 : i32 to vector<128x128xi32>
    %shift_right_arithmetic3A_408 = arith.shrsi %bitcast_convert_type3A_405, %shift_right_arithmetic3A_407 : vector<128x128xi32>
    %sub3A_409 = arith.constant 127 : i32
    %sub3A_410 = vector.broadcast %sub3A_409 : i32 to vector<128x128xi32>
    %sub3A_411 = arith.subi %shift_right_arithmetic3A_408, %sub3A_410 : vector<128x128xi32>
    %and3A_412 = arith.constant 8388607 : i32
    %and3A_413 = vector.broadcast %and3A_412 : i32 to vector<128x128xi32>
    %and3A_414 = arith.andi %bitcast_convert_type3A_405, %and3A_413 : vector<128x128xi32>
    %or3A_415 = arith.constant 1065353216 : i32
    %or3A_416 = vector.broadcast %or3A_415 : i32 to vector<128x128xi32>
    %or3A_417 = arith.ori %and3A_414, %or3A_416 : vector<128x128xi32>
    %bitcast_convert_type3A_418 = tpu.bitcast %or3A_417 : vector<128x128xi32> -> vector<128x128xf32>
    %mul3A_419 = arith.constant -0.0248259846 : f32
    %mul3A_420 = vector.broadcast %mul3A_419 : f32 to vector<128x128xf32>
    %mul3A_421 = arith.mulf %mul3A_420, %bitcast_convert_type3A_418 : vector<128x128xf32>
    %add3A_422 = arith.constant 0.26686278 : f32
    %add3A_423 = vector.broadcast %add3A_422 : f32 to vector<128x128xf32>
    %add3A_424 = arith.addf %mul3A_421, %add3A_423 : vector<128x128xf32>
    %mul3A_425 = arith.mulf %add3A_424, %bitcast_convert_type3A_418 : vector<128x128xf32>
    %add3A_426 = arith.constant -1.23427987 : f32
    %add3A_427 = vector.broadcast %add3A_426 : f32 to vector<128x128xf32>
    %add3A_428 = arith.addf %mul3A_425, %add3A_427 : vector<128x128xf32>
    %mul3A_429 = arith.mulf %add3A_428, %bitcast_convert_type3A_418 : vector<128x128xf32>
    %add3A_430 = arith.constant 3.218870e+00 : f32
    %add3A_431 = vector.broadcast %add3A_430 : f32 to vector<128x128xf32>
    %add3A_432 = arith.addf %mul3A_429, %add3A_431 : vector<128x128xf32>
    %mul3A_433 = arith.mulf %add3A_432, %bitcast_convert_type3A_418 : vector<128x128xf32>
    %add3A_434 = arith.constant -5.26415539 : f32
    %add3A_435 = vector.broadcast %add3A_434 : f32 to vector<128x128xf32>
    %add3A_436 = arith.addf %mul3A_433, %add3A_435 : vector<128x128xf32>
    %mul3A_437 = arith.mulf %add3A_436, %bitcast_convert_type3A_418 : vector<128x128xf32>
    %add3A_438 = arith.constant 6.06585884 : f32
    %add3A_439 = vector.broadcast %add3A_438 : f32 to vector<128x128xf32>
    %add3A_440 = arith.addf %mul3A_437, %add3A_439 : vector<128x128xf32>
    %mul3A_441 = arith.mulf %add3A_440, %bitcast_convert_type3A_418 : vector<128x128xf32>
    %add3A_442 = arith.constant -3.02832508 : f32
    %add3A_443 = vector.broadcast %add3A_442 : f32 to vector<128x128xf32>
    %add3A_444 = arith.addf %mul3A_441, %add3A_443 : vector<128x128xf32>
    %convert_element_type3A_445 = arith.sitofp %sub3A_411 : vector<128x128xi32> to vector<128x128xf32>
    %add3A_446 = arith.addf %convert_element_type3A_445, %add3A_444 : vector<128x128xf32>
    %mul3A_447 = arith.constant 0.693147182 : f32
    %mul3A_448 = vector.broadcast %mul3A_447 : f32 to vector<128x128xf32>
    %mul3A_449 = arith.mulf %add3A_446, %mul3A_448 : vector<128x128xf32>
    %add3A_450 = arith.addf %mul3A_449, %add3A_403 : vector<128x128xf32>
    %bitcast_convert_type3A_451 = tpu.bitcast %get3A_394 : vector<128x128xf32> -> vector<128x128xi32>
    %shift_right_logical3A_452 = arith.constant 31 : i32
    %shift_right_logical3A_453 = vector.broadcast %shift_right_logical3A_452 : i32 to vector<128x128xi32>
    %shift_right_logical3A_454 = arith.shrui %bitcast_convert_type3A_451, %shift_right_logical3A_453 : vector<128x128xi32>
    %convert_element_type3A_455 = arith.sitofp %shift_right_logical3A_454 : vector<128x128xi32> to vector<128x128xf32>
    %swap3A_456 = arith.constant 0 : index
    %swap3A_457 = arith.constant 640 : index
    %swap3A_458 = arith.constant 0 : index
    %swap3A_459 = vector.load %arg5[%swap3A_456, %swap3A_457, %swap3A_458] : memref<2x8192x128xf32, #tpu.memory_space<vmem>>, vector<1x128x128xf32>
    %swap3A_460 = vector.shape_cast %swap3A_459 : vector<1x128x128xf32> to vector<128x128xf32>
    %swap3A_461 = vector.shape_cast %add3A_450 : vector<128x128xf32> to vector<1x128x128xf32>
    tpu.vector_store %arg5[%swap3A_456, %swap3A_457, %swap3A_458], %swap3A_461 {strides = array<i32>} : memref<2x8192x128xf32, #tpu.memory_space<vmem>>, vector<1x128x128xf32>,
    %swap3A_462 = arith.constant 1 : index
    %swap3A_463 = arith.constant 640 : index
    %swap3A_464 = arith.constant 0 : index
    %swap3A_465 = vector.load %arg5[%swap3A_462, %swap3A_463, %swap3A_464] : memref<2x8192x128xf32, #tpu.memory_space<vmem>>, vector<1x128x128xf32>
    %swap3A_466 = vector.shape_cast %swap3A_465 : vector<1x128x128xf32> to vector<128x128xf32>
    %swap3A_467 = vector.shape_cast %convert_element_type3A_455 : vector<128x128xf32> to vector<1x128x128xf32>
    tpu.vector_store %arg5[%swap3A_462, %swap3A_463, %swap3A_464], %swap3A_467 {strides = array<i32>} : memref<2x8192x128xf32, #tpu.memory_space<vmem>>, vector<1x128x128xf32>,
    %slice3A_468 = vector.extract_strided_slice %get3A_6 {offsets = [0, 6], sizes = [128, 1], strides = [1, 1]} : vector<128x64xf32> to vector<128x1xf32>
    %slice3A_469 = vector.extract_strided_slice %get3A_11 {offsets = [0, 6], sizes = [128, 1], strides = [1, 1]} : vector<128x64xf32> to vector<128x1xf32>
    %get3A_470 = arith.constant 768 : index
    %get3A_471 = arith.constant 0 : index
    %get3A_472 = vector.load %arg3[%get3A_470, %get3A_471] : memref<8192x128xf32, #tpu.memory_space<vmem>>, vector<128x128xf32>
    %sub3A_473 = vector.broadcast %slice3A_468 : vector<128x1xf32> to vector<128x128xf32>
    %sub3A_474 = vector.broadcast %get3A_1 : vector<1x128xf32> to vector<128x128xf32>
    %sub3A_475 = arith.subf %sub3A_473, %sub3A_474 : vector<128x128xf32>
    %mul3A_476 = arith.constant -3.276800e+02 : f32
    %mul3A_477 = vector.broadcast %mul3A_476 : f32 to vector<128x128xf32>
    %mul3A_478 = arith.mulf %mul3A_477, %sub3A_475 : vector<128x128xf32>
    %mul3A_479 = arith.mulf %mul3A_478, %sub3A_475 : vector<128x128xf32>
    %add3A_480 = vector.broadcast %slice3A_469 : vector<128x1xf32> to vector<128x128xf32>
    %add3A_481 = arith.addf %mul3A_479, %add3A_480 : vector<128x128xf32>
    %abs3A_482 = math.absf %get3A_472 : vector<128x128xf32>
    %bitcast_convert_type3A_483 = tpu.bitcast %abs3A_482 : vector<128x128xf32> -> vector<128x128xi32>
    %shift_right_arithmetic3A_484 = arith.constant 23 : i32
    %shift_right_arithmetic3A_485 = vector.broadcast %shift_right_arithmetic3A_484 : i32 to vector<128x128xi32>
    %shift_right_arithmetic3A_486 = arith.shrsi %bitcast_convert_type3A_483, %shift_right_arithmetic3A_485 : vector<128x128xi32>
    %sub3A_487 = arith.constant 127 : i32
    %sub3A_488 = vector.broadcast %sub3A_487 : i32 to vector<128x128xi32>
    %sub3A_489 = arith.subi %shift_right_arithmetic3A_486, %sub3A_488 : vector<128x128xi32>
    %and3A_490 = arith.constant 8388607 : i32
    %and3A_491 = vector.broadcast %and3A_490 : i32 to vector<128x128xi32>
    %and3A_492 = arith.andi %bitcast_convert_type3A_483, %and3A_491 : vector<128x128xi32>
    %or3A_493 = arith.constant 1065353216 : i32
    %or3A_494 = vector.broadcast %or3A_493 : i32 to vector<128x128xi32>
    %or3A_495 = arith.ori %and3A_492, %or3A_494 : vector<128x128xi32>
    %bitcast_convert_type3A_496 = tpu.bitcast %or3A_495 : vector<128x128xi32> -> vector<128x128xf32>
    %mul3A_497 = arith.constant -0.0248259846 : f32
    %mul3A_498 = vector.broadcast %mul3A_497 : f32 to vector<128x128xf32>
    %mul3A_499 = arith.mulf %mul3A_498, %bitcast_convert_type3A_496 : vector<128x128xf32>
    %add3A_500 = arith.constant 0.26686278 : f32
    %add3A_501 = vector.broadcast %add3A_500 : f32 to vector<128x128xf32>
    %add3A_502 = arith.addf %mul3A_499, %add3A_501 : vector<128x128xf32>
    %mul3A_503 = arith.mulf %add3A_502, %bitcast_convert_type3A_496 : vector<128x128xf32>
    %add3A_504 = arith.constant -1.23427987 : f32
    %add3A_505 = vector.broadcast %add3A_504 : f32 to vector<128x128xf32>
    %add3A_506 = arith.addf %mul3A_503, %add3A_505 : vector<128x128xf32>
    %mul3A_507 = arith.mulf %add3A_506, %bitcast_convert_type3A_496 : vector<128x128xf32>
    %add3A_508 = arith.constant 3.218870e+00 : f32
    %add3A_509 = vector.broadcast %add3A_508 : f32 to vector<128x128xf32>
    %add3A_510 = arith.addf %mul3A_507, %add3A_509 : vector<128x128xf32>
    %mul3A_511 = arith.mulf %add3A_510, %bitcast_convert_type3A_496 : vector<128x128xf32>
    %add3A_512 = arith.constant -5.26415539 : f32
    %add3A_513 = vector.broadcast %add3A_512 : f32 to vector<128x128xf32>
    %add3A_514 = arith.addf %mul3A_511, %add3A_513 : vector<128x128xf32>
    %mul3A_515 = arith.mulf %add3A_514, %bitcast_convert_type3A_496 : vector<128x128xf32>
    %add3A_516 = arith.constant 6.06585884 : f32
    %add3A_517 = vector.broadcast %add3A_516 : f32 to vector<128x128xf32>
    %add3A_518 = arith.addf %mul3A_515, %add3A_517 : vector<128x128xf32>
    %mul3A_519 = arith.mulf %add3A_518, %bitcast_convert_type3A_496 : vector<128x128xf32>
    %add3A_520 = arith.constant -3.02832508 : f32
    %add3A_521 = vector.broadcast %add3A_520 : f32 to vector<128x128xf32>
    %add3A_522 = arith.addf %mul3A_519, %add3A_521 : vector<128x128xf32>
    %convert_element_type3A_523 = arith.sitofp %sub3A_489 : vector<128x128xi32> to vector<128x128xf32>
    %add3A_524 = arith.addf %convert_element_type3A_523, %add3A_522 : vector<128x128xf32>
    %mul3A_525 = arith.constant 0.693147182 : f32
    %mul3A_526 = vector.broadcast %mul3A_525 : f32 to vector<128x128xf32>
    %mul3A_527 = arith.mulf %add3A_524, %mul3A_526 : vector<128x128xf32>
    %add3A_528 = arith.addf %mul3A_527, %add3A_481 : vector<128x128xf32>
    %bitcast_convert_type3A_529 = tpu.bitcast %get3A_472 : vector<128x128xf32> -> vector<128x128xi32>
    %shift_right_logical3A_530 = arith.constant 31 : i32
    %shift_right_logical3A_531 = vector.broadcast %shift_right_logical3A_530 : i32 to vector<128x128xi32>
    %shift_right_logical3A_532 = arith.shrui %bitcast_convert_type3A_529, %shift_right_logical3A_531 : vector<128x128xi32>
    %convert_element_type3A_533 = arith.sitofp %shift_right_logical3A_532 : vector<128x128xi32> to vector<128x128xf32>
    %swap3A_534 = arith.constant 0 : index
    %swap3A_535 = arith.constant 768 : index
    %swap3A_536 = arith.constant 0 : index
    %swap3A_537 = vector.load %arg5[%swap3A_534, %swap3A_535, %swap3A_536] : memref<2x8192x128xf32, #tpu.memory_space<vmem>>, vector<1x128x128xf32>
    %swap3A_538 = vector.shape_cast %swap3A_537 : vector<1x128x128xf32> to vector<128x128xf32>
    %swap3A_539 = vector.shape_cast %add3A_528 : vector<128x128xf32> to vector<1x128x128xf32>
    tpu.vector_store %arg5[%swap3A_534, %swap3A_535, %swap3A_536], %swap3A_539 {strides = array<i32>} : memref<2x8192x128xf32, #tpu.memory_space<vmem>>, vector<1x128x128xf32>,
    %swap3A_540 = arith.constant 1 : index
    %swap3A_541 = arith.constant 768 : index
    %swap3A_542 = arith.constant 0 : index
    %swap3A_543 = vector.load %arg5[%swap3A_540, %swap3A_541, %swap3A_542] : memref<2x8192x128xf32, #tpu.memory_space<vmem>>, vector<1x128x128xf32>
    %swap3A_544 = vector.shape_cast %swap3A_543 : vector<1x128x128xf32> to vector<128x128xf32>
    %swap3A_545 = vector.shape_cast %convert_element_type3A_533 : vector<128x128xf32> to vector<1x128x128xf32>
    tpu.vector_store %arg5[%swap3A_540, %swap3A_541, %swap3A_542], %swap3A_545 {strides = array<i32>} : memref<2x8192x128xf32, #tpu.memory_space<vmem>>, vector<1x128x128xf32>,
    %slice3A_546 = vector.extract_strided_slice %get3A_6 {offsets = [0, 7], sizes = [128, 1], strides = [1, 1]} : vector<128x64xf32> to vector<128x1xf32>
    %slice3A_547 = vector.extract_strided_slice %get3A_11 {offsets = [0, 7], sizes = [128, 1], strides = [1, 1]} : vector<128x64xf32> to vector<128x1xf32>
    %get3A_548 = arith.constant 896 : index
    %get3A_549 = arith.constant 0 : index
    %get3A_550 = vector.load %arg3[%get3A_548, %get3A_549] : memref<8192x128xf32, #tpu.memory_space<vmem>>, vector<128x128xf32>
    %sub3A_551 = vector.broadcast %slice3A_546 : vector<128x1xf32> to vector<128x128xf32>
    %sub3A_552 = vector.broadcast %get3A_1 : vector<1x128xf32> to vector<128x128xf32>
    %sub3A_553 = arith.subf %sub3A_551, %sub3A_552 : vector<128x128xf32>
    %mul3A_554 = arith.constant -3.276800e+02 : f32
    %mul3A_555 = vector.broadcast %mul3A_554 : f32 to vector<128x128xf32>
    %mul3A_556 = arith.mulf %mul3A_555, %sub3A_553 : vector<128x128xf32>
    %mul3A_557 = arith.mulf %mul3A_556, %sub3A_553 : vector<128x128xf32>
    %add3A_558 = vector.broadcast %slice3A_547 : vector<128x1xf32> to vector<128x128xf32>
    %add3A_559 = arith.addf %mul3A_557, %add3A_558 : vector<128x128xf32>
    %abs3A_560 = math.absf %get3A_550 : vector<128x128xf32>
    %bitcast_convert_type3A_561 = tpu.bitcast %abs3A_560 : vector<128x128xf32> -> vector<128x128xi32>
    %shift_right_arithmetic3A_562 = arith.constant 23 : i32
    %shift_right_arithmetic3A_563 = vector.broadcast %shift_right_arithmetic3A_562 : i32 to vector<128x128xi32>
    %shift_right_arithmetic3A_564 = arith.shrsi %bitcast_convert_type3A_561, %shift_right_arithmetic3A_563 : vector<128x128xi32>
    %sub3A_565 = arith.constant 127 : i32
    %sub3A_566 = vector.broadcast %sub3A_565 : i32 to vector<128x128xi32>
    %sub3A_567 = arith.subi %shift_right_arithmetic3A_564, %sub3A_566 : vector<128x128xi32>
    %and3A_568 = arith.constant 8388607 : i32
    %and3A_569 = vector.broadcast %and3A_568 : i32 to vector<128x128xi32>
    %and3A_570 = arith.andi %bitcast_convert_type3A_561, %and3A_569 : vector<128x128xi32>
    %or3A_571 = arith.constant 1065353216 : i32
    %or3A_572 = vector.broadcast %or3A_571 : i32 to vector<128x128xi32>
    %or3A_573 = arith.ori %and3A_570, %or3A_572 : vector<128x128xi32>
    %bitcast_convert_type3A_574 = tpu.bitcast %or3A_573 : vector<128x128xi32> -> vector<128x128xf32>
    %mul3A_575 = arith.constant -0.0248259846 : f32
    %mul3A_576 = vector.broadcast %mul3A_575 : f32 to vector<128x128xf32>
    %mul3A_577 = arith.mulf %mul3A_576, %bitcast_convert_type3A_574 : vector<128x128xf32>
    %add3A_578 = arith.constant 0.26686278 : f32
    %add3A_579 = vector.broadcast %add3A_578 : f32 to vector<128x128xf32>
    %add3A_580 = arith.addf %mul3A_577, %add3A_579 : vector<128x128xf32>
    %mul3A_581 = arith.mulf %add3A_580, %bitcast_convert_type3A_574 : vector<128x128xf32>
    %add3A_582 = arith.constant -1.23427987 : f32
    %add3A_583 = vector.broadcast %add3A_582 : f32 to vector<128x128xf32>
    %add3A_584 = arith.addf %mul3A_581, %add3A_583 : vector<128x128xf32>
    %mul3A_585 = arith.mulf %add3A_584, %bitcast_convert_type3A_574 : vector<128x128xf32>
    %add3A_586 = arith.constant 3.218870e+00 : f32
    %add3A_587 = vector.broadcast %add3A_586 : f32 to vector<128x128xf32>
    %add3A_588 = arith.addf %mul3A_585, %add3A_587 : vector<128x128xf32>
    %mul3A_589 = arith.mulf %add3A_588, %bitcast_convert_type3A_574 : vector<128x128xf32>
    %add3A_590 = arith.constant -5.26415539 : f32
    %add3A_591 = vector.broadcast %add3A_590 : f32 to vector<128x128xf32>
    %add3A_592 = arith.addf %mul3A_589, %add3A_591 : vector<128x128xf32>
    %mul3A_593 = arith.mulf %add3A_592, %bitcast_convert_type3A_574 : vector<128x128xf32>
    %add3A_594 = arith.constant 6.06585884 : f32
    %add3A_595 = vector.broadcast %add3A_594 : f32 to vector<128x128xf32>
    %add3A_596 = arith.addf %mul3A_593, %add3A_595 : vector<128x128xf32>
    %mul3A_597 = arith.mulf %add3A_596, %bitcast_convert_type3A_574 : vector<128x128xf32>
    %add3A_598 = arith.constant -3.02832508 : f32
    %add3A_599 = vector.broadcast %add3A_598 : f32 to vector<128x128xf32>
    %add3A_600 = arith.addf %mul3A_597, %add3A_599 : vector<128x128xf32>
    %convert_element_type3A_601 = arith.sitofp %sub3A_567 : vector<128x128xi32> to vector<128x128xf32>
    %add3A_602 = arith.addf %convert_element_type3A_601, %add3A_600 : vector<128x128xf32>
    %mul3A_603 = arith.constant 0.693147182 : f32
    %mul3A_604 = vector.broadcast %mul3A_603 : f32 to vector<128x128xf32>
    %mul3A_605 = arith.mulf %add3A_602, %mul3A_604 : vector<128x128xf32>
    %add3A_606 = arith.addf %mul3A_605, %add3A_559 : vector<128x128xf32>
    %bitcast_convert_type3A_607 = tpu.bitcast %get3A_550 : vector<128x128xf32> -> vector<128x128xi32>
    %shift_right_logical3A_608 = arith.constant 31 : i32
    %shift_right_logical3A_609 = vector.broadcast %shift_right_logical3A_608 : i32 to vector<128x128xi32>
    %shift_right_logical3A_610 = arith.shrui %bitcast_convert_type3A_607, %shift_right_logical3A_609 : vector<128x128xi32>
    %convert_element_type3A_611 = arith.sitofp %shift_right_logical3A_610 : vector<128x128xi32> to vector<128x128xf32>
    %swap3A_612 = arith.constant 0 : index
    %swap3A_613 = arith.constant 896 : index
    %swap3A_614 = arith.constant 0 : index
    %swap3A_615 = vector.load %arg5[%swap3A_612, %swap3A_613, %swap3A_614] : memref<2x8192x128xf32, #tpu.memory_space<vmem>>, vector<1x128x128xf32>
    %swap3A_616 = vector.shape_cast %swap3A_615 : vector<1x128x128xf32> to vector<128x128xf32>
    %swap3A_617 = vector.shape_cast %add3A_606 : vector<128x128xf32> to vector<1x128x128xf32>
    tpu.vector_store %arg5[%swap3A_612, %swap3A_613, %swap3A_614], %swap3A_617 {strides = array<i32>} : memref<2x8192x128xf32, #tpu.memory_space<vmem>>, vector<1x128x128xf32>,
    %swap3A_618 = arith.constant 1 : index
    %swap3A_619 = arith.constant 896 : index
    %swap3A_620 = arith.constant 0 : index
    %swap3A_621 = vector.load %arg5[%swap3A_618, %swap3A_619, %swap3A_620] : memref<2x8192x128xf32, #tpu.memory_space<vmem>>, vector<1x128x128xf32>
    %swap3A_622 = vector.shape_cast %swap3A_621 : vector<1x128x128xf32> to vector<128x128xf32>
    %swap3A_623 = vector.shape_cast %convert_element_type3A_611 : vector<128x128xf32> to vector<1x128x128xf32>
    tpu.vector_store %arg5[%swap3A_618, %swap3A_619, %swap3A_620], %swap3A_623 {strides = array<i32>} : memref<2x8192x128xf32, #tpu.memory_space<vmem>>, vector<1x128x128xf32>,
    %slice3A_624 = vector.extract_strided_slice %get3A_6 {offsets = [0, 8], sizes = [128, 1], strides = [1, 1]} : vector<128x64xf32> to vector<128x1xf32>
    %slice3A_625 = vector.extract_strided_slice %get3A_11 {offsets = [0, 8], sizes = [128, 1], strides = [1, 1]} : vector<128x64xf32> to vector<128x1xf32>
    %get3A_626 = arith.constant 1024 : index
    %get3A_627 = arith.constant 0 : index
    %get3A_628 = vector.load %arg3[%get3A_626, %get3A_627] : memref<8192x128xf32, #tpu.memory_space<vmem>>, vector<128x128xf32>
    %sub3A_629 = vector.broadcast %slice3A_624 : vector<128x1xf32> to vector<128x128xf32>
    %sub3A_630 = vector.broadcast %get3A_1 : vector<1x128xf32> to vector<128x128xf32>
    %sub3A_631 = arith.subf %sub3A_629, %sub3A_630 : vector<128x128xf32>
    %mul3A_632 = arith.constant -3.276800e+02 : f32
    %mul3A_633 = vector.broadcast %mul3A_632 : f32 to vector<128x128xf32>
    %mul3A_634 = arith.mulf %mul3A_633, %sub3A_631 : vector<128x128xf32>
    %mul3A_635 = arith.mulf %mul3A_634, %sub3A_631 : vector<128x128xf32>
    %add3A_636 = vector.broadcast %slice3A_625 : vector<128x1xf32> to vector<128x128xf32>
    %add3A_637 = arith.addf %mul3A_635, %add3A_636 : vector<128x128xf32>
    %abs3A_638 = math.absf %get3A_628 : vector<128x128xf32>
    %bitcast_convert_type3A_639 = tpu.bitcast %abs3A_638 : vector<128x128xf32> -> vector<128x128xi32>
    %shift_right_arithmetic3A_640 = arith.constant 23 : i32
    %shift_right_arithmetic3A_641 = vector.broadcast %shift_right_arithmetic3A_640 : i32 to vector<128x128xi32>
    %shift_right_arithmetic3A_642 = arith.shrsi %bitcast_convert_type3A_639, %shift_right_arithmetic3A_641 : vector<128x128xi32>
    %sub3A_643 = arith.constant 127 : i32
    %sub3A_644 = vector.broadcast %sub3A_643 : i32 to vector<128x128xi32>
    %sub3A_645 = arith.subi %shift_right_arithmetic3A_642, %sub3A_644 : vector<128x128xi32>
    %and3A_646 = arith.constant 8388607 : i32
    %and3A_647 = vector.broadcast %and3A_646 : i32 to vector<128x128xi32>
    %and3A_648 = arith.andi %bitcast_convert_type3A_639, %and3A_647 : vector<128x128xi32>
    %or3A_649 = arith.constant 1065353216 : i32
    %or3A_650 = vector.broadcast %or3A_649 : i32 to vector<128x128xi32>
    %or3A_651 = arith.ori %and3A_648, %or3A_650 : vector<128x128xi32>
    %bitcast_convert_type3A_652 = tpu.bitcast %or3A_651 : vector<128x128xi32> -> vector<128x128xf32>
    %mul3A_653 = arith.constant -0.0248259846 : f32
    %mul3A_654 = vector.broadcast %mul3A_653 : f32 to vector<128x128xf32>
    %mul3A_655 = arith.mulf %mul3A_654, %bitcast_convert_type3A_652 : vector<128x128xf32>
    %add3A_656 = arith.constant 0.26686278 : f32
    %add3A_657 = vector.broadcast %add3A_656 : f32 to vector<128x128xf32>
    %add3A_658 = arith.addf %mul3A_655, %add3A_657 : vector<128x128xf32>
    %mul3A_659 = arith.mulf %add3A_658, %bitcast_convert_type3A_652 : vector<128x128xf32>
    %add3A_660 = arith.constant -1.23427987 : f32
    %add3A_661 = vector.broadcast %add3A_660 : f32 to vector<128x128xf32>
    %add3A_662 = arith.addf %mul3A_659, %add3A_661 : vector<128x128xf32>
    %mul3A_663 = arith.mulf %add3A_662, %bitcast_convert_type3A_652 : vector<128x128xf32>
    %add3A_664 = arith.constant 3.218870e+00 : f32
    %add3A_665 = vector.broadcast %add3A_664 : f32 to vector<128x128xf32>
    %add3A_666 = arith.addf %mul3A_663, %add3A_665 : vector<128x128xf32>
    %mul3A_667 = arith.mulf %add3A_666, %bitcast_convert_type3A_652 : vector<128x128xf32>
    %add3A_668 = arith.constant -5.26415539 : f32
    %add3A_669 = vector.broadcast %add3A_668 : f32 to vector<128x128xf32>
    %add3A_670 = arith.addf %mul3A_667, %add3A_669 : vector<128x128xf32>
    %mul3A_671 = arith.mulf %add3A_670, %bitcast_convert_type3A_652 : vector<128x128xf32>
    %add3A_672 = arith.constant 6.06585884 : f32
    %add3A_673 = vector.broadcast %add3A_672 : f32 to vector<128x128xf32>
    %add3A_674 = arith.addf %mul3A_671, %add3A_673 : vector<128x128xf32>
    %mul3A_675 = arith.mulf %add3A_674, %bitcast_convert_type3A_652 : vector<128x128xf32>
    %add3A_676 = arith.constant -3.02832508 : f32
    %add3A_677 = vector.broadcast %add3A_676 : f32 to vector<128x128xf32>
    %add3A_678 = arith.addf %mul3A_675, %add3A_677 : vector<128x128xf32>
    %convert_element_type3A_679 = arith.sitofp %sub3A_645 : vector<128x128xi32> to vector<128x128xf32>
    %add3A_680 = arith.addf %convert_element_type3A_679, %add3A_678 : vector<128x128xf32>
    %mul3A_681 = arith.constant 0.693147182 : f32
    %mul3A_682 = vector.broadcast %mul3A_681 : f32 to vector<128x128xf32>
    %mul3A_683 = arith.mulf %add3A_680, %mul3A_682 : vector<128x128xf32>
    %add3A_684 = arith.addf %mul3A_683, %add3A_637 : vector<128x128xf32>
    %bitcast_convert_type3A_685 = tpu.bitcast %get3A_628 : vector<128x128xf32> -> vector<128x128xi32>
    %shift_right_logical3A_686 = arith.constant 31 : i32
    %shift_right_logical3A_687 = vector.broadcast %shift_right_logical3A_686 : i32 to vector<128x128xi32>
    %shift_right_logical3A_688 = arith.shrui %bitcast_convert_type3A_685, %shift_right_logical3A_687 : vector<128x128xi32>
    %convert_element_type3A_689 = arith.sitofp %shift_right_logical3A_688 : vector<128x128xi32> to vector<128x128xf32>
    %swap3A_690 = arith.constant 0 : index
    %swap3A_691 = arith.constant 1024 : index
    %swap3A_692 = arith.constant 0 : index
    %swap3A_693 = vector.load %arg5[%swap3A_690, %swap3A_691, %swap3A_692] : memref<2x8192x128xf32, #tpu.memory_space<vmem>>, vector<1x128x128xf32>
    %swap3A_694 = vector.shape_cast %swap3A_693 : vector<1x128x128xf32> to vector<128x128xf32>
    %swap3A_695 = vector.shape_cast %add3A_684 : vector<128x128xf32> to vector<1x128x128xf32>
    tpu.vector_store %arg5[%swap3A_690, %swap3A_691, %swap3A_692], %swap3A_695 {strides = array<i32>} : memref<2x8192x128xf32, #tpu.memory_space<vmem>>, vector<1x128x128xf32>,
    %swap3A_696 = arith.constant 1 : index
    %swap3A_697 = arith.constant 1024 : index
    %swap3A_698 = arith.constant 0 : index
    %swap3A_699 = vector.load %arg5[%swap3A_696, %swap3A_697, %swap3A_698] : memref<2x8192x128xf32, #tpu.memory_space<vmem>>, vector<1x128x128xf32>
    %swap3A_700 = vector.shape_cast %swap3A_699 : vector<1x128x128xf32> to vector<128x128xf32>
    %swap3A_701 = vector.shape_cast %convert_element_type3A_689 : vector<128x128xf32> to vector<1x128x128xf32>
    tpu.vector_store %arg5[%swap3A_696, %swap3A_697, %swap3A_698], %swap3A_701 {strides = array<i32>} : memref<2x8192x128xf32, #tpu.memory_space<vmem>>, vector<1x128x128xf32>,
    %slice3A_702 = vector.extract_strided_slice %get3A_6 {offsets = [0, 9], sizes = [128, 1], strides = [1, 1]} : vector<128x64xf32> to vector<128x1xf32>
    %slice3A_703 = vector.extract_strided_slice %get3A_11 {offsets = [0, 9], sizes = [128, 1], strides = [1, 1]} : vector<128x64xf32> to vector<128x1xf32>
    %get3A_704 = arith.constant 1152 : index
    %get3A_705 = arith.constant 0 : index
    %get3A_706 = vector.load %arg3[%get3A_704, %get3A_705] : memref<8192x128xf32, #tpu.memory_space<vmem>>, vector<128x128xf32>
    %sub3A_707 = vector.broadcast %slice3A_702 : vector<128x1xf32> to vector<128x128xf32>
    %sub3A_708 = vector.broadcast %get3A_1 : vector<1x128xf32> to vector<128x128xf32>
    %sub3A_709 = arith.subf %sub3A_707, %sub3A_708 : vector<128x128xf32>
    %mul3A_710 = arith.constant -3.276800e+02 : f32
    %mul3A_711 = vector.broadcast %mul3A_710 : f32 to vector<128x128xf32>
    %mul3A_712 = arith.mulf %mul3A_711, %sub3A_709 : vector<128x128xf32>
    %mul3A_713 = arith.mulf %mul3A_712, %sub3A_709 : vector<128x128xf32>
    %add3A_714 = vector.broadcast %slice3A_703 : vector<128x1xf32> to vector<128x128xf32>
    %add3A_715 = arith.addf %mul3A_713, %add3A_714 : vector<128x128xf32>
    %abs3A_716 = math.absf %get3A_706 : vector<128x128xf32>
    %bitcast_convert_type3A_717 = tpu.bitcast %abs3A_716 : vector<128x128xf32> -> vector<128x128xi32>
    %shift_right_arithmetic3A_718 = arith.constant 23 : i32
    %shift_right_arithmetic3A_719 = vector.broadcast %shift_right_arithmetic3A_718 : i32 to vector<128x128xi32>
    %shift_right_arithmetic3A_720 = arith.shrsi %bitcast_convert_type3A_717, %shift_right_arithmetic3A_719 : vector<128x128xi32>
    %sub3A_721 = arith.constant 127 : i32
    %sub3A_722 = vector.broadcast %sub3A_721 : i32 to vector<128x128xi32>
    %sub3A_723 = arith.subi %shift_right_arithmetic3A_720, %sub3A_722 : vector<128x128xi32>
    %and3A_724 = arith.constant 8388607 : i32
    %and3A_725 = vector.broadcast %and3A_724 : i32 to vector<128x128xi32>
    %and3A_726 = arith.andi %bitcast_convert_type3A_717, %and3A_725 : vector<128x128xi32>
    %or3A_727 = arith.constant 1065353216 : i32
    %or3A_728 = vector.broadcast %or3A_727 : i32 to vector<128x128xi32>
    %or3A_729 = arith.ori %and3A_726, %or3A_728 : vector<128x128xi32>
    %bitcast_convert_type3A_730 = tpu.bitcast %or3A_729 : vector<128x128xi32> -> vector<128x128xf32>
    %mul3A_731 = arith.constant -0.0248259846 : f32
    %mul3A_732 = vector.broadcast %mul3A_731 : f32 to vector<128x128xf32>
    %mul3A_733 = arith.mulf %mul3A_732, %bitcast_convert_type3A_730 : vector<128x128xf32>
    %add3A_734 = arith.constant 0.26686278 : f32
    %add3A_735 = vector.broadcast %add3A_734 : f32 to vector<128x128xf32>
    %add3A_736 = arith.addf %mul3A_733, %add3A_735 : vector<128x128xf32>
    %mul3A_737 = arith.mulf %add3A_736, %bitcast_convert_type3A_730 : vector<128x128xf32>
    %add3A_738 = arith.constant -1.23427987 : f32
    %add3A_739 = vector.broadcast %add3A_738 : f32 to vector<128x128xf32>
    %add3A_740 = arith.addf %mul3A_737, %add3A_739 : vector<128x128xf32>
    %mul3A_741 = arith.mulf %add3A_740, %bitcast_convert_type3A_730 : vector<128x128xf32>
    %add3A_742 = arith.constant 3.218870e+00 : f32
    %add3A_743 = vector.broadcast %add3A_742 : f32 to vector<128x128xf32>
    %add3A_744 = arith.addf %mul3A_741, %add3A_743 : vector<128x128xf32>
    %mul3A_745 = arith.mulf %add3A_744, %bitcast_convert_type3A_730 : vector<128x128xf32>
    %add3A_746 = arith.constant -5.26415539 : f32
    %add3A_747 = vector.broadcast %add3A_746 : f32 to vector<128x128xf32>
    %add3A_748 = arith.addf %mul3A_745, %add3A_747 : vector<128x128xf32>
    %mul3A_749 = arith.mulf %add3A_748, %bitcast_convert_type3A_730 : vector<128x128xf32>
    %add3A_750 = arith.constant 6.06585884 : f32
    %add3A_751 = vector.broadcast %add3A_750 : f32 to vector<128x128xf32>
    %add3A_752 = arith.addf %mul3A_749, %add3A_751 : vector<128x128xf32>
    %mul3A_753 = arith.mulf %add3A_752, %bitcast_convert_type3A_730 : vector<128x128xf32>
    %add3A_754 = arith.constant -3.02832508 : f32
    %add3A_755 = vector.broadcast %add3A_754 : f32 to vector<128x128xf32>
    %add3A_756 = arith.addf %mul3A_753, %add3A_755 : vector<128x128xf32>
    %convert_element_type3A_757 = arith.sitofp %sub3A_723 : vector<128x128xi32> to vector<128x128xf32>
    %add3A_758 = arith.addf %convert_element_type3A_757, %add3A_756 : vector<128x128xf32>
    %mul3A_759 = arith.constant 0.693147182 : f32
    %mul3A_760 = vector.broadcast %mul3A_759 : f32 to vector<128x128xf32>
    %mul3A_761 = arith.mulf %add3A_758, %mul3A_760 : vector<128x128xf32>
    %add3A_762 = arith.addf %mul3A_761, %add3A_715 : vector<128x128xf32>
    %bitcast_convert_type3A_763 = tpu.bitcast %get3A_706 : vector<128x128xf32> -> vector<128x128xi32>
    %shift_right_logical3A_764 = arith.constant 31 : i32
    %shift_right_logical3A_765 = vector.broadcast %shift_right_logical3A_764 : i32 to vector<128x128xi32>
    %shift_right_logical3A_766 = arith.shrui %bitcast_convert_type3A_763, %shift_right_logical3A_765 : vector<128x128xi32>
    %convert_element_type3A_767 = arith.sitofp %shift_right_logical3A_766 : vector<128x128xi32> to vector<128x128xf32>
    %swap3A_768 = arith.constant 0 : index
    %swap3A_769 = arith.constant 1152 : index
    %swap3A_770 = arith.constant 0 : index
    %swap3A_771 = vector.load %arg5[%swap3A_768, %swap3A_769, %swap3A_770] : memref<2x8192x128xf32, #tpu.memory_space<vmem>>, vector<1x128x128xf32>
    %swap3A_772 = vector.shape_cast %swap3A_771 : vector<1x128x128xf32> to vector<128x128xf32>
    %swap3A_773 = vector.shape_cast %add3A_762 : vector<128x128xf32> to vector<1x128x128xf32>
    tpu.vector_store %arg5[%swap3A_768, %swap3A_769, %swap3A_770], %swap3A_773 {strides = array<i32>} : memref<2x8192x128xf32, #tpu.memory_space<vmem>>, vector<1x128x128xf32>,
    %swap3A_774 = arith.constant 1 : index
    %swap3A_775 = arith.constant 1152 : index
    %swap3A_776 = arith.constant 0 : index
    %swap3A_777 = vector.load %arg5[%swap3A_774, %swap3A_775, %swap3A_776] : memref<2x8192x128xf32, #tpu.memory_space<vmem>>, vector<1x128x128xf32>
    %swap3A_778 = vector.shape_cast %swap3A_777 : vector<1x128x128xf32> to vector<128x128xf32>
    %swap3A_779 = vector.shape_cast %convert_element_type3A_767 : vector<128x128xf32> to vector<1x128x128xf32>
    tpu.vector_store %arg5[%swap3A_774, %swap3A_775, %swap3A_776], %swap3A_779 {strides = array<i32>} : memref<2x8192x128xf32, #tpu.memory_space<vmem>>, vector<1x128x128xf32>,
    %slice3A_780 = vector.extract_strided_slice %get3A_6 {offsets = [0, 10], sizes = [128, 1], strides = [1, 1]} : vector<128x64xf32> to vector<128x1xf32>
    %slice3A_781 = vector.extract_strided_slice %get3A_11 {offsets = [0, 10], sizes = [128, 1], strides = [1, 1]} : vector<128x64xf32> to vector<128x1xf32>
    %get3A_782 = arith.constant 1280 : index
    %get3A_783 = arith.constant 0 : index
    %get3A_784 = vector.load %arg3[%get3A_782, %get3A_783] : memref<8192x128xf32, #tpu.memory_space<vmem>>, vector<128x128xf32>
    %sub3A_785 = vector.broadcast %slice3A_780 : vector<128x1xf32> to vector<128x128xf32>
    %sub3A_786 = vector.broadcast %get3A_1 : vector<1x128xf32> to vector<128x128xf32>
    %sub3A_787 = arith.subf %sub3A_785, %sub3A_786 : vector<128x128xf32>
    %mul3A_788 = arith.constant -3.276800e+02 : f32
    %mul3A_789 = vector.broadcast %mul3A_788 : f32 to vector<128x128xf32>
    %mul3A_790 = arith.mulf %mul3A_789, %sub3A_787 : vector<128x128xf32>
    %mul3A_791 = arith.mulf %mul3A_790, %sub3A_787 : vector<128x128xf32>
    %add3A_792 = vector.broadcast %slice3A_781 : vector<128x1xf32> to vector<128x128xf32>
    %add3A_793 = arith.addf %mul3A_791, %add3A_792 : vector<128x128xf32>
    %abs3A_794 = math.absf %get3A_784 : vector<128x128xf32>
    %bitcast_convert_type3A_795 = tpu.bitcast %abs3A_794 : vector<128x128xf32> -> vector<128x128xi32>
    %shift_right_arithmetic3A_796 = arith.constant 23 : i32
    %shift_right_arithmetic3A_797 = vector.broadcast %shift_right_arithmetic3A_796 : i32 to vector<128x128xi32>
    %shift_right_arithmetic3A_798 = arith.shrsi %bitcast_convert_type3A_795, %shift_right_arithmetic3A_797 : vector<128x128xi32>
    %sub3A_799 = arith.constant 127 : i32
    %sub3A_800 = vector.broadcast %sub3A_799 : i32 to vector<128x128xi32>
    %sub3A_801 = arith.subi %shift_right_arithmetic3A_798, %sub3A_800 : vector<128x128xi32>
    %and3A_802 = arith.constant 8388607 : i32
    %and3A_803 = vector.broadcast %and3A_802 : i32 to vector<128x128xi32>
    %and3A_804 = arith.andi %bitcast_convert_type3A_795, %and3A_803 : vector<128x128xi32>
    %or3A_805 = arith.constant 1065353216 : i32
    %or3A_806 = vector.broadcast %or3A_805 : i32 to vector<128x128xi32>
    %or3A_807 = arith.ori %and3A_804, %or3A_806 : vector<128x128xi32>
    %bitcast_convert_type3A_808 = tpu.bitcast %or3A_807 : vector<128x128xi32> -> vector<128x128xf32>
    %mul3A_809 = arith.constant -0.0248259846 : f32
    %mul3A_810 = vector.broadcast %mul3A_809 : f32 to vector<128x128xf32>
    %mul3A_811 = arith.mulf %mul3A_810, %bitcast_convert_type3A_808 : vector<128x128xf32>
    %add3A_812 = arith.constant 0.26686278 : f32
    %add3A_813 = vector.broadcast %add3A_812 : f32 to vector<128x128xf32>
    %add3A_814 = arith.addf %mul3A_811, %add3A_813 : vector<128x128xf32>
    %mul3A_815 = arith.mulf %add3A_814, %bitcast_convert_type3A_808 : vector<128x128xf32>
    %add3A_816 = arith.constant -1.23427987 : f32
    %add3A_817 = vector.broadcast %add3A_816 : f32 to vector<128x128xf32>
    %add3A_818 = arith.addf %mul3A_815, %add3A_817 : vector<128x128xf32>
    %mul3A_819 = arith.mulf %add3A_818, %bitcast_convert_type3A_808 : vector<128x128xf32>
    %add3A_820 = arith.constant 3.218870e+00 : f32
    %add3A_821 = vector.broadcast %add3A_820 : f32 to vector<128x128xf32>
    %add3A_822 = arith.addf %mul3A_819, %add3A_821 : vector<128x128xf32>
    %mul3A_823 = arith.mulf %add3A_822, %bitcast_convert_type3A_808 : vector<128x128xf32>
    %add3A_824 = arith.constant -5.26415539 : f32
    %add3A_825 = vector.broadcast %add3A_824 : f32 to vector<128x128xf32>
    %add3A_826 = arith.addf %mul3A_823, %add3A_825 : vector<128x128xf32>
    %mul3A_827 = arith.mulf %add3A_826, %bitcast_convert_type3A_808 : vector<128x128xf32>
    %add3A_828 = arith.constant 6.06585884 : f32
    %add3A_829 = vector.broadcast %add3A_828 : f32 to vector<128x128xf32>
    %add3A_830 = arith.addf %mul3A_827, %add3A_829 : vector<128x128xf32>
    %mul3A_831 = arith.mulf %add3A_830, %bitcast_convert_type3A_808 : vector<128x128xf32>
    %add3A_832 = arith.constant -3.02832508 : f32
    %add3A_833 = vector.broadcast %add3A_832 : f32 to vector<128x128xf32>
    %add3A_834 = arith.addf %mul3A_831, %add3A_833 : vector<128x128xf32>
    %convert_element_type3A_835 = arith.sitofp %sub3A_801 : vector<128x128xi32> to vector<128x128xf32>
    %add3A_836 = arith.addf %convert_element_type3A_835, %add3A_834 : vector<128x128xf32>
    %mul3A_837 = arith.constant 0.693147182 : f32
    %mul3A_838 = vector.broadcast %mul3A_837 : f32 to vector<128x128xf32>
    %mul3A_839 = arith.mulf %add3A_836, %mul3A_838 : vector<128x128xf32>
    %add3A_840 = arith.addf %mul3A_839, %add3A_793 : vector<128x128xf32>
    %bitcast_convert_type3A_841 = tpu.bitcast %get3A_784 : vector<128x128xf32> -> vector<128x128xi32>
    %shift_right_logical3A_842 = arith.constant 31 : i32
    %shift_right_logical3A_843 = vector.broadcast %shift_right_logical3A_842 : i32 to vector<128x128xi32>
    %shift_right_logical3A_844 = arith.shrui %bitcast_convert_type3A_841, %shift_right_logical3A_843 : vector<128x128xi32>
    %convert_element_type3A_845 = arith.sitofp %shift_right_logical3A_844 : vector<128x128xi32> to vector<128x128xf32>
    %swap3A_846 = arith.constant 0 : index
    %swap3A_847 = arith.constant 1280 : index
    %swap3A_848 = arith.constant 0 : index
    %swap3A_849 = vector.load %arg5[%swap3A_846, %swap3A_847, %swap3A_848] : memref<2x8192x128xf32, #tpu.memory_space<vmem>>, vector<1x128x128xf32>
    %swap3A_850 = vector.shape_cast %swap3A_849 : vector<1x128x128xf32> to vector<128x128xf32>
    %swap3A_851 = vector.shape_cast %add3A_840 : vector<128x128xf32> to vector<1x128x128xf32>
    tpu.vector_store %arg5[%swap3A_846, %swap3A_847, %swap3A_848], %swap3A_851 {strides = array<i32>} : memref<2x8192x128xf32, #tpu.memory_space<vmem>>, vector<1x128x128xf32>,
    %swap3A_852 = arith.constant 1 : index
    %swap3A_853 = arith.constant 1280 : index
    %swap3A_854 = arith.constant 0 : index
    %swap3A_855 = vector.load %arg5[%swap3A_852, %swap3A_853, %swap3A_854] : memref<2x8192x128xf32, #tpu.memory_space<vmem>>, vector<1x128x128xf32>
    %swap3A_856 = vector.shape_cast %swap3A_855 : vector<1x128x128xf32> to vector<128x128xf32>
    %swap3A_857 = vector.shape_cast %convert_element_type3A_845 : vector<128x128xf32> to vector<1x128x128xf32>
    tpu.vector_store %arg5[%swap3A_852, %swap3A_853, %swap3A_854], %swap3A_857 {strides = array<i32>} : memref<2x8192x128xf32, #tpu.memory_space<vmem>>, vector<1x128x128xf32>,
    %slice3A_858 = vector.extract_strided_slice %get3A_6 {offsets = [0, 11], sizes = [128, 1], strides = [1, 1]} : vector<128x64xf32> to vector<128x1xf32>
    %slice3A_859 = vector.extract_strided_slice %get3A_11 {offsets = [0, 11], sizes = [128, 1], strides = [1, 1]} : vector<128x64xf32> to vector<128x1xf32>
    %get3A_860 = arith.constant 1408 : index
    %get3A_861 = arith.constant 0 : index
    %get3A_862 = vector.load %arg3[%get3A_860, %get3A_861] : memref<8192x128xf32, #tpu.memory_space<vmem>>, vector<128x128xf32>
    %sub3A_863 = vector.broadcast %slice3A_858 : vector<128x1xf32> to vector<128x128xf32>
    %sub3A_864 = vector.broadcast %get3A_1 : vector<1x128xf32> to vector<128x128xf32>
    %sub3A_865 = arith.subf %sub3A_863, %sub3A_864 : vector<128x128xf32>
    %mul3A_866 = arith.constant -3.276800e+02 : f32
    %mul3A_867 = vector.broadcast %mul3A_866 : f32 to vector<128x128xf32>
    %mul3A_868 = arith.mulf %mul3A_867, %sub3A_865 : vector<128x128xf32>
    %mul3A_869 = arith.mulf %mul3A_868, %sub3A_865 : vector<128x128xf32>
    %add3A_870 = vector.broadcast %slice3A_859 : vector<128x1xf32> to vector<128x128xf32>
    %add3A_871 = arith.addf %mul3A_869, %add3A_870 : vector<128x128xf32>
    %abs3A_872 = math.absf %get3A_862 : vector<128x128xf32>
    %bitcast_convert_type3A_873 = tpu.bitcast %abs3A_872 : vector<128x128xf32> -> vector<128x128xi32>
    %shift_right_arithmetic3A_874 = arith.constant 23 : i32
    %shift_right_arithmetic3A_875 = vector.broadcast %shift_right_arithmetic3A_874 : i32 to vector<128x128xi32>
    %shift_right_arithmetic3A_876 = arith.shrsi %bitcast_convert_type3A_873, %shift_right_arithmetic3A_875 : vector<128x128xi32>
    %sub3A_877 = arith.constant 127 : i32
    %sub3A_878 = vector.broadcast %sub3A_877 : i32 to vector<128x128xi32>
    %sub3A_879 = arith.subi %shift_right_arithmetic3A_876, %sub3A_878 : vector<128x128xi32>
    %and3A_880 = arith.constant 8388607 : i32
    %and3A_881 = vector.broadcast %and3A_880 : i32 to vector<128x128xi32>
    %and3A_882 = arith.andi %bitcast_convert_type3A_873, %and3A_881 : vector<128x128xi32>
    %or3A_883 = arith.constant 1065353216 : i32
    %or3A_884 = vector.broadcast %or3A_883 : i32 to vector<128x128xi32>
    %or3A_885 = arith.ori %and3A_882, %or3A_884 : vector<128x128xi32>
    %bitcast_convert_type3A_886 = tpu.bitcast %or3A_885 : vector<128x128xi32> -> vector<128x128xf32>
    %mul3A_887 = arith.constant -0.0248259846 : f32
    %mul3A_888 = vector.broadcast %mul3A_887 : f32 to vector<128x128xf32>
    %mul3A_889 = arith.mulf %mul3A_888, %bitcast_convert_type3A_886 : vector<128x128xf32>
    %add3A_890 = arith.constant 0.26686278 : f32
    %add3A_891 = vector.broadcast %add3A_890 : f32 to vector<128x128xf32>
    %add3A_892 = arith.addf %mul3A_889, %add3A_891 : vector<128x128xf32>
    %mul3A_893 = arith.mulf %add3A_892, %bitcast_convert_type3A_886 : vector<128x128xf32>
    %add3A_894 = arith.constant -1.23427987 : f32
    %add3A_895 = vector.broadcast %add3A_894 : f32 to vector<128x128xf32>
    %add3A_896 = arith.addf %mul3A_893, %add3A_895 : vector<128x128xf32>
    %mul3A_897 = arith.mulf %add3A_896, %bitcast_convert_type3A_886 : vector<128x128xf32>
    %add3A_898 = arith.constant 3.218870e+00 : f32
    %add3A_899 = vector.broadcast %add3A_898 : f32 to vector<128x128xf32>
    %add3A_900 = arith.addf %mul3A_897, %add3A_899 : vector<128x128xf32>
    %mul3A_901 = arith.mulf %add3A_900, %bitcast_convert_type3A_886 : vector<128x128xf32>
    %add3A_902 = arith.constant -5.26415539 : f32
    %add3A_903 = vector.broadcast %add3A_902 : f32 to vector<128x128xf32>
    %add3A_904 = arith.addf %mul3A_901, %add3A_903 : vector<128x128xf32>
    %mul3A_905 = arith.mulf %add3A_904, %bitcast_convert_type3A_886 : vector<128x128xf32>
    %add3A_906 = arith.constant 6.06585884 : f32
    %add3A_907 = vector.broadcast %add3A_906 : f32 to vector<128x128xf32>
    %add3A_908 = arith.addf %mul3A_905, %add3A_907 : vector<128x128xf32>
    %mul3A_909 = arith.mulf %add3A_908, %bitcast_convert_type3A_886 : vector<128x128xf32>
    %add3A_910 = arith.constant -3.02832508 : f32
    %add3A_911 = vector.broadcast %add3A_910 : f32 to vector<128x128xf32>
    %add3A_912 = arith.addf %mul3A_909, %add3A_911 : vector<128x128xf32>
    %convert_element_type3A_913 = arith.sitofp %sub3A_879 : vector<128x128xi32> to vector<128x128xf32>
    %add3A_914 = arith.addf %convert_element_type3A_913, %add3A_912 : vector<128x128xf32>
    %mul3A_915 = arith.constant 0.693147182 : f32
    %mul3A_916 = vector.broadcast %mul3A_915 : f32 to vector<128x128xf32>
    %mul3A_917 = arith.mulf %add3A_914, %mul3A_916 : vector<128x128xf32>
    %add3A_918 = arith.addf %mul3A_917, %add3A_871 : vector<128x128xf32>
    %bitcast_convert_type3A_919 = tpu.bitcast %get3A_862 : vector<128x128xf32> -> vector<128x128xi32>
    %shift_right_logical3A_920 = arith.constant 31 : i32
    %shift_right_logical3A_921 = vector.broadcast %shift_right_logical3A_920 : i32 to vector<128x128xi32>
    %shift_right_logical3A_922 = arith.shrui %bitcast_convert_type3A_919, %shift_right_logical3A_921 : vector<128x128xi32>
    %convert_element_type3A_923 = arith.sitofp %shift_right_logical3A_922 : vector<128x128xi32> to vector<128x128xf32>
    %swap3A_924 = arith.constant 0 : index
    %swap3A_925 = arith.constant 1408 : index
    %swap3A_926 = arith.constant 0 : index
    %swap3A_927 = vector.load %arg5[%swap3A_924, %swap3A_925, %swap3A_926] : memref<2x8192x128xf32, #tpu.memory_space<vmem>>, vector<1x128x128xf32>
    %swap3A_928 = vector.shape_cast %swap3A_927 : vector<1x128x128xf32> to vector<128x128xf32>
    %swap3A_929 = vector.shape_cast %add3A_918 : vector<128x128xf32> to vector<1x128x128xf32>
    tpu.vector_store %arg5[%swap3A_924, %swap3A_925, %swap3A_926], %swap3A_929 {strides = array<i32>} : memref<2x8192x128xf32, #tpu.memory_space<vmem>>, vector<1x128x128xf32>,
    %swap3A_930 = arith.constant 1 : index
    %swap3A_931 = arith.constant 1408 : index
    %swap3A_932 = arith.constant 0 : index
    %swap3A_933 = vector.load %arg5[%swap3A_930, %swap3A_931, %swap3A_932] : memref<2x8192x128xf32, #tpu.memory_space<vmem>>, vector<1x128x128xf32>
    %swap3A_934 = vector.shape_cast %swap3A_933 : vector<1x128x128xf32> to vector<128x128xf32>
    %swap3A_935 = vector.shape_cast %convert_element_type3A_923 : vector<128x128xf32> to vector<1x128x128xf32>
    tpu.vector_store %arg5[%swap3A_930, %swap3A_931, %swap3A_932], %swap3A_935 {strides = array<i32>} : memref<2x8192x128xf32, #tpu.memory_space<vmem>>, vector<1x128x128xf32>,
    %slice3A_936 = vector.extract_strided_slice %get3A_6 {offsets = [0, 12], sizes = [128, 1], strides = [1, 1]} : vector<128x64xf32> to vector<128x1xf32>
    %slice3A_937 = vector.extract_strided_slice %get3A_11 {offsets = [0, 12], sizes = [128, 1], strides = [1, 1]} : vector<128x64xf32> to vector<128x1xf32>
    %get3A_938 = arith.constant 1536 : index
    %get3A_939 = arith.constant 0 : index
    %get3A_940 = vector.load %arg3[%get3A_938, %get3A_939] : memref<8192x128xf32, #tpu.memory_space<vmem>>, vector<128x128xf32>
    %sub3A_941 = vector.broadcast %slice3A_936 : vector<128x1xf32> to vector<128x128xf32>
    %sub3A_942 = vector.broadcast %get3A_1 : vector<1x128xf32> to vector<128x128xf32>
    %sub3A_943 = arith.subf %sub3A_941, %sub3A_942 : vector<128x128xf32>
    %mul3A_944 = arith.constant -3.276800e+02 : f32
    %mul3A_945 = vector.broadcast %mul3A_944 : f32 to vector<128x128xf32>
    %mul3A_946 = arith.mulf %mul3A_945, %sub3A_943 : vector<128x128xf32>
    %mul3A_947 = arith.mulf %mul3A_946, %sub3A_943 : vector<128x128xf32>
    %add3A_948 = vector.broadcast %slice3A_937 : vector<128x1xf32> to vector<128x128xf32>
    %add3A_949 = arith.addf %mul3A_947, %add3A_948 : vector<128x128xf32>
    %abs3A_950 = math.absf %get3A_940 : vector<128x128xf32>
    %bitcast_convert_type3A_951 = tpu.bitcast %abs3A_950 : vector<128x128xf32> -> vector<128x128xi32>
    %shift_right_arithmetic3A_952 = arith.constant 23 : i32
    %shift_right_arithmetic3A_953 = vector.broadcast %shift_right_arithmetic3A_952 : i32 to vector<128x128xi32>
    %shift_right_arithmetic3A_954 = arith.shrsi %bitcast_convert_type3A_951, %shift_right_arithmetic3A_953 : vector<128x128xi32>
    %sub3A_955 = arith.constant 127 : i32
    %sub3A_956 = vector.broadcast %sub3A_955 : i32 to vector<128x128xi32>
    %sub3A_957 = arith.subi %shift_right_arithmetic3A_954, %sub3A_956 : vector<128x128xi32>
    %and3A_958 = arith.constant 8388607 : i32
    %and3A_959 = vector.broadcast %and3A_958 : i32 to vector<128x128xi32>
    %and3A_960 = arith.andi %bitcast_convert_type3A_951, %and3A_959 : vector<128x128xi32>
    %or3A_961 = arith.constant 1065353216 : i32
    %or3A_962 = vector.broadcast %or3A_961 : i32 to vector<128x128xi32>
    %or3A_963 = arith.ori %and3A_960, %or3A_962 : vector<128x128xi32>
    %bitcast_convert_type3A_964 = tpu.bitcast %or3A_963 : vector<128x128xi32> -> vector<128x128xf32>
    %mul3A_965 = arith.constant -0.0248259846 : f32
    %mul3A_966 = vector.broadcast %mul3A_965 : f32 to vector<128x128xf32>
    %mul3A_967 = arith.mulf %mul3A_966, %bitcast_convert_type3A_964 : vector<128x128xf32>
    %add3A_968 = arith.constant 0.26686278 : f32
    %add3A_969 = vector.broadcast %add3A_968 : f32 to vector<128x128xf32>
    %add3A_970 = arith.addf %mul3A_967, %add3A_969 : vector<128x128xf32>
    %mul3A_971 = arith.mulf %add3A_970, %bitcast_convert_type3A_964 : vector<128x128xf32>
    %add3A_972 = arith.constant -1.23427987 : f32
    %add3A_973 = vector.broadcast %add3A_972 : f32 to vector<128x128xf32>
    %add3A_974 = arith.addf %mul3A_971, %add3A_973 : vector<128x128xf32>
    %mul3A_975 = arith.mulf %add3A_974, %bitcast_convert_type3A_964 : vector<128x128xf32>
    %add3A_976 = arith.constant 3.218870e+00 : f32
    %add3A_977 = vector.broadcast %add3A_976 : f32 to vector<128x128xf32>
    %add3A_978 = arith.addf %mul3A_975, %add3A_977 : vector<128x128xf32>
    %mul3A_979 = arith.mulf %add3A_978, %bitcast_convert_type3A_964 : vector<128x128xf32>
    %add3A_980 = arith.constant -5.26415539 : f32
    %add3A_981 = vector.broadcast %add3A_980 : f32 to vector<128x128xf32>
    %add3A_982 = arith.addf %mul3A_979, %add3A_981 : vector<128x128xf32>
    %mul3A_983 = arith.mulf %add3A_982, %bitcast_convert_type3A_964 : vector<128x128xf32>
    %add3A_984 = arith.constant 6.06585884 : f32
    %add3A_985 = vector.broadcast %add3A_984 : f32 to vector<128x128xf32>
    %add3A_986 = arith.addf %mul3A_983, %add3A_985 : vector<128x128xf32>
    %mul3A_987 = arith.mulf %add3A_986, %bitcast_convert_type3A_964 : vector<128x128xf32>
    %add3A_988 = arith.constant -3.02832508 : f32
    %add3A_989 = vector.broadcast %add3A_988 : f32 to vector<128x128xf32>
    %add3A_990 = arith.addf %mul3A_987, %add3A_989 : vector<128x128xf32>
    %convert_element_type3A_991 = arith.sitofp %sub3A_957 : vector<128x128xi32> to vector<128x128xf32>
    %add3A_992 = arith.addf %convert_element_type3A_991, %add3A_990 : vector<128x128xf32>
    %mul3A_993 = arith.constant 0.693147182 : f32
    %mul3A_994 = vector.broadcast %mul3A_993 : f32 to vector<128x128xf32>
    %mul3A_995 = arith.mulf %add3A_992, %mul3A_994 : vector<128x128xf32>
    %add3A_996 = arith.addf %mul3A_995, %add3A_949 : vector<128x128xf32>
    %bitcast_convert_type3A_997 = tpu.bitcast %get3A_940 : vector<128x128xf32> -> vector<128x128xi32>
    %shift_right_logical3A_998 = arith.constant 31 : i32
    %shift_right_logical3A_999 = vector.broadcast %shift_right_logical3A_998 : i32 to vector<128x128xi32>
    %shift_right_logical3A_1000 = arith.shrui %bitcast_convert_type3A_997, %shift_right_logical3A_999 : vector<128x128xi32>
    %convert_element_type3A_1001 = arith.sitofp %shift_right_logical3A_1000 : vector<128x128xi32> to vector<128x128xf32>
    %swap3A_1002 = arith.constant 0 : index
    %swap3A_1003 = arith.constant 1536 : index
    %swap3A_1004 = arith.constant 0 : index
    %swap3A_1005 = vector.load %arg5[%swap3A_1002, %swap3A_1003, %swap3A_1004] : memref<2x8192x128xf32, #tpu.memory_space<vmem>>, vector<1x128x128xf32>
    %swap3A_1006 = vector.shape_cast %swap3A_1005 : vector<1x128x128xf32> to vector<128x128xf32>
    %swap3A_1007 = vector.shape_cast %add3A_996 : vector<128x128xf32> to vector<1x128x128xf32>
    tpu.vector_store %arg5[%swap3A_1002, %swap3A_1003, %swap3A_1004], %swap3A_1007 {strides = array<i32>} : memref<2x8192x128xf32, #tpu.memory_space<vmem>>, vector<1x128x128xf32>,
    %swap3A_1008 = arith.constant 1 : index
    %swap3A_1009 = arith.constant 1536 : index
    %swap3A_1010 = arith.constant 0 : index
    %swap3A_1011 = vector.load %arg5[%swap3A_1008, %swap3A_1009, %swap3A_1010] : memref<2x8192x128xf32, #tpu.memory_space<vmem>>, vector<1x128x128xf32>
    %swap3A_1012 = vector.shape_cast %swap3A_1011 : vector<1x128x128xf32> to vector<128x128xf32>
    %swap3A_1013 = vector.shape_cast %convert_element_type3A_1001 : vector<128x128xf32> to vector<1x128x128xf32>
    tpu.vector_store %arg5[%swap3A_1008, %swap3A_1009, %swap3A_1010], %swap3A_1013 {strides = array<i32>} : memref<2x8192x128xf32, #tpu.memory_space<vmem>>, vector<1x128x128xf32>,
    %slice3A_1014 = vector.extract_strided_slice %get3A_6 {offsets = [0, 13], sizes = [128, 1], strides = [1, 1]} : vector<128x64xf32> to vector<128x1xf32>
    %slice3A_1015 = vector.extract_strided_slice %get3A_11 {offsets = [0, 13], sizes = [128, 1], strides = [1, 1]} : vector<128x64xf32> to vector<128x1xf32>
    %get3A_1016 = arith.constant 1664 : index
    %get3A_1017 = arith.constant 0 : index
    %get3A_1018 = vector.load %arg3[%get3A_1016, %get3A_1017] : memref<8192x128xf32, #tpu.memory_space<vmem>>, vector<128x128xf32>
    %sub3A_1019 = vector.broadcast %slice3A_1014 : vector<128x1xf32> to vector<128x128xf32>
    %sub3A_1020 = vector.broadcast %get3A_1 : vector<1x128xf32> to vector<128x128xf32>
    %sub3A_1021 = arith.subf %sub3A_1019, %sub3A_1020 : vector<128x128xf32>
    %mul3A_1022 = arith.constant -3.276800e+02 : f32
    %mul3A_1023 = vector.broadcast %mul3A_1022 : f32 to vector<128x128xf32>
    %mul3A_1024 = arith.mulf %mul3A_1023, %sub3A_1021 : vector<128x128xf32>
    %mul3A_1025 = arith.mulf %mul3A_1024, %sub3A_1021 : vector<128x128xf32>
    %add3A_1026 = vector.broadcast %slice3A_1015 : vector<128x1xf32> to vector<128x128xf32>
    %add3A_1027 = arith.addf %mul3A_1025, %add3A_1026 : vector<128x128xf32>
    %abs3A_1028 = math.absf %get3A_1018 : vector<128x128xf32>
    %bitcast_convert_type3A_1029 = tpu.bitcast %abs3A_1028 : vector<128x128xf32> -> vector<128x128xi32>
    %shift_right_arithmetic3A_1030 = arith.constant 23 : i32
    %shift_right_arithmetic3A_1031 = vector.broadcast %shift_right_arithmetic3A_1030 : i32 to vector<128x128xi32>
    %shift_right_arithmetic3A_1032 = arith.shrsi %bitcast_convert_type3A_1029, %shift_right_arithmetic3A_1031 : vector<128x128xi32>
    %sub3A_1033 = arith.constant 127 : i32
    %sub3A_1034 = vector.broadcast %sub3A_1033 : i32 to vector<128x128xi32>
    %sub3A_1035 = arith.subi %shift_right_arithmetic3A_1032, %sub3A_1034 : vector<128x128xi32>
    %and3A_1036 = arith.constant 8388607 : i32
    %and3A_1037 = vector.broadcast %and3A_1036 : i32 to vector<128x128xi32>
    %and3A_1038 = arith.andi %bitcast_convert_type3A_1029, %and3A_1037 : vector<128x128xi32>
    %or3A_1039 = arith.constant 1065353216 : i32
    %or3A_1040 = vector.broadcast %or3A_1039 : i32 to vector<128x128xi32>
    %or3A_1041 = arith.ori %and3A_1038, %or3A_1040 : vector<128x128xi32>
    %bitcast_convert_type3A_1042 = tpu.bitcast %or3A_1041 : vector<128x128xi32> -> vector<128x128xf32>
    %mul3A_1043 = arith.constant -0.0248259846 : f32
    %mul3A_1044 = vector.broadcast %mul3A_1043 : f32 to vector<128x128xf32>
    %mul3A_1045 = arith.mulf %mul3A_1044, %bitcast_convert_type3A_1042 : vector<128x128xf32>
    %add3A_1046 = arith.constant 0.26686278 : f32
    %add3A_1047 = vector.broadcast %add3A_1046 : f32 to vector<128x128xf32>
    %add3A_1048 = arith.addf %mul3A_1045, %add3A_1047 : vector<128x128xf32>
    %mul3A_1049 = arith.mulf %add3A_1048, %bitcast_convert_type3A_1042 : vector<128x128xf32>
    %add3A_1050 = arith.constant -1.23427987 : f32
    %add3A_1051 = vector.broadcast %add3A_1050 : f32 to vector<128x128xf32>
    %add3A_1052 = arith.addf %mul3A_1049, %add3A_1051 : vector<128x128xf32>
    %mul3A_1053 = arith.mulf %add3A_1052, %bitcast_convert_type3A_1042 : vector<128x128xf32>
    %add3A_1054 = arith.constant 3.218870e+00 : f32
    %add3A_1055 = vector.broadcast %add3A_1054 : f32 to vector<128x128xf32>
    %add3A_1056 = arith.addf %mul3A_1053, %add3A_1055 : vector<128x128xf32>
    %mul3A_1057 = arith.mulf %add3A_1056, %bitcast_convert_type3A_1042 : vector<128x128xf32>
    %add3A_1058 = arith.constant -5.26415539 : f32
    %add3A_1059 = vector.broadcast %add3A_1058 : f32 to vector<128x128xf32>
    %add3A_1060 = arith.addf %mul3A_1057, %add3A_1059 : vector<128x128xf32>
    %mul3A_1061 = arith.mulf %add3A_1060, %bitcast_convert_type3A_1042 : vector<128x128xf32>
    %add3A_1062 = arith.constant 6.06585884 : f32
    %add3A_1063 = vector.broadcast %add3A_1062 : f32 to vector<128x128xf32>
    %add3A_1064 = arith.addf %mul3A_1061, %add3A_1063 : vector<128x128xf32>
    %mul3A_1065 = arith.mulf %add3A_1064, %bitcast_convert_type3A_1042 : vector<128x128xf32>
    %add3A_1066 = arith.constant -3.02832508 : f32
    %add3A_1067 = vector.broadcast %add3A_1066 : f32 to vector<128x128xf32>
    %add3A_1068 = arith.addf %mul3A_1065, %add3A_1067 : vector<128x128xf32>
    %convert_element_type3A_1069 = arith.sitofp %sub3A_1035 : vector<128x128xi32> to vector<128x128xf32>
    %add3A_1070 = arith.addf %convert_element_type3A_1069, %add3A_1068 : vector<128x128xf32>
    %mul3A_1071 = arith.constant 0.693147182 : f32
    %mul3A_1072 = vector.broadcast %mul3A_1071 : f32 to vector<128x128xf32>
    %mul3A_1073 = arith.mulf %add3A_1070, %mul3A_1072 : vector<128x128xf32>
    %add3A_1074 = arith.addf %mul3A_1073, %add3A_1027 : vector<128x128xf32>
    %bitcast_convert_type3A_1075 = tpu.bitcast %get3A_1018 : vector<128x128xf32> -> vector<128x128xi32>
    %shift_right_logical3A_1076 = arith.constant 31 : i32
    %shift_right_logical3A_1077 = vector.broadcast %shift_right_logical3A_1076 : i32 to vector<128x128xi32>
    %shift_right_logical3A_1078 = arith.shrui %bitcast_convert_type3A_1075, %shift_right_logical3A_1077 : vector<128x128xi32>
    %convert_element_type3A_1079 = arith.sitofp %shift_right_logical3A_1078 : vector<128x128xi32> to vector<128x128xf32>
    %swap3A_1080 = arith.constant 0 : index
    %swap3A_1081 = arith.constant 1664 : index
    %swap3A_1082 = arith.constant 0 : index
    %swap3A_1083 = vector.load %arg5[%swap3A_1080, %swap3A_1081, %swap3A_1082] : memref<2x8192x128xf32, #tpu.memory_space<vmem>>, vector<1x128x128xf32>
    %swap3A_1084 = vector.shape_cast %swap3A_1083 : vector<1x128x128xf32> to vector<128x128xf32>
    %swap3A_1085 = vector.shape_cast %add3A_1074 : vector<128x128xf32> to vector<1x128x128xf32>
    tpu.vector_store %arg5[%swap3A_1080, %swap3A_1081, %swap3A_1082], %swap3A_1085 {strides = array<i32>} : memref<2x8192x128xf32, #tpu.memory_space<vmem>>, vector<1x128x128xf32>,
    %swap3A_1086 = arith.constant 1 : index
    %swap3A_1087 = arith.constant 1664 : index
    %swap3A_1088 = arith.constant 0 : index
    %swap3A_1089 = vector.load %arg5[%swap3A_1086, %swap3A_1087, %swap3A_1088] : memref<2x8192x128xf32, #tpu.memory_space<vmem>>, vector<1x128x128xf32>
    %swap3A_1090 = vector.shape_cast %swap3A_1089 : vector<1x128x128xf32> to vector<128x128xf32>
    %swap3A_1091 = vector.shape_cast %convert_element_type3A_1079 : vector<128x128xf32> to vector<1x128x128xf32>
    tpu.vector_store %arg5[%swap3A_1086, %swap3A_1087, %swap3A_1088], %swap3A_1091 {strides = array<i32>} : memref<2x8192x128xf32, #tpu.memory_space<vmem>>, vector<1x128x128xf32>,
    %slice3A_1092 = vector.extract_strided_slice %get3A_6 {offsets = [0, 14], sizes = [128, 1], strides = [1, 1]} : vector<128x64xf32> to vector<128x1xf32>
    %slice3A_1093 = vector.extract_strided_slice %get3A_11 {offsets = [0, 14], sizes = [128, 1], strides = [1, 1]} : vector<128x64xf32> to vector<128x1xf32>
    %get3A_1094 = arith.constant 1792 : index
    %get3A_1095 = arith.constant 0 : index
    %get3A_1096 = vector.load %arg3[%get3A_1094, %get3A_1095] : memref<8192x128xf32, #tpu.memory_space<vmem>>, vector<128x128xf32>
    %sub3A_1097 = vector.broadcast %slice3A_1092 : vector<128x1xf32> to vector<128x128xf32>
    %sub3A_1098 = vector.broadcast %get3A_1 : vector<1x128xf32> to vector<128x128xf32>
    %sub3A_1099 = arith.subf %sub3A_1097, %sub3A_1098 : vector<128x128xf32>
    %mul3A_1100 = arith.constant -3.276800e+02 : f32
    %mul3A_1101 = vector.broadcast %mul3A_1100 : f32 to vector<128x128xf32>
    %mul3A_1102 = arith.mulf %mul3A_1101, %sub3A_1099 : vector<128x128xf32>
    %mul3A_1103 = arith.mulf %mul3A_1102, %sub3A_1099 : vector<128x128xf32>
    %add3A_1104 = vector.broadcast %slice3A_1093 : vector<128x1xf32> to vector<128x128xf32>
    %add3A_1105 = arith.addf %mul3A_1103, %add3A_1104 : vector<128x128xf32>
    %abs3A_1106 = math.absf %get3A_1096 : vector<128x128xf32>
    %bitcast_convert_type3A_1107 = tpu.bitcast %abs3A_1106 : vector<128x128xf32> -> vector<128x128xi32>
    %shift_right_arithmetic3A_1108 = arith.constant 23 : i32
    %shift_right_arithmetic3A_1109 = vector.broadcast %shift_right_arithmetic3A_1108 : i32 to vector<128x128xi32>
    %shift_right_arithmetic3A_1110 = arith.shrsi %bitcast_convert_type3A_1107, %shift_right_arithmetic3A_1109 : vector<128x128xi32>
    %sub3A_1111 = arith.constant 127 : i32
    %sub3A_1112 = vector.broadcast %sub3A_1111 : i32 to vector<128x128xi32>
    %sub3A_1113 = arith.subi %shift_right_arithmetic3A_1110, %sub3A_1112 : vector<128x128xi32>
    %and3A_1114 = arith.constant 8388607 : i32
    %and3A_1115 = vector.broadcast %and3A_1114 : i32 to vector<128x128xi32>
    %and3A_1116 = arith.andi %bitcast_convert_type3A_1107, %and3A_1115 : vector<128x128xi32>
    %or3A_1117 = arith.constant 1065353216 : i32
    %or3A_1118 = vector.broadcast %or3A_1117 : i32 to vector<128x128xi32>
    %or3A_1119 = arith.ori %and3A_1116, %or3A_1118 : vector<128x128xi32>
    %bitcast_convert_type3A_1120 = tpu.bitcast %or3A_1119 : vector<128x128xi32> -> vector<128x128xf32>
    %mul3A_1121 = arith.constant -0.0248259846 : f32
    %mul3A_1122 = vector.broadcast %mul3A_1121 : f32 to vector<128x128xf32>
    %mul3A_1123 = arith.mulf %mul3A_1122, %bitcast_convert_type3A_1120 : vector<128x128xf32>
    %add3A_1124 = arith.constant 0.26686278 : f32
    %add3A_1125 = vector.broadcast %add3A_1124 : f32 to vector<128x128xf32>
    %add3A_1126 = arith.addf %mul3A_1123, %add3A_1125 : vector<128x128xf32>
    %mul3A_1127 = arith.mulf %add3A_1126, %bitcast_convert_type3A_1120 : vector<128x128xf32>
    %add3A_1128 = arith.constant -1.23427987 : f32
    %add3A_1129 = vector.broadcast %add3A_1128 : f32 to vector<128x128xf32>
    %add3A_1130 = arith.addf %mul3A_1127, %add3A_1129 : vector<128x128xf32>
    %mul3A_1131 = arith.mulf %add3A_1130, %bitcast_convert_type3A_1120 : vector<128x128xf32>
    %add3A_1132 = arith.constant 3.218870e+00 : f32
    %add3A_1133 = vector.broadcast %add3A_1132 : f32 to vector<128x128xf32>
    %add3A_1134 = arith.addf %mul3A_1131, %add3A_1133 : vector<128x128xf32>
    %mul3A_1135 = arith.mulf %add3A_1134, %bitcast_convert_type3A_1120 : vector<128x128xf32>
    %add3A_1136 = arith.constant -5.26415539 : f32
    %add3A_1137 = vector.broadcast %add3A_1136 : f32 to vector<128x128xf32>
    %add3A_1138 = arith.addf %mul3A_1135, %add3A_1137 : vector<128x128xf32>
    %mul3A_1139 = arith.mulf %add3A_1138, %bitcast_convert_type3A_1120 : vector<128x128xf32>
    %add3A_1140 = arith.constant 6.06585884 : f32
    %add3A_1141 = vector.broadcast %add3A_1140 : f32 to vector<128x128xf32>
    %add3A_1142 = arith.addf %mul3A_1139, %add3A_1141 : vector<128x128xf32>
    %mul3A_1143 = arith.mulf %add3A_1142, %bitcast_convert_type3A_1120 : vector<128x128xf32>
    %add3A_1144 = arith.constant -3.02832508 : f32
    %add3A_1145 = vector.broadcast %add3A_1144 : f32 to vector<128x128xf32>
    %add3A_1146 = arith.addf %mul3A_1143, %add3A_1145 : vector<128x128xf32>
    %convert_element_type3A_1147 = arith.sitofp %sub3A_1113 : vector<128x128xi32> to vector<128x128xf32>
    %add3A_1148 = arith.addf %convert_element_type3A_1147, %add3A_1146 : vector<128x128xf32>
    %mul3A_1149 = arith.constant 0.693147182 : f32
    %mul3A_1150 = vector.broadcast %mul3A_1149 : f32 to vector<128x128xf32>
    %mul3A_1151 = arith.mulf %add3A_1148, %mul3A_1150 : vector<128x128xf32>
    %add3A_1152 = arith.addf %mul3A_1151, %add3A_1105 : vector<128x128xf32>
    %bitcast_convert_type3A_1153 = tpu.bitcast %get3A_1096 : vector<128x128xf32> -> vector<128x128xi32>
    %shift_right_logical3A_1154 = arith.constant 31 : i32
    %shift_right_logical3A_1155 = vector.broadcast %shift_right_logical3A_1154 : i32 to vector<128x128xi32>
    %shift_right_logical3A_1156 = arith.shrui %bitcast_convert_type3A_1153, %shift_right_logical3A_1155 : vector<128x128xi32>
    %convert_element_type3A_1157 = arith.sitofp %shift_right_logical3A_1156 : vector<128x128xi32> to vector<128x128xf32>
    %swap3A_1158 = arith.constant 0 : index
    %swap3A_1159 = arith.constant 1792 : index
    %swap3A_1160 = arith.constant 0 : index
    %swap3A_1161 = vector.load %arg5[%swap3A_1158, %swap3A_1159, %swap3A_1160] : memref<2x8192x128xf32, #tpu.memory_space<vmem>>, vector<1x128x128xf32>
    %swap3A_1162 = vector.shape_cast %swap3A_1161 : vector<1x128x128xf32> to vector<128x128xf32>
    %swap3A_1163 = vector.shape_cast %add3A_1152 : vector<128x128xf32> to vector<1x128x128xf32>
    tpu.vector_store %arg5[%swap3A_1158, %swap3A_1159, %swap3A_1160], %swap3A_1163 {strides = array<i32>} : memref<2x8192x128xf32, #tpu.memory_space<vmem>>, vector<1x128x128xf32>,
    %swap3A_1164 = arith.constant 1 : index
    %swap3A_1165 = arith.constant 1792 : index
    %swap3A_1166 = arith.constant 0 : index
    %swap3A_1167 = vector.load %arg5[%swap3A_1164, %swap3A_1165, %swap3A_1166] : memref<2x8192x128xf32, #tpu.memory_space<vmem>>, vector<1x128x128xf32>
    %swap3A_1168 = vector.shape_cast %swap3A_1167 : vector<1x128x128xf32> to vector<128x128xf32>
    %swap3A_1169 = vector.shape_cast %convert_element_type3A_1157 : vector<128x128xf32> to vector<1x128x128xf32>
    tpu.vector_store %arg5[%swap3A_1164, %swap3A_1165, %swap3A_1166], %swap3A_1169 {strides = array<i32>} : memref<2x8192x128xf32, #tpu.memory_space<vmem>>, vector<1x128x128xf32>,
    %slice3A_1170 = vector.extract_strided_slice %get3A_6 {offsets = [0, 15], sizes = [128, 1], strides = [1, 1]} : vector<128x64xf32> to vector<128x1xf32>
    %slice3A_1171 = vector.extract_strided_slice %get3A_11 {offsets = [0, 15], sizes = [128, 1], strides = [1, 1]} : vector<128x64xf32> to vector<128x1xf32>
    %get3A_1172 = arith.constant 1920 : index
    %get3A_1173 = arith.constant 0 : index
    %get3A_1174 = vector.load %arg3[%get3A_1172, %get3A_1173] : memref<8192x128xf32, #tpu.memory_space<vmem>>, vector<128x128xf32>
    %sub3A_1175 = vector.broadcast %slice3A_1170 : vector<128x1xf32> to vector<128x128xf32>
    %sub3A_1176 = vector.broadcast %get3A_1 : vector<1x128xf32> to vector<128x128xf32>
    %sub3A_1177 = arith.subf %sub3A_1175, %sub3A_1176 : vector<128x128xf32>
    %mul3A_1178 = arith.constant -3.276800e+02 : f32
    %mul3A_1179 = vector.broadcast %mul3A_1178 : f32 to vector<128x128xf32>
    %mul3A_1180 = arith.mulf %mul3A_1179, %sub3A_1177 : vector<128x128xf32>
    %mul3A_1181 = arith.mulf %mul3A_1180, %sub3A_1177 : vector<128x128xf32>
    %add3A_1182 = vector.broadcast %slice3A_1171 : vector<128x1xf32> to vector<128x128xf32>
    %add3A_1183 = arith.addf %mul3A_1181, %add3A_1182 : vector<128x128xf32>
    %abs3A_1184 = math.absf %get3A_1174 : vector<128x128xf32>
    %bitcast_convert_type3A_1185 = tpu.bitcast %abs3A_1184 : vector<128x128xf32> -> vector<128x128xi32>
    %shift_right_arithmetic3A_1186 = arith.constant 23 : i32
    %shift_right_arithmetic3A_1187 = vector.broadcast %shift_right_arithmetic3A_1186 : i32 to vector<128x128xi32>
    %shift_right_arithmetic3A_1188 = arith.shrsi %bitcast_convert_type3A_1185, %shift_right_arithmetic3A_1187 : vector<128x128xi32>
    %sub3A_1189 = arith.constant 127 : i32
    %sub3A_1190 = vector.broadcast %sub3A_1189 : i32 to vector<128x128xi32>
    %sub3A_1191 = arith.subi %shift_right_arithmetic3A_1188, %sub3A_1190 : vector<128x128xi32>
    %and3A_1192 = arith.constant 8388607 : i32
    %and3A_1193 = vector.broadcast %and3A_1192 : i32 to vector<128x128xi32>
    %and3A_1194 = arith.andi %bitcast_convert_type3A_1185, %and3A_1193 : vector<128x128xi32>
    %or3A_1195 = arith.constant 1065353216 : i32
    %or3A_1196 = vector.broadcast %or3A_1195 : i32 to vector<128x128xi32>
    %or3A_1197 = arith.ori %and3A_1194, %or3A_1196 : vector<128x128xi32>
    %bitcast_convert_type3A_1198 = tpu.bitcast %or3A_1197 : vector<128x128xi32> -> vector<128x128xf32>
    %mul3A_1199 = arith.constant -0.0248259846 : f32
    %mul3A_1200 = vector.broadcast %mul3A_1199 : f32 to vector<128x128xf32>
    %mul3A_1201 = arith.mulf %mul3A_1200, %bitcast_convert_type3A_1198 : vector<128x128xf32>
    %add3A_1202 = arith.constant 0.26686278 : f32
    %add3A_1203 = vector.broadcast %add3A_1202 : f32 to vector<128x128xf32>
    %add3A_1204 = arith.addf %mul3A_1201, %add3A_1203 : vector<128x128xf32>
    %mul3A_1205 = arith.mulf %add3A_1204, %bitcast_convert_type3A_1198 : vector<128x128xf32>
    %add3A_1206 = arith.constant -1.23427987 : f32
    %add3A_1207 = vector.broadcast %add3A_1206 : f32 to vector<128x128xf32>
    %add3A_1208 = arith.addf %mul3A_1205, %add3A_1207 : vector<128x128xf32>
    %mul3A_1209 = arith.mulf %add3A_1208, %bitcast_convert_type3A_1198 : vector<128x128xf32>
    %add3A_1210 = arith.constant 3.218870e+00 : f32
    %add3A_1211 = vector.broadcast %add3A_1210 : f32 to vector<128x128xf32>
    %add3A_1212 = arith.addf %mul3A_1209, %add3A_1211 : vector<128x128xf32>
    %mul3A_1213 = arith.mulf %add3A_1212, %bitcast_convert_type3A_1198 : vector<128x128xf32>
    %add3A_1214 = arith.constant -5.26415539 : f32
    %add3A_1215 = vector.broadcast %add3A_1214 : f32 to vector<128x128xf32>
    %add3A_1216 = arith.addf %mul3A_1213, %add3A_1215 : vector<128x128xf32>
    %mul3A_1217 = arith.mulf %add3A_1216, %bitcast_convert_type3A_1198 : vector<128x128xf32>
    %add3A_1218 = arith.constant 6.06585884 : f32
    %add3A_1219 = vector.broadcast %add3A_1218 : f32 to vector<128x128xf32>
    %add3A_1220 = arith.addf %mul3A_1217, %add3A_1219 : vector<128x128xf32>
    %mul3A_1221 = arith.mulf %add3A_1220, %bitcast_convert_type3A_1198 : vector<128x128xf32>
    %add3A_1222 = arith.constant -3.02832508 : f32
    %add3A_1223 = vector.broadcast %add3A_1222 : f32 to vector<128x128xf32>
    %add3A_1224 = arith.addf %mul3A_1221, %add3A_1223 : vector<128x128xf32>
    %convert_element_type3A_1225 = arith.sitofp %sub3A_1191 : vector<128x128xi32> to vector<128x128xf32>
    %add3A_1226 = arith.addf %convert_element_type3A_1225, %add3A_1224 : vector<128x128xf32>
    %mul3A_1227 = arith.constant 0.693147182 : f32
    %mul3A_1228 = vector.broadcast %mul3A_1227 : f32 to vector<128x128xf32>
    %mul3A_1229 = arith.mulf %add3A_1226, %mul3A_1228 : vector<128x128xf32>
    %add3A_1230 = arith.addf %mul3A_1229, %add3A_1183 : vector<128x128xf32>
    %bitcast_convert_type3A_1231 = tpu.bitcast %get3A_1174 : vector<128x128xf32> -> vector<128x128xi32>
    %shift_right_logical3A_1232 = arith.constant 31 : i32
    %shift_right_logical3A_1233 = vector.broadcast %shift_right_logical3A_1232 : i32 to vector<128x128xi32>
    %shift_right_logical3A_1234 = arith.shrui %bitcast_convert_type3A_1231, %shift_right_logical3A_1233 : vector<128x128xi32>
    %convert_element_type3A_1235 = arith.sitofp %shift_right_logical3A_1234 : vector<128x128xi32> to vector<128x128xf32>
    %swap3A_1236 = arith.constant 0 : index
    %swap3A_1237 = arith.constant 1920 : index
    %swap3A_1238 = arith.constant 0 : index
    %swap3A_1239 = vector.load %arg5[%swap3A_1236, %swap3A_1237, %swap3A_1238] : memref<2x8192x128xf32, #tpu.memory_space<vmem>>, vector<1x128x128xf32>
    %swap3A_1240 = vector.shape_cast %swap3A_1239 : vector<1x128x128xf32> to vector<128x128xf32>
    %swap3A_1241 = vector.shape_cast %add3A_1230 : vector<128x128xf32> to vector<1x128x128xf32>
    tpu.vector_store %arg5[%swap3A_1236, %swap3A_1237, %swap3A_1238], %swap3A_1241 {strides = array<i32>} : memref<2x8192x128xf32, #tpu.memory_space<vmem>>, vector<1x128x128xf32>,
    %swap3A_1242 = arith.constant 1 : index
    %swap3A_1243 = arith.constant 1920 : index
    %swap3A_1244 = arith.constant 0 : index
    %swap3A_1245 = vector.load %arg5[%swap3A_1242, %swap3A_1243, %swap3A_1244] : memref<2x8192x128xf32, #tpu.memory_space<vmem>>, vector<1x128x128xf32>
    %swap3A_1246 = vector.shape_cast %swap3A_1245 : vector<1x128x128xf32> to vector<128x128xf32>
    %swap3A_1247 = vector.shape_cast %convert_element_type3A_1235 : vector<128x128xf32> to vector<1x128x128xf32>
    tpu.vector_store %arg5[%swap3A_1242, %swap3A_1243, %swap3A_1244], %swap3A_1247 {strides = array<i32>} : memref<2x8192x128xf32, #tpu.memory_space<vmem>>, vector<1x128x128xf32>,
    %slice3A_1248 = vector.extract_strided_slice %get3A_6 {offsets = [0, 16], sizes = [128, 1], strides = [1, 1]} : vector<128x64xf32> to vector<128x1xf32>
    %slice3A_1249 = vector.extract_strided_slice %get3A_11 {offsets = [0, 16], sizes = [128, 1], strides = [1, 1]} : vector<128x64xf32> to vector<128x1xf32>
    %get3A_1250 = arith.constant 2048 : index
    %get3A_1251 = arith.constant 0 : index
    %get3A_1252 = vector.load %arg3[%get3A_1250, %get3A_1251] : memref<8192x128xf32, #tpu.memory_space<vmem>>, vector<128x128xf32>
    %sub3A_1253 = vector.broadcast %slice3A_1248 : vector<128x1xf32> to vector<128x128xf32>
    %sub3A_1254 = vector.broadcast %get3A_1 : vector<1x128xf32> to vector<128x128xf32>
    %sub3A_1255 = arith.subf %sub3A_1253, %sub3A_1254 : vector<128x128xf32>
    %mul3A_1256 = arith.constant -3.276800e+02 : f32
    %mul3A_1257 = vector.broadcast %mul3A_1256 : f32 to vector<128x128xf32>
    %mul3A_1258 = arith.mulf %mul3A_1257, %sub3A_1255 : vector<128x128xf32>
    %mul3A_1259 = arith.mulf %mul3A_1258, %sub3A_1255 : vector<128x128xf32>
    %add3A_1260 = vector.broadcast %slice3A_1249 : vector<128x1xf32> to vector<128x128xf32>
    %add3A_1261 = arith.addf %mul3A_1259, %add3A_1260 : vector<128x128xf32>
    %abs3A_1262 = math.absf %get3A_1252 : vector<128x128xf32>
    %bitcast_convert_type3A_1263 = tpu.bitcast %abs3A_1262 : vector<128x128xf32> -> vector<128x128xi32>
    %shift_right_arithmetic3A_1264 = arith.constant 23 : i32
    %shift_right_arithmetic3A_1265 = vector.broadcast %shift_right_arithmetic3A_1264 : i32 to vector<128x128xi32>
    %shift_right_arithmetic3A_1266 = arith.shrsi %bitcast_convert_type3A_1263, %shift_right_arithmetic3A_1265 : vector<128x128xi32>
    %sub3A_1267 = arith.constant 127 : i32
    %sub3A_1268 = vector.broadcast %sub3A_1267 : i32 to vector<128x128xi32>
    %sub3A_1269 = arith.subi %shift_right_arithmetic3A_1266, %sub3A_1268 : vector<128x128xi32>
    %and3A_1270 = arith.constant 8388607 : i32
    %and3A_1271 = vector.broadcast %and3A_1270 : i32 to vector<128x128xi32>
    %and3A_1272 = arith.andi %bitcast_convert_type3A_1263, %and3A_1271 : vector<128x128xi32>
    %or3A_1273 = arith.constant 1065353216 : i32
    %or3A_1274 = vector.broadcast %or3A_1273 : i32 to vector<128x128xi32>
    %or3A_1275 = arith.ori %and3A_1272, %or3A_1274 : vector<128x128xi32>
    %bitcast_convert_type3A_1276 = tpu.bitcast %or3A_1275 : vector<128x128xi32> -> vector<128x128xf32>
    %mul3A_1277 = arith.constant -0.0248259846 : f32
    %mul3A_1278 = vector.broadcast %mul3A_1277 : f32 to vector<128x128xf32>
    %mul3A_1279 = arith.mulf %mul3A_1278, %bitcast_convert_type3A_1276 : vector<128x128xf32>
    %add3A_1280 = arith.constant 0.26686278 : f32
    %add3A_1281 = vector.broadcast %add3A_1280 : f32 to vector<128x128xf32>
    %add3A_1282 = arith.addf %mul3A_1279, %add3A_1281 : vector<128x128xf32>
    %mul3A_1283 = arith.mulf %add3A_1282, %bitcast_convert_type3A_1276 : vector<128x128xf32>
    %add3A_1284 = arith.constant -1.23427987 : f32
    %add3A_1285 = vector.broadcast %add3A_1284 : f32 to vector<128x128xf32>
    %add3A_1286 = arith.addf %mul3A_1283, %add3A_1285 : vector<128x128xf32>
    %mul3A_1287 = arith.mulf %add3A_1286, %bitcast_convert_type3A_1276 : vector<128x128xf32>
    %add3A_1288 = arith.constant 3.218870e+00 : f32
    %add3A_1289 = vector.broadcast %add3A_1288 : f32 to vector<128x128xf32>
    %add3A_1290 = arith.addf %mul3A_1287, %add3A_1289 : vector<128x128xf32>
    %mul3A_1291 = arith.mulf %add3A_1290, %bitcast_convert_type3A_1276 : vector<128x128xf32>
    %add3A_1292 = arith.constant -5.26415539 : f32
    %add3A_1293 = vector.broadcast %add3A_1292 : f32 to vector<128x128xf32>
    %add3A_1294 = arith.addf %mul3A_1291, %add3A_1293 : vector<128x128xf32>
    %mul3A_1295 = arith.mulf %add3A_1294, %bitcast_convert_type3A_1276 : vector<128x128xf32>
    %add3A_1296 = arith.constant 6.06585884 : f32
    %add3A_1297 = vector.broadcast %add3A_1296 : f32 to vector<128x128xf32>
    %add3A_1298 = arith.addf %mul3A_1295, %add3A_1297 : vector<128x128xf32>
    %mul3A_1299 = arith.mulf %add3A_1298, %bitcast_convert_type3A_1276 : vector<128x128xf32>
    %add3A_1300 = arith.constant -3.02832508 : f32
    %add3A_1301 = vector.broadcast %add3A_1300 : f32 to vector<128x128xf32>
    %add3A_1302 = arith.addf %mul3A_1299, %add3A_1301 : vector<128x128xf32>
    %convert_element_type3A_1303 = arith.sitofp %sub3A_1269 : vector<128x128xi32> to vector<128x128xf32>
    %add3A_1304 = arith.addf %convert_element_type3A_1303, %add3A_1302 : vector<128x128xf32>
    %mul3A_1305 = arith.constant 0.693147182 : f32
    %mul3A_1306 = vector.broadcast %mul3A_1305 : f32 to vector<128x128xf32>
    %mul3A_1307 = arith.mulf %add3A_1304, %mul3A_1306 : vector<128x128xf32>
    %add3A_1308 = arith.addf %mul3A_1307, %add3A_1261 : vector<128x128xf32>
    %bitcast_convert_type3A_1309 = tpu.bitcast %get3A_1252 : vector<128x128xf32> -> vector<128x128xi32>
    %shift_right_logical3A_1310 = arith.constant 31 : i32
    %shift_right_logical3A_1311 = vector.broadcast %shift_right_logical3A_1310 : i32 to vector<128x128xi32>
    %shift_right_logical3A_1312 = arith.shrui %bitcast_convert_type3A_1309, %shift_right_logical3A_1311 : vector<128x128xi32>
    %convert_element_type3A_1313 = arith.sitofp %shift_right_logical3A_1312 : vector<128x128xi32> to vector<128x128xf32>
    %swap3A_1314 = arith.constant 0 : index
    %swap3A_1315 = arith.constant 2048 : index
    %swap3A_1316 = arith.constant 0 : index
    %swap3A_1317 = vector.load %arg5[%swap3A_1314, %swap3A_1315, %swap3A_1316] : memref<2x8192x128xf32, #tpu.memory_space<vmem>>, vector<1x128x128xf32>
    %swap3A_1318 = vector.shape_cast %swap3A_1317 : vector<1x128x128xf32> to vector<128x128xf32>
    %swap3A_1319 = vector.shape_cast %add3A_1308 : vector<128x128xf32> to vector<1x128x128xf32>
    tpu.vector_store %arg5[%swap3A_1314, %swap3A_1315, %swap3A_1316], %swap3A_1319 {strides = array<i32>} : memref<2x8192x128xf32, #tpu.memory_space<vmem>>, vector<1x128x128xf32>,
    %swap3A_1320 = arith.constant 1 : index
    %swap3A_1321 = arith.constant 2048 : index
    %swap3A_1322 = arith.constant 0 : index
    %swap3A_1323 = vector.load %arg5[%swap3A_1320, %swap3A_1321, %swap3A_1322] : memref<2x8192x128xf32, #tpu.memory_space<vmem>>, vector<1x128x128xf32>
    %swap3A_1324 = vector.shape_cast %swap3A_1323 : vector<1x128x128xf32> to vector<128x128xf32>
    %swap3A_1325 = vector.shape_cast %convert_element_type3A_1313 : vector<128x128xf32> to vector<1x128x128xf32>
    tpu.vector_store %arg5[%swap3A_1320, %swap3A_1321, %swap3A_1322], %swap3A_1325 {strides = array<i32>} : memref<2x8192x128xf32, #tpu.memory_space<vmem>>, vector<1x128x128xf32>,
    %slice3A_1326 = vector.extract_strided_slice %get3A_6 {offsets = [0, 17], sizes = [128, 1], strides = [1, 1]} : vector<128x64xf32> to vector<128x1xf32>
    %slice3A_1327 = vector.extract_strided_slice %get3A_11 {offsets = [0, 17], sizes = [128, 1], strides = [1, 1]} : vector<128x64xf32> to vector<128x1xf32>
    %get3A_1328 = arith.constant 2176 : index
    %get3A_1329 = arith.constant 0 : index
    %get3A_1330 = vector.load %arg3[%get3A_1328, %get3A_1329] : memref<8192x128xf32, #tpu.memory_space<vmem>>, vector<128x128xf32>
    %sub3A_1331 = vector.broadcast %slice3A_1326 : vector<128x1xf32> to vector<128x128xf32>
    %sub3A_1332 = vector.broadcast %get3A_1 : vector<1x128xf32> to vector<128x128xf32>
    %sub3A_1333 = arith.subf %sub3A_1331, %sub3A_1332 : vector<128x128xf32>
    %mul3A_1334 = arith.constant -3.276800e+02 : f32
    %mul3A_1335 = vector.broadcast %mul3A_1334 : f32 to vector<128x128xf32>
    %mul3A_1336 = arith.mulf %mul3A_1335, %sub3A_1333 : vector<128x128xf32>
    %mul3A_1337 = arith.mulf %mul3A_1336, %sub3A_1333 : vector<128x128xf32>
    %add3A_1338 = vector.broadcast %slice3A_1327 : vector<128x1xf32> to vector<128x128xf32>
    %add3A_1339 = arith.addf %mul3A_1337, %add3A_1338 : vector<128x128xf32>
    %abs3A_1340 = math.absf %get3A_1330 : vector<128x128xf32>
    %bitcast_convert_type3A_1341 = tpu.bitcast %abs3A_1340 : vector<128x128xf32> -> vector<128x128xi32>
    %shift_right_arithmetic3A_1342 = arith.constant 23 : i32
    %shift_right_arithmetic3A_1343 = vector.broadcast %shift_right_arithmetic3A_1342 : i32 to vector<128x128xi32>
    %shift_right_arithmetic3A_1344 = arith.shrsi %bitcast_convert_type3A_1341, %shift_right_arithmetic3A_1343 : vector<128x128xi32>
    %sub3A_1345 = arith.constant 127 : i32
    %sub3A_1346 = vector.broadcast %sub3A_1345 : i32 to vector<128x128xi32>
    %sub3A_1347 = arith.subi %shift_right_arithmetic3A_1344, %sub3A_1346 : vector<128x128xi32>
    %and3A_1348 = arith.constant 8388607 : i32
    %and3A_1349 = vector.broadcast %and3A_1348 : i32 to vector<128x128xi32>
    %and3A_1350 = arith.andi %bitcast_convert_type3A_1341, %and3A_1349 : vector<128x128xi32>
    %or3A_1351 = arith.constant 1065353216 : i32
    %or3A_1352 = vector.broadcast %or3A_1351 : i32 to vector<128x128xi32>
    %or3A_1353 = arith.ori %and3A_1350, %or3A_1352 : vector<128x128xi32>
    %bitcast_convert_type3A_1354 = tpu.bitcast %or3A_1353 : vector<128x128xi32> -> vector<128x128xf32>
    %mul3A_1355 = arith.constant -0.0248259846 : f32
    %mul3A_1356 = vector.broadcast %mul3A_1355 : f32 to vector<128x128xf32>
    %mul3A_1357 = arith.mulf %mul3A_1356, %bitcast_convert_type3A_1354 : vector<128x128xf32>
    %add3A_1358 = arith.constant 0.26686278 : f32
    %add3A_1359 = vector.broadcast %add3A_1358 : f32 to vector<128x128xf32>
    %add3A_1360 = arith.addf %mul3A_1357, %add3A_1359 : vector<128x128xf32>
    %mul3A_1361 = arith.mulf %add3A_1360, %bitcast_convert_type3A_1354 : vector<128x128xf32>
    %add3A_1362 = arith.constant -1.23427987 : f32
    %add3A_1363 = vector.broadcast %add3A_1362 : f32 to vector<128x128xf32>
    %add3A_1364 = arith.addf %mul3A_1361, %add3A_1363 : vector<128x128xf32>
    %mul3A_1365 = arith.mulf %add3A_1364, %bitcast_convert_type3A_1354 : vector<128x128xf32>
    %add3A_1366 = arith.constant 3.218870e+00 : f32
    %add3A_1367 = vector.broadcast %add3A_1366 : f32 to vector<128x128xf32>
    %add3A_1368 = arith.addf %mul3A_1365, %add3A_1367 : vector<128x128xf32>
    %mul3A_1369 = arith.mulf %add3A_1368, %bitcast_convert_type3A_1354 : vector<128x128xf32>
    %add3A_1370 = arith.constant -5.26415539 : f32
    %add3A_1371 = vector.broadcast %add3A_1370 : f32 to vector<128x128xf32>
    %add3A_1372 = arith.addf %mul3A_1369, %add3A_1371 : vector<128x128xf32>
    %mul3A_1373 = arith.mulf %add3A_1372, %bitcast_convert_type3A_1354 : vector<128x128xf32>
    %add3A_1374 = arith.constant 6.06585884 : f32
    %add3A_1375 = vector.broadcast %add3A_1374 : f32 to vector<128x128xf32>
    %add3A_1376 = arith.addf %mul3A_1373, %add3A_1375 : vector<128x128xf32>
    %mul3A_1377 = arith.mulf %add3A_1376, %bitcast_convert_type3A_1354 : vector<128x128xf32>
    %add3A_1378 = arith.constant -3.02832508 : f32
    %add3A_1379 = vector.broadcast %add3A_1378 : f32 to vector<128x128xf32>
    %add3A_1380 = arith.addf %mul3A_1377, %add3A_1379 : vector<128x128xf32>
    %convert_element_type3A_1381 = arith.sitofp %sub3A_1347 : vector<128x128xi32> to vector<128x128xf32>
    %add3A_1382 = arith.addf %convert_element_type3A_1381, %add3A_1380 : vector<128x128xf32>
    %mul3A_1383 = arith.constant 0.693147182 : f32
    %mul3A_1384 = vector.broadcast %mul3A_1383 : f32 to vector<128x128xf32>
    %mul3A_1385 = arith.mulf %add3A_1382, %mul3A_1384 : vector<128x128xf32>
    %add3A_1386 = arith.addf %mul3A_1385, %add3A_1339 : vector<128x128xf32>
    %bitcast_convert_type3A_1387 = tpu.bitcast %get3A_1330 : vector<128x128xf32> -> vector<128x128xi32>
    %shift_right_logical3A_1388 = arith.constant 31 : i32
    %shift_right_logical3A_1389 = vector.broadcast %shift_right_logical3A_1388 : i32 to vector<128x128xi32>
    %shift_right_logical3A_1390 = arith.shrui %bitcast_convert_type3A_1387, %shift_right_logical3A_1389 : vector<128x128xi32>
    %convert_element_type3A_1391 = arith.sitofp %shift_right_logical3A_1390 : vector<128x128xi32> to vector<128x128xf32>
    %swap3A_1392 = arith.constant 0 : index
    %swap3A_1393 = arith.constant 2176 : index
    %swap3A_1394 = arith.constant 0 : index
    %swap3A_1395 = vector.load %arg5[%swap3A_1392, %swap3A_1393, %swap3A_1394] : memref<2x8192x128xf32, #tpu.memory_space<vmem>>, vector<1x128x128xf32>
    %swap3A_1396 = vector.shape_cast %swap3A_1395 : vector<1x128x128xf32> to vector<128x128xf32>
    %swap3A_1397 = vector.shape_cast %add3A_1386 : vector<128x128xf32> to vector<1x128x128xf32>
    tpu.vector_store %arg5[%swap3A_1392, %swap3A_1393, %swap3A_1394], %swap3A_1397 {strides = array<i32>} : memref<2x8192x128xf32, #tpu.memory_space<vmem>>, vector<1x128x128xf32>,
    %swap3A_1398 = arith.constant 1 : index
    %swap3A_1399 = arith.constant 2176 : index
    %swap3A_1400 = arith.constant 0 : index
    %swap3A_1401 = vector.load %arg5[%swap3A_1398, %swap3A_1399, %swap3A_1400] : memref<2x8192x128xf32, #tpu.memory_space<vmem>>, vector<1x128x128xf32>
    %swap3A_1402 = vector.shape_cast %swap3A_1401 : vector<1x128x128xf32> to vector<128x128xf32>
    %swap3A_1403 = vector.shape_cast %convert_element_type3A_1391 : vector<128x128xf32> to vector<1x128x128xf32>
    tpu.vector_store %arg5[%swap3A_1398, %swap3A_1399, %swap3A_1400], %swap3A_1403 {strides = array<i32>} : memref<2x8192x128xf32, #tpu.memory_space<vmem>>, vector<1x128x128xf32>,
    %slice3A_1404 = vector.extract_strided_slice %get3A_6 {offsets = [0, 18], sizes = [128, 1], strides = [1, 1]} : vector<128x64xf32> to vector<128x1xf32>
    %slice3A_1405 = vector.extract_strided_slice %get3A_11 {offsets = [0, 18], sizes = [128, 1], strides = [1, 1]} : vector<128x64xf32> to vector<128x1xf32>
    %get3A_1406 = arith.constant 2304 : index
    %get3A_1407 = arith.constant 0 : index
    %get3A_1408 = vector.load %arg3[%get3A_1406, %get3A_1407] : memref<8192x128xf32, #tpu.memory_space<vmem>>, vector<128x128xf32>
    %sub3A_1409 = vector.broadcast %slice3A_1404 : vector<128x1xf32> to vector<128x128xf32>
    %sub3A_1410 = vector.broadcast %get3A_1 : vector<1x128xf32> to vector<128x128xf32>
    %sub3A_1411 = arith.subf %sub3A_1409, %sub3A_1410 : vector<128x128xf32>
    %mul3A_1412 = arith.constant -3.276800e+02 : f32
    %mul3A_1413 = vector.broadcast %mul3A_1412 : f32 to vector<128x128xf32>
    %mul3A_1414 = arith.mulf %mul3A_1413, %sub3A_1411 : vector<128x128xf32>
    %mul3A_1415 = arith.mulf %mul3A_1414, %sub3A_1411 : vector<128x128xf32>
    %add3A_1416 = vector.broadcast %slice3A_1405 : vector<128x1xf32> to vector<128x128xf32>
    %add3A_1417 = arith.addf %mul3A_1415, %add3A_1416 : vector<128x128xf32>
    %abs3A_1418 = math.absf %get3A_1408 : vector<128x128xf32>
    %bitcast_convert_type3A_1419 = tpu.bitcast %abs3A_1418 : vector<128x128xf32> -> vector<128x128xi32>
    %shift_right_arithmetic3A_1420 = arith.constant 23 : i32
    %shift_right_arithmetic3A_1421 = vector.broadcast %shift_right_arithmetic3A_1420 : i32 to vector<128x128xi32>
    %shift_right_arithmetic3A_1422 = arith.shrsi %bitcast_convert_type3A_1419, %shift_right_arithmetic3A_1421 : vector<128x128xi32>
    %sub3A_1423 = arith.constant 127 : i32
    %sub3A_1424 = vector.broadcast %sub3A_1423 : i32 to vector<128x128xi32>
    %sub3A_1425 = arith.subi %shift_right_arithmetic3A_1422, %sub3A_1424 : vector<128x128xi32>
    %and3A_1426 = arith.constant 8388607 : i32
    %and3A_1427 = vector.broadcast %and3A_1426 : i32 to vector<128x128xi32>
    %and3A_1428 = arith.andi %bitcast_convert_type3A_1419, %and3A_1427 : vector<128x128xi32>
    %or3A_1429 = arith.constant 1065353216 : i32
    %or3A_1430 = vector.broadcast %or3A_1429 : i32 to vector<128x128xi32>
    %or3A_1431 = arith.ori %and3A_1428, %or3A_1430 : vector<128x128xi32>
    %bitcast_convert_type3A_1432 = tpu.bitcast %or3A_1431 : vector<128x128xi32> -> vector<128x128xf32>
    %mul3A_1433 = arith.constant -0.0248259846 : f32
    %mul3A_1434 = vector.broadcast %mul3A_1433 : f32 to vector<128x128xf32>
    %mul3A_1435 = arith.mulf %mul3A_1434, %bitcast_convert_type3A_1432 : vector<128x128xf32>
    %add3A_1436 = arith.constant 0.26686278 : f32
    %add3A_1437 = vector.broadcast %add3A_1436 : f32 to vector<128x128xf32>
    %add3A_1438 = arith.addf %mul3A_1435, %add3A_1437 : vector<128x128xf32>
    %mul3A_1439 = arith.mulf %add3A_1438, %bitcast_convert_type3A_1432 : vector<128x128xf32>
    %add3A_1440 = arith.constant -1.23427987 : f32
    %add3A_1441 = vector.broadcast %add3A_1440 : f32 to vector<128x128xf32>
    %add3A_1442 = arith.addf %mul3A_1439, %add3A_1441 : vector<128x128xf32>
    %mul3A_1443 = arith.mulf %add3A_1442, %bitcast_convert_type3A_1432 : vector<128x128xf32>
    %add3A_1444 = arith.constant 3.218870e+00 : f32
    %add3A_1445 = vector.broadcast %add3A_1444 : f32 to vector<128x128xf32>
    %add3A_1446 = arith.addf %mul3A_1443, %add3A_1445 : vector<128x128xf32>
    %mul3A_1447 = arith.mulf %add3A_1446, %bitcast_convert_type3A_1432 : vector<128x128xf32>
    %add3A_1448 = arith.constant -5.26415539 : f32
    %add3A_1449 = vector.broadcast %add3A_1448 : f32 to vector<128x128xf32>
    %add3A_1450 = arith.addf %mul3A_1447, %add3A_1449 : vector<128x128xf32>
    %mul3A_1451 = arith.mulf %add3A_1450, %bitcast_convert_type3A_1432 : vector<128x128xf32>
    %add3A_1452 = arith.constant 6.06585884 : f32
    %add3A_1453 = vector.broadcast %add3A_1452 : f32 to vector<128x128xf32>
    %add3A_1454 = arith.addf %mul3A_1451, %add3A_1453 : vector<128x128xf32>
    %mul3A_1455 = arith.mulf %add3A_1454, %bitcast_convert_type3A_1432 : vector<128x128xf32>
    %add3A_1456 = arith.constant -3.02832508 : f32
    %add3A_1457 = vector.broadcast %add3A_1456 : f32 to vector<128x128xf32>
    %add3A_1458 = arith.addf %mul3A_1455, %add3A_1457 : vector<128x128xf32>
    %convert_element_type3A_1459 = arith.sitofp %sub3A_1425 : vector<128x128xi32> to vector<128x128xf32>
    %add3A_1460 = arith.addf %convert_element_type3A_1459, %add3A_1458 : vector<128x128xf32>
    %mul3A_1461 = arith.constant 0.693147182 : f32
    %mul3A_1462 = vector.broadcast %mul3A_1461 : f32 to vector<128x128xf32>
    %mul3A_1463 = arith.mulf %add3A_1460, %mul3A_1462 : vector<128x128xf32>
    %add3A_1464 = arith.addf %mul3A_1463, %add3A_1417 : vector<128x128xf32>
    %bitcast_convert_type3A_1465 = tpu.bitcast %get3A_1408 : vector<128x128xf32> -> vector<128x128xi32>
    %shift_right_logical3A_1466 = arith.constant 31 : i32
    %shift_right_logical3A_1467 = vector.broadcast %shift_right_logical3A_1466 : i32 to vector<128x128xi32>
    %shift_right_logical3A_1468 = arith.shrui %bitcast_convert_type3A_1465, %shift_right_logical3A_1467 : vector<128x128xi32>
    %convert_element_type3A_1469 = arith.sitofp %shift_right_logical3A_1468 : vector<128x128xi32> to vector<128x128xf32>
    %swap3A_1470 = arith.constant 0 : index
    %swap3A_1471 = arith.constant 2304 : index
    %swap3A_1472 = arith.constant 0 : index
    %swap3A_1473 = vector.load %arg5[%swap3A_1470, %swap3A_1471, %swap3A_1472] : memref<2x8192x128xf32, #tpu.memory_space<vmem>>, vector<1x128x128xf32>
    %swap3A_1474 = vector.shape_cast %swap3A_1473 : vector<1x128x128xf32> to vector<128x128xf32>
    %swap3A_1475 = vector.shape_cast %add3A_1464 : vector<128x128xf32> to vector<1x128x128xf32>
    tpu.vector_store %arg5[%swap3A_1470, %swap3A_1471, %swap3A_1472], %swap3A_1475 {strides = array<i32>} : memref<2x8192x128xf32, #tpu.memory_space<vmem>>, vector<1x128x128xf32>,
    %swap3A_1476 = arith.constant 1 : index
    %swap3A_1477 = arith.constant 2304 : index
    %swap3A_1478 = arith.constant 0 : index
    %swap3A_1479 = vector.load %arg5[%swap3A_1476, %swap3A_1477, %swap3A_1478] : memref<2x8192x128xf32, #tpu.memory_space<vmem>>, vector<1x128x128xf32>
    %swap3A_1480 = vector.shape_cast %swap3A_1479 : vector<1x128x128xf32> to vector<128x128xf32>
    %swap3A_1481 = vector.shape_cast %convert_element_type3A_1469 : vector<128x128xf32> to vector<1x128x128xf32>
    tpu.vector_store %arg5[%swap3A_1476, %swap3A_1477, %swap3A_1478], %swap3A_1481 {strides = array<i32>} : memref<2x8192x128xf32, #tpu.memory_space<vmem>>, vector<1x128x128xf32>,
    %slice3A_1482 = vector.extract_strided_slice %get3A_6 {offsets = [0, 19], sizes = [128, 1], strides = [1, 1]} : vector<128x64xf32> to vector<128x1xf32>
    %slice3A_1483 = vector.extract_strided_slice %get3A_11 {offsets = [0, 19], sizes = [128, 1], strides = [1, 1]} : vector<128x64xf32> to vector<128x1xf32>
    %get3A_1484 = arith.constant 2432 : index
    %get3A_1485 = arith.constant 0 : index
    %get3A_1486 = vector.load %arg3[%get3A_1484, %get3A_1485] : memref<8192x128xf32, #tpu.memory_space<vmem>>, vector<128x128xf32>
    %sub3A_1487 = vector.broadcast %slice3A_1482 : vector<128x1xf32> to vector<128x128xf32>
    %sub3A_1488 = vector.broadcast %get3A_1 : vector<1x128xf32> to vector<128x128xf32>
    %sub3A_1489 = arith.subf %sub3A_1487, %sub3A_1488 : vector<128x128xf32>
    %mul3A_1490 = arith.constant -3.276800e+02 : f32
    %mul3A_1491 = vector.broadcast %mul3A_1490 : f32 to vector<128x128xf32>
    %mul3A_1492 = arith.mulf %mul3A_1491, %sub3A_1489 : vector<128x128xf32>
    %mul3A_1493 = arith.mulf %mul3A_1492, %sub3A_1489 : vector<128x128xf32>
    %add3A_1494 = vector.broadcast %slice3A_1483 : vector<128x1xf32> to vector<128x128xf32>
    %add3A_1495 = arith.addf %mul3A_1493, %add3A_1494 : vector<128x128xf32>
    %abs3A_1496 = math.absf %get3A_1486 : vector<128x128xf32>
    %bitcast_convert_type3A_1497 = tpu.bitcast %abs3A_1496 : vector<128x128xf32> -> vector<128x128xi32>
    %shift_right_arithmetic3A_1498 = arith.constant 23 : i32
    %shift_right_arithmetic3A_1499 = vector.broadcast %shift_right_arithmetic3A_1498 : i32 to vector<128x128xi32>
    %shift_right_arithmetic3A_1500 = arith.shrsi %bitcast_convert_type3A_1497, %shift_right_arithmetic3A_1499 : vector<128x128xi32>
    %sub3A_1501 = arith.constant 127 : i32
    %sub3A_1502 = vector.broadcast %sub3A_1501 : i32 to vector<128x128xi32>
    %sub3A_1503 = arith.subi %shift_right_arithmetic3A_1500, %sub3A_1502 : vector<128x128xi32>
    %and3A_1504 = arith.constant 8388607 : i32
    %and3A_1505 = vector.broadcast %and3A_1504 : i32 to vector<128x128xi32>
    %and3A_1506 = arith.andi %bitcast_convert_type3A_1497, %and3A_1505 : vector<128x128xi32>
    %or3A_1507 = arith.constant 1065353216 : i32
    %or3A_1508 = vector.broadcast %or3A_1507 : i32 to vector<128x128xi32>
    %or3A_1509 = arith.ori %and3A_1506, %or3A_1508 : vector<128x128xi32>
    %bitcast_convert_type3A_1510 = tpu.bitcast %or3A_1509 : vector<128x128xi32> -> vector<128x128xf32>
    %mul3A_1511 = arith.constant -0.0248259846 : f32
    %mul3A_1512 = vector.broadcast %mul3A_1511 : f32 to vector<128x128xf32>
    %mul3A_1513 = arith.mulf %mul3A_1512, %bitcast_convert_type3A_1510 : vector<128x128xf32>
    %add3A_1514 = arith.constant 0.26686278 : f32
    %add3A_1515 = vector.broadcast %add3A_1514 : f32 to vector<128x128xf32>
    %add3A_1516 = arith.addf %mul3A_1513, %add3A_1515 : vector<128x128xf32>
    %mul3A_1517 = arith.mulf %add3A_1516, %bitcast_convert_type3A_1510 : vector<128x128xf32>
    %add3A_1518 = arith.constant -1.23427987 : f32
    %add3A_1519 = vector.broadcast %add3A_1518 : f32 to vector<128x128xf32>
    %add3A_1520 = arith.addf %mul3A_1517, %add3A_1519 : vector<128x128xf32>
    %mul3A_1521 = arith.mulf %add3A_1520, %bitcast_convert_type3A_1510 : vector<128x128xf32>
    %add3A_1522 = arith.constant 3.218870e+00 : f32
    %add3A_1523 = vector.broadcast %add3A_1522 : f32 to vector<128x128xf32>
    %add3A_1524 = arith.addf %mul3A_1521, %add3A_1523 : vector<128x128xf32>
    %mul3A_1525 = arith.mulf %add3A_1524, %bitcast_convert_type3A_1510 : vector<128x128xf32>
    %add3A_1526 = arith.constant -5.26415539 : f32
    %add3A_1527 = vector.broadcast %add3A_1526 : f32 to vector<128x128xf32>
    %add3A_1528 = arith.addf %mul3A_1525, %add3A_1527 : vector<128x128xf32>
    %mul3A_1529 = arith.mulf %add3A_1528, %bitcast_convert_type3A_1510 : vector<128x128xf32>
    %add3A_1530 = arith.constant 6.06585884 : f32
    %add3A_1531 = vector.broadcast %add3A_1530 : f32 to vector<128x128xf32>
    %add3A_1532 = arith.addf %mul3A_1529, %add3A_1531 : vector<128x128xf32>
    %mul3A_1533 = arith.mulf %add3A_1532, %bitcast_convert_type3A_1510 : vector<128x128xf32>
    %add3A_1534 = arith.constant -3.02832508 : f32
    %add3A_1535 = vector.broadcast %add3A_1534 : f32 to vector<128x128xf32>
    %add3A_1536 = arith.addf %mul3A_1533, %add3A_1535 : vector<128x128xf32>
    %convert_element_type3A_1537 = arith.sitofp %sub3A_1503 : vector<128x128xi32> to vector<128x128xf32>
    %add3A_1538 = arith.addf %convert_element_type3A_1537, %add3A_1536 : vector<128x128xf32>
    %mul3A_1539 = arith.constant 0.693147182 : f32
    %mul3A_1540 = vector.broadcast %mul3A_1539 : f32 to vector<128x128xf32>
    %mul3A_1541 = arith.mulf %add3A_1538, %mul3A_1540 : vector<128x128xf32>
    %add3A_1542 = arith.addf %mul3A_1541, %add3A_1495 : vector<128x128xf32>
    %bitcast_convert_type3A_1543 = tpu.bitcast %get3A_1486 : vector<128x128xf32> -> vector<128x128xi32>
    %shift_right_logical3A_1544 = arith.constant 31 : i32
    %shift_right_logical3A_1545 = vector.broadcast %shift_right_logical3A_1544 : i32 to vector<128x128xi32>
    %shift_right_logical3A_1546 = arith.shrui %bitcast_convert_type3A_1543, %shift_right_logical3A_1545 : vector<128x128xi32>
    %convert_element_type3A_1547 = arith.sitofp %shift_right_logical3A_1546 : vector<128x128xi32> to vector<128x128xf32>
    %swap3A_1548 = arith.constant 0 : index
    %swap3A_1549 = arith.constant 2432 : index
    %swap3A_1550 = arith.constant 0 : index
    %swap3A_1551 = vector.load %arg5[%swap3A_1548, %swap3A_1549, %swap3A_1550] : memref<2x8192x128xf32, #tpu.memory_space<vmem>>, vector<1x128x128xf32>
    %swap3A_1552 = vector.shape_cast %swap3A_1551 : vector<1x128x128xf32> to vector<128x128xf32>
    %swap3A_1553 = vector.shape_cast %add3A_1542 : vector<128x128xf32> to vector<1x128x128xf32>
    tpu.vector_store %arg5[%swap3A_1548, %swap3A_1549, %swap3A_1550], %swap3A_1553 {strides = array<i32>} : memref<2x8192x128xf32, #tpu.memory_space<vmem>>, vector<1x128x128xf32>,
    %swap3A_1554 = arith.constant 1 : index
    %swap3A_1555 = arith.constant 2432 : index
    %swap3A_1556 = arith.constant 0 : index
    %swap3A_1557 = vector.load %arg5[%swap3A_1554, %swap3A_1555, %swap3A_1556] : memref<2x8192x128xf32, #tpu.memory_space<vmem>>, vector<1x128x128xf32>
    %swap3A_1558 = vector.shape_cast %swap3A_1557 : vector<1x128x128xf32> to vector<128x128xf32>
    %swap3A_1559 = vector.shape_cast %convert_element_type3A_1547 : vector<128x128xf32> to vector<1x128x128xf32>
    tpu.vector_store %arg5[%swap3A_1554, %swap3A_1555, %swap3A_1556], %swap3A_1559 {strides = array<i32>} : memref<2x8192x128xf32, #tpu.memory_space<vmem>>, vector<1x128x128xf32>,
    %slice3A_1560 = vector.extract_strided_slice %get3A_6 {offsets = [0, 20], sizes = [128, 1], strides = [1, 1]} : vector<128x64xf32> to vector<128x1xf32>
    %slice3A_1561 = vector.extract_strided_slice %get3A_11 {offsets = [0, 20], sizes = [128, 1], strides = [1, 1]} : vector<128x64xf32> to vector<128x1xf32>
    %get3A_1562 = arith.constant 2560 : index
    %get3A_1563 = arith.constant 0 : index
    %get3A_1564 = vector.load %arg3[%get3A_1562, %get3A_1563] : memref<8192x128xf32, #tpu.memory_space<vmem>>, vector<128x128xf32>
    %sub3A_1565 = vector.broadcast %slice3A_1560 : vector<128x1xf32> to vector<128x128xf32>
    %sub3A_1566 = vector.broadcast %get3A_1 : vector<1x128xf32> to vector<128x128xf32>
    %sub3A_1567 = arith.subf %sub3A_1565, %sub3A_1566 : vector<128x128xf32>
    %mul3A_1568 = arith.constant -3.276800e+02 : f32
    %mul3A_1569 = vector.broadcast %mul3A_1568 : f32 to vector<128x128xf32>
    %mul3A_1570 = arith.mulf %mul3A_1569, %sub3A_1567 : vector<128x128xf32>
    %mul3A_1571 = arith.mulf %mul3A_1570, %sub3A_1567 : vector<128x128xf32>
    %add3A_1572 = vector.broadcast %slice3A_1561 : vector<128x1xf32> to vector<128x128xf32>
    %add3A_1573 = arith.addf %mul3A_1571, %add3A_1572 : vector<128x128xf32>
    %abs3A_1574 = math.absf %get3A_1564 : vector<128x128xf32>
    %bitcast_convert_type3A_1575 = tpu.bitcast %abs3A_1574 : vector<128x128xf32> -> vector<128x128xi32>
    %shift_right_arithmetic3A_1576 = arith.constant 23 : i32
    %shift_right_arithmetic3A_1577 = vector.broadcast %shift_right_arithmetic3A_1576 : i32 to vector<128x128xi32>
    %shift_right_arithmetic3A_1578 = arith.shrsi %bitcast_convert_type3A_1575, %shift_right_arithmetic3A_1577 : vector<128x128xi32>
    %sub3A_1579 = arith.constant 127 : i32
    %sub3A_1580 = vector.broadcast %sub3A_1579 : i32 to vector<128x128xi32>
    %sub3A_1581 = arith.subi %shift_right_arithmetic3A_1578, %sub3A_1580 : vector<128x128xi32>
    %and3A_1582 = arith.constant 8388607 : i32
    %and3A_1583 = vector.broadcast %and3A_1582 : i32 to vector<128x128xi32>
    %and3A_1584 = arith.andi %bitcast_convert_type3A_1575, %and3A_1583 : vector<128x128xi32>
    %or3A_1585 = arith.constant 1065353216 : i32
    %or3A_1586 = vector.broadcast %or3A_1585 : i32 to vector<128x128xi32>
    %or3A_1587 = arith.ori %and3A_1584, %or3A_1586 : vector<128x128xi32>
    %bitcast_convert_type3A_1588 = tpu.bitcast %or3A_1587 : vector<128x128xi32> -> vector<128x128xf32>
    %mul3A_1589 = arith.constant -0.0248259846 : f32
    %mul3A_1590 = vector.broadcast %mul3A_1589 : f32 to vector<128x128xf32>
    %mul3A_1591 = arith.mulf %mul3A_1590, %bitcast_convert_type3A_1588 : vector<128x128xf32>
    %add3A_1592 = arith.constant 0.26686278 : f32
    %add3A_1593 = vector.broadcast %add3A_1592 : f32 to vector<128x128xf32>
    %add3A_1594 = arith.addf %mul3A_1591, %add3A_1593 : vector<128x128xf32>
    %mul3A_1595 = arith.mulf %add3A_1594, %bitcast_convert_type3A_1588 : vector<128x128xf32>
    %add3A_1596 = arith.constant -1.23427987 : f32
    %add3A_1597 = vector.broadcast %add3A_1596 : f32 to vector<128x128xf32>
    %add3A_1598 = arith.addf %mul3A_1595, %add3A_1597 : vector<128x128xf32>
    %mul3A_1599 = arith.mulf %add3A_1598, %bitcast_convert_type3A_1588 : vector<128x128xf32>
    %add3A_1600 = arith.constant 3.218870e+00 : f32
    %add3A_1601 = vector.broadcast %add3A_1600 : f32 to vector<128x128xf32>
    %add3A_1602 = arith.addf %mul3A_1599, %add3A_1601 : vector<128x128xf32>
    %mul3A_1603 = arith.mulf %add3A_1602, %bitcast_convert_type3A_1588 : vector<128x128xf32>
    %add3A_1604 = arith.constant -5.26415539 : f32
    %add3A_1605 = vector.broadcast %add3A_1604 : f32 to vector<128x128xf32>
    %add3A_1606 = arith.addf %mul3A_1603, %add3A_1605 : vector<128x128xf32>
    %mul3A_1607 = arith.mulf %add3A_1606, %bitcast_convert_type3A_1588 : vector<128x128xf32>
    %add3A_1608 = arith.constant 6.06585884 : f32
    %add3A_1609 = vector.broadcast %add3A_1608 : f32 to vector<128x128xf32>
    %add3A_1610 = arith.addf %mul3A_1607, %add3A_1609 : vector<128x128xf32>
    %mul3A_1611 = arith.mulf %add3A_1610, %bitcast_convert_type3A_1588 : vector<128x128xf32>
    %add3A_1612 = arith.constant -3.02832508 : f32
    %add3A_1613 = vector.broadcast %add3A_1612 : f32 to vector<128x128xf32>
    %add3A_1614 = arith.addf %mul3A_1611, %add3A_1613 : vector<128x128xf32>
    %convert_element_type3A_1615 = arith.sitofp %sub3A_1581 : vector<128x128xi32> to vector<128x128xf32>
    %add3A_1616 = arith.addf %convert_element_type3A_1615, %add3A_1614 : vector<128x128xf32>
    %mul3A_1617 = arith.constant 0.693147182 : f32
    %mul3A_1618 = vector.broadcast %mul3A_1617 : f32 to vector<128x128xf32>
    %mul3A_1619 = arith.mulf %add3A_1616, %mul3A_1618 : vector<128x128xf32>
    %add3A_1620 = arith.addf %mul3A_1619, %add3A_1573 : vector<128x128xf32>
    %bitcast_convert_type3A_1621 = tpu.bitcast %get3A_1564 : vector<128x128xf32> -> vector<128x128xi32>
    %shift_right_logical3A_1622 = arith.constant 31 : i32
    %shift_right_logical3A_1623 = vector.broadcast %shift_right_logical3A_1622 : i32 to vector<128x128xi32>
    %shift_right_logical3A_1624 = arith.shrui %bitcast_convert_type3A_1621, %shift_right_logical3A_1623 : vector<128x128xi32>
    %convert_element_type3A_1625 = arith.sitofp %shift_right_logical3A_1624 : vector<128x128xi32> to vector<128x128xf32>
    %swap3A_1626 = arith.constant 0 : index
    %swap3A_1627 = arith.constant 2560 : index
    %swap3A_1628 = arith.constant 0 : index
    %swap3A_1629 = vector.load %arg5[%swap3A_1626, %swap3A_1627, %swap3A_1628] : memref<2x8192x128xf32, #tpu.memory_space<vmem>>, vector<1x128x128xf32>
    %swap3A_1630 = vector.shape_cast %swap3A_1629 : vector<1x128x128xf32> to vector<128x128xf32>
    %swap3A_1631 = vector.shape_cast %add3A_1620 : vector<128x128xf32> to vector<1x128x128xf32>
    tpu.vector_store %arg5[%swap3A_1626, %swap3A_1627, %swap3A_1628], %swap3A_1631 {strides = array<i32>} : memref<2x8192x128xf32, #tpu.memory_space<vmem>>, vector<1x128x128xf32>,
    %swap3A_1632 = arith.constant 1 : index
    %swap3A_1633 = arith.constant 2560 : index
    %swap3A_1634 = arith.constant 0 : index
    %swap3A_1635 = vector.load %arg5[%swap3A_1632, %swap3A_1633, %swap3A_1634] : memref<2x8192x128xf32, #tpu.memory_space<vmem>>, vector<1x128x128xf32>
    %swap3A_1636 = vector.shape_cast %swap3A_1635 : vector<1x128x128xf32> to vector<128x128xf32>
    %swap3A_1637 = vector.shape_cast %convert_element_type3A_1625 : vector<128x128xf32> to vector<1x128x128xf32>
    tpu.vector_store %arg5[%swap3A_1632, %swap3A_1633, %swap3A_1634], %swap3A_1637 {strides = array<i32>} : memref<2x8192x128xf32, #tpu.memory_space<vmem>>, vector<1x128x128xf32>,
    %slice3A_1638 = vector.extract_strided_slice %get3A_6 {offsets = [0, 21], sizes = [128, 1], strides = [1, 1]} : vector<128x64xf32> to vector<128x1xf32>
    %slice3A_1639 = vector.extract_strided_slice %get3A_11 {offsets = [0, 21], sizes = [128, 1], strides = [1, 1]} : vector<128x64xf32> to vector<128x1xf32>
    %get3A_1640 = arith.constant 2688 : index
    %get3A_1641 = arith.constant 0 : index
    %get3A_1642 = vector.load %arg3[%get3A_1640, %get3A_1641] : memref<8192x128xf32, #tpu.memory_space<vmem>>, vector<128x128xf32>
    %sub3A_1643 = vector.broadcast %slice3A_1638 : vector<128x1xf32> to vector<128x128xf32>
    %sub3A_1644 = vector.broadcast %get3A_1 : vector<1x128xf32> to vector<128x128xf32>
    %sub3A_1645 = arith.subf %sub3A_1643, %sub3A_1644 : vector<128x128xf32>
    %mul3A_1646 = arith.constant -3.276800e+02 : f32
    %mul3A_1647 = vector.broadcast %mul3A_1646 : f32 to vector<128x128xf32>
    %mul3A_1648 = arith.mulf %mul3A_1647, %sub3A_1645 : vector<128x128xf32>
    %mul3A_1649 = arith.mulf %mul3A_1648, %sub3A_1645 : vector<128x128xf32>
    %add3A_1650 = vector.broadcast %slice3A_1639 : vector<128x1xf32> to vector<128x128xf32>
    %add3A_1651 = arith.addf %mul3A_1649, %add3A_1650 : vector<128x128xf32>
    %abs3A_1652 = math.absf %get3A_1642 : vector<128x128xf32>
    %bitcast_convert_type3A_1653 = tpu.bitcast %abs3A_1652 : vector<128x128xf32> -> vector<128x128xi32>
    %shift_right_arithmetic3A_1654 = arith.constant 23 : i32
    %shift_right_arithmetic3A_1655 = vector.broadcast %shift_right_arithmetic3A_1654 : i32 to vector<128x128xi32>
    %shift_right_arithmetic3A_1656 = arith.shrsi %bitcast_convert_type3A_1653, %shift_right_arithmetic3A_1655 : vector<128x128xi32>
    %sub3A_1657 = arith.constant 127 : i32
    %sub3A_1658 = vector.broadcast %sub3A_1657 : i32 to vector<128x128xi32>
    %sub3A_1659 = arith.subi %shift_right_arithmetic3A_1656, %sub3A_1658 : vector<128x128xi32>
    %and3A_1660 = arith.constant 8388607 : i32
    %and3A_1661 = vector.broadcast %and3A_1660 : i32 to vector<128x128xi32>
    %and3A_1662 = arith.andi %bitcast_convert_type3A_1653, %and3A_1661 : vector<128x128xi32>
    %or3A_1663 = arith.constant 1065353216 : i32
    %or3A_1664 = vector.broadcast %or3A_1663 : i32 to vector<128x128xi32>
    %or3A_1665 = arith.ori %and3A_1662, %or3A_1664 : vector<128x128xi32>
    %bitcast_convert_type3A_1666 = tpu.bitcast %or3A_1665 : vector<128x128xi32> -> vector<128x128xf32>
    %mul3A_1667 = arith.constant -0.0248259846 : f32
    %mul3A_1668 = vector.broadcast %mul3A_1667 : f32 to vector<128x128xf32>
    %mul3A_1669 = arith.mulf %mul3A_1668, %bitcast_convert_type3A_1666 : vector<128x128xf32>
    %add3A_1670 = arith.constant 0.26686278 : f32
    %add3A_1671 = vector.broadcast %add3A_1670 : f32 to vector<128x128xf32>
    %add3A_1672 = arith.addf %mul3A_1669, %add3A_1671 : vector<128x128xf32>
    %mul3A_1673 = arith.mulf %add3A_1672, %bitcast_convert_type3A_1666 : vector<128x128xf32>
    %add3A_1674 = arith.constant -1.23427987 : f32
    %add3A_1675 = vector.broadcast %add3A_1674 : f32 to vector<128x128xf32>
    %add3A_1676 = arith.addf %mul3A_1673, %add3A_1675 : vector<128x128xf32>
    %mul3A_1677 = arith.mulf %add3A_1676, %bitcast_convert_type3A_1666 : vector<128x128xf32>
    %add3A_1678 = arith.constant 3.218870e+00 : f32
    %add3A_1679 = vector.broadcast %add3A_1678 : f32 to vector<128x128xf32>
    %add3A_1680 = arith.addf %mul3A_1677, %add3A_1679 : vector<128x128xf32>
    %mul3A_1681 = arith.mulf %add3A_1680, %bitcast_convert_type3A_1666 : vector<128x128xf32>
    %add3A_1682 = arith.constant -5.26415539 : f32
    %add3A_1683 = vector.broadcast %add3A_1682 : f32 to vector<128x128xf32>
    %add3A_1684 = arith.addf %mul3A_1681, %add3A_1683 : vector<128x128xf32>
    %mul3A_1685 = arith.mulf %add3A_1684, %bitcast_convert_type3A_1666 : vector<128x128xf32>
    %add3A_1686 = arith.constant 6.06585884 : f32
    %add3A_1687 = vector.broadcast %add3A_1686 : f32 to vector<128x128xf32>
    %add3A_1688 = arith.addf %mul3A_1685, %add3A_1687 : vector<128x128xf32>
    %mul3A_1689 = arith.mulf %add3A_1688, %bitcast_convert_type3A_1666 : vector<128x128xf32>
    %add3A_1690 = arith.constant -3.02832508 : f32
    %add3A_1691 = vector.broadcast %add3A_1690 : f32 to vector<128x128xf32>
    %add3A_1692 = arith.addf %mul3A_1689, %add3A_1691 : vector<128x128xf32>
    %convert_element_type3A_1693 = arith.sitofp %sub3A_1659 : vector<128x128xi32> to vector<128x128xf32>
    %add3A_1694 = arith.addf %convert_element_type3A_1693, %add3A_1692 : vector<128x128xf32>
    %mul3A_1695 = arith.constant 0.693147182 : f32
    %mul3A_1696 = vector.broadcast %mul3A_1695 : f32 to vector<128x128xf32>
    %mul3A_1697 = arith.mulf %add3A_1694, %mul3A_1696 : vector<128x128xf32>
    %add3A_1698 = arith.addf %mul3A_1697, %add3A_1651 : vector<128x128xf32>
    %bitcast_convert_type3A_1699 = tpu.bitcast %get3A_1642 : vector<128x128xf32> -> vector<128x128xi32>
    %shift_right_logical3A_1700 = arith.constant 31 : i32
    %shift_right_logical3A_1701 = vector.broadcast %shift_right_logical3A_1700 : i32 to vector<128x128xi32>
    %shift_right_logical3A_1702 = arith.shrui %bitcast_convert_type3A_1699, %shift_right_logical3A_1701 : vector<128x128xi32>
    %convert_element_type3A_1703 = arith.sitofp %shift_right_logical3A_1702 : vector<128x128xi32> to vector<128x128xf32>
    %swap3A_1704 = arith.constant 0 : index
    %swap3A_1705 = arith.constant 2688 : index
    %swap3A_1706 = arith.constant 0 : index
    %swap3A_1707 = vector.load %arg5[%swap3A_1704, %swap3A_1705, %swap3A_1706] : memref<2x8192x128xf32, #tpu.memory_space<vmem>>, vector<1x128x128xf32>
    %swap3A_1708 = vector.shape_cast %swap3A_1707 : vector<1x128x128xf32> to vector<128x128xf32>
    %swap3A_1709 = vector.shape_cast %add3A_1698 : vector<128x128xf32> to vector<1x128x128xf32>
    tpu.vector_store %arg5[%swap3A_1704, %swap3A_1705, %swap3A_1706], %swap3A_1709 {strides = array<i32>} : memref<2x8192x128xf32, #tpu.memory_space<vmem>>, vector<1x128x128xf32>,
    %swap3A_1710 = arith.constant 1 : index
    %swap3A_1711 = arith.constant 2688 : index
    %swap3A_1712 = arith.constant 0 : index
    %swap3A_1713 = vector.load %arg5[%swap3A_1710, %swap3A_1711, %swap3A_1712] : memref<2x8192x128xf32, #tpu.memory_space<vmem>>, vector<1x128x128xf32>
    %swap3A_1714 = vector.shape_cast %swap3A_1713 : vector<1x128x128xf32> to vector<128x128xf32>
    %swap3A_1715 = vector.shape_cast %convert_element_type3A_1703 : vector<128x128xf32> to vector<1x128x128xf32>
    tpu.vector_store %arg5[%swap3A_1710, %swap3A_1711, %swap3A_1712], %swap3A_1715 {strides = array<i32>} : memref<2x8192x128xf32, #tpu.memory_space<vmem>>, vector<1x128x128xf32>,
    %slice3A_1716 = vector.extract_strided_slice %get3A_6 {offsets = [0, 22], sizes = [128, 1], strides = [1, 1]} : vector<128x64xf32> to vector<128x1xf32>
    %slice3A_1717 = vector.extract_strided_slice %get3A_11 {offsets = [0, 22], sizes = [128, 1], strides = [1, 1]} : vector<128x64xf32> to vector<128x1xf32>
    %get3A_1718 = arith.constant 2816 : index
    %get3A_1719 = arith.constant 0 : index
    %get3A_1720 = vector.load %arg3[%get3A_1718, %get3A_1719] : memref<8192x128xf32, #tpu.memory_space<vmem>>, vector<128x128xf32>
    %sub3A_1721 = vector.broadcast %slice3A_1716 : vector<128x1xf32> to vector<128x128xf32>
    %sub3A_1722 = vector.broadcast %get3A_1 : vector<1x128xf32> to vector<128x128xf32>
    %sub3A_1723 = arith.subf %sub3A_1721, %sub3A_1722 : vector<128x128xf32>
    %mul3A_1724 = arith.constant -3.276800e+02 : f32
    %mul3A_1725 = vector.broadcast %mul3A_1724 : f32 to vector<128x128xf32>
    %mul3A_1726 = arith.mulf %mul3A_1725, %sub3A_1723 : vector<128x128xf32>
    %mul3A_1727 = arith.mulf %mul3A_1726, %sub3A_1723 : vector<128x128xf32>
    %add3A_1728 = vector.broadcast %slice3A_1717 : vector<128x1xf32> to vector<128x128xf32>
    %add3A_1729 = arith.addf %mul3A_1727, %add3A_1728 : vector<128x128xf32>
    %abs3A_1730 = math.absf %get3A_1720 : vector<128x128xf32>
    %bitcast_convert_type3A_1731 = tpu.bitcast %abs3A_1730 : vector<128x128xf32> -> vector<128x128xi32>
    %shift_right_arithmetic3A_1732 = arith.constant 23 : i32
    %shift_right_arithmetic3A_1733 = vector.broadcast %shift_right_arithmetic3A_1732 : i32 to vector<128x128xi32>
    %shift_right_arithmetic3A_1734 = arith.shrsi %bitcast_convert_type3A_1731, %shift_right_arithmetic3A_1733 : vector<128x128xi32>
    %sub3A_1735 = arith.constant 127 : i32
    %sub3A_1736 = vector.broadcast %sub3A_1735 : i32 to vector<128x128xi32>
    %sub3A_1737 = arith.subi %shift_right_arithmetic3A_1734, %sub3A_1736 : vector<128x128xi32>
    %and3A_1738 = arith.constant 8388607 : i32
    %and3A_1739 = vector.broadcast %and3A_1738 : i32 to vector<128x128xi32>
    %and3A_1740 = arith.andi %bitcast_convert_type3A_1731, %and3A_1739 : vector<128x128xi32>
    %or3A_1741 = arith.constant 1065353216 : i32
    %or3A_1742 = vector.broadcast %or3A_1741 : i32 to vector<128x128xi32>
    %or3A_1743 = arith.ori %and3A_1740, %or3A_1742 : vector<128x128xi32>
    %bitcast_convert_type3A_1744 = tpu.bitcast %or3A_1743 : vector<128x128xi32> -> vector<128x128xf32>
    %mul3A_1745 = arith.constant -0.0248259846 : f32
    %mul3A_1746 = vector.broadcast %mul3A_1745 : f32 to vector<128x128xf32>
    %mul3A_1747 = arith.mulf %mul3A_1746, %bitcast_convert_type3A_1744 : vector<128x128xf32>
    %add3A_1748 = arith.constant 0.26686278 : f32
    %add3A_1749 = vector.broadcast %add3A_1748 : f32 to vector<128x128xf32>
    %add3A_1750 = arith.addf %mul3A_1747, %add3A_1749 : vector<128x128xf32>
    %mul3A_1751 = arith.mulf %add3A_1750, %bitcast_convert_type3A_1744 : vector<128x128xf32>
    %add3A_1752 = arith.constant -1.23427987 : f32
    %add3A_1753 = vector.broadcast %add3A_1752 : f32 to vector<128x128xf32>
    %add3A_1754 = arith.addf %mul3A_1751, %add3A_1753 : vector<128x128xf32>
    %mul3A_1755 = arith.mulf %add3A_1754, %bitcast_convert_type3A_1744 : vector<128x128xf32>
    %add3A_1756 = arith.constant 3.218870e+00 : f32
    %add3A_1757 = vector.broadcast %add3A_1756 : f32 to vector<128x128xf32>
    %add3A_1758 = arith.addf %mul3A_1755, %add3A_1757 : vector<128x128xf32>
    %mul3A_1759 = arith.mulf %add3A_1758, %bitcast_convert_type3A_1744 : vector<128x128xf32>
    %add3A_1760 = arith.constant -5.26415539 : f32
    %add3A_1761 = vector.broadcast %add3A_1760 : f32 to vector<128x128xf32>
    %add3A_1762 = arith.addf %mul3A_1759, %add3A_1761 : vector<128x128xf32>
    %mul3A_1763 = arith.mulf %add3A_1762, %bitcast_convert_type3A_1744 : vector<128x128xf32>
    %add3A_1764 = arith.constant 6.06585884 : f32
    %add3A_1765 = vector.broadcast %add3A_1764 : f32 to vector<128x128xf32>
    %add3A_1766 = arith.addf %mul3A_1763, %add3A_1765 : vector<128x128xf32>
    %mul3A_1767 = arith.mulf %add3A_1766, %bitcast_convert_type3A_1744 : vector<128x128xf32>
    %add3A_1768 = arith.constant -3.02832508 : f32
    %add3A_1769 = vector.broadcast %add3A_1768 : f32 to vector<128x128xf32>
    %add3A_1770 = arith.addf %mul3A_1767, %add3A_1769 : vector<128x128xf32>
    %convert_element_type3A_1771 = arith.sitofp %sub3A_1737 : vector<128x128xi32> to vector<128x128xf32>
    %add3A_1772 = arith.addf %convert_element_type3A_1771, %add3A_1770 : vector<128x128xf32>
    %mul3A_1773 = arith.constant 0.693147182 : f32
    %mul3A_1774 = vector.broadcast %mul3A_1773 : f32 to vector<128x128xf32>
    %mul3A_1775 = arith.mulf %add3A_1772, %mul3A_1774 : vector<128x128xf32>
    %add3A_1776 = arith.addf %mul3A_1775, %add3A_1729 : vector<128x128xf32>
    %bitcast_convert_type3A_1777 = tpu.bitcast %get3A_1720 : vector<128x128xf32> -> vector<128x128xi32>
    %shift_right_logical3A_1778 = arith.constant 31 : i32
    %shift_right_logical3A_1779 = vector.broadcast %shift_right_logical3A_1778 : i32 to vector<128x128xi32>
    %shift_right_logical3A_1780 = arith.shrui %bitcast_convert_type3A_1777, %shift_right_logical3A_1779 : vector<128x128xi32>
    %convert_element_type3A_1781 = arith.sitofp %shift_right_logical3A_1780 : vector<128x128xi32> to vector<128x128xf32>
    %swap3A_1782 = arith.constant 0 : index
    %swap3A_1783 = arith.constant 2816 : index
    %swap3A_1784 = arith.constant 0 : index
    %swap3A_1785 = vector.load %arg5[%swap3A_1782, %swap3A_1783, %swap3A_1784] : memref<2x8192x128xf32, #tpu.memory_space<vmem>>, vector<1x128x128xf32>
    %swap3A_1786 = vector.shape_cast %swap3A_1785 : vector<1x128x128xf32> to vector<128x128xf32>
    %swap3A_1787 = vector.shape_cast %add3A_1776 : vector<128x128xf32> to vector<1x128x128xf32>
    tpu.vector_store %arg5[%swap3A_1782, %swap3A_1783, %swap3A_1784], %swap3A_1787 {strides = array<i32>} : memref<2x8192x128xf32, #tpu.memory_space<vmem>>, vector<1x128x128xf32>,
    %swap3A_1788 = arith.constant 1 : index
    %swap3A_1789 = arith.constant 2816 : index
    %swap3A_1790 = arith.constant 0 : index
    %swap3A_1791 = vector.load %arg5[%swap3A_1788, %swap3A_1789, %swap3A_1790] : memref<2x8192x128xf32, #tpu.memory_space<vmem>>, vector<1x128x128xf32>
    %swap3A_1792 = vector.shape_cast %swap3A_1791 : vector<1x128x128xf32> to vector<128x128xf32>
    %swap3A_1793 = vector.shape_cast %convert_element_type3A_1781 : vector<128x128xf32> to vector<1x128x128xf32>
    tpu.vector_store %arg5[%swap3A_1788, %swap3A_1789, %swap3A_1790], %swap3A_1793 {strides = array<i32>} : memref<2x8192x128xf32, #tpu.memory_space<vmem>>, vector<1x128x128xf32>,
    %slice3A_1794 = vector.extract_strided_slice %get3A_6 {offsets = [0, 23], sizes = [128, 1], strides = [1, 1]} : vector<128x64xf32> to vector<128x1xf32>
    %slice3A_1795 = vector.extract_strided_slice %get3A_11 {offsets = [0, 23], sizes = [128, 1], strides = [1, 1]} : vector<128x64xf32> to vector<128x1xf32>
    %get3A_1796 = arith.constant 2944 : index
    %get3A_1797 = arith.constant 0 : index
    %get3A_1798 = vector.load %arg3[%get3A_1796, %get3A_1797] : memref<8192x128xf32, #tpu.memory_space<vmem>>, vector<128x128xf32>
    %sub3A_1799 = vector.broadcast %slice3A_1794 : vector<128x1xf32> to vector<128x128xf32>
    %sub3A_1800 = vector.broadcast %get3A_1 : vector<1x128xf32> to vector<128x128xf32>
    %sub3A_1801 = arith.subf %sub3A_1799, %sub3A_1800 : vector<128x128xf32>
    %mul3A_1802 = arith.constant -3.276800e+02 : f32
    %mul3A_1803 = vector.broadcast %mul3A_1802 : f32 to vector<128x128xf32>
    %mul3A_1804 = arith.mulf %mul3A_1803, %sub3A_1801 : vector<128x128xf32>
    %mul3A_1805 = arith.mulf %mul3A_1804, %sub3A_1801 : vector<128x128xf32>
    %add3A_1806 = vector.broadcast %slice3A_1795 : vector<128x1xf32> to vector<128x128xf32>
    %add3A_1807 = arith.addf %mul3A_1805, %add3A_1806 : vector<128x128xf32>
    %abs3A_1808 = math.absf %get3A_1798 : vector<128x128xf32>
    %bitcast_convert_type3A_1809 = tpu.bitcast %abs3A_1808 : vector<128x128xf32> -> vector<128x128xi32>
    %shift_right_arithmetic3A_1810 = arith.constant 23 : i32
    %shift_right_arithmetic3A_1811 = vector.broadcast %shift_right_arithmetic3A_1810 : i32 to vector<128x128xi32>
    %shift_right_arithmetic3A_1812 = arith.shrsi %bitcast_convert_type3A_1809, %shift_right_arithmetic3A_1811 : vector<128x128xi32>
    %sub3A_1813 = arith.constant 127 : i32
    %sub3A_1814 = vector.broadcast %sub3A_1813 : i32 to vector<128x128xi32>
    %sub3A_1815 = arith.subi %shift_right_arithmetic3A_1812, %sub3A_1814 : vector<128x128xi32>
    %and3A_1816 = arith.constant 8388607 : i32
    %and3A_1817 = vector.broadcast %and3A_1816 : i32 to vector<128x128xi32>
    %and3A_1818 = arith.andi %bitcast_convert_type3A_1809, %and3A_1817 : vector<128x128xi32>
    %or3A_1819 = arith.constant 1065353216 : i32
    %or3A_1820 = vector.broadcast %or3A_1819 : i32 to vector<128x128xi32>
    %or3A_1821 = arith.ori %and3A_1818, %or3A_1820 : vector<128x128xi32>
    %bitcast_convert_type3A_1822 = tpu.bitcast %or3A_1821 : vector<128x128xi32> -> vector<128x128xf32>
    %mul3A_1823 = arith.constant -0.0248259846 : f32
    %mul3A_1824 = vector.broadcast %mul3A_1823 : f32 to vector<128x128xf32>
    %mul3A_1825 = arith.mulf %mul3A_1824, %bitcast_convert_type3A_1822 : vector<128x128xf32>
    %add3A_1826 = arith.constant 0.26686278 : f32
    %add3A_1827 = vector.broadcast %add3A_1826 : f32 to vector<128x128xf32>
    %add3A_1828 = arith.addf %mul3A_1825, %add3A_1827 : vector<128x128xf32>
    %mul3A_1829 = arith.mulf %add3A_1828, %bitcast_convert_type3A_1822 : vector<128x128xf32>
    %add3A_1830 = arith.constant -1.23427987 : f32
    %add3A_1831 = vector.broadcast %add3A_1830 : f32 to vector<128x128xf32>
    %add3A_1832 = arith.addf %mul3A_1829, %add3A_1831 : vector<128x128xf32>
    %mul3A_1833 = arith.mulf %add3A_1832, %bitcast_convert_type3A_1822 : vector<128x128xf32>
    %add3A_1834 = arith.constant 3.218870e+00 : f32
    %add3A_1835 = vector.broadcast %add3A_1834 : f32 to vector<128x128xf32>
    %add3A_1836 = arith.addf %mul3A_1833, %add3A_1835 : vector<128x128xf32>
    %mul3A_1837 = arith.mulf %add3A_1836, %bitcast_convert_type3A_1822 : vector<128x128xf32>
    %add3A_1838 = arith.constant -5.26415539 : f32
    %add3A_1839 = vector.broadcast %add3A_1838 : f32 to vector<128x128xf32>
    %add3A_1840 = arith.addf %mul3A_1837, %add3A_1839 : vector<128x128xf32>
    %mul3A_1841 = arith.mulf %add3A_1840, %bitcast_convert_type3A_1822 : vector<128x128xf32>
    %add3A_1842 = arith.constant 6.06585884 : f32
    %add3A_1843 = vector.broadcast %add3A_1842 : f32 to vector<128x128xf32>
    %add3A_1844 = arith.addf %mul3A_1841, %add3A_1843 : vector<128x128xf32>
    %mul3A_1845 = arith.mulf %add3A_1844, %bitcast_convert_type3A_1822 : vector<128x128xf32>
    %add3A_1846 = arith.constant -3.02832508 : f32
    %add3A_1847 = vector.broadcast %add3A_1846 : f32 to vector<128x128xf32>
    %add3A_1848 = arith.addf %mul3A_1845, %add3A_1847 : vector<128x128xf32>
    %convert_element_type3A_1849 = arith.sitofp %sub3A_1815 : vector<128x128xi32> to vector<128x128xf32>
    %add3A_1850 = arith.addf %convert_element_type3A_1849, %add3A_1848 : vector<128x128xf32>
    %mul3A_1851 = arith.constant 0.693147182 : f32
    %mul3A_1852 = vector.broadcast %mul3A_1851 : f32 to vector<128x128xf32>
    %mul3A_1853 = arith.mulf %add3A_1850, %mul3A_1852 : vector<128x128xf32>
    %add3A_1854 = arith.addf %mul3A_1853, %add3A_1807 : vector<128x128xf32>
    %bitcast_convert_type3A_1855 = tpu.bitcast %get3A_1798 : vector<128x128xf32> -> vector<128x128xi32>
    %shift_right_logical3A_1856 = arith.constant 31 : i32
    %shift_right_logical3A_1857 = vector.broadcast %shift_right_logical3A_1856 : i32 to vector<128x128xi32>
    %shift_right_logical3A_1858 = arith.shrui %bitcast_convert_type3A_1855, %shift_right_logical3A_1857 : vector<128x128xi32>
    %convert_element_type3A_1859 = arith.sitofp %shift_right_logical3A_1858 : vector<128x128xi32> to vector<128x128xf32>
    %swap3A_1860 = arith.constant 0 : index
    %swap3A_1861 = arith.constant 2944 : index
    %swap3A_1862 = arith.constant 0 : index
    %swap3A_1863 = vector.load %arg5[%swap3A_1860, %swap3A_1861, %swap3A_1862] : memref<2x8192x128xf32, #tpu.memory_space<vmem>>, vector<1x128x128xf32>
    %swap3A_1864 = vector.shape_cast %swap3A_1863 : vector<1x128x128xf32> to vector<128x128xf32>
    %swap3A_1865 = vector.shape_cast %add3A_1854 : vector<128x128xf32> to vector<1x128x128xf32>
    tpu.vector_store %arg5[%swap3A_1860, %swap3A_1861, %swap3A_1862], %swap3A_1865 {strides = array<i32>} : memref<2x8192x128xf32, #tpu.memory_space<vmem>>, vector<1x128x128xf32>,
    %swap3A_1866 = arith.constant 1 : index
    %swap3A_1867 = arith.constant 2944 : index
    %swap3A_1868 = arith.constant 0 : index
    %swap3A_1869 = vector.load %arg5[%swap3A_1866, %swap3A_1867, %swap3A_1868] : memref<2x8192x128xf32, #tpu.memory_space<vmem>>, vector<1x128x128xf32>
    %swap3A_1870 = vector.shape_cast %swap3A_1869 : vector<1x128x128xf32> to vector<128x128xf32>
    %swap3A_1871 = vector.shape_cast %convert_element_type3A_1859 : vector<128x128xf32> to vector<1x128x128xf32>
    tpu.vector_store %arg5[%swap3A_1866, %swap3A_1867, %swap3A_1868], %swap3A_1871 {strides = array<i32>} : memref<2x8192x128xf32, #tpu.memory_space<vmem>>, vector<1x128x128xf32>,
    %slice3A_1872 = vector.extract_strided_slice %get3A_6 {offsets = [0, 24], sizes = [128, 1], strides = [1, 1]} : vector<128x64xf32> to vector<128x1xf32>
    %slice3A_1873 = vector.extract_strided_slice %get3A_11 {offsets = [0, 24], sizes = [128, 1], strides = [1, 1]} : vector<128x64xf32> to vector<128x1xf32>
    %get3A_1874 = arith.constant 3072 : index
    %get3A_1875 = arith.constant 0 : index
    %get3A_1876 = vector.load %arg3[%get3A_1874, %get3A_1875] : memref<8192x128xf32, #tpu.memory_space<vmem>>, vector<128x128xf32>
    %sub3A_1877 = vector.broadcast %slice3A_1872 : vector<128x1xf32> to vector<128x128xf32>
    %sub3A_1878 = vector.broadcast %get3A_1 : vector<1x128xf32> to vector<128x128xf32>
    %sub3A_1879 = arith.subf %sub3A_1877, %sub3A_1878 : vector<128x128xf32>
    %mul3A_1880 = arith.constant -3.276800e+02 : f32
    %mul3A_1881 = vector.broadcast %mul3A_1880 : f32 to vector<128x128xf32>
    %mul3A_1882 = arith.mulf %mul3A_1881, %sub3A_1879 : vector<128x128xf32>
    %mul3A_1883 = arith.mulf %mul3A_1882, %sub3A_1879 : vector<128x128xf32>
    %add3A_1884 = vector.broadcast %slice3A_1873 : vector<128x1xf32> to vector<128x128xf32>
    %add3A_1885 = arith.addf %mul3A_1883, %add3A_1884 : vector<128x128xf32>
    %abs3A_1886 = math.absf %get3A_1876 : vector<128x128xf32>
    %bitcast_convert_type3A_1887 = tpu.bitcast %abs3A_1886 : vector<128x128xf32> -> vector<128x128xi32>
    %shift_right_arithmetic3A_1888 = arith.constant 23 : i32
    %shift_right_arithmetic3A_1889 = vector.broadcast %shift_right_arithmetic3A_1888 : i32 to vector<128x128xi32>
    %shift_right_arithmetic3A_1890 = arith.shrsi %bitcast_convert_type3A_1887, %shift_right_arithmetic3A_1889 : vector<128x128xi32>
    %sub3A_1891 = arith.constant 127 : i32
    %sub3A_1892 = vector.broadcast %sub3A_1891 : i32 to vector<128x128xi32>
    %sub3A_1893 = arith.subi %shift_right_arithmetic3A_1890, %sub3A_1892 : vector<128x128xi32>
    %and3A_1894 = arith.constant 8388607 : i32
    %and3A_1895 = vector.broadcast %and3A_1894 : i32 to vector<128x128xi32>
    %and3A_1896 = arith.andi %bitcast_convert_type3A_1887, %and3A_1895 : vector<128x128xi32>
    %or3A_1897 = arith.constant 1065353216 : i32
    %or3A_1898 = vector.broadcast %or3A_1897 : i32 to vector<128x128xi32>
    %or3A_1899 = arith.ori %and3A_1896, %or3A_1898 : vector<128x128xi32>
    %bitcast_convert_type3A_1900 = tpu.bitcast %or3A_1899 : vector<128x128xi32> -> vector<128x128xf32>
    %mul3A_1901 = arith.constant -0.0248259846 : f32
    %mul3A_1902 = vector.broadcast %mul3A_1901 : f32 to vector<128x128xf32>
    %mul3A_1903 = arith.mulf %mul3A_1902, %bitcast_convert_type3A_1900 : vector<128x128xf32>
    %add3A_1904 = arith.constant 0.26686278 : f32
    %add3A_1905 = vector.broadcast %add3A_1904 : f32 to vector<128x128xf32>
    %add3A_1906 = arith.addf %mul3A_1903, %add3A_1905 : vector<128x128xf32>
    %mul3A_1907 = arith.mulf %add3A_1906, %bitcast_convert_type3A_1900 : vector<128x128xf32>
    %add3A_1908 = arith.constant -1.23427987 : f32
    %add3A_1909 = vector.broadcast %add3A_1908 : f32 to vector<128x128xf32>
    %add3A_1910 = arith.addf %mul3A_1907, %add3A_1909 : vector<128x128xf32>
    %mul3A_1911 = arith.mulf %add3A_1910, %bitcast_convert_type3A_1900 : vector<128x128xf32>
    %add3A_1912 = arith.constant 3.218870e+00 : f32
    %add3A_1913 = vector.broadcast %add3A_1912 : f32 to vector<128x128xf32>
    %add3A_1914 = arith.addf %mul3A_1911, %add3A_1913 : vector<128x128xf32>
    %mul3A_1915 = arith.mulf %add3A_1914, %bitcast_convert_type3A_1900 : vector<128x128xf32>
    %add3A_1916 = arith.constant -5.26415539 : f32
    %add3A_1917 = vector.broadcast %add3A_1916 : f32 to vector<128x128xf32>
    %add3A_1918 = arith.addf %mul3A_1915, %add3A_1917 : vector<128x128xf32>
    %mul3A_1919 = arith.mulf %add3A_1918, %bitcast_convert_type3A_1900 : vector<128x128xf32>
    %add3A_1920 = arith.constant 6.06585884 : f32
    %add3A_1921 = vector.broadcast %add3A_1920 : f32 to vector<128x128xf32>
    %add3A_1922 = arith.addf %mul3A_1919, %add3A_1921 : vector<128x128xf32>
    %mul3A_1923 = arith.mulf %add3A_1922, %bitcast_convert_type3A_1900 : vector<128x128xf32>
    %add3A_1924 = arith.constant -3.02832508 : f32
    %add3A_1925 = vector.broadcast %add3A_1924 : f32 to vector<128x128xf32>
    %add3A_1926 = arith.addf %mul3A_1923, %add3A_1925 : vector<128x128xf32>
    %convert_element_type3A_1927 = arith.sitofp %sub3A_1893 : vector<128x128xi32> to vector<128x128xf32>
    %add3A_1928 = arith.addf %convert_element_type3A_1927, %add3A_1926 : vector<128x128xf32>
    %mul3A_1929 = arith.constant 0.693147182 : f32
    %mul3A_1930 = vector.broadcast %mul3A_1929 : f32 to vector<128x128xf32>
    %mul3A_1931 = arith.mulf %add3A_1928, %mul3A_1930 : vector<128x128xf32>
    %add3A_1932 = arith.addf %mul3A_1931, %add3A_1885 : vector<128x128xf32>
    %bitcast_convert_type3A_1933 = tpu.bitcast %get3A_1876 : vector<128x128xf32> -> vector<128x128xi32>
    %shift_right_logical3A_1934 = arith.constant 31 : i32
    %shift_right_logical3A_1935 = vector.broadcast %shift_right_logical3A_1934 : i32 to vector<128x128xi32>
    %shift_right_logical3A_1936 = arith.shrui %bitcast_convert_type3A_1933, %shift_right_logical3A_1935 : vector<128x128xi32>
    %convert_element_type3A_1937 = arith.sitofp %shift_right_logical3A_1936 : vector<128x128xi32> to vector<128x128xf32>
    %swap3A_1938 = arith.constant 0 : index
    %swap3A_1939 = arith.constant 3072 : index
    %swap3A_1940 = arith.constant 0 : index
    %swap3A_1941 = vector.load %arg5[%swap3A_1938, %swap3A_1939, %swap3A_1940] : memref<2x8192x128xf32, #tpu.memory_space<vmem>>, vector<1x128x128xf32>
    %swap3A_1942 = vector.shape_cast %swap3A_1941 : vector<1x128x128xf32> to vector<128x128xf32>
    %swap3A_1943 = vector.shape_cast %add3A_1932 : vector<128x128xf32> to vector<1x128x128xf32>
    tpu.vector_store %arg5[%swap3A_1938, %swap3A_1939, %swap3A_1940], %swap3A_1943 {strides = array<i32>} : memref<2x8192x128xf32, #tpu.memory_space<vmem>>, vector<1x128x128xf32>,
    %swap3A_1944 = arith.constant 1 : index
    %swap3A_1945 = arith.constant 3072 : index
    %swap3A_1946 = arith.constant 0 : index
    %swap3A_1947 = vector.load %arg5[%swap3A_1944, %swap3A_1945, %swap3A_1946] : memref<2x8192x128xf32, #tpu.memory_space<vmem>>, vector<1x128x128xf32>
    %swap3A_1948 = vector.shape_cast %swap3A_1947 : vector<1x128x128xf32> to vector<128x128xf32>
    %swap3A_1949 = vector.shape_cast %convert_element_type3A_1937 : vector<128x128xf32> to vector<1x128x128xf32>
    tpu.vector_store %arg5[%swap3A_1944, %swap3A_1945, %swap3A_1946], %swap3A_1949 {strides = array<i32>} : memref<2x8192x128xf32, #tpu.memory_space<vmem>>, vector<1x128x128xf32>,
    %slice3A_1950 = vector.extract_strided_slice %get3A_6 {offsets = [0, 25], sizes = [128, 1], strides = [1, 1]} : vector<128x64xf32> to vector<128x1xf32>
    %slice3A_1951 = vector.extract_strided_slice %get3A_11 {offsets = [0, 25], sizes = [128, 1], strides = [1, 1]} : vector<128x64xf32> to vector<128x1xf32>
    %get3A_1952 = arith.constant 3200 : index
    %get3A_1953 = arith.constant 0 : index
    %get3A_1954 = vector.load %arg3[%get3A_1952, %get3A_1953] : memref<8192x128xf32, #tpu.memory_space<vmem>>, vector<128x128xf32>
    %sub3A_1955 = vector.broadcast %slice3A_1950 : vector<128x1xf32> to vector<128x128xf32>
    %sub3A_1956 = vector.broadcast %get3A_1 : vector<1x128xf32> to vector<128x128xf32>
    %sub3A_1957 = arith.subf %sub3A_1955, %sub3A_1956 : vector<128x128xf32>
    %mul3A_1958 = arith.constant -3.276800e+02 : f32
    %mul3A_1959 = vector.broadcast %mul3A_1958 : f32 to vector<128x128xf32>
    %mul3A_1960 = arith.mulf %mul3A_1959, %sub3A_1957 : vector<128x128xf32>
    %mul3A_1961 = arith.mulf %mul3A_1960, %sub3A_1957 : vector<128x128xf32>
    %add3A_1962 = vector.broadcast %slice3A_1951 : vector<128x1xf32> to vector<128x128xf32>
    %add3A_1963 = arith.addf %mul3A_1961, %add3A_1962 : vector<128x128xf32>
    %abs3A_1964 = math.absf %get3A_1954 : vector<128x128xf32>
    %bitcast_convert_type3A_1965 = tpu.bitcast %abs3A_1964 : vector<128x128xf32> -> vector<128x128xi32>
    %shift_right_arithmetic3A_1966 = arith.constant 23 : i32
    %shift_right_arithmetic3A_1967 = vector.broadcast %shift_right_arithmetic3A_1966 : i32 to vector<128x128xi32>
    %shift_right_arithmetic3A_1968 = arith.shrsi %bitcast_convert_type3A_1965, %shift_right_arithmetic3A_1967 : vector<128x128xi32>
    %sub3A_1969 = arith.constant 127 : i32
    %sub3A_1970 = vector.broadcast %sub3A_1969 : i32 to vector<128x128xi32>
    %sub3A_1971 = arith.subi %shift_right_arithmetic3A_1968, %sub3A_1970 : vector<128x128xi32>
    %and3A_1972 = arith.constant 8388607 : i32
    %and3A_1973 = vector.broadcast %and3A_1972 : i32 to vector<128x128xi32>
    %and3A_1974 = arith.andi %bitcast_convert_type3A_1965, %and3A_1973 : vector<128x128xi32>
    %or3A_1975 = arith.constant 1065353216 : i32
    %or3A_1976 = vector.broadcast %or3A_1975 : i32 to vector<128x128xi32>
    %or3A_1977 = arith.ori %and3A_1974, %or3A_1976 : vector<128x128xi32>
    %bitcast_convert_type3A_1978 = tpu.bitcast %or3A_1977 : vector<128x128xi32> -> vector<128x128xf32>
    %mul3A_1979 = arith.constant -0.0248259846 : f32
    %mul3A_1980 = vector.broadcast %mul3A_1979 : f32 to vector<128x128xf32>
    %mul3A_1981 = arith.mulf %mul3A_1980, %bitcast_convert_type3A_1978 : vector<128x128xf32>
    %add3A_1982 = arith.constant 0.26686278 : f32
    %add3A_1983 = vector.broadcast %add3A_1982 : f32 to vector<128x128xf32>
    %add3A_1984 = arith.addf %mul3A_1981, %add3A_1983 : vector<128x128xf32>
    %mul3A_1985 = arith.mulf %add3A_1984, %bitcast_convert_type3A_1978 : vector<128x128xf32>
    %add3A_1986 = arith.constant -1.23427987 : f32
    %add3A_1987 = vector.broadcast %add3A_1986 : f32 to vector<128x128xf32>
    %add3A_1988 = arith.addf %mul3A_1985, %add3A_1987 : vector<128x128xf32>
    %mul3A_1989 = arith.mulf %add3A_1988, %bitcast_convert_type3A_1978 : vector<128x128xf32>
    %add3A_1990 = arith.constant 3.218870e+00 : f32
    %add3A_1991 = vector.broadcast %add3A_1990 : f32 to vector<128x128xf32>
    %add3A_1992 = arith.addf %mul3A_1989, %add3A_1991 : vector<128x128xf32>
    %mul3A_1993 = arith.mulf %add3A_1992, %bitcast_convert_type3A_1978 : vector<128x128xf32>
    %add3A_1994 = arith.constant -5.26415539 : f32
    %add3A_1995 = vector.broadcast %add3A_1994 : f32 to vector<128x128xf32>
    %add3A_1996 = arith.addf %mul3A_1993, %add3A_1995 : vector<128x128xf32>
    %mul3A_1997 = arith.mulf %add3A_1996, %bitcast_convert_type3A_1978 : vector<128x128xf32>
    %add3A_1998 = arith.constant 6.06585884 : f32
    %add3A_1999 = vector.broadcast %add3A_1998 : f32 to vector<128x128xf32>
    %add3A_2000 = arith.addf %mul3A_1997, %add3A_1999 : vector<128x128xf32>
    %mul3A_2001 = arith.mulf %add3A_2000, %bitcast_convert_type3A_1978 : vector<128x128xf32>
    %add3A_2002 = arith.constant -3.02832508 : f32
    %add3A_2003 = vector.broadcast %add3A_2002 : f32 to vector<128x128xf32>
    %add3A_2004 = arith.addf %mul3A_2001, %add3A_2003 : vector<128x128xf32>
    %convert_element_type3A_2005 = arith.sitofp %sub3A_1971 : vector<128x128xi32> to vector<128x128xf32>
    %add3A_2006 = arith.addf %convert_element_type3A_2005, %add3A_2004 : vector<128x128xf32>
    %mul3A_2007 = arith.constant 0.693147182 : f32
    %mul3A_2008 = vector.broadcast %mul3A_2007 : f32 to vector<128x128xf32>
    %mul3A_2009 = arith.mulf %add3A_2006, %mul3A_2008 : vector<128x128xf32>
    %add3A_2010 = arith.addf %mul3A_2009, %add3A_1963 : vector<128x128xf32>
    %bitcast_convert_type3A_2011 = tpu.bitcast %get3A_1954 : vector<128x128xf32> -> vector<128x128xi32>
    %shift_right_logical3A_2012 = arith.constant 31 : i32
    %shift_right_logical3A_2013 = vector.broadcast %shift_right_logical3A_2012 : i32 to vector<128x128xi32>
    %shift_right_logical3A_2014 = arith.shrui %bitcast_convert_type3A_2011, %shift_right_logical3A_2013 : vector<128x128xi32>
    %convert_element_type3A_2015 = arith.sitofp %shift_right_logical3A_2014 : vector<128x128xi32> to vector<128x128xf32>
    %swap3A_2016 = arith.constant 0 : index
    %swap3A_2017 = arith.constant 3200 : index
    %swap3A_2018 = arith.constant 0 : index
    %swap3A_2019 = vector.load %arg5[%swap3A_2016, %swap3A_2017, %swap3A_2018] : memref<2x8192x128xf32, #tpu.memory_space<vmem>>, vector<1x128x128xf32>
    %swap3A_2020 = vector.shape_cast %swap3A_2019 : vector<1x128x128xf32> to vector<128x128xf32>
    %swap3A_2021 = vector.shape_cast %add3A_2010 : vector<128x128xf32> to vector<1x128x128xf32>
    tpu.vector_store %arg5[%swap3A_2016, %swap3A_2017, %swap3A_2018], %swap3A_2021 {strides = array<i32>} : memref<2x8192x128xf32, #tpu.memory_space<vmem>>, vector<1x128x128xf32>,
    %swap3A_2022 = arith.constant 1 : index
    %swap3A_2023 = arith.constant 3200 : index
    %swap3A_2024 = arith.constant 0 : index
    %swap3A_2025 = vector.load %arg5[%swap3A_2022, %swap3A_2023, %swap3A_2024] : memref<2x8192x128xf32, #tpu.memory_space<vmem>>, vector<1x128x128xf32>
    %swap3A_2026 = vector.shape_cast %swap3A_2025 : vector<1x128x128xf32> to vector<128x128xf32>
    %swap3A_2027 = vector.shape_cast %convert_element_type3A_2015 : vector<128x128xf32> to vector<1x128x128xf32>
    tpu.vector_store %arg5[%swap3A_2022, %swap3A_2023, %swap3A_2024], %swap3A_2027 {strides = array<i32>} : memref<2x8192x128xf32, #tpu.memory_space<vmem>>, vector<1x128x128xf32>,
    %slice3A_2028 = vector.extract_strided_slice %get3A_6 {offsets = [0, 26], sizes = [128, 1], strides = [1, 1]} : vector<128x64xf32> to vector<128x1xf32>
    %slice3A_2029 = vector.extract_strided_slice %get3A_11 {offsets = [0, 26], sizes = [128, 1], strides = [1, 1]} : vector<128x64xf32> to vector<128x1xf32>
    %get3A_2030 = arith.constant 3328 : index
    %get3A_2031 = arith.constant 0 : index
    %get3A_2032 = vector.load %arg3[%get3A_2030, %get3A_2031] : memref<8192x128xf32, #tpu.memory_space<vmem>>, vector<128x128xf32>
    %sub3A_2033 = vector.broadcast %slice3A_2028 : vector<128x1xf32> to vector<128x128xf32>
    %sub3A_2034 = vector.broadcast %get3A_1 : vector<1x128xf32> to vector<128x128xf32>
    %sub3A_2035 = arith.subf %sub3A_2033, %sub3A_2034 : vector<128x128xf32>
    %mul3A_2036 = arith.constant -3.276800e+02 : f32
    %mul3A_2037 = vector.broadcast %mul3A_2036 : f32 to vector<128x128xf32>
    %mul3A_2038 = arith.mulf %mul3A_2037, %sub3A_2035 : vector<128x128xf32>
    %mul3A_2039 = arith.mulf %mul3A_2038, %sub3A_2035 : vector<128x128xf32>
    %add3A_2040 = vector.broadcast %slice3A_2029 : vector<128x1xf32> to vector<128x128xf32>
    %add3A_2041 = arith.addf %mul3A_2039, %add3A_2040 : vector<128x128xf32>
    %abs3A_2042 = math.absf %get3A_2032 : vector<128x128xf32>
    %bitcast_convert_type3A_2043 = tpu.bitcast %abs3A_2042 : vector<128x128xf32> -> vector<128x128xi32>
    %shift_right_arithmetic3A_2044 = arith.constant 23 : i32
    %shift_right_arithmetic3A_2045 = vector.broadcast %shift_right_arithmetic3A_2044 : i32 to vector<128x128xi32>
    %shift_right_arithmetic3A_2046 = arith.shrsi %bitcast_convert_type3A_2043, %shift_right_arithmetic3A_2045 : vector<128x128xi32>
    %sub3A_2047 = arith.constant 127 : i32
    %sub3A_2048 = vector.broadcast %sub3A_2047 : i32 to vector<128x128xi32>
    %sub3A_2049 = arith.subi %shift_right_arithmetic3A_2046, %sub3A_2048 : vector<128x128xi32>
    %and3A_2050 = arith.constant 8388607 : i32
    %and3A_2051 = vector.broadcast %and3A_2050 : i32 to vector<128x128xi32>
    %and3A_2052 = arith.andi %bitcast_convert_type3A_2043, %and3A_2051 : vector<128x128xi32>
    %or3A_2053 = arith.constant 1065353216 : i32
    %or3A_2054 = vector.broadcast %or3A_2053 : i32 to vector<128x128xi32>
    %or3A_2055 = arith.ori %and3A_2052, %or3A_2054 : vector<128x128xi32>
    %bitcast_convert_type3A_2056 = tpu.bitcast %or3A_2055 : vector<128x128xi32> -> vector<128x128xf32>
    %mul3A_2057 = arith.constant -0.0248259846 : f32
    %mul3A_2058 = vector.broadcast %mul3A_2057 : f32 to vector<128x128xf32>
    %mul3A_2059 = arith.mulf %mul3A_2058, %bitcast_convert_type3A_2056 : vector<128x128xf32>
    %add3A_2060 = arith.constant 0.26686278 : f32
    %add3A_2061 = vector.broadcast %add3A_2060 : f32 to vector<128x128xf32>
    %add3A_2062 = arith.addf %mul3A_2059, %add3A_2061 : vector<128x128xf32>
    %mul3A_2063 = arith.mulf %add3A_2062, %bitcast_convert_type3A_2056 : vector<128x128xf32>
    %add3A_2064 = arith.constant -1.23427987 : f32
    %add3A_2065 = vector.broadcast %add3A_2064 : f32 to vector<128x128xf32>
    %add3A_2066 = arith.addf %mul3A_2063, %add3A_2065 : vector<128x128xf32>
    %mul3A_2067 = arith.mulf %add3A_2066, %bitcast_convert_type3A_2056 : vector<128x128xf32>
    %add3A_2068 = arith.constant 3.218870e+00 : f32
    %add3A_2069 = vector.broadcast %add3A_2068 : f32 to vector<128x128xf32>
    %add3A_2070 = arith.addf %mul3A_2067, %add3A_2069 : vector<128x128xf32>
    %mul3A_2071 = arith.mulf %add3A_2070, %bitcast_convert_type3A_2056 : vector<128x128xf32>
    %add3A_2072 = arith.constant -5.26415539 : f32
    %add3A_2073 = vector.broadcast %add3A_2072 : f32 to vector<128x128xf32>
    %add3A_2074 = arith.addf %mul3A_2071, %add3A_2073 : vector<128x128xf32>
    %mul3A_2075 = arith.mulf %add3A_2074, %bitcast_convert_type3A_2056 : vector<128x128xf32>
    %add3A_2076 = arith.constant 6.06585884 : f32
    %add3A_2077 = vector.broadcast %add3A_2076 : f32 to vector<128x128xf32>
    %add3A_2078 = arith.addf %mul3A_2075, %add3A_2077 : vector<128x128xf32>
    %mul3A_2079 = arith.mulf %add3A_2078, %bitcast_convert_type3A_2056 : vector<128x128xf32>
    %add3A_2080 = arith.constant -3.02832508 : f32
    %add3A_2081 = vector.broadcast %add3A_2080 : f32 to vector<128x128xf32>
    %add3A_2082 = arith.addf %mul3A_2079, %add3A_2081 : vector<128x128xf32>
    %convert_element_type3A_2083 = arith.sitofp %sub3A_2049 : vector<128x128xi32> to vector<128x128xf32>
    %add3A_2084 = arith.addf %convert_element_type3A_2083, %add3A_2082 : vector<128x128xf32>
    %mul3A_2085 = arith.constant 0.693147182 : f32
    %mul3A_2086 = vector.broadcast %mul3A_2085 : f32 to vector<128x128xf32>
    %mul3A_2087 = arith.mulf %add3A_2084, %mul3A_2086 : vector<128x128xf32>
    %add3A_2088 = arith.addf %mul3A_2087, %add3A_2041 : vector<128x128xf32>
    %bitcast_convert_type3A_2089 = tpu.bitcast %get3A_2032 : vector<128x128xf32> -> vector<128x128xi32>
    %shift_right_logical3A_2090 = arith.constant 31 : i32
    %shift_right_logical3A_2091 = vector.broadcast %shift_right_logical3A_2090 : i32 to vector<128x128xi32>
    %shift_right_logical3A_2092 = arith.shrui %bitcast_convert_type3A_2089, %shift_right_logical3A_2091 : vector<128x128xi32>
    %convert_element_type3A_2093 = arith.sitofp %shift_right_logical3A_2092 : vector<128x128xi32> to vector<128x128xf32>
    %swap3A_2094 = arith.constant 0 : index
    %swap3A_2095 = arith.constant 3328 : index
    %swap3A_2096 = arith.constant 0 : index
    %swap3A_2097 = vector.load %arg5[%swap3A_2094, %swap3A_2095, %swap3A_2096] : memref<2x8192x128xf32, #tpu.memory_space<vmem>>, vector<1x128x128xf32>
    %swap3A_2098 = vector.shape_cast %swap3A_2097 : vector<1x128x128xf32> to vector<128x128xf32>
    %swap3A_2099 = vector.shape_cast %add3A_2088 : vector<128x128xf32> to vector<1x128x128xf32>
    tpu.vector_store %arg5[%swap3A_2094, %swap3A_2095, %swap3A_2096], %swap3A_2099 {strides = array<i32>} : memref<2x8192x128xf32, #tpu.memory_space<vmem>>, vector<1x128x128xf32>,
    %swap3A_2100 = arith.constant 1 : index
    %swap3A_2101 = arith.constant 3328 : index
    %swap3A_2102 = arith.constant 0 : index
    %swap3A_2103 = vector.load %arg5[%swap3A_2100, %swap3A_2101, %swap3A_2102] : memref<2x8192x128xf32, #tpu.memory_space<vmem>>, vector<1x128x128xf32>
    %swap3A_2104 = vector.shape_cast %swap3A_2103 : vector<1x128x128xf32> to vector<128x128xf32>
    %swap3A_2105 = vector.shape_cast %convert_element_type3A_2093 : vector<128x128xf32> to vector<1x128x128xf32>
    tpu.vector_store %arg5[%swap3A_2100, %swap3A_2101, %swap3A_2102], %swap3A_2105 {strides = array<i32>} : memref<2x8192x128xf32, #tpu.memory_space<vmem>>, vector<1x128x128xf32>,
    %slice3A_2106 = vector.extract_strided_slice %get3A_6 {offsets = [0, 27], sizes = [128, 1], strides = [1, 1]} : vector<128x64xf32> to vector<128x1xf32>
    %slice3A_2107 = vector.extract_strided_slice %get3A_11 {offsets = [0, 27], sizes = [128, 1], strides = [1, 1]} : vector<128x64xf32> to vector<128x1xf32>
    %get3A_2108 = arith.constant 3456 : index
    %get3A_2109 = arith.constant 0 : index
    %get3A_2110 = vector.load %arg3[%get3A_2108, %get3A_2109] : memref<8192x128xf32, #tpu.memory_space<vmem>>, vector<128x128xf32>
    %sub3A_2111 = vector.broadcast %slice3A_2106 : vector<128x1xf32> to vector<128x128xf32>
    %sub3A_2112 = vector.broadcast %get3A_1 : vector<1x128xf32> to vector<128x128xf32>
    %sub3A_2113 = arith.subf %sub3A_2111, %sub3A_2112 : vector<128x128xf32>
    %mul3A_2114 = arith.constant -3.276800e+02 : f32
    %mul3A_2115 = vector.broadcast %mul3A_2114 : f32 to vector<128x128xf32>
    %mul3A_2116 = arith.mulf %mul3A_2115, %sub3A_2113 : vector<128x128xf32>
    %mul3A_2117 = arith.mulf %mul3A_2116, %sub3A_2113 : vector<128x128xf32>
    %add3A_2118 = vector.broadcast %slice3A_2107 : vector<128x1xf32> to vector<128x128xf32>
    %add3A_2119 = arith.addf %mul3A_2117, %add3A_2118 : vector<128x128xf32>
    %abs3A_2120 = math.absf %get3A_2110 : vector<128x128xf32>
    %bitcast_convert_type3A_2121 = tpu.bitcast %abs3A_2120 : vector<128x128xf32> -> vector<128x128xi32>
    %shift_right_arithmetic3A_2122 = arith.constant 23 : i32
    %shift_right_arithmetic3A_2123 = vector.broadcast %shift_right_arithmetic3A_2122 : i32 to vector<128x128xi32>
    %shift_right_arithmetic3A_2124 = arith.shrsi %bitcast_convert_type3A_2121, %shift_right_arithmetic3A_2123 : vector<128x128xi32>
    %sub3A_2125 = arith.constant 127 : i32
    %sub3A_2126 = vector.broadcast %sub3A_2125 : i32 to vector<128x128xi32>
    %sub3A_2127 = arith.subi %shift_right_arithmetic3A_2124, %sub3A_2126 : vector<128x128xi32>
    %and3A_2128 = arith.constant 8388607 : i32
    %and3A_2129 = vector.broadcast %and3A_2128 : i32 to vector<128x128xi32>
    %and3A_2130 = arith.andi %bitcast_convert_type3A_2121, %and3A_2129 : vector<128x128xi32>
    %or3A_2131 = arith.constant 1065353216 : i32
    %or3A_2132 = vector.broadcast %or3A_2131 : i32 to vector<128x128xi32>
    %or3A_2133 = arith.ori %and3A_2130, %or3A_2132 : vector<128x128xi32>
    %bitcast_convert_type3A_2134 = tpu.bitcast %or3A_2133 : vector<128x128xi32> -> vector<128x128xf32>
    %mul3A_2135 = arith.constant -0.0248259846 : f32
    %mul3A_2136 = vector.broadcast %mul3A_2135 : f32 to vector<128x128xf32>
    %mul3A_2137 = arith.mulf %mul3A_2136, %bitcast_convert_type3A_2134 : vector<128x128xf32>
    %add3A_2138 = arith.constant 0.26686278 : f32
    %add3A_2139 = vector.broadcast %add3A_2138 : f32 to vector<128x128xf32>
    %add3A_2140 = arith.addf %mul3A_2137, %add3A_2139 : vector<128x128xf32>
    %mul3A_2141 = arith.mulf %add3A_2140, %bitcast_convert_type3A_2134 : vector<128x128xf32>
    %add3A_2142 = arith.constant -1.23427987 : f32
    %add3A_2143 = vector.broadcast %add3A_2142 : f32 to vector<128x128xf32>
    %add3A_2144 = arith.addf %mul3A_2141, %add3A_2143 : vector<128x128xf32>
    %mul3A_2145 = arith.mulf %add3A_2144, %bitcast_convert_type3A_2134 : vector<128x128xf32>
    %add3A_2146 = arith.constant 3.218870e+00 : f32
    %add3A_2147 = vector.broadcast %add3A_2146 : f32 to vector<128x128xf32>
    %add3A_2148 = arith.addf %mul3A_2145, %add3A_2147 : vector<128x128xf32>
    %mul3A_2149 = arith.mulf %add3A_2148, %bitcast_convert_type3A_2134 : vector<128x128xf32>
    %add3A_2150 = arith.constant -5.26415539 : f32
    %add3A_2151 = vector.broadcast %add3A_2150 : f32 to vector<128x128xf32>
    %add3A_2152 = arith.addf %mul3A_2149, %add3A_2151 : vector<128x128xf32>
    %mul3A_2153 = arith.mulf %add3A_2152, %bitcast_convert_type3A_2134 : vector<128x128xf32>
    %add3A_2154 = arith.constant 6.06585884 : f32
    %add3A_2155 = vector.broadcast %add3A_2154 : f32 to vector<128x128xf32>
    %add3A_2156 = arith.addf %mul3A_2153, %add3A_2155 : vector<128x128xf32>
    %mul3A_2157 = arith.mulf %add3A_2156, %bitcast_convert_type3A_2134 : vector<128x128xf32>
    %add3A_2158 = arith.constant -3.02832508 : f32
    %add3A_2159 = vector.broadcast %add3A_2158 : f32 to vector<128x128xf32>
    %add3A_2160 = arith.addf %mul3A_2157, %add3A_2159 : vector<128x128xf32>
    %convert_element_type3A_2161 = arith.sitofp %sub3A_2127 : vector<128x128xi32> to vector<128x128xf32>
    %add3A_2162 = arith.addf %convert_element_type3A_2161, %add3A_2160 : vector<128x128xf32>
    %mul3A_2163 = arith.constant 0.693147182 : f32
    %mul3A_2164 = vector.broadcast %mul3A_2163 : f32 to vector<128x128xf32>
    %mul3A_2165 = arith.mulf %add3A_2162, %mul3A_2164 : vector<128x128xf32>
    %add3A_2166 = arith.addf %mul3A_2165, %add3A_2119 : vector<128x128xf32>
    %bitcast_convert_type3A_2167 = tpu.bitcast %get3A_2110 : vector<128x128xf32> -> vector<128x128xi32>
    %shift_right_logical3A_2168 = arith.constant 31 : i32
    %shift_right_logical3A_2169 = vector.broadcast %shift_right_logical3A_2168 : i32 to vector<128x128xi32>
    %shift_right_logical3A_2170 = arith.shrui %bitcast_convert_type3A_2167, %shift_right_logical3A_2169 : vector<128x128xi32>
    %convert_element_type3A_2171 = arith.sitofp %shift_right_logical3A_2170 : vector<128x128xi32> to vector<128x128xf32>
    %swap3A_2172 = arith.constant 0 : index
    %swap3A_2173 = arith.constant 3456 : index
    %swap3A_2174 = arith.constant 0 : index
    %swap3A_2175 = vector.load %arg5[%swap3A_2172, %swap3A_2173, %swap3A_2174] : memref<2x8192x128xf32, #tpu.memory_space<vmem>>, vector<1x128x128xf32>
    %swap3A_2176 = vector.shape_cast %swap3A_2175 : vector<1x128x128xf32> to vector<128x128xf32>
    %swap3A_2177 = vector.shape_cast %add3A_2166 : vector<128x128xf32> to vector<1x128x128xf32>
    tpu.vector_store %arg5[%swap3A_2172, %swap3A_2173, %swap3A_2174], %swap3A_2177 {strides = array<i32>} : memref<2x8192x128xf32, #tpu.memory_space<vmem>>, vector<1x128x128xf32>,
    %swap3A_2178 = arith.constant 1 : index
    %swap3A_2179 = arith.constant 3456 : index
    %swap3A_2180 = arith.constant 0 : index
    %swap3A_2181 = vector.load %arg5[%swap3A_2178, %swap3A_2179, %swap3A_2180] : memref<2x8192x128xf32, #tpu.memory_space<vmem>>, vector<1x128x128xf32>
    %swap3A_2182 = vector.shape_cast %swap3A_2181 : vector<1x128x128xf32> to vector<128x128xf32>
    %swap3A_2183 = vector.shape_cast %convert_element_type3A_2171 : vector<128x128xf32> to vector<1x128x128xf32>
    tpu.vector_store %arg5[%swap3A_2178, %swap3A_2179, %swap3A_2180], %swap3A_2183 {strides = array<i32>} : memref<2x8192x128xf32, #tpu.memory_space<vmem>>, vector<1x128x128xf32>,
    %slice3A_2184 = vector.extract_strided_slice %get3A_6 {offsets = [0, 28], sizes = [128, 1], strides = [1, 1]} : vector<128x64xf32> to vector<128x1xf32>
    %slice3A_2185 = vector.extract_strided_slice %get3A_11 {offsets = [0, 28], sizes = [128, 1], strides = [1, 1]} : vector<128x64xf32> to vector<128x1xf32>
    %get3A_2186 = arith.constant 3584 : index
    %get3A_2187 = arith.constant 0 : index
    %get3A_2188 = vector.load %arg3[%get3A_2186, %get3A_2187] : memref<8192x128xf32, #tpu.memory_space<vmem>>, vector<128x128xf32>
    %sub3A_2189 = vector.broadcast %slice3A_2184 : vector<128x1xf32> to vector<128x128xf32>
    %sub3A_2190 = vector.broadcast %get3A_1 : vector<1x128xf32> to vector<128x128xf32>
    %sub3A_2191 = arith.subf %sub3A_2189, %sub3A_2190 : vector<128x128xf32>
    %mul3A_2192 = arith.constant -3.276800e+02 : f32
    %mul3A_2193 = vector.broadcast %mul3A_2192 : f32 to vector<128x128xf32>
    %mul3A_2194 = arith.mulf %mul3A_2193, %sub3A_2191 : vector<128x128xf32>
    %mul3A_2195 = arith.mulf %mul3A_2194, %sub3A_2191 : vector<128x128xf32>
    %add3A_2196 = vector.broadcast %slice3A_2185 : vector<128x1xf32> to vector<128x128xf32>
    %add3A_2197 = arith.addf %mul3A_2195, %add3A_2196 : vector<128x128xf32>
    %abs3A_2198 = math.absf %get3A_2188 : vector<128x128xf32>
    %bitcast_convert_type3A_2199 = tpu.bitcast %abs3A_2198 : vector<128x128xf32> -> vector<128x128xi32>
    %shift_right_arithmetic3A_2200 = arith.constant 23 : i32
    %shift_right_arithmetic3A_2201 = vector.broadcast %shift_right_arithmetic3A_2200 : i32 to vector<128x128xi32>
    %shift_right_arithmetic3A_2202 = arith.shrsi %bitcast_convert_type3A_2199, %shift_right_arithmetic3A_2201 : vector<128x128xi32>
    %sub3A_2203 = arith.constant 127 : i32
    %sub3A_2204 = vector.broadcast %sub3A_2203 : i32 to vector<128x128xi32>
    %sub3A_2205 = arith.subi %shift_right_arithmetic3A_2202, %sub3A_2204 : vector<128x128xi32>
    %and3A_2206 = arith.constant 8388607 : i32
    %and3A_2207 = vector.broadcast %and3A_2206 : i32 to vector<128x128xi32>
    %and3A_2208 = arith.andi %bitcast_convert_type3A_2199, %and3A_2207 : vector<128x128xi32>
    %or3A_2209 = arith.constant 1065353216 : i32
    %or3A_2210 = vector.broadcast %or3A_2209 : i32 to vector<128x128xi32>
    %or3A_2211 = arith.ori %and3A_2208, %or3A_2210 : vector<128x128xi32>
    %bitcast_convert_type3A_2212 = tpu.bitcast %or3A_2211 : vector<128x128xi32> -> vector<128x128xf32>
    %mul3A_2213 = arith.constant -0.0248259846 : f32
    %mul3A_2214 = vector.broadcast %mul3A_2213 : f32 to vector<128x128xf32>
    %mul3A_2215 = arith.mulf %mul3A_2214, %bitcast_convert_type3A_2212 : vector<128x128xf32>
    %add3A_2216 = arith.constant 0.26686278 : f32
    %add3A_2217 = vector.broadcast %add3A_2216 : f32 to vector<128x128xf32>
    %add3A_2218 = arith.addf %mul3A_2215, %add3A_2217 : vector<128x128xf32>
    %mul3A_2219 = arith.mulf %add3A_2218, %bitcast_convert_type3A_2212 : vector<128x128xf32>
    %add3A_2220 = arith.constant -1.23427987 : f32
    %add3A_2221 = vector.broadcast %add3A_2220 : f32 to vector<128x128xf32>
    %add3A_2222 = arith.addf %mul3A_2219, %add3A_2221 : vector<128x128xf32>
    %mul3A_2223 = arith.mulf %add3A_2222, %bitcast_convert_type3A_2212 : vector<128x128xf32>
    %add3A_2224 = arith.constant 3.218870e+00 : f32
    %add3A_2225 = vector.broadcast %add3A_2224 : f32 to vector<128x128xf32>
    %add3A_2226 = arith.addf %mul3A_2223, %add3A_2225 : vector<128x128xf32>
    %mul3A_2227 = arith.mulf %add3A_2226, %bitcast_convert_type3A_2212 : vector<128x128xf32>
    %add3A_2228 = arith.constant -5.26415539 : f32
    %add3A_2229 = vector.broadcast %add3A_2228 : f32 to vector<128x128xf32>
    %add3A_2230 = arith.addf %mul3A_2227, %add3A_2229 : vector<128x128xf32>
    %mul3A_2231 = arith.mulf %add3A_2230, %bitcast_convert_type3A_2212 : vector<128x128xf32>
    %add3A_2232 = arith.constant 6.06585884 : f32
    %add3A_2233 = vector.broadcast %add3A_2232 : f32 to vector<128x128xf32>
    %add3A_2234 = arith.addf %mul3A_2231, %add3A_2233 : vector<128x128xf32>
    %mul3A_2235 = arith.mulf %add3A_2234, %bitcast_convert_type3A_2212 : vector<128x128xf32>
    %add3A_2236 = arith.constant -3.02832508 : f32
    %add3A_2237 = vector.broadcast %add3A_2236 : f32 to vector<128x128xf32>
    %add3A_2238 = arith.addf %mul3A_2235, %add3A_2237 : vector<128x128xf32>
    %convert_element_type3A_2239 = arith.sitofp %sub3A_2205 : vector<128x128xi32> to vector<128x128xf32>
    %add3A_2240 = arith.addf %convert_element_type3A_2239, %add3A_2238 : vector<128x128xf32>
    %mul3A_2241 = arith.constant 0.693147182 : f32
    %mul3A_2242 = vector.broadcast %mul3A_2241 : f32 to vector<128x128xf32>
    %mul3A_2243 = arith.mulf %add3A_2240, %mul3A_2242 : vector<128x128xf32>
    %add3A_2244 = arith.addf %mul3A_2243, %add3A_2197 : vector<128x128xf32>
    %bitcast_convert_type3A_2245 = tpu.bitcast %get3A_2188 : vector<128x128xf32> -> vector<128x128xi32>
    %shift_right_logical3A_2246 = arith.constant 31 : i32
    %shift_right_logical3A_2247 = vector.broadcast %shift_right_logical3A_2246 : i32 to vector<128x128xi32>
    %shift_right_logical3A_2248 = arith.shrui %bitcast_convert_type3A_2245, %shift_right_logical3A_2247 : vector<128x128xi32>
    %convert_element_type3A_2249 = arith.sitofp %shift_right_logical3A_2248 : vector<128x128xi32> to vector<128x128xf32>
    %swap3A_2250 = arith.constant 0 : index
    %swap3A_2251 = arith.constant 3584 : index
    %swap3A_2252 = arith.constant 0 : index
    %swap3A_2253 = vector.load %arg5[%swap3A_2250, %swap3A_2251, %swap3A_2252] : memref<2x8192x128xf32, #tpu.memory_space<vmem>>, vector<1x128x128xf32>
    %swap3A_2254 = vector.shape_cast %swap3A_2253 : vector<1x128x128xf32> to vector<128x128xf32>
    %swap3A_2255 = vector.shape_cast %add3A_2244 : vector<128x128xf32> to vector<1x128x128xf32>
    tpu.vector_store %arg5[%swap3A_2250, %swap3A_2251, %swap3A_2252], %swap3A_2255 {strides = array<i32>} : memref<2x8192x128xf32, #tpu.memory_space<vmem>>, vector<1x128x128xf32>,
    %swap3A_2256 = arith.constant 1 : index
    %swap3A_2257 = arith.constant 3584 : index
    %swap3A_2258 = arith.constant 0 : index
    %swap3A_2259 = vector.load %arg5[%swap3A_2256, %swap3A_2257, %swap3A_2258] : memref<2x8192x128xf32, #tpu.memory_space<vmem>>, vector<1x128x128xf32>
    %swap3A_2260 = vector.shape_cast %swap3A_2259 : vector<1x128x128xf32> to vector<128x128xf32>
    %swap3A_2261 = vector.shape_cast %convert_element_type3A_2249 : vector<128x128xf32> to vector<1x128x128xf32>
    tpu.vector_store %arg5[%swap3A_2256, %swap3A_2257, %swap3A_2258], %swap3A_2261 {strides = array<i32>} : memref<2x8192x128xf32, #tpu.memory_space<vmem>>, vector<1x128x128xf32>,
    %slice3A_2262 = vector.extract_strided_slice %get3A_6 {offsets = [0, 29], sizes = [128, 1], strides = [1, 1]} : vector<128x64xf32> to vector<128x1xf32>
    %slice3A_2263 = vector.extract_strided_slice %get3A_11 {offsets = [0, 29], sizes = [128, 1], strides = [1, 1]} : vector<128x64xf32> to vector<128x1xf32>
    %get3A_2264 = arith.constant 3712 : index
    %get3A_2265 = arith.constant 0 : index
    %get3A_2266 = vector.load %arg3[%get3A_2264, %get3A_2265] : memref<8192x128xf32, #tpu.memory_space<vmem>>, vector<128x128xf32>
    %sub3A_2267 = vector.broadcast %slice3A_2262 : vector<128x1xf32> to vector<128x128xf32>
    %sub3A_2268 = vector.broadcast %get3A_1 : vector<1x128xf32> to vector<128x128xf32>
    %sub3A_2269 = arith.subf %sub3A_2267, %sub3A_2268 : vector<128x128xf32>
    %mul3A_2270 = arith.constant -3.276800e+02 : f32
    %mul3A_2271 = vector.broadcast %mul3A_2270 : f32 to vector<128x128xf32>
    %mul3A_2272 = arith.mulf %mul3A_2271, %sub3A_2269 : vector<128x128xf32>
    %mul3A_2273 = arith.mulf %mul3A_2272, %sub3A_2269 : vector<128x128xf32>
    %add3A_2274 = vector.broadcast %slice3A_2263 : vector<128x1xf32> to vector<128x128xf32>
    %add3A_2275 = arith.addf %mul3A_2273, %add3A_2274 : vector<128x128xf32>
    %abs3A_2276 = math.absf %get3A_2266 : vector<128x128xf32>
    %bitcast_convert_type3A_2277 = tpu.bitcast %abs3A_2276 : vector<128x128xf32> -> vector<128x128xi32>
    %shift_right_arithmetic3A_2278 = arith.constant 23 : i32
    %shift_right_arithmetic3A_2279 = vector.broadcast %shift_right_arithmetic3A_2278 : i32 to vector<128x128xi32>
    %shift_right_arithmetic3A_2280 = arith.shrsi %bitcast_convert_type3A_2277, %shift_right_arithmetic3A_2279 : vector<128x128xi32>
    %sub3A_2281 = arith.constant 127 : i32
    %sub3A_2282 = vector.broadcast %sub3A_2281 : i32 to vector<128x128xi32>
    %sub3A_2283 = arith.subi %shift_right_arithmetic3A_2280, %sub3A_2282 : vector<128x128xi32>
    %and3A_2284 = arith.constant 8388607 : i32
    %and3A_2285 = vector.broadcast %and3A_2284 : i32 to vector<128x128xi32>
    %and3A_2286 = arith.andi %bitcast_convert_type3A_2277, %and3A_2285 : vector<128x128xi32>
    %or3A_2287 = arith.constant 1065353216 : i32
    %or3A_2288 = vector.broadcast %or3A_2287 : i32 to vector<128x128xi32>
    %or3A_2289 = arith.ori %and3A_2286, %or3A_2288 : vector<128x128xi32>
    %bitcast_convert_type3A_2290 = tpu.bitcast %or3A_2289 : vector<128x128xi32> -> vector<128x128xf32>
    %mul3A_2291 = arith.constant -0.0248259846 : f32
    %mul3A_2292 = vector.broadcast %mul3A_2291 : f32 to vector<128x128xf32>
    %mul3A_2293 = arith.mulf %mul3A_2292, %bitcast_convert_type3A_2290 : vector<128x128xf32>
    %add3A_2294 = arith.constant 0.26686278 : f32
    %add3A_2295 = vector.broadcast %add3A_2294 : f32 to vector<128x128xf32>
    %add3A_2296 = arith.addf %mul3A_2293, %add3A_2295 : vector<128x128xf32>
    %mul3A_2297 = arith.mulf %add3A_2296, %bitcast_convert_type3A_2290 : vector<128x128xf32>
    %add3A_2298 = arith.constant -1.23427987 : f32
    %add3A_2299 = vector.broadcast %add3A_2298 : f32 to vector<128x128xf32>
    %add3A_2300 = arith.addf %mul3A_2297, %add3A_2299 : vector<128x128xf32>
    %mul3A_2301 = arith.mulf %add3A_2300, %bitcast_convert_type3A_2290 : vector<128x128xf32>
    %add3A_2302 = arith.constant 3.218870e+00 : f32
    %add3A_2303 = vector.broadcast %add3A_2302 : f32 to vector<128x128xf32>
    %add3A_2304 = arith.addf %mul3A_2301, %add3A_2303 : vector<128x128xf32>
    %mul3A_2305 = arith.mulf %add3A_2304, %bitcast_convert_type3A_2290 : vector<128x128xf32>
    %add3A_2306 = arith.constant -5.26415539 : f32
    %add3A_2307 = vector.broadcast %add3A_2306 : f32 to vector<128x128xf32>
    %add3A_2308 = arith.addf %mul3A_2305, %add3A_2307 : vector<128x128xf32>
    %mul3A_2309 = arith.mulf %add3A_2308, %bitcast_convert_type3A_2290 : vector<128x128xf32>
    %add3A_2310 = arith.constant 6.06585884 : f32
    %add3A_2311 = vector.broadcast %add3A_2310 : f32 to vector<128x128xf32>
    %add3A_2312 = arith.addf %mul3A_2309, %add3A_2311 : vector<128x128xf32>
    %mul3A_2313 = arith.mulf %add3A_2312, %bitcast_convert_type3A_2290 : vector<128x128xf32>
    %add3A_2314 = arith.constant -3.02832508 : f32
    %add3A_2315 = vector.broadcast %add3A_2314 : f32 to vector<128x128xf32>
    %add3A_2316 = arith.addf %mul3A_2313, %add3A_2315 : vector<128x128xf32>
    %convert_element_type3A_2317 = arith.sitofp %sub3A_2283 : vector<128x128xi32> to vector<128x128xf32>
    %add3A_2318 = arith.addf %convert_element_type3A_2317, %add3A_2316 : vector<128x128xf32>
    %mul3A_2319 = arith.constant 0.693147182 : f32
    %mul3A_2320 = vector.broadcast %mul3A_2319 : f32 to vector<128x128xf32>
    %mul3A_2321 = arith.mulf %add3A_2318, %mul3A_2320 : vector<128x128xf32>
    %add3A_2322 = arith.addf %mul3A_2321, %add3A_2275 : vector<128x128xf32>
    %bitcast_convert_type3A_2323 = tpu.bitcast %get3A_2266 : vector<128x128xf32> -> vector<128x128xi32>
    %shift_right_logical3A_2324 = arith.constant 31 : i32
    %shift_right_logical3A_2325 = vector.broadcast %shift_right_logical3A_2324 : i32 to vector<128x128xi32>
    %shift_right_logical3A_2326 = arith.shrui %bitcast_convert_type3A_2323, %shift_right_logical3A_2325 : vector<128x128xi32>
    %convert_element_type3A_2327 = arith.sitofp %shift_right_logical3A_2326 : vector<128x128xi32> to vector<128x128xf32>
    %swap3A_2328 = arith.constant 0 : index
    %swap3A_2329 = arith.constant 3712 : index
    %swap3A_2330 = arith.constant 0 : index
    %swap3A_2331 = vector.load %arg5[%swap3A_2328, %swap3A_2329, %swap3A_2330] : memref<2x8192x128xf32, #tpu.memory_space<vmem>>, vector<1x128x128xf32>
    %swap3A_2332 = vector.shape_cast %swap3A_2331 : vector<1x128x128xf32> to vector<128x128xf32>
    %swap3A_2333 = vector.shape_cast %add3A_2322 : vector<128x128xf32> to vector<1x128x128xf32>
    tpu.vector_store %arg5[%swap3A_2328, %swap3A_2329, %swap3A_2330], %swap3A_2333 {strides = array<i32>} : memref<2x8192x128xf32, #tpu.memory_space<vmem>>, vector<1x128x128xf32>,
    %swap3A_2334 = arith.constant 1 : index
    %swap3A_2335 = arith.constant 3712 : index
    %swap3A_2336 = arith.constant 0 : index
    %swap3A_2337 = vector.load %arg5[%swap3A_2334, %swap3A_2335, %swap3A_2336] : memref<2x8192x128xf32, #tpu.memory_space<vmem>>, vector<1x128x128xf32>
    %swap3A_2338 = vector.shape_cast %swap3A_2337 : vector<1x128x128xf32> to vector<128x128xf32>
    %swap3A_2339 = vector.shape_cast %convert_element_type3A_2327 : vector<128x128xf32> to vector<1x128x128xf32>
    tpu.vector_store %arg5[%swap3A_2334, %swap3A_2335, %swap3A_2336], %swap3A_2339 {strides = array<i32>} : memref<2x8192x128xf32, #tpu.memory_space<vmem>>, vector<1x128x128xf32>,
    %slice3A_2340 = vector.extract_strided_slice %get3A_6 {offsets = [0, 30], sizes = [128, 1], strides = [1, 1]} : vector<128x64xf32> to vector<128x1xf32>
    %slice3A_2341 = vector.extract_strided_slice %get3A_11 {offsets = [0, 30], sizes = [128, 1], strides = [1, 1]} : vector<128x64xf32> to vector<128x1xf32>
    %get3A_2342 = arith.constant 3840 : index
    %get3A_2343 = arith.constant 0 : index
    %get3A_2344 = vector.load %arg3[%get3A_2342, %get3A_2343] : memref<8192x128xf32, #tpu.memory_space<vmem>>, vector<128x128xf32>
    %sub3A_2345 = vector.broadcast %slice3A_2340 : vector<128x1xf32> to vector<128x128xf32>
    %sub3A_2346 = vector.broadcast %get3A_1 : vector<1x128xf32> to vector<128x128xf32>
    %sub3A_2347 = arith.subf %sub3A_2345, %sub3A_2346 : vector<128x128xf32>
    %mul3A_2348 = arith.constant -3.276800e+02 : f32
    %mul3A_2349 = vector.broadcast %mul3A_2348 : f32 to vector<128x128xf32>
    %mul3A_2350 = arith.mulf %mul3A_2349, %sub3A_2347 : vector<128x128xf32>
    %mul3A_2351 = arith.mulf %mul3A_2350, %sub3A_2347 : vector<128x128xf32>
    %add3A_2352 = vector.broadcast %slice3A_2341 : vector<128x1xf32> to vector<128x128xf32>
    %add3A_2353 = arith.addf %mul3A_2351, %add3A_2352 : vector<128x128xf32>
    %abs3A_2354 = math.absf %get3A_2344 : vector<128x128xf32>
    %bitcast_convert_type3A_2355 = tpu.bitcast %abs3A_2354 : vector<128x128xf32> -> vector<128x128xi32>
    %shift_right_arithmetic3A_2356 = arith.constant 23 : i32
    %shift_right_arithmetic3A_2357 = vector.broadcast %shift_right_arithmetic3A_2356 : i32 to vector<128x128xi32>
    %shift_right_arithmetic3A_2358 = arith.shrsi %bitcast_convert_type3A_2355, %shift_right_arithmetic3A_2357 : vector<128x128xi32>
    %sub3A_2359 = arith.constant 127 : i32
    %sub3A_2360 = vector.broadcast %sub3A_2359 : i32 to vector<128x128xi32>
    %sub3A_2361 = arith.subi %shift_right_arithmetic3A_2358, %sub3A_2360 : vector<128x128xi32>
    %and3A_2362 = arith.constant 8388607 : i32
    %and3A_2363 = vector.broadcast %and3A_2362 : i32 to vector<128x128xi32>
    %and3A_2364 = arith.andi %bitcast_convert_type3A_2355, %and3A_2363 : vector<128x128xi32>
    %or3A_2365 = arith.constant 1065353216 : i32
    %or3A_2366 = vector.broadcast %or3A_2365 : i32 to vector<128x128xi32>
    %or3A_2367 = arith.ori %and3A_2364, %or3A_2366 : vector<128x128xi32>
    %bitcast_convert_type3A_2368 = tpu.bitcast %or3A_2367 : vector<128x128xi32> -> vector<128x128xf32>
    %mul3A_2369 = arith.constant -0.0248259846 : f32
    %mul3A_2370 = vector.broadcast %mul3A_2369 : f32 to vector<128x128xf32>
    %mul3A_2371 = arith.mulf %mul3A_2370, %bitcast_convert_type3A_2368 : vector<128x128xf32>
    %add3A_2372 = arith.constant 0.26686278 : f32
    %add3A_2373 = vector.broadcast %add3A_2372 : f32 to vector<128x128xf32>
    %add3A_2374 = arith.addf %mul3A_2371, %add3A_2373 : vector<128x128xf32>
    %mul3A_2375 = arith.mulf %add3A_2374, %bitcast_convert_type3A_2368 : vector<128x128xf32>
    %add3A_2376 = arith.constant -1.23427987 : f32
    %add3A_2377 = vector.broadcast %add3A_2376 : f32 to vector<128x128xf32>
    %add3A_2378 = arith.addf %mul3A_2375, %add3A_2377 : vector<128x128xf32>
    %mul3A_2379 = arith.mulf %add3A_2378, %bitcast_convert_type3A_2368 : vector<128x128xf32>
    %add3A_2380 = arith.constant 3.218870e+00 : f32
    %add3A_2381 = vector.broadcast %add3A_2380 : f32 to vector<128x128xf32>
    %add3A_2382 = arith.addf %mul3A_2379, %add3A_2381 : vector<128x128xf32>
    %mul3A_2383 = arith.mulf %add3A_2382, %bitcast_convert_type3A_2368 : vector<128x128xf32>
    %add3A_2384 = arith.constant -5.26415539 : f32
    %add3A_2385 = vector.broadcast %add3A_2384 : f32 to vector<128x128xf32>
    %add3A_2386 = arith.addf %mul3A_2383, %add3A_2385 : vector<128x128xf32>
    %mul3A_2387 = arith.mulf %add3A_2386, %bitcast_convert_type3A_2368 : vector<128x128xf32>
    %add3A_2388 = arith.constant 6.06585884 : f32
    %add3A_2389 = vector.broadcast %add3A_2388 : f32 to vector<128x128xf32>
    %add3A_2390 = arith.addf %mul3A_2387, %add3A_2389 : vector<128x128xf32>
    %mul3A_2391 = arith.mulf %add3A_2390, %bitcast_convert_type3A_2368 : vector<128x128xf32>
    %add3A_2392 = arith.constant -3.02832508 : f32
    %add3A_2393 = vector.broadcast %add3A_2392 : f32 to vector<128x128xf32>
    %add3A_2394 = arith.addf %mul3A_2391, %add3A_2393 : vector<128x128xf32>
    %convert_element_type3A_2395 = arith.sitofp %sub3A_2361 : vector<128x128xi32> to vector<128x128xf32>
    %add3A_2396 = arith.addf %convert_element_type3A_2395, %add3A_2394 : vector<128x128xf32>
    %mul3A_2397 = arith.constant 0.693147182 : f32
    %mul3A_2398 = vector.broadcast %mul3A_2397 : f32 to vector<128x128xf32>
    %mul3A_2399 = arith.mulf %add3A_2396, %mul3A_2398 : vector<128x128xf32>
    %add3A_2400 = arith.addf %mul3A_2399, %add3A_2353 : vector<128x128xf32>
    %bitcast_convert_type3A_2401 = tpu.bitcast %get3A_2344 : vector<128x128xf32> -> vector<128x128xi32>
    %shift_right_logical3A_2402 = arith.constant 31 : i32
    %shift_right_logical3A_2403 = vector.broadcast %shift_right_logical3A_2402 : i32 to vector<128x128xi32>
    %shift_right_logical3A_2404 = arith.shrui %bitcast_convert_type3A_2401, %shift_right_logical3A_2403 : vector<128x128xi32>
    %convert_element_type3A_2405 = arith.sitofp %shift_right_logical3A_2404 : vector<128x128xi32> to vector<128x128xf32>
    %swap3A_2406 = arith.constant 0 : index
    %swap3A_2407 = arith.constant 3840 : index
    %swap3A_2408 = arith.constant 0 : index
    %swap3A_2409 = vector.load %arg5[%swap3A_2406, %swap3A_2407, %swap3A_2408] : memref<2x8192x128xf32, #tpu.memory_space<vmem>>, vector<1x128x128xf32>
    %swap3A_2410 = vector.shape_cast %swap3A_2409 : vector<1x128x128xf32> to vector<128x128xf32>
    %swap3A_2411 = vector.shape_cast %add3A_2400 : vector<128x128xf32> to vector<1x128x128xf32>
    tpu.vector_store %arg5[%swap3A_2406, %swap3A_2407, %swap3A_2408], %swap3A_2411 {strides = array<i32>} : memref<2x8192x128xf32, #tpu.memory_space<vmem>>, vector<1x128x128xf32>,
    %swap3A_2412 = arith.constant 1 : index
    %swap3A_2413 = arith.constant 3840 : index
    %swap3A_2414 = arith.constant 0 : index
    %swap3A_2415 = vector.load %arg5[%swap3A_2412, %swap3A_2413, %swap3A_2414] : memref<2x8192x128xf32, #tpu.memory_space<vmem>>, vector<1x128x128xf32>
    %swap3A_2416 = vector.shape_cast %swap3A_2415 : vector<1x128x128xf32> to vector<128x128xf32>
    %swap3A_2417 = vector.shape_cast %convert_element_type3A_2405 : vector<128x128xf32> to vector<1x128x128xf32>
    tpu.vector_store %arg5[%swap3A_2412, %swap3A_2413, %swap3A_2414], %swap3A_2417 {strides = array<i32>} : memref<2x8192x128xf32, #tpu.memory_space<vmem>>, vector<1x128x128xf32>,
    %slice3A_2418 = vector.extract_strided_slice %get3A_6 {offsets = [0, 31], sizes = [128, 1], strides = [1, 1]} : vector<128x64xf32> to vector<128x1xf32>
    %slice3A_2419 = vector.extract_strided_slice %get3A_11 {offsets = [0, 31], sizes = [128, 1], strides = [1, 1]} : vector<128x64xf32> to vector<128x1xf32>
    %get3A_2420 = arith.constant 3968 : index
    %get3A_2421 = arith.constant 0 : index
    %get3A_2422 = vector.load %arg3[%get3A_2420, %get3A_2421] : memref<8192x128xf32, #tpu.memory_space<vmem>>, vector<128x128xf32>
    %sub3A_2423 = vector.broadcast %slice3A_2418 : vector<128x1xf32> to vector<128x128xf32>
    %sub3A_2424 = vector.broadcast %get3A_1 : vector<1x128xf32> to vector<128x128xf32>
    %sub3A_2425 = arith.subf %sub3A_2423, %sub3A_2424 : vector<128x128xf32>
    %mul3A_2426 = arith.constant -3.276800e+02 : f32
    %mul3A_2427 = vector.broadcast %mul3A_2426 : f32 to vector<128x128xf32>
    %mul3A_2428 = arith.mulf %mul3A_2427, %sub3A_2425 : vector<128x128xf32>
    %mul3A_2429 = arith.mulf %mul3A_2428, %sub3A_2425 : vector<128x128xf32>
    %add3A_2430 = vector.broadcast %slice3A_2419 : vector<128x1xf32> to vector<128x128xf32>
    %add3A_2431 = arith.addf %mul3A_2429, %add3A_2430 : vector<128x128xf32>
    %abs3A_2432 = math.absf %get3A_2422 : vector<128x128xf32>
    %bitcast_convert_type3A_2433 = tpu.bitcast %abs3A_2432 : vector<128x128xf32> -> vector<128x128xi32>
    %shift_right_arithmetic3A_2434 = arith.constant 23 : i32
    %shift_right_arithmetic3A_2435 = vector.broadcast %shift_right_arithmetic3A_2434 : i32 to vector<128x128xi32>
    %shift_right_arithmetic3A_2436 = arith.shrsi %bitcast_convert_type3A_2433, %shift_right_arithmetic3A_2435 : vector<128x128xi32>
    %sub3A_2437 = arith.constant 127 : i32
    %sub3A_2438 = vector.broadcast %sub3A_2437 : i32 to vector<128x128xi32>
    %sub3A_2439 = arith.subi %shift_right_arithmetic3A_2436, %sub3A_2438 : vector<128x128xi32>
    %and3A_2440 = arith.constant 8388607 : i32
    %and3A_2441 = vector.broadcast %and3A_2440 : i32 to vector<128x128xi32>
    %and3A_2442 = arith.andi %bitcast_convert_type3A_2433, %and3A_2441 : vector<128x128xi32>
    %or3A_2443 = arith.constant 1065353216 : i32
    %or3A_2444 = vector.broadcast %or3A_2443 : i32 to vector<128x128xi32>
    %or3A_2445 = arith.ori %and3A_2442, %or3A_2444 : vector<128x128xi32>
    %bitcast_convert_type3A_2446 = tpu.bitcast %or3A_2445 : vector<128x128xi32> -> vector<128x128xf32>
    %mul3A_2447 = arith.constant -0.0248259846 : f32
    %mul3A_2448 = vector.broadcast %mul3A_2447 : f32 to vector<128x128xf32>
    %mul3A_2449 = arith.mulf %mul3A_2448, %bitcast_convert_type3A_2446 : vector<128x128xf32>
    %add3A_2450 = arith.constant 0.26686278 : f32
    %add3A_2451 = vector.broadcast %add3A_2450 : f32 to vector<128x128xf32>
    %add3A_2452 = arith.addf %mul3A_2449, %add3A_2451 : vector<128x128xf32>
    %mul3A_2453 = arith.mulf %add3A_2452, %bitcast_convert_type3A_2446 : vector<128x128xf32>
    %add3A_2454 = arith.constant -1.23427987 : f32
    %add3A_2455 = vector.broadcast %add3A_2454 : f32 to vector<128x128xf32>
    %add3A_2456 = arith.addf %mul3A_2453, %add3A_2455 : vector<128x128xf32>
    %mul3A_2457 = arith.mulf %add3A_2456, %bitcast_convert_type3A_2446 : vector<128x128xf32>
    %add3A_2458 = arith.constant 3.218870e+00 : f32
    %add3A_2459 = vector.broadcast %add3A_2458 : f32 to vector<128x128xf32>
    %add3A_2460 = arith.addf %mul3A_2457, %add3A_2459 : vector<128x128xf32>
    %mul3A_2461 = arith.mulf %add3A_2460, %bitcast_convert_type3A_2446 : vector<128x128xf32>
    %add3A_2462 = arith.constant -5.26415539 : f32
    %add3A_2463 = vector.broadcast %add3A_2462 : f32 to vector<128x128xf32>
    %add3A_2464 = arith.addf %mul3A_2461, %add3A_2463 : vector<128x128xf32>
    %mul3A_2465 = arith.mulf %add3A_2464, %bitcast_convert_type3A_2446 : vector<128x128xf32>
    %add3A_2466 = arith.constant 6.06585884 : f32
    %add3A_2467 = vector.broadcast %add3A_2466 : f32 to vector<128x128xf32>
    %add3A_2468 = arith.addf %mul3A_2465, %add3A_2467 : vector<128x128xf32>
    %mul3A_2469 = arith.mulf %add3A_2468, %bitcast_convert_type3A_2446 : vector<128x128xf32>
    %add3A_2470 = arith.constant -3.02832508 : f32
    %add3A_2471 = vector.broadcast %add3A_2470 : f32 to vector<128x128xf32>
    %add3A_2472 = arith.addf %mul3A_2469, %add3A_2471 : vector<128x128xf32>
    %convert_element_type3A_2473 = arith.sitofp %sub3A_2439 : vector<128x128xi32> to vector<128x128xf32>
    %add3A_2474 = arith.addf %convert_element_type3A_2473, %add3A_2472 : vector<128x128xf32>
    %mul3A_2475 = arith.constant 0.693147182 : f32
    %mul3A_2476 = vector.broadcast %mul3A_2475 : f32 to vector<128x128xf32>
    %mul3A_2477 = arith.mulf %add3A_2474, %mul3A_2476 : vector<128x128xf32>
    %add3A_2478 = arith.addf %mul3A_2477, %add3A_2431 : vector<128x128xf32>
    %bitcast_convert_type3A_2479 = tpu.bitcast %get3A_2422 : vector<128x128xf32> -> vector<128x128xi32>
    %shift_right_logical3A_2480 = arith.constant 31 : i32
    %shift_right_logical3A_2481 = vector.broadcast %shift_right_logical3A_2480 : i32 to vector<128x128xi32>
    %shift_right_logical3A_2482 = arith.shrui %bitcast_convert_type3A_2479, %shift_right_logical3A_2481 : vector<128x128xi32>
    %convert_element_type3A_2483 = arith.sitofp %shift_right_logical3A_2482 : vector<128x128xi32> to vector<128x128xf32>
    %swap3A_2484 = arith.constant 0 : index
    %swap3A_2485 = arith.constant 3968 : index
    %swap3A_2486 = arith.constant 0 : index
    %swap3A_2487 = vector.load %arg5[%swap3A_2484, %swap3A_2485, %swap3A_2486] : memref<2x8192x128xf32, #tpu.memory_space<vmem>>, vector<1x128x128xf32>
    %swap3A_2488 = vector.shape_cast %swap3A_2487 : vector<1x128x128xf32> to vector<128x128xf32>
    %swap3A_2489 = vector.shape_cast %add3A_2478 : vector<128x128xf32> to vector<1x128x128xf32>
    tpu.vector_store %arg5[%swap3A_2484, %swap3A_2485, %swap3A_2486], %swap3A_2489 {strides = array<i32>} : memref<2x8192x128xf32, #tpu.memory_space<vmem>>, vector<1x128x128xf32>,
    %swap3A_2490 = arith.constant 1 : index
    %swap3A_2491 = arith.constant 3968 : index
    %swap3A_2492 = arith.constant 0 : index
    %swap3A_2493 = vector.load %arg5[%swap3A_2490, %swap3A_2491, %swap3A_2492] : memref<2x8192x128xf32, #tpu.memory_space<vmem>>, vector<1x128x128xf32>
    %swap3A_2494 = vector.shape_cast %swap3A_2493 : vector<1x128x128xf32> to vector<128x128xf32>
    %swap3A_2495 = vector.shape_cast %convert_element_type3A_2483 : vector<128x128xf32> to vector<1x128x128xf32>
    tpu.vector_store %arg5[%swap3A_2490, %swap3A_2491, %swap3A_2492], %swap3A_2495 {strides = array<i32>} : memref<2x8192x128xf32, #tpu.memory_space<vmem>>, vector<1x128x128xf32>,
    %slice3A_2496 = vector.extract_strided_slice %get3A_6 {offsets = [0, 32], sizes = [128, 1], strides = [1, 1]} : vector<128x64xf32> to vector<128x1xf32>
    %slice3A_2497 = vector.extract_strided_slice %get3A_11 {offsets = [0, 32], sizes = [128, 1], strides = [1, 1]} : vector<128x64xf32> to vector<128x1xf32>
    %get3A_2498 = arith.constant 4096 : index
    %get3A_2499 = arith.constant 0 : index
    %get3A_2500 = vector.load %arg3[%get3A_2498, %get3A_2499] : memref<8192x128xf32, #tpu.memory_space<vmem>>, vector<128x128xf32>
    %sub3A_2501 = vector.broadcast %slice3A_2496 : vector<128x1xf32> to vector<128x128xf32>
    %sub3A_2502 = vector.broadcast %get3A_1 : vector<1x128xf32> to vector<128x128xf32>
    %sub3A_2503 = arith.subf %sub3A_2501, %sub3A_2502 : vector<128x128xf32>
    %mul3A_2504 = arith.constant -3.276800e+02 : f32
    %mul3A_2505 = vector.broadcast %mul3A_2504 : f32 to vector<128x128xf32>
    %mul3A_2506 = arith.mulf %mul3A_2505, %sub3A_2503 : vector<128x128xf32>
    %mul3A_2507 = arith.mulf %mul3A_2506, %sub3A_2503 : vector<128x128xf32>
    %add3A_2508 = vector.broadcast %slice3A_2497 : vector<128x1xf32> to vector<128x128xf32>
    %add3A_2509 = arith.addf %mul3A_2507, %add3A_2508 : vector<128x128xf32>
    %abs3A_2510 = math.absf %get3A_2500 : vector<128x128xf32>
    %bitcast_convert_type3A_2511 = tpu.bitcast %abs3A_2510 : vector<128x128xf32> -> vector<128x128xi32>
    %shift_right_arithmetic3A_2512 = arith.constant 23 : i32
    %shift_right_arithmetic3A_2513 = vector.broadcast %shift_right_arithmetic3A_2512 : i32 to vector<128x128xi32>
    %shift_right_arithmetic3A_2514 = arith.shrsi %bitcast_convert_type3A_2511, %shift_right_arithmetic3A_2513 : vector<128x128xi32>
    %sub3A_2515 = arith.constant 127 : i32
    %sub3A_2516 = vector.broadcast %sub3A_2515 : i32 to vector<128x128xi32>
    %sub3A_2517 = arith.subi %shift_right_arithmetic3A_2514, %sub3A_2516 : vector<128x128xi32>
    %and3A_2518 = arith.constant 8388607 : i32
    %and3A_2519 = vector.broadcast %and3A_2518 : i32 to vector<128x128xi32>
    %and3A_2520 = arith.andi %bitcast_convert_type3A_2511, %and3A_2519 : vector<128x128xi32>
    %or3A_2521 = arith.constant 1065353216 : i32
    %or3A_2522 = vector.broadcast %or3A_2521 : i32 to vector<128x128xi32>
    %or3A_2523 = arith.ori %and3A_2520, %or3A_2522 : vector<128x128xi32>
    %bitcast_convert_type3A_2524 = tpu.bitcast %or3A_2523 : vector<128x128xi32> -> vector<128x128xf32>
    %mul3A_2525 = arith.constant -0.0248259846 : f32
    %mul3A_2526 = vector.broadcast %mul3A_2525 : f32 to vector<128x128xf32>
    %mul3A_2527 = arith.mulf %mul3A_2526, %bitcast_convert_type3A_2524 : vector<128x128xf32>
    %add3A_2528 = arith.constant 0.26686278 : f32
    %add3A_2529 = vector.broadcast %add3A_2528 : f32 to vector<128x128xf32>
    %add3A_2530 = arith.addf %mul3A_2527, %add3A_2529 : vector<128x128xf32>
    %mul3A_2531 = arith.mulf %add3A_2530, %bitcast_convert_type3A_2524 : vector<128x128xf32>
    %add3A_2532 = arith.constant -1.23427987 : f32
    %add3A_2533 = vector.broadcast %add3A_2532 : f32 to vector<128x128xf32>
    %add3A_2534 = arith.addf %mul3A_2531, %add3A_2533 : vector<128x128xf32>
    %mul3A_2535 = arith.mulf %add3A_2534, %bitcast_convert_type3A_2524 : vector<128x128xf32>
    %add3A_2536 = arith.constant 3.218870e+00 : f32
    %add3A_2537 = vector.broadcast %add3A_2536 : f32 to vector<128x128xf32>
    %add3A_2538 = arith.addf %mul3A_2535, %add3A_2537 : vector<128x128xf32>
    %mul3A_2539 = arith.mulf %add3A_2538, %bitcast_convert_type3A_2524 : vector<128x128xf32>
    %add3A_2540 = arith.constant -5.26415539 : f32
    %add3A_2541 = vector.broadcast %add3A_2540 : f32 to vector<128x128xf32>
    %add3A_2542 = arith.addf %mul3A_2539, %add3A_2541 : vector<128x128xf32>
    %mul3A_2543 = arith.mulf %add3A_2542, %bitcast_convert_type3A_2524 : vector<128x128xf32>
    %add3A_2544 = arith.constant 6.06585884 : f32
    %add3A_2545 = vector.broadcast %add3A_2544 : f32 to vector<128x128xf32>
    %add3A_2546 = arith.addf %mul3A_2543, %add3A_2545 : vector<128x128xf32>
    %mul3A_2547 = arith.mulf %add3A_2546, %bitcast_convert_type3A_2524 : vector<128x128xf32>
    %add3A_2548 = arith.constant -3.02832508 : f32
    %add3A_2549 = vector.broadcast %add3A_2548 : f32 to vector<128x128xf32>
    %add3A_2550 = arith.addf %mul3A_2547, %add3A_2549 : vector<128x128xf32>
    %convert_element_type3A_2551 = arith.sitofp %sub3A_2517 : vector<128x128xi32> to vector<128x128xf32>
    %add3A_2552 = arith.addf %convert_element_type3A_2551, %add3A_2550 : vector<128x128xf32>
    %mul3A_2553 = arith.constant 0.693147182 : f32
    %mul3A_2554 = vector.broadcast %mul3A_2553 : f32 to vector<128x128xf32>
    %mul3A_2555 = arith.mulf %add3A_2552, %mul3A_2554 : vector<128x128xf32>
    %add3A_2556 = arith.addf %mul3A_2555, %add3A_2509 : vector<128x128xf32>
    %bitcast_convert_type3A_2557 = tpu.bitcast %get3A_2500 : vector<128x128xf32> -> vector<128x128xi32>
    %shift_right_logical3A_2558 = arith.constant 31 : i32
    %shift_right_logical3A_2559 = vector.broadcast %shift_right_logical3A_2558 : i32 to vector<128x128xi32>
    %shift_right_logical3A_2560 = arith.shrui %bitcast_convert_type3A_2557, %shift_right_logical3A_2559 : vector<128x128xi32>
    %convert_element_type3A_2561 = arith.sitofp %shift_right_logical3A_2560 : vector<128x128xi32> to vector<128x128xf32>
    %swap3A_2562 = arith.constant 0 : index
    %swap3A_2563 = arith.constant 4096 : index
    %swap3A_2564 = arith.constant 0 : index
    %swap3A_2565 = vector.load %arg5[%swap3A_2562, %swap3A_2563, %swap3A_2564] : memref<2x8192x128xf32, #tpu.memory_space<vmem>>, vector<1x128x128xf32>
    %swap3A_2566 = vector.shape_cast %swap3A_2565 : vector<1x128x128xf32> to vector<128x128xf32>
    %swap3A_2567 = vector.shape_cast %add3A_2556 : vector<128x128xf32> to vector<1x128x128xf32>
    tpu.vector_store %arg5[%swap3A_2562, %swap3A_2563, %swap3A_2564], %swap3A_2567 {strides = array<i32>} : memref<2x8192x128xf32, #tpu.memory_space<vmem>>, vector<1x128x128xf32>,
    %swap3A_2568 = arith.constant 1 : index
    %swap3A_2569 = arith.constant 4096 : index
    %swap3A_2570 = arith.constant 0 : index
    %swap3A_2571 = vector.load %arg5[%swap3A_2568, %swap3A_2569, %swap3A_2570] : memref<2x8192x128xf32, #tpu.memory_space<vmem>>, vector<1x128x128xf32>
    %swap3A_2572 = vector.shape_cast %swap3A_2571 : vector<1x128x128xf32> to vector<128x128xf32>
    %swap3A_2573 = vector.shape_cast %convert_element_type3A_2561 : vector<128x128xf32> to vector<1x128x128xf32>
    tpu.vector_store %arg5[%swap3A_2568, %swap3A_2569, %swap3A_2570], %swap3A_2573 {strides = array<i32>} : memref<2x8192x128xf32, #tpu.memory_space<vmem>>, vector<1x128x128xf32>,
    %slice3A_2574 = vector.extract_strided_slice %get3A_6 {offsets = [0, 33], sizes = [128, 1], strides = [1, 1]} : vector<128x64xf32> to vector<128x1xf32>
    %slice3A_2575 = vector.extract_strided_slice %get3A_11 {offsets = [0, 33], sizes = [128, 1], strides = [1, 1]} : vector<128x64xf32> to vector<128x1xf32>
    %get3A_2576 = arith.constant 4224 : index
    %get3A_2577 = arith.constant 0 : index
    %get3A_2578 = vector.load %arg3[%get3A_2576, %get3A_2577] : memref<8192x128xf32, #tpu.memory_space<vmem>>, vector<128x128xf32>
    %sub3A_2579 = vector.broadcast %slice3A_2574 : vector<128x1xf32> to vector<128x128xf32>
    %sub3A_2580 = vector.broadcast %get3A_1 : vector<1x128xf32> to vector<128x128xf32>
    %sub3A_2581 = arith.subf %sub3A_2579, %sub3A_2580 : vector<128x128xf32>
    %mul3A_2582 = arith.constant -3.276800e+02 : f32
    %mul3A_2583 = vector.broadcast %mul3A_2582 : f32 to vector<128x128xf32>
    %mul3A_2584 = arith.mulf %mul3A_2583, %sub3A_2581 : vector<128x128xf32>
    %mul3A_2585 = arith.mulf %mul3A_2584, %sub3A_2581 : vector<128x128xf32>
    %add3A_2586 = vector.broadcast %slice3A_2575 : vector<128x1xf32> to vector<128x128xf32>
    %add3A_2587 = arith.addf %mul3A_2585, %add3A_2586 : vector<128x128xf32>
    %abs3A_2588 = math.absf %get3A_2578 : vector<128x128xf32>
    %bitcast_convert_type3A_2589 = tpu.bitcast %abs3A_2588 : vector<128x128xf32> -> vector<128x128xi32>
    %shift_right_arithmetic3A_2590 = arith.constant 23 : i32
    %shift_right_arithmetic3A_2591 = vector.broadcast %shift_right_arithmetic3A_2590 : i32 to vector<128x128xi32>
    %shift_right_arithmetic3A_2592 = arith.shrsi %bitcast_convert_type3A_2589, %shift_right_arithmetic3A_2591 : vector<128x128xi32>
    %sub3A_2593 = arith.constant 127 : i32
    %sub3A_2594 = vector.broadcast %sub3A_2593 : i32 to vector<128x128xi32>
    %sub3A_2595 = arith.subi %shift_right_arithmetic3A_2592, %sub3A_2594 : vector<128x128xi32>
    %and3A_2596 = arith.constant 8388607 : i32
    %and3A_2597 = vector.broadcast %and3A_2596 : i32 to vector<128x128xi32>
    %and3A_2598 = arith.andi %bitcast_convert_type3A_2589, %and3A_2597 : vector<128x128xi32>
    %or3A_2599 = arith.constant 1065353216 : i32
    %or3A_2600 = vector.broadcast %or3A_2599 : i32 to vector<128x128xi32>
    %or3A_2601 = arith.ori %and3A_2598, %or3A_2600 : vector<128x128xi32>
    %bitcast_convert_type3A_2602 = tpu.bitcast %or3A_2601 : vector<128x128xi32> -> vector<128x128xf32>
    %mul3A_2603 = arith.constant -0.0248259846 : f32
    %mul3A_2604 = vector.broadcast %mul3A_2603 : f32 to vector<128x128xf32>
    %mul3A_2605 = arith.mulf %mul3A_2604, %bitcast_convert_type3A_2602 : vector<128x128xf32>
    %add3A_2606 = arith.constant 0.26686278 : f32
    %add3A_2607 = vector.broadcast %add3A_2606 : f32 to vector<128x128xf32>
    %add3A_2608 = arith.addf %mul3A_2605, %add3A_2607 : vector<128x128xf32>
    %mul3A_2609 = arith.mulf %add3A_2608, %bitcast_convert_type3A_2602 : vector<128x128xf32>
    %add3A_2610 = arith.constant -1.23427987 : f32
    %add3A_2611 = vector.broadcast %add3A_2610 : f32 to vector<128x128xf32>
    %add3A_2612 = arith.addf %mul3A_2609, %add3A_2611 : vector<128x128xf32>
    %mul3A_2613 = arith.mulf %add3A_2612, %bitcast_convert_type3A_2602 : vector<128x128xf32>
    %add3A_2614 = arith.constant 3.218870e+00 : f32
    %add3A_2615 = vector.broadcast %add3A_2614 : f32 to vector<128x128xf32>
    %add3A_2616 = arith.addf %mul3A_2613, %add3A_2615 : vector<128x128xf32>
    %mul3A_2617 = arith.mulf %add3A_2616, %bitcast_convert_type3A_2602 : vector<128x128xf32>
    %add3A_2618 = arith.constant -5.26415539 : f32
    %add3A_2619 = vector.broadcast %add3A_2618 : f32 to vector<128x128xf32>
    %add3A_2620 = arith.addf %mul3A_2617, %add3A_2619 : vector<128x128xf32>
    %mul3A_2621 = arith.mulf %add3A_2620, %bitcast_convert_type3A_2602 : vector<128x128xf32>
    %add3A_2622 = arith.constant 6.06585884 : f32
    %add3A_2623 = vector.broadcast %add3A_2622 : f32 to vector<128x128xf32>
    %add3A_2624 = arith.addf %mul3A_2621, %add3A_2623 : vector<128x128xf32>
    %mul3A_2625 = arith.mulf %add3A_2624, %bitcast_convert_type3A_2602 : vector<128x128xf32>
    %add3A_2626 = arith.constant -3.02832508 : f32
    %add3A_2627 = vector.broadcast %add3A_2626 : f32 to vector<128x128xf32>
    %add3A_2628 = arith.addf %mul3A_2625, %add3A_2627 : vector<128x128xf32>
    %convert_element_type3A_2629 = arith.sitofp %sub3A_2595 : vector<128x128xi32> to vector<128x128xf32>
    %add3A_2630 = arith.addf %convert_element_type3A_2629, %add3A_2628 : vector<128x128xf32>
    %mul3A_2631 = arith.constant 0.693147182 : f32
    %mul3A_2632 = vector.broadcast %mul3A_2631 : f32 to vector<128x128xf32>
    %mul3A_2633 = arith.mulf %add3A_2630, %mul3A_2632 : vector<128x128xf32>
    %add3A_2634 = arith.addf %mul3A_2633, %add3A_2587 : vector<128x128xf32>
    %bitcast_convert_type3A_2635 = tpu.bitcast %get3A_2578 : vector<128x128xf32> -> vector<128x128xi32>
    %shift_right_logical3A_2636 = arith.constant 31 : i32
    %shift_right_logical3A_2637 = vector.broadcast %shift_right_logical3A_2636 : i32 to vector<128x128xi32>
    %shift_right_logical3A_2638 = arith.shrui %bitcast_convert_type3A_2635, %shift_right_logical3A_2637 : vector<128x128xi32>
    %convert_element_type3A_2639 = arith.sitofp %shift_right_logical3A_2638 : vector<128x128xi32> to vector<128x128xf32>
    %swap3A_2640 = arith.constant 0 : index
    %swap3A_2641 = arith.constant 4224 : index
    %swap3A_2642 = arith.constant 0 : index
    %swap3A_2643 = vector.load %arg5[%swap3A_2640, %swap3A_2641, %swap3A_2642] : memref<2x8192x128xf32, #tpu.memory_space<vmem>>, vector<1x128x128xf32>
    %swap3A_2644 = vector.shape_cast %swap3A_2643 : vector<1x128x128xf32> to vector<128x128xf32>
    %swap3A_2645 = vector.shape_cast %add3A_2634 : vector<128x128xf32> to vector<1x128x128xf32>
    tpu.vector_store %arg5[%swap3A_2640, %swap3A_2641, %swap3A_2642], %swap3A_2645 {strides = array<i32>} : memref<2x8192x128xf32, #tpu.memory_space<vmem>>, vector<1x128x128xf32>,
    %swap3A_2646 = arith.constant 1 : index
    %swap3A_2647 = arith.constant 4224 : index
    %swap3A_2648 = arith.constant 0 : index
    %swap3A_2649 = vector.load %arg5[%swap3A_2646, %swap3A_2647, %swap3A_2648] : memref<2x8192x128xf32, #tpu.memory_space<vmem>>, vector<1x128x128xf32>
    %swap3A_2650 = vector.shape_cast %swap3A_2649 : vector<1x128x128xf32> to vector<128x128xf32>
    %swap3A_2651 = vector.shape_cast %convert_element_type3A_2639 : vector<128x128xf32> to vector<1x128x128xf32>
    tpu.vector_store %arg5[%swap3A_2646, %swap3A_2647, %swap3A_2648], %swap3A_2651 {strides = array<i32>} : memref<2x8192x128xf32, #tpu.memory_space<vmem>>, vector<1x128x128xf32>,
    %slice3A_2652 = vector.extract_strided_slice %get3A_6 {offsets = [0, 34], sizes = [128, 1], strides = [1, 1]} : vector<128x64xf32> to vector<128x1xf32>
    %slice3A_2653 = vector.extract_strided_slice %get3A_11 {offsets = [0, 34], sizes = [128, 1], strides = [1, 1]} : vector<128x64xf32> to vector<128x1xf32>
    %get3A_2654 = arith.constant 4352 : index
    %get3A_2655 = arith.constant 0 : index
    %get3A_2656 = vector.load %arg3[%get3A_2654, %get3A_2655] : memref<8192x128xf32, #tpu.memory_space<vmem>>, vector<128x128xf32>
    %sub3A_2657 = vector.broadcast %slice3A_2652 : vector<128x1xf32> to vector<128x128xf32>
    %sub3A_2658 = vector.broadcast %get3A_1 : vector<1x128xf32> to vector<128x128xf32>
    %sub3A_2659 = arith.subf %sub3A_2657, %sub3A_2658 : vector<128x128xf32>
    %mul3A_2660 = arith.constant -3.276800e+02 : f32
    %mul3A_2661 = vector.broadcast %mul3A_2660 : f32 to vector<128x128xf32>
    %mul3A_2662 = arith.mulf %mul3A_2661, %sub3A_2659 : vector<128x128xf32>
    %mul3A_2663 = arith.mulf %mul3A_2662, %sub3A_2659 : vector<128x128xf32>
    %add3A_2664 = vector.broadcast %slice3A_2653 : vector<128x1xf32> to vector<128x128xf32>
    %add3A_2665 = arith.addf %mul3A_2663, %add3A_2664 : vector<128x128xf32>
    %abs3A_2666 = math.absf %get3A_2656 : vector<128x128xf32>
    %bitcast_convert_type3A_2667 = tpu.bitcast %abs3A_2666 : vector<128x128xf32> -> vector<128x128xi32>
    %shift_right_arithmetic3A_2668 = arith.constant 23 : i32
    %shift_right_arithmetic3A_2669 = vector.broadcast %shift_right_arithmetic3A_2668 : i32 to vector<128x128xi32>
    %shift_right_arithmetic3A_2670 = arith.shrsi %bitcast_convert_type3A_2667, %shift_right_arithmetic3A_2669 : vector<128x128xi32>
    %sub3A_2671 = arith.constant 127 : i32
    %sub3A_2672 = vector.broadcast %sub3A_2671 : i32 to vector<128x128xi32>
    %sub3A_2673 = arith.subi %shift_right_arithmetic3A_2670, %sub3A_2672 : vector<128x128xi32>
    %and3A_2674 = arith.constant 8388607 : i32
    %and3A_2675 = vector.broadcast %and3A_2674 : i32 to vector<128x128xi32>
    %and3A_2676 = arith.andi %bitcast_convert_type3A_2667, %and3A_2675 : vector<128x128xi32>
    %or3A_2677 = arith.constant 1065353216 : i32
    %or3A_2678 = vector.broadcast %or3A_2677 : i32 to vector<128x128xi32>
    %or3A_2679 = arith.ori %and3A_2676, %or3A_2678 : vector<128x128xi32>
    %bitcast_convert_type3A_2680 = tpu.bitcast %or3A_2679 : vector<128x128xi32> -> vector<128x128xf32>
    %mul3A_2681 = arith.constant -0.0248259846 : f32
    %mul3A_2682 = vector.broadcast %mul3A_2681 : f32 to vector<128x128xf32>
    %mul3A_2683 = arith.mulf %mul3A_2682, %bitcast_convert_type3A_2680 : vector<128x128xf32>
    %add3A_2684 = arith.constant 0.26686278 : f32
    %add3A_2685 = vector.broadcast %add3A_2684 : f32 to vector<128x128xf32>
    %add3A_2686 = arith.addf %mul3A_2683, %add3A_2685 : vector<128x128xf32>
    %mul3A_2687 = arith.mulf %add3A_2686, %bitcast_convert_type3A_2680 : vector<128x128xf32>
    %add3A_2688 = arith.constant -1.23427987 : f32
    %add3A_2689 = vector.broadcast %add3A_2688 : f32 to vector<128x128xf32>
    %add3A_2690 = arith.addf %mul3A_2687, %add3A_2689 : vector<128x128xf32>
    %mul3A_2691 = arith.mulf %add3A_2690, %bitcast_convert_type3A_2680 : vector<128x128xf32>
    %add3A_2692 = arith.constant 3.218870e+00 : f32
    %add3A_2693 = vector.broadcast %add3A_2692 : f32 to vector<128x128xf32>
    %add3A_2694 = arith.addf %mul3A_2691, %add3A_2693 : vector<128x128xf32>
    %mul3A_2695 = arith.mulf %add3A_2694, %bitcast_convert_type3A_2680 : vector<128x128xf32>
    %add3A_2696 = arith.constant -5.26415539 : f32
    %add3A_2697 = vector.broadcast %add3A_2696 : f32 to vector<128x128xf32>
    %add3A_2698 = arith.addf %mul3A_2695, %add3A_2697 : vector<128x128xf32>
    %mul3A_2699 = arith.mulf %add3A_2698, %bitcast_convert_type3A_2680 : vector<128x128xf32>
    %add3A_2700 = arith.constant 6.06585884 : f32
    %add3A_2701 = vector.broadcast %add3A_2700 : f32 to vector<128x128xf32>
    %add3A_2702 = arith.addf %mul3A_2699, %add3A_2701 : vector<128x128xf32>
    %mul3A_2703 = arith.mulf %add3A_2702, %bitcast_convert_type3A_2680 : vector<128x128xf32>
    %add3A_2704 = arith.constant -3.02832508 : f32
    %add3A_2705 = vector.broadcast %add3A_2704 : f32 to vector<128x128xf32>
    %add3A_2706 = arith.addf %mul3A_2703, %add3A_2705 : vector<128x128xf32>
    %convert_element_type3A_2707 = arith.sitofp %sub3A_2673 : vector<128x128xi32> to vector<128x128xf32>
    %add3A_2708 = arith.addf %convert_element_type3A_2707, %add3A_2706 : vector<128x128xf32>
    %mul3A_2709 = arith.constant 0.693147182 : f32
    %mul3A_2710 = vector.broadcast %mul3A_2709 : f32 to vector<128x128xf32>
    %mul3A_2711 = arith.mulf %add3A_2708, %mul3A_2710 : vector<128x128xf32>
    %add3A_2712 = arith.addf %mul3A_2711, %add3A_2665 : vector<128x128xf32>
    %bitcast_convert_type3A_2713 = tpu.bitcast %get3A_2656 : vector<128x128xf32> -> vector<128x128xi32>
    %shift_right_logical3A_2714 = arith.constant 31 : i32
    %shift_right_logical3A_2715 = vector.broadcast %shift_right_logical3A_2714 : i32 to vector<128x128xi32>
    %shift_right_logical3A_2716 = arith.shrui %bitcast_convert_type3A_2713, %shift_right_logical3A_2715 : vector<128x128xi32>
    %convert_element_type3A_2717 = arith.sitofp %shift_right_logical3A_2716 : vector<128x128xi32> to vector<128x128xf32>
    %swap3A_2718 = arith.constant 0 : index
    %swap3A_2719 = arith.constant 4352 : index
    %swap3A_2720 = arith.constant 0 : index
    %swap3A_2721 = vector.load %arg5[%swap3A_2718, %swap3A_2719, %swap3A_2720] : memref<2x8192x128xf32, #tpu.memory_space<vmem>>, vector<1x128x128xf32>
    %swap3A_2722 = vector.shape_cast %swap3A_2721 : vector<1x128x128xf32> to vector<128x128xf32>
    %swap3A_2723 = vector.shape_cast %add3A_2712 : vector<128x128xf32> to vector<1x128x128xf32>
    tpu.vector_store %arg5[%swap3A_2718, %swap3A_2719, %swap3A_2720], %swap3A_2723 {strides = array<i32>} : memref<2x8192x128xf32, #tpu.memory_space<vmem>>, vector<1x128x128xf32>,
    %swap3A_2724 = arith.constant 1 : index
    %swap3A_2725 = arith.constant 4352 : index
    %swap3A_2726 = arith.constant 0 : index
    %swap3A_2727 = vector.load %arg5[%swap3A_2724, %swap3A_2725, %swap3A_2726] : memref<2x8192x128xf32, #tpu.memory_space<vmem>>, vector<1x128x128xf32>
    %swap3A_2728 = vector.shape_cast %swap3A_2727 : vector<1x128x128xf32> to vector<128x128xf32>
    %swap3A_2729 = vector.shape_cast %convert_element_type3A_2717 : vector<128x128xf32> to vector<1x128x128xf32>
    tpu.vector_store %arg5[%swap3A_2724, %swap3A_2725, %swap3A_2726], %swap3A_2729 {strides = array<i32>} : memref<2x8192x128xf32, #tpu.memory_space<vmem>>, vector<1x128x128xf32>,
    %slice3A_2730 = vector.extract_strided_slice %get3A_6 {offsets = [0, 35], sizes = [128, 1], strides = [1, 1]} : vector<128x64xf32> to vector<128x1xf32>
    %slice3A_2731 = vector.extract_strided_slice %get3A_11 {offsets = [0, 35], sizes = [128, 1], strides = [1, 1]} : vector<128x64xf32> to vector<128x1xf32>
    %get3A_2732 = arith.constant 4480 : index
    %get3A_2733 = arith.constant 0 : index
    %get3A_2734 = vector.load %arg3[%get3A_2732, %get3A_2733] : memref<8192x128xf32, #tpu.memory_space<vmem>>, vector<128x128xf32>
    %sub3A_2735 = vector.broadcast %slice3A_2730 : vector<128x1xf32> to vector<128x128xf32>
    %sub3A_2736 = vector.broadcast %get3A_1 : vector<1x128xf32> to vector<128x128xf32>
    %sub3A_2737 = arith.subf %sub3A_2735, %sub3A_2736 : vector<128x128xf32>
    %mul3A_2738 = arith.constant -3.276800e+02 : f32
    %mul3A_2739 = vector.broadcast %mul3A_2738 : f32 to vector<128x128xf32>
    %mul3A_2740 = arith.mulf %mul3A_2739, %sub3A_2737 : vector<128x128xf32>
    %mul3A_2741 = arith.mulf %mul3A_2740, %sub3A_2737 : vector<128x128xf32>
    %add3A_2742 = vector.broadcast %slice3A_2731 : vector<128x1xf32> to vector<128x128xf32>
    %add3A_2743 = arith.addf %mul3A_2741, %add3A_2742 : vector<128x128xf32>
    %abs3A_2744 = math.absf %get3A_2734 : vector<128x128xf32>
    %bitcast_convert_type3A_2745 = tpu.bitcast %abs3A_2744 : vector<128x128xf32> -> vector<128x128xi32>
    %shift_right_arithmetic3A_2746 = arith.constant 23 : i32
    %shift_right_arithmetic3A_2747 = vector.broadcast %shift_right_arithmetic3A_2746 : i32 to vector<128x128xi32>
    %shift_right_arithmetic3A_2748 = arith.shrsi %bitcast_convert_type3A_2745, %shift_right_arithmetic3A_2747 : vector<128x128xi32>
    %sub3A_2749 = arith.constant 127 : i32
    %sub3A_2750 = vector.broadcast %sub3A_2749 : i32 to vector<128x128xi32>
    %sub3A_2751 = arith.subi %shift_right_arithmetic3A_2748, %sub3A_2750 : vector<128x128xi32>
    %and3A_2752 = arith.constant 8388607 : i32
    %and3A_2753 = vector.broadcast %and3A_2752 : i32 to vector<128x128xi32>
    %and3A_2754 = arith.andi %bitcast_convert_type3A_2745, %and3A_2753 : vector<128x128xi32>
    %or3A_2755 = arith.constant 1065353216 : i32
    %or3A_2756 = vector.broadcast %or3A_2755 : i32 to vector<128x128xi32>
    %or3A_2757 = arith.ori %and3A_2754, %or3A_2756 : vector<128x128xi32>
    %bitcast_convert_type3A_2758 = tpu.bitcast %or3A_2757 : vector<128x128xi32> -> vector<128x128xf32>
    %mul3A_2759 = arith.constant -0.0248259846 : f32
    %mul3A_2760 = vector.broadcast %mul3A_2759 : f32 to vector<128x128xf32>
    %mul3A_2761 = arith.mulf %mul3A_2760, %bitcast_convert_type3A_2758 : vector<128x128xf32>
    %add3A_2762 = arith.constant 0.26686278 : f32
    %add3A_2763 = vector.broadcast %add3A_2762 : f32 to vector<128x128xf32>
    %add3A_2764 = arith.addf %mul3A_2761, %add3A_2763 : vector<128x128xf32>
    %mul3A_2765 = arith.mulf %add3A_2764, %bitcast_convert_type3A_2758 : vector<128x128xf32>
    %add3A_2766 = arith.constant -1.23427987 : f32
    %add3A_2767 = vector.broadcast %add3A_2766 : f32 to vector<128x128xf32>
    %add3A_2768 = arith.addf %mul3A_2765, %add3A_2767 : vector<128x128xf32>
    %mul3A_2769 = arith.mulf %add3A_2768, %bitcast_convert_type3A_2758 : vector<128x128xf32>
    %add3A_2770 = arith.constant 3.218870e+00 : f32
    %add3A_2771 = vector.broadcast %add3A_2770 : f32 to vector<128x128xf32>
    %add3A_2772 = arith.addf %mul3A_2769, %add3A_2771 : vector<128x128xf32>
    %mul3A_2773 = arith.mulf %add3A_2772, %bitcast_convert_type3A_2758 : vector<128x128xf32>
    %add3A_2774 = arith.constant -5.26415539 : f32
    %add3A_2775 = vector.broadcast %add3A_2774 : f32 to vector<128x128xf32>
    %add3A_2776 = arith.addf %mul3A_2773, %add3A_2775 : vector<128x128xf32>
    %mul3A_2777 = arith.mulf %add3A_2776, %bitcast_convert_type3A_2758 : vector<128x128xf32>
    %add3A_2778 = arith.constant 6.06585884 : f32
    %add3A_2779 = vector.broadcast %add3A_2778 : f32 to vector<128x128xf32>
    %add3A_2780 = arith.addf %mul3A_2777, %add3A_2779 : vector<128x128xf32>
    %mul3A_2781 = arith.mulf %add3A_2780, %bitcast_convert_type3A_2758 : vector<128x128xf32>
    %add3A_2782 = arith.constant -3.02832508 : f32
    %add3A_2783 = vector.broadcast %add3A_2782 : f32 to vector<128x128xf32>
    %add3A_2784 = arith.addf %mul3A_2781, %add3A_2783 : vector<128x128xf32>
    %convert_element_type3A_2785 = arith.sitofp %sub3A_2751 : vector<128x128xi32> to vector<128x128xf32>
    %add3A_2786 = arith.addf %convert_element_type3A_2785, %add3A_2784 : vector<128x128xf32>
    %mul3A_2787 = arith.constant 0.693147182 : f32
    %mul3A_2788 = vector.broadcast %mul3A_2787 : f32 to vector<128x128xf32>
    %mul3A_2789 = arith.mulf %add3A_2786, %mul3A_2788 : vector<128x128xf32>
    %add3A_2790 = arith.addf %mul3A_2789, %add3A_2743 : vector<128x128xf32>
    %bitcast_convert_type3A_2791 = tpu.bitcast %get3A_2734 : vector<128x128xf32> -> vector<128x128xi32>
    %shift_right_logical3A_2792 = arith.constant 31 : i32
    %shift_right_logical3A_2793 = vector.broadcast %shift_right_logical3A_2792 : i32 to vector<128x128xi32>
    %shift_right_logical3A_2794 = arith.shrui %bitcast_convert_type3A_2791, %shift_right_logical3A_2793 : vector<128x128xi32>
    %convert_element_type3A_2795 = arith.sitofp %shift_right_logical3A_2794 : vector<128x128xi32> to vector<128x128xf32>
    %swap3A_2796 = arith.constant 0 : index
    %swap3A_2797 = arith.constant 4480 : index
    %swap3A_2798 = arith.constant 0 : index
    %swap3A_2799 = vector.load %arg5[%swap3A_2796, %swap3A_2797, %swap3A_2798] : memref<2x8192x128xf32, #tpu.memory_space<vmem>>, vector<1x128x128xf32>
    %swap3A_2800 = vector.shape_cast %swap3A_2799 : vector<1x128x128xf32> to vector<128x128xf32>
    %swap3A_2801 = vector.shape_cast %add3A_2790 : vector<128x128xf32> to vector<1x128x128xf32>
    tpu.vector_store %arg5[%swap3A_2796, %swap3A_2797, %swap3A_2798], %swap3A_2801 {strides = array<i32>} : memref<2x8192x128xf32, #tpu.memory_space<vmem>>, vector<1x128x128xf32>,
    %swap3A_2802 = arith.constant 1 : index
    %swap3A_2803 = arith.constant 4480 : index
    %swap3A_2804 = arith.constant 0 : index
    %swap3A_2805 = vector.load %arg5[%swap3A_2802, %swap3A_2803, %swap3A_2804] : memref<2x8192x128xf32, #tpu.memory_space<vmem>>, vector<1x128x128xf32>
    %swap3A_2806 = vector.shape_cast %swap3A_2805 : vector<1x128x128xf32> to vector<128x128xf32>
    %swap3A_2807 = vector.shape_cast %convert_element_type3A_2795 : vector<128x128xf32> to vector<1x128x128xf32>
    tpu.vector_store %arg5[%swap3A_2802, %swap3A_2803, %swap3A_2804], %swap3A_2807 {strides = array<i32>} : memref<2x8192x128xf32, #tpu.memory_space<vmem>>, vector<1x128x128xf32>,
    %slice3A_2808 = vector.extract_strided_slice %get3A_6 {offsets = [0, 36], sizes = [128, 1], strides = [1, 1]} : vector<128x64xf32> to vector<128x1xf32>
    %slice3A_2809 = vector.extract_strided_slice %get3A_11 {offsets = [0, 36], sizes = [128, 1], strides = [1, 1]} : vector<128x64xf32> to vector<128x1xf32>
    %get3A_2810 = arith.constant 4608 : index
    %get3A_2811 = arith.constant 0 : index
    %get3A_2812 = vector.load %arg3[%get3A_2810, %get3A_2811] : memref<8192x128xf32, #tpu.memory_space<vmem>>, vector<128x128xf32>
    %sub3A_2813 = vector.broadcast %slice3A_2808 : vector<128x1xf32> to vector<128x128xf32>
    %sub3A_2814 = vector.broadcast %get3A_1 : vector<1x128xf32> to vector<128x128xf32>
    %sub3A_2815 = arith.subf %sub3A_2813, %sub3A_2814 : vector<128x128xf32>
    %mul3A_2816 = arith.constant -3.276800e+02 : f32
    %mul3A_2817 = vector.broadcast %mul3A_2816 : f32 to vector<128x128xf32>
    %mul3A_2818 = arith.mulf %mul3A_2817, %sub3A_2815 : vector<128x128xf32>
    %mul3A_2819 = arith.mulf %mul3A_2818, %sub3A_2815 : vector<128x128xf32>
    %add3A_2820 = vector.broadcast %slice3A_2809 : vector<128x1xf32> to vector<128x128xf32>
    %add3A_2821 = arith.addf %mul3A_2819, %add3A_2820 : vector<128x128xf32>
    %abs3A_2822 = math.absf %get3A_2812 : vector<128x128xf32>
    %bitcast_convert_type3A_2823 = tpu.bitcast %abs3A_2822 : vector<128x128xf32> -> vector<128x128xi32>
    %shift_right_arithmetic3A_2824 = arith.constant 23 : i32
    %shift_right_arithmetic3A_2825 = vector.broadcast %shift_right_arithmetic3A_2824 : i32 to vector<128x128xi32>
    %shift_right_arithmetic3A_2826 = arith.shrsi %bitcast_convert_type3A_2823, %shift_right_arithmetic3A_2825 : vector<128x128xi32>
    %sub3A_2827 = arith.constant 127 : i32
    %sub3A_2828 = vector.broadcast %sub3A_2827 : i32 to vector<128x128xi32>
    %sub3A_2829 = arith.subi %shift_right_arithmetic3A_2826, %sub3A_2828 : vector<128x128xi32>
    %and3A_2830 = arith.constant 8388607 : i32
    %and3A_2831 = vector.broadcast %and3A_2830 : i32 to vector<128x128xi32>
    %and3A_2832 = arith.andi %bitcast_convert_type3A_2823, %and3A_2831 : vector<128x128xi32>
    %or3A_2833 = arith.constant 1065353216 : i32
    %or3A_2834 = vector.broadcast %or3A_2833 : i32 to vector<128x128xi32>
    %or3A_2835 = arith.ori %and3A_2832, %or3A_2834 : vector<128x128xi32>
    %bitcast_convert_type3A_2836 = tpu.bitcast %or3A_2835 : vector<128x128xi32> -> vector<128x128xf32>
    %mul3A_2837 = arith.constant -0.0248259846 : f32
    %mul3A_2838 = vector.broadcast %mul3A_2837 : f32 to vector<128x128xf32>
    %mul3A_2839 = arith.mulf %mul3A_2838, %bitcast_convert_type3A_2836 : vector<128x128xf32>
    %add3A_2840 = arith.constant 0.26686278 : f32
    %add3A_2841 = vector.broadcast %add3A_2840 : f32 to vector<128x128xf32>
    %add3A_2842 = arith.addf %mul3A_2839, %add3A_2841 : vector<128x128xf32>
    %mul3A_2843 = arith.mulf %add3A_2842, %bitcast_convert_type3A_2836 : vector<128x128xf32>
    %add3A_2844 = arith.constant -1.23427987 : f32
    %add3A_2845 = vector.broadcast %add3A_2844 : f32 to vector<128x128xf32>
    %add3A_2846 = arith.addf %mul3A_2843, %add3A_2845 : vector<128x128xf32>
    %mul3A_2847 = arith.mulf %add3A_2846, %bitcast_convert_type3A_2836 : vector<128x128xf32>
    %add3A_2848 = arith.constant 3.218870e+00 : f32
    %add3A_2849 = vector.broadcast %add3A_2848 : f32 to vector<128x128xf32>
    %add3A_2850 = arith.addf %mul3A_2847, %add3A_2849 : vector<128x128xf32>
    %mul3A_2851 = arith.mulf %add3A_2850, %bitcast_convert_type3A_2836 : vector<128x128xf32>
    %add3A_2852 = arith.constant -5.26415539 : f32
    %add3A_2853 = vector.broadcast %add3A_2852 : f32 to vector<128x128xf32>
    %add3A_2854 = arith.addf %mul3A_2851, %add3A_2853 : vector<128x128xf32>
    %mul3A_2855 = arith.mulf %add3A_2854, %bitcast_convert_type3A_2836 : vector<128x128xf32>
    %add3A_2856 = arith.constant 6.06585884 : f32
    %add3A_2857 = vector.broadcast %add3A_2856 : f32 to vector<128x128xf32>
    %add3A_2858 = arith.addf %mul3A_2855, %add3A_2857 : vector<128x128xf32>
    %mul3A_2859 = arith.mulf %add3A_2858, %bitcast_convert_type3A_2836 : vector<128x128xf32>
    %add3A_2860 = arith.constant -3.02832508 : f32
    %add3A_2861 = vector.broadcast %add3A_2860 : f32 to vector<128x128xf32>
    %add3A_2862 = arith.addf %mul3A_2859, %add3A_2861 : vector<128x128xf32>
    %convert_element_type3A_2863 = arith.sitofp %sub3A_2829 : vector<128x128xi32> to vector<128x128xf32>
    %add3A_2864 = arith.addf %convert_element_type3A_2863, %add3A_2862 : vector<128x128xf32>
    %mul3A_2865 = arith.constant 0.693147182 : f32
    %mul3A_2866 = vector.broadcast %mul3A_2865 : f32 to vector<128x128xf32>
    %mul3A_2867 = arith.mulf %add3A_2864, %mul3A_2866 : vector<128x128xf32>
    %add3A_2868 = arith.addf %mul3A_2867, %add3A_2821 : vector<128x128xf32>
    %bitcast_convert_type3A_2869 = tpu.bitcast %get3A_2812 : vector<128x128xf32> -> vector<128x128xi32>
    %shift_right_logical3A_2870 = arith.constant 31 : i32
    %shift_right_logical3A_2871 = vector.broadcast %shift_right_logical3A_2870 : i32 to vector<128x128xi32>
    %shift_right_logical3A_2872 = arith.shrui %bitcast_convert_type3A_2869, %shift_right_logical3A_2871 : vector<128x128xi32>
    %convert_element_type3A_2873 = arith.sitofp %shift_right_logical3A_2872 : vector<128x128xi32> to vector<128x128xf32>
    %swap3A_2874 = arith.constant 0 : index
    %swap3A_2875 = arith.constant 4608 : index
    %swap3A_2876 = arith.constant 0 : index
    %swap3A_2877 = vector.load %arg5[%swap3A_2874, %swap3A_2875, %swap3A_2876] : memref<2x8192x128xf32, #tpu.memory_space<vmem>>, vector<1x128x128xf32>
    %swap3A_2878 = vector.shape_cast %swap3A_2877 : vector<1x128x128xf32> to vector<128x128xf32>
    %swap3A_2879 = vector.shape_cast %add3A_2868 : vector<128x128xf32> to vector<1x128x128xf32>
    tpu.vector_store %arg5[%swap3A_2874, %swap3A_2875, %swap3A_2876], %swap3A_2879 {strides = array<i32>} : memref<2x8192x128xf32, #tpu.memory_space<vmem>>, vector<1x128x128xf32>,
    %swap3A_2880 = arith.constant 1 : index
    %swap3A_2881 = arith.constant 4608 : index
    %swap3A_2882 = arith.constant 0 : index
    %swap3A_2883 = vector.load %arg5[%swap3A_2880, %swap3A_2881, %swap3A_2882] : memref<2x8192x128xf32, #tpu.memory_space<vmem>>, vector<1x128x128xf32>
    %swap3A_2884 = vector.shape_cast %swap3A_2883 : vector<1x128x128xf32> to vector<128x128xf32>
    %swap3A_2885 = vector.shape_cast %convert_element_type3A_2873 : vector<128x128xf32> to vector<1x128x128xf32>
    tpu.vector_store %arg5[%swap3A_2880, %swap3A_2881, %swap3A_2882], %swap3A_2885 {strides = array<i32>} : memref<2x8192x128xf32, #tpu.memory_space<vmem>>, vector<1x128x128xf32>,
    %slice3A_2886 = vector.extract_strided_slice %get3A_6 {offsets = [0, 37], sizes = [128, 1], strides = [1, 1]} : vector<128x64xf32> to vector<128x1xf32>
    %slice3A_2887 = vector.extract_strided_slice %get3A_11 {offsets = [0, 37], sizes = [128, 1], strides = [1, 1]} : vector<128x64xf32> to vector<128x1xf32>
    %get3A_2888 = arith.constant 4736 : index
    %get3A_2889 = arith.constant 0 : index
    %get3A_2890 = vector.load %arg3[%get3A_2888, %get3A_2889] : memref<8192x128xf32, #tpu.memory_space<vmem>>, vector<128x128xf32>
    %sub3A_2891 = vector.broadcast %slice3A_2886 : vector<128x1xf32> to vector<128x128xf32>
    %sub3A_2892 = vector.broadcast %get3A_1 : vector<1x128xf32> to vector<128x128xf32>
    %sub3A_2893 = arith.subf %sub3A_2891, %sub3A_2892 : vector<128x128xf32>
    %mul3A_2894 = arith.constant -3.276800e+02 : f32
    %mul3A_2895 = vector.broadcast %mul3A_2894 : f32 to vector<128x128xf32>
    %mul3A_2896 = arith.mulf %mul3A_2895, %sub3A_2893 : vector<128x128xf32>
    %mul3A_2897 = arith.mulf %mul3A_2896, %sub3A_2893 : vector<128x128xf32>
    %add3A_2898 = vector.broadcast %slice3A_2887 : vector<128x1xf32> to vector<128x128xf32>
    %add3A_2899 = arith.addf %mul3A_2897, %add3A_2898 : vector<128x128xf32>
    %abs3A_2900 = math.absf %get3A_2890 : vector<128x128xf32>
    %bitcast_convert_type3A_2901 = tpu.bitcast %abs3A_2900 : vector<128x128xf32> -> vector<128x128xi32>
    %shift_right_arithmetic3A_2902 = arith.constant 23 : i32
    %shift_right_arithmetic3A_2903 = vector.broadcast %shift_right_arithmetic3A_2902 : i32 to vector<128x128xi32>
    %shift_right_arithmetic3A_2904 = arith.shrsi %bitcast_convert_type3A_2901, %shift_right_arithmetic3A_2903 : vector<128x128xi32>
    %sub3A_2905 = arith.constant 127 : i32
    %sub3A_2906 = vector.broadcast %sub3A_2905 : i32 to vector<128x128xi32>
    %sub3A_2907 = arith.subi %shift_right_arithmetic3A_2904, %sub3A_2906 : vector<128x128xi32>
    %and3A_2908 = arith.constant 8388607 : i32
    %and3A_2909 = vector.broadcast %and3A_2908 : i32 to vector<128x128xi32>
    %and3A_2910 = arith.andi %bitcast_convert_type3A_2901, %and3A_2909 : vector<128x128xi32>
    %or3A_2911 = arith.constant 1065353216 : i32
    %or3A_2912 = vector.broadcast %or3A_2911 : i32 to vector<128x128xi32>
    %or3A_2913 = arith.ori %and3A_2910, %or3A_2912 : vector<128x128xi32>
    %bitcast_convert_type3A_2914 = tpu.bitcast %or3A_2913 : vector<128x128xi32> -> vector<128x128xf32>
    %mul3A_2915 = arith.constant -0.0248259846 : f32
    %mul3A_2916 = vector.broadcast %mul3A_2915 : f32 to vector<128x128xf32>
    %mul3A_2917 = arith.mulf %mul3A_2916, %bitcast_convert_type3A_2914 : vector<128x128xf32>
    %add3A_2918 = arith.constant 0.26686278 : f32
    %add3A_2919 = vector.broadcast %add3A_2918 : f32 to vector<128x128xf32>
    %add3A_2920 = arith.addf %mul3A_2917, %add3A_2919 : vector<128x128xf32>
    %mul3A_2921 = arith.mulf %add3A_2920, %bitcast_convert_type3A_2914 : vector<128x128xf32>
    %add3A_2922 = arith.constant -1.23427987 : f32
    %add3A_2923 = vector.broadcast %add3A_2922 : f32 to vector<128x128xf32>
    %add3A_2924 = arith.addf %mul3A_2921, %add3A_2923 : vector<128x128xf32>
    %mul3A_2925 = arith.mulf %add3A_2924, %bitcast_convert_type3A_2914 : vector<128x128xf32>
    %add3A_2926 = arith.constant 3.218870e+00 : f32
    %add3A_2927 = vector.broadcast %add3A_2926 : f32 to vector<128x128xf32>
    %add3A_2928 = arith.addf %mul3A_2925, %add3A_2927 : vector<128x128xf32>
    %mul3A_2929 = arith.mulf %add3A_2928, %bitcast_convert_type3A_2914 : vector<128x128xf32>
    %add3A_2930 = arith.constant -5.26415539 : f32
    %add3A_2931 = vector.broadcast %add3A_2930 : f32 to vector<128x128xf32>
    %add3A_2932 = arith.addf %mul3A_2929, %add3A_2931 : vector<128x128xf32>
    %mul3A_2933 = arith.mulf %add3A_2932, %bitcast_convert_type3A_2914 : vector<128x128xf32>
    %add3A_2934 = arith.constant 6.06585884 : f32
    %add3A_2935 = vector.broadcast %add3A_2934 : f32 to vector<128x128xf32>
    %add3A_2936 = arith.addf %mul3A_2933, %add3A_2935 : vector<128x128xf32>
    %mul3A_2937 = arith.mulf %add3A_2936, %bitcast_convert_type3A_2914 : vector<128x128xf32>
    %add3A_2938 = arith.constant -3.02832508 : f32
    %add3A_2939 = vector.broadcast %add3A_2938 : f32 to vector<128x128xf32>
    %add3A_2940 = arith.addf %mul3A_2937, %add3A_2939 : vector<128x128xf32>
    %convert_element_type3A_2941 = arith.sitofp %sub3A_2907 : vector<128x128xi32> to vector<128x128xf32>
    %add3A_2942 = arith.addf %convert_element_type3A_2941, %add3A_2940 : vector<128x128xf32>
    %mul3A_2943 = arith.constant 0.693147182 : f32
    %mul3A_2944 = vector.broadcast %mul3A_2943 : f32 to vector<128x128xf32>
    %mul3A_2945 = arith.mulf %add3A_2942, %mul3A_2944 : vector<128x128xf32>
    %add3A_2946 = arith.addf %mul3A_2945, %add3A_2899 : vector<128x128xf32>
    %bitcast_convert_type3A_2947 = tpu.bitcast %get3A_2890 : vector<128x128xf32> -> vector<128x128xi32>
    %shift_right_logical3A_2948 = arith.constant 31 : i32
    %shift_right_logical3A_2949 = vector.broadcast %shift_right_logical3A_2948 : i32 to vector<128x128xi32>
    %shift_right_logical3A_2950 = arith.shrui %bitcast_convert_type3A_2947, %shift_right_logical3A_2949 : vector<128x128xi32>
    %convert_element_type3A_2951 = arith.sitofp %shift_right_logical3A_2950 : vector<128x128xi32> to vector<128x128xf32>
    %swap3A_2952 = arith.constant 0 : index
    %swap3A_2953 = arith.constant 4736 : index
    %swap3A_2954 = arith.constant 0 : index
    %swap3A_2955 = vector.load %arg5[%swap3A_2952, %swap3A_2953, %swap3A_2954] : memref<2x8192x128xf32, #tpu.memory_space<vmem>>, vector<1x128x128xf32>
    %swap3A_2956 = vector.shape_cast %swap3A_2955 : vector<1x128x128xf32> to vector<128x128xf32>
    %swap3A_2957 = vector.shape_cast %add3A_2946 : vector<128x128xf32> to vector<1x128x128xf32>
    tpu.vector_store %arg5[%swap3A_2952, %swap3A_2953, %swap3A_2954], %swap3A_2957 {strides = array<i32>} : memref<2x8192x128xf32, #tpu.memory_space<vmem>>, vector<1x128x128xf32>,
    %swap3A_2958 = arith.constant 1 : index
    %swap3A_2959 = arith.constant 4736 : index
    %swap3A_2960 = arith.constant 0 : index
    %swap3A_2961 = vector.load %arg5[%swap3A_2958, %swap3A_2959, %swap3A_2960] : memref<2x8192x128xf32, #tpu.memory_space<vmem>>, vector<1x128x128xf32>
    %swap3A_2962 = vector.shape_cast %swap3A_2961 : vector<1x128x128xf32> to vector<128x128xf32>
    %swap3A_2963 = vector.shape_cast %convert_element_type3A_2951 : vector<128x128xf32> to vector<1x128x128xf32>
    tpu.vector_store %arg5[%swap3A_2958, %swap3A_2959, %swap3A_2960], %swap3A_2963 {strides = array<i32>} : memref<2x8192x128xf32, #tpu.memory_space<vmem>>, vector<1x128x128xf32>,
    %slice3A_2964 = vector.extract_strided_slice %get3A_6 {offsets = [0, 38], sizes = [128, 1], strides = [1, 1]} : vector<128x64xf32> to vector<128x1xf32>
    %slice3A_2965 = vector.extract_strided_slice %get3A_11 {offsets = [0, 38], sizes = [128, 1], strides = [1, 1]} : vector<128x64xf32> to vector<128x1xf32>
    %get3A_2966 = arith.constant 4864 : index
    %get3A_2967 = arith.constant 0 : index
    %get3A_2968 = vector.load %arg3[%get3A_2966, %get3A_2967] : memref<8192x128xf32, #tpu.memory_space<vmem>>, vector<128x128xf32>
    %sub3A_2969 = vector.broadcast %slice3A_2964 : vector<128x1xf32> to vector<128x128xf32>
    %sub3A_2970 = vector.broadcast %get3A_1 : vector<1x128xf32> to vector<128x128xf32>
    %sub3A_2971 = arith.subf %sub3A_2969, %sub3A_2970 : vector<128x128xf32>
    %mul3A_2972 = arith.constant -3.276800e+02 : f32
    %mul3A_2973 = vector.broadcast %mul3A_2972 : f32 to vector<128x128xf32>
    %mul3A_2974 = arith.mulf %mul3A_2973, %sub3A_2971 : vector<128x128xf32>
    %mul3A_2975 = arith.mulf %mul3A_2974, %sub3A_2971 : vector<128x128xf32>
    %add3A_2976 = vector.broadcast %slice3A_2965 : vector<128x1xf32> to vector<128x128xf32>
    %add3A_2977 = arith.addf %mul3A_2975, %add3A_2976 : vector<128x128xf32>
    %abs3A_2978 = math.absf %get3A_2968 : vector<128x128xf32>
    %bitcast_convert_type3A_2979 = tpu.bitcast %abs3A_2978 : vector<128x128xf32> -> vector<128x128xi32>
    %shift_right_arithmetic3A_2980 = arith.constant 23 : i32
    %shift_right_arithmetic3A_2981 = vector.broadcast %shift_right_arithmetic3A_2980 : i32 to vector<128x128xi32>
    %shift_right_arithmetic3A_2982 = arith.shrsi %bitcast_convert_type3A_2979, %shift_right_arithmetic3A_2981 : vector<128x128xi32>
    %sub3A_2983 = arith.constant 127 : i32
    %sub3A_2984 = vector.broadcast %sub3A_2983 : i32 to vector<128x128xi32>
    %sub3A_2985 = arith.subi %shift_right_arithmetic3A_2982, %sub3A_2984 : vector<128x128xi32>
    %and3A_2986 = arith.constant 8388607 : i32
    %and3A_2987 = vector.broadcast %and3A_2986 : i32 to vector<128x128xi32>
    %and3A_2988 = arith.andi %bitcast_convert_type3A_2979, %and3A_2987 : vector<128x128xi32>
    %or3A_2989 = arith.constant 1065353216 : i32
    %or3A_2990 = vector.broadcast %or3A_2989 : i32 to vector<128x128xi32>
    %or3A_2991 = arith.ori %and3A_2988, %or3A_2990 : vector<128x128xi32>
    %bitcast_convert_type3A_2992 = tpu.bitcast %or3A_2991 : vector<128x128xi32> -> vector<128x128xf32>
    %mul3A_2993 = arith.constant -0.0248259846 : f32
    %mul3A_2994 = vector.broadcast %mul3A_2993 : f32 to vector<128x128xf32>
    %mul3A_2995 = arith.mulf %mul3A_2994, %bitcast_convert_type3A_2992 : vector<128x128xf32>
    %add3A_2996 = arith.constant 0.26686278 : f32
    %add3A_2997 = vector.broadcast %add3A_2996 : f32 to vector<128x128xf32>
    %add3A_2998 = arith.addf %mul3A_2995, %add3A_2997 : vector<128x128xf32>
    %mul3A_2999 = arith.mulf %add3A_2998, %bitcast_convert_type3A_2992 : vector<128x128xf32>
    %add3A_3000 = arith.constant -1.23427987 : f32
    %add3A_3001 = vector.broadcast %add3A_3000 : f32 to vector<128x128xf32>
    %add3A_3002 = arith.addf %mul3A_2999, %add3A_3001 : vector<128x128xf32>
    %mul3A_3003 = arith.mulf %add3A_3002, %bitcast_convert_type3A_2992 : vector<128x128xf32>
    %add3A_3004 = arith.constant 3.218870e+00 : f32
    %add3A_3005 = vector.broadcast %add3A_3004 : f32 to vector<128x128xf32>
    %add3A_3006 = arith.addf %mul3A_3003, %add3A_3005 : vector<128x128xf32>
    %mul3A_3007 = arith.mulf %add3A_3006, %bitcast_convert_type3A_2992 : vector<128x128xf32>
    %add3A_3008 = arith.constant -5.26415539 : f32
    %add3A_3009 = vector.broadcast %add3A_3008 : f32 to vector<128x128xf32>
    %add3A_3010 = arith.addf %mul3A_3007, %add3A_3009 : vector<128x128xf32>
    %mul3A_3011 = arith.mulf %add3A_3010, %bitcast_convert_type3A_2992 : vector<128x128xf32>
    %add3A_3012 = arith.constant 6.06585884 : f32
    %add3A_3013 = vector.broadcast %add3A_3012 : f32 to vector<128x128xf32>
    %add3A_3014 = arith.addf %mul3A_3011, %add3A_3013 : vector<128x128xf32>
    %mul3A_3015 = arith.mulf %add3A_3014, %bitcast_convert_type3A_2992 : vector<128x128xf32>
    %add3A_3016 = arith.constant -3.02832508 : f32
    %add3A_3017 = vector.broadcast %add3A_3016 : f32 to vector<128x128xf32>
    %add3A_3018 = arith.addf %mul3A_3015, %add3A_3017 : vector<128x128xf32>
    %convert_element_type3A_3019 = arith.sitofp %sub3A_2985 : vector<128x128xi32> to vector<128x128xf32>
    %add3A_3020 = arith.addf %convert_element_type3A_3019, %add3A_3018 : vector<128x128xf32>
    %mul3A_3021 = arith.constant 0.693147182 : f32
    %mul3A_3022 = vector.broadcast %mul3A_3021 : f32 to vector<128x128xf32>
    %mul3A_3023 = arith.mulf %add3A_3020, %mul3A_3022 : vector<128x128xf32>
    %add3A_3024 = arith.addf %mul3A_3023, %add3A_2977 : vector<128x128xf32>
    %bitcast_convert_type3A_3025 = tpu.bitcast %get3A_2968 : vector<128x128xf32> -> vector<128x128xi32>
    %shift_right_logical3A_3026 = arith.constant 31 : i32
    %shift_right_logical3A_3027 = vector.broadcast %shift_right_logical3A_3026 : i32 to vector<128x128xi32>
    %shift_right_logical3A_3028 = arith.shrui %bitcast_convert_type3A_3025, %shift_right_logical3A_3027 : vector<128x128xi32>
    %convert_element_type3A_3029 = arith.sitofp %shift_right_logical3A_3028 : vector<128x128xi32> to vector<128x128xf32>
    %swap3A_3030 = arith.constant 0 : index
    %swap3A_3031 = arith.constant 4864 : index
    %swap3A_3032 = arith.constant 0 : index
    %swap3A_3033 = vector.load %arg5[%swap3A_3030, %swap3A_3031, %swap3A_3032] : memref<2x8192x128xf32, #tpu.memory_space<vmem>>, vector<1x128x128xf32>
    %swap3A_3034 = vector.shape_cast %swap3A_3033 : vector<1x128x128xf32> to vector<128x128xf32>
    %swap3A_3035 = vector.shape_cast %add3A_3024 : vector<128x128xf32> to vector<1x128x128xf32>
    tpu.vector_store %arg5[%swap3A_3030, %swap3A_3031, %swap3A_3032], %swap3A_3035 {strides = array<i32>} : memref<2x8192x128xf32, #tpu.memory_space<vmem>>, vector<1x128x128xf32>,
    %swap3A_3036 = arith.constant 1 : index
    %swap3A_3037 = arith.constant 4864 : index
    %swap3A_3038 = arith.constant 0 : index
    %swap3A_3039 = vector.load %arg5[%swap3A_3036, %swap3A_3037, %swap3A_3038] : memref<2x8192x128xf32, #tpu.memory_space<vmem>>, vector<1x128x128xf32>
    %swap3A_3040 = vector.shape_cast %swap3A_3039 : vector<1x128x128xf32> to vector<128x128xf32>
    %swap3A_3041 = vector.shape_cast %convert_element_type3A_3029 : vector<128x128xf32> to vector<1x128x128xf32>
    tpu.vector_store %arg5[%swap3A_3036, %swap3A_3037, %swap3A_3038], %swap3A_3041 {strides = array<i32>} : memref<2x8192x128xf32, #tpu.memory_space<vmem>>, vector<1x128x128xf32>,
    %slice3A_3042 = vector.extract_strided_slice %get3A_6 {offsets = [0, 39], sizes = [128, 1], strides = [1, 1]} : vector<128x64xf32> to vector<128x1xf32>
    %slice3A_3043 = vector.extract_strided_slice %get3A_11 {offsets = [0, 39], sizes = [128, 1], strides = [1, 1]} : vector<128x64xf32> to vector<128x1xf32>
    %get3A_3044 = arith.constant 4992 : index
    %get3A_3045 = arith.constant 0 : index
    %get3A_3046 = vector.load %arg3[%get3A_3044, %get3A_3045] : memref<8192x128xf32, #tpu.memory_space<vmem>>, vector<128x128xf32>
    %sub3A_3047 = vector.broadcast %slice3A_3042 : vector<128x1xf32> to vector<128x128xf32>
    %sub3A_3048 = vector.broadcast %get3A_1 : vector<1x128xf32> to vector<128x128xf32>
    %sub3A_3049 = arith.subf %sub3A_3047, %sub3A_3048 : vector<128x128xf32>
    %mul3A_3050 = arith.constant -3.276800e+02 : f32
    %mul3A_3051 = vector.broadcast %mul3A_3050 : f32 to vector<128x128xf32>
    %mul3A_3052 = arith.mulf %mul3A_3051, %sub3A_3049 : vector<128x128xf32>
    %mul3A_3053 = arith.mulf %mul3A_3052, %sub3A_3049 : vector<128x128xf32>
    %add3A_3054 = vector.broadcast %slice3A_3043 : vector<128x1xf32> to vector<128x128xf32>
    %add3A_3055 = arith.addf %mul3A_3053, %add3A_3054 : vector<128x128xf32>
    %abs3A_3056 = math.absf %get3A_3046 : vector<128x128xf32>
    %bitcast_convert_type3A_3057 = tpu.bitcast %abs3A_3056 : vector<128x128xf32> -> vector<128x128xi32>
    %shift_right_arithmetic3A_3058 = arith.constant 23 : i32
    %shift_right_arithmetic3A_3059 = vector.broadcast %shift_right_arithmetic3A_3058 : i32 to vector<128x128xi32>
    %shift_right_arithmetic3A_3060 = arith.shrsi %bitcast_convert_type3A_3057, %shift_right_arithmetic3A_3059 : vector<128x128xi32>
    %sub3A_3061 = arith.constant 127 : i32
    %sub3A_3062 = vector.broadcast %sub3A_3061 : i32 to vector<128x128xi32>
    %sub3A_3063 = arith.subi %shift_right_arithmetic3A_3060, %sub3A_3062 : vector<128x128xi32>
    %and3A_3064 = arith.constant 8388607 : i32
    %and3A_3065 = vector.broadcast %and3A_3064 : i32 to vector<128x128xi32>
    %and3A_3066 = arith.andi %bitcast_convert_type3A_3057, %and3A_3065 : vector<128x128xi32>
    %or3A_3067 = arith.constant 1065353216 : i32
    %or3A_3068 = vector.broadcast %or3A_3067 : i32 to vector<128x128xi32>
    %or3A_3069 = arith.ori %and3A_3066, %or3A_3068 : vector<128x128xi32>
    %bitcast_convert_type3A_3070 = tpu.bitcast %or3A_3069 : vector<128x128xi32> -> vector<128x128xf32>
    %mul3A_3071 = arith.constant -0.0248259846 : f32
    %mul3A_3072 = vector.broadcast %mul3A_3071 : f32 to vector<128x128xf32>
    %mul3A_3073 = arith.mulf %mul3A_3072, %bitcast_convert_type3A_3070 : vector<128x128xf32>
    %add3A_3074 = arith.constant 0.26686278 : f32
    %add3A_3075 = vector.broadcast %add3A_3074 : f32 to vector<128x128xf32>
    %add3A_3076 = arith.addf %mul3A_3073, %add3A_3075 : vector<128x128xf32>
    %mul3A_3077 = arith.mulf %add3A_3076, %bitcast_convert_type3A_3070 : vector<128x128xf32>
    %add3A_3078 = arith.constant -1.23427987 : f32
    %add3A_3079 = vector.broadcast %add3A_3078 : f32 to vector<128x128xf32>
    %add3A_3080 = arith.addf %mul3A_3077, %add3A_3079 : vector<128x128xf32>
    %mul3A_3081 = arith.mulf %add3A_3080, %bitcast_convert_type3A_3070 : vector<128x128xf32>
    %add3A_3082 = arith.constant 3.218870e+00 : f32
    %add3A_3083 = vector.broadcast %add3A_3082 : f32 to vector<128x128xf32>
    %add3A_3084 = arith.addf %mul3A_3081, %add3A_3083 : vector<128x128xf32>
    %mul3A_3085 = arith.mulf %add3A_3084, %bitcast_convert_type3A_3070 : vector<128x128xf32>
    %add3A_3086 = arith.constant -5.26415539 : f32
    %add3A_3087 = vector.broadcast %add3A_3086 : f32 to vector<128x128xf32>
    %add3A_3088 = arith.addf %mul3A_3085, %add3A_3087 : vector<128x128xf32>
    %mul3A_3089 = arith.mulf %add3A_3088, %bitcast_convert_type3A_3070 : vector<128x128xf32>
    %add3A_3090 = arith.constant 6.06585884 : f32
    %add3A_3091 = vector.broadcast %add3A_3090 : f32 to vector<128x128xf32>
    %add3A_3092 = arith.addf %mul3A_3089, %add3A_3091 : vector<128x128xf32>
    %mul3A_3093 = arith.mulf %add3A_3092, %bitcast_convert_type3A_3070 : vector<128x128xf32>
    %add3A_3094 = arith.constant -3.02832508 : f32
    %add3A_3095 = vector.broadcast %add3A_3094 : f32 to vector<128x128xf32>
    %add3A_3096 = arith.addf %mul3A_3093, %add3A_3095 : vector<128x128xf32>
    %convert_element_type3A_3097 = arith.sitofp %sub3A_3063 : vector<128x128xi32> to vector<128x128xf32>
    %add3A_3098 = arith.addf %convert_element_type3A_3097, %add3A_3096 : vector<128x128xf32>
    %mul3A_3099 = arith.constant 0.693147182 : f32
    %mul3A_3100 = vector.broadcast %mul3A_3099 : f32 to vector<128x128xf32>
    %mul3A_3101 = arith.mulf %add3A_3098, %mul3A_3100 : vector<128x128xf32>
    %add3A_3102 = arith.addf %mul3A_3101, %add3A_3055 : vector<128x128xf32>
    %bitcast_convert_type3A_3103 = tpu.bitcast %get3A_3046 : vector<128x128xf32> -> vector<128x128xi32>
    %shift_right_logical3A_3104 = arith.constant 31 : i32
    %shift_right_logical3A_3105 = vector.broadcast %shift_right_logical3A_3104 : i32 to vector<128x128xi32>
    %shift_right_logical3A_3106 = arith.shrui %bitcast_convert_type3A_3103, %shift_right_logical3A_3105 : vector<128x128xi32>
    %convert_element_type3A_3107 = arith.sitofp %shift_right_logical3A_3106 : vector<128x128xi32> to vector<128x128xf32>
    %swap3A_3108 = arith.constant 0 : index
    %swap3A_3109 = arith.constant 4992 : index
    %swap3A_3110 = arith.constant 0 : index
    %swap3A_3111 = vector.load %arg5[%swap3A_3108, %swap3A_3109, %swap3A_3110] : memref<2x8192x128xf32, #tpu.memory_space<vmem>>, vector<1x128x128xf32>
    %swap3A_3112 = vector.shape_cast %swap3A_3111 : vector<1x128x128xf32> to vector<128x128xf32>
    %swap3A_3113 = vector.shape_cast %add3A_3102 : vector<128x128xf32> to vector<1x128x128xf32>
    tpu.vector_store %arg5[%swap3A_3108, %swap3A_3109, %swap3A_3110], %swap3A_3113 {strides = array<i32>} : memref<2x8192x128xf32, #tpu.memory_space<vmem>>, vector<1x128x128xf32>,
    %swap3A_3114 = arith.constant 1 : index
    %swap3A_3115 = arith.constant 4992 : index
    %swap3A_3116 = arith.constant 0 : index
    %swap3A_3117 = vector.load %arg5[%swap3A_3114, %swap3A_3115, %swap3A_3116] : memref<2x8192x128xf32, #tpu.memory_space<vmem>>, vector<1x128x128xf32>
    %swap3A_3118 = vector.shape_cast %swap3A_3117 : vector<1x128x128xf32> to vector<128x128xf32>
    %swap3A_3119 = vector.shape_cast %convert_element_type3A_3107 : vector<128x128xf32> to vector<1x128x128xf32>
    tpu.vector_store %arg5[%swap3A_3114, %swap3A_3115, %swap3A_3116], %swap3A_3119 {strides = array<i32>} : memref<2x8192x128xf32, #tpu.memory_space<vmem>>, vector<1x128x128xf32>,
    %slice3A_3120 = vector.extract_strided_slice %get3A_6 {offsets = [0, 40], sizes = [128, 1], strides = [1, 1]} : vector<128x64xf32> to vector<128x1xf32>
    %slice3A_3121 = vector.extract_strided_slice %get3A_11 {offsets = [0, 40], sizes = [128, 1], strides = [1, 1]} : vector<128x64xf32> to vector<128x1xf32>
    %get3A_3122 = arith.constant 5120 : index
    %get3A_3123 = arith.constant 0 : index
    %get3A_3124 = vector.load %arg3[%get3A_3122, %get3A_3123] : memref<8192x128xf32, #tpu.memory_space<vmem>>, vector<128x128xf32>
    %sub3A_3125 = vector.broadcast %slice3A_3120 : vector<128x1xf32> to vector<128x128xf32>
    %sub3A_3126 = vector.broadcast %get3A_1 : vector<1x128xf32> to vector<128x128xf32>
    %sub3A_3127 = arith.subf %sub3A_3125, %sub3A_3126 : vector<128x128xf32>
    %mul3A_3128 = arith.constant -3.276800e+02 : f32
    %mul3A_3129 = vector.broadcast %mul3A_3128 : f32 to vector<128x128xf32>
    %mul3A_3130 = arith.mulf %mul3A_3129, %sub3A_3127 : vector<128x128xf32>
    %mul3A_3131 = arith.mulf %mul3A_3130, %sub3A_3127 : vector<128x128xf32>
    %add3A_3132 = vector.broadcast %slice3A_3121 : vector<128x1xf32> to vector<128x128xf32>
    %add3A_3133 = arith.addf %mul3A_3131, %add3A_3132 : vector<128x128xf32>
    %abs3A_3134 = math.absf %get3A_3124 : vector<128x128xf32>
    %bitcast_convert_type3A_3135 = tpu.bitcast %abs3A_3134 : vector<128x128xf32> -> vector<128x128xi32>
    %shift_right_arithmetic3A_3136 = arith.constant 23 : i32
    %shift_right_arithmetic3A_3137 = vector.broadcast %shift_right_arithmetic3A_3136 : i32 to vector<128x128xi32>
    %shift_right_arithmetic3A_3138 = arith.shrsi %bitcast_convert_type3A_3135, %shift_right_arithmetic3A_3137 : vector<128x128xi32>
    %sub3A_3139 = arith.constant 127 : i32
    %sub3A_3140 = vector.broadcast %sub3A_3139 : i32 to vector<128x128xi32>
    %sub3A_3141 = arith.subi %shift_right_arithmetic3A_3138, %sub3A_3140 : vector<128x128xi32>
    %and3A_3142 = arith.constant 8388607 : i32
    %and3A_3143 = vector.broadcast %and3A_3142 : i32 to vector<128x128xi32>
    %and3A_3144 = arith.andi %bitcast_convert_type3A_3135, %and3A_3143 : vector<128x128xi32>
    %or3A_3145 = arith.constant 1065353216 : i32
    %or3A_3146 = vector.broadcast %or3A_3145 : i32 to vector<128x128xi32>
    %or3A_3147 = arith.ori %and3A_3144, %or3A_3146 : vector<128x128xi32>
    %bitcast_convert_type3A_3148 = tpu.bitcast %or3A_3147 : vector<128x128xi32> -> vector<128x128xf32>
    %mul3A_3149 = arith.constant -0.0248259846 : f32
    %mul3A_3150 = vector.broadcast %mul3A_3149 : f32 to vector<128x128xf32>
    %mul3A_3151 = arith.mulf %mul3A_3150, %bitcast_convert_type3A_3148 : vector<128x128xf32>
    %add3A_3152 = arith.constant 0.26686278 : f32
    %add3A_3153 = vector.broadcast %add3A_3152 : f32 to vector<128x128xf32>
    %add3A_3154 = arith.addf %mul3A_3151, %add3A_3153 : vector<128x128xf32>
    %mul3A_3155 = arith.mulf %add3A_3154, %bitcast_convert_type3A_3148 : vector<128x128xf32>
    %add3A_3156 = arith.constant -1.23427987 : f32
    %add3A_3157 = vector.broadcast %add3A_3156 : f32 to vector<128x128xf32>
    %add3A_3158 = arith.addf %mul3A_3155, %add3A_3157 : vector<128x128xf32>
    %mul3A_3159 = arith.mulf %add3A_3158, %bitcast_convert_type3A_3148 : vector<128x128xf32>
    %add3A_3160 = arith.constant 3.218870e+00 : f32
    %add3A_3161 = vector.broadcast %add3A_3160 : f32 to vector<128x128xf32>
    %add3A_3162 = arith.addf %mul3A_3159, %add3A_3161 : vector<128x128xf32>
    %mul3A_3163 = arith.mulf %add3A_3162, %bitcast_convert_type3A_3148 : vector<128x128xf32>
    %add3A_3164 = arith.constant -5.26415539 : f32
    %add3A_3165 = vector.broadcast %add3A_3164 : f32 to vector<128x128xf32>
    %add3A_3166 = arith.addf %mul3A_3163, %add3A_3165 : vector<128x128xf32>
    %mul3A_3167 = arith.mulf %add3A_3166, %bitcast_convert_type3A_3148 : vector<128x128xf32>
    %add3A_3168 = arith.constant 6.06585884 : f32
    %add3A_3169 = vector.broadcast %add3A_3168 : f32 to vector<128x128xf32>
    %add3A_3170 = arith.addf %mul3A_3167, %add3A_3169 : vector<128x128xf32>
    %mul3A_3171 = arith.mulf %add3A_3170, %bitcast_convert_type3A_3148 : vector<128x128xf32>
    %add3A_3172 = arith.constant -3.02832508 : f32
    %add3A_3173 = vector.broadcast %add3A_3172 : f32 to vector<128x128xf32>
    %add3A_3174 = arith.addf %mul3A_3171, %add3A_3173 : vector<128x128xf32>
    %convert_element_type3A_3175 = arith.sitofp %sub3A_3141 : vector<128x128xi32> to vector<128x128xf32>
    %add3A_3176 = arith.addf %convert_element_type3A_3175, %add3A_3174 : vector<128x128xf32>
    %mul3A_3177 = arith.constant 0.693147182 : f32
    %mul3A_3178 = vector.broadcast %mul3A_3177 : f32 to vector<128x128xf32>
    %mul3A_3179 = arith.mulf %add3A_3176, %mul3A_3178 : vector<128x128xf32>
    %add3A_3180 = arith.addf %mul3A_3179, %add3A_3133 : vector<128x128xf32>
    %bitcast_convert_type3A_3181 = tpu.bitcast %get3A_3124 : vector<128x128xf32> -> vector<128x128xi32>
    %shift_right_logical3A_3182 = arith.constant 31 : i32
    %shift_right_logical3A_3183 = vector.broadcast %shift_right_logical3A_3182 : i32 to vector<128x128xi32>
    %shift_right_logical3A_3184 = arith.shrui %bitcast_convert_type3A_3181, %shift_right_logical3A_3183 : vector<128x128xi32>
    %convert_element_type3A_3185 = arith.sitofp %shift_right_logical3A_3184 : vector<128x128xi32> to vector<128x128xf32>
    %swap3A_3186 = arith.constant 0 : index
    %swap3A_3187 = arith.constant 5120 : index
    %swap3A_3188 = arith.constant 0 : index
    %swap3A_3189 = vector.load %arg5[%swap3A_3186, %swap3A_3187, %swap3A_3188] : memref<2x8192x128xf32, #tpu.memory_space<vmem>>, vector<1x128x128xf32>
    %swap3A_3190 = vector.shape_cast %swap3A_3189 : vector<1x128x128xf32> to vector<128x128xf32>
    %swap3A_3191 = vector.shape_cast %add3A_3180 : vector<128x128xf32> to vector<1x128x128xf32>
    tpu.vector_store %arg5[%swap3A_3186, %swap3A_3187, %swap3A_3188], %swap3A_3191 {strides = array<i32>} : memref<2x8192x128xf32, #tpu.memory_space<vmem>>, vector<1x128x128xf32>,
    %swap3A_3192 = arith.constant 1 : index
    %swap3A_3193 = arith.constant 5120 : index
    %swap3A_3194 = arith.constant 0 : index
    %swap3A_3195 = vector.load %arg5[%swap3A_3192, %swap3A_3193, %swap3A_3194] : memref<2x8192x128xf32, #tpu.memory_space<vmem>>, vector<1x128x128xf32>
    %swap3A_3196 = vector.shape_cast %swap3A_3195 : vector<1x128x128xf32> to vector<128x128xf32>
    %swap3A_3197 = vector.shape_cast %convert_element_type3A_3185 : vector<128x128xf32> to vector<1x128x128xf32>
    tpu.vector_store %arg5[%swap3A_3192, %swap3A_3193, %swap3A_3194], %swap3A_3197 {strides = array<i32>} : memref<2x8192x128xf32, #tpu.memory_space<vmem>>, vector<1x128x128xf32>,
    %slice3A_3198 = vector.extract_strided_slice %get3A_6 {offsets = [0, 41], sizes = [128, 1], strides = [1, 1]} : vector<128x64xf32> to vector<128x1xf32>
    %slice3A_3199 = vector.extract_strided_slice %get3A_11 {offsets = [0, 41], sizes = [128, 1], strides = [1, 1]} : vector<128x64xf32> to vector<128x1xf32>
    %get3A_3200 = arith.constant 5248 : index
    %get3A_3201 = arith.constant 0 : index
    %get3A_3202 = vector.load %arg3[%get3A_3200, %get3A_3201] : memref<8192x128xf32, #tpu.memory_space<vmem>>, vector<128x128xf32>
    %sub3A_3203 = vector.broadcast %slice3A_3198 : vector<128x1xf32> to vector<128x128xf32>
    %sub3A_3204 = vector.broadcast %get3A_1 : vector<1x128xf32> to vector<128x128xf32>
    %sub3A_3205 = arith.subf %sub3A_3203, %sub3A_3204 : vector<128x128xf32>
    %mul3A_3206 = arith.constant -3.276800e+02 : f32
    %mul3A_3207 = vector.broadcast %mul3A_3206 : f32 to vector<128x128xf32>
    %mul3A_3208 = arith.mulf %mul3A_3207, %sub3A_3205 : vector<128x128xf32>
    %mul3A_3209 = arith.mulf %mul3A_3208, %sub3A_3205 : vector<128x128xf32>
    %add3A_3210 = vector.broadcast %slice3A_3199 : vector<128x1xf32> to vector<128x128xf32>
    %add3A_3211 = arith.addf %mul3A_3209, %add3A_3210 : vector<128x128xf32>
    %abs3A_3212 = math.absf %get3A_3202 : vector<128x128xf32>
    %bitcast_convert_type3A_3213 = tpu.bitcast %abs3A_3212 : vector<128x128xf32> -> vector<128x128xi32>
    %shift_right_arithmetic3A_3214 = arith.constant 23 : i32
    %shift_right_arithmetic3A_3215 = vector.broadcast %shift_right_arithmetic3A_3214 : i32 to vector<128x128xi32>
    %shift_right_arithmetic3A_3216 = arith.shrsi %bitcast_convert_type3A_3213, %shift_right_arithmetic3A_3215 : vector<128x128xi32>
    %sub3A_3217 = arith.constant 127 : i32
    %sub3A_3218 = vector.broadcast %sub3A_3217 : i32 to vector<128x128xi32>
    %sub3A_3219 = arith.subi %shift_right_arithmetic3A_3216, %sub3A_3218 : vector<128x128xi32>
    %and3A_3220 = arith.constant 8388607 : i32
    %and3A_3221 = vector.broadcast %and3A_3220 : i32 to vector<128x128xi32>
    %and3A_3222 = arith.andi %bitcast_convert_type3A_3213, %and3A_3221 : vector<128x128xi32>
    %or3A_3223 = arith.constant 1065353216 : i32
    %or3A_3224 = vector.broadcast %or3A_3223 : i32 to vector<128x128xi32>
    %or3A_3225 = arith.ori %and3A_3222, %or3A_3224 : vector<128x128xi32>
    %bitcast_convert_type3A_3226 = tpu.bitcast %or3A_3225 : vector<128x128xi32> -> vector<128x128xf32>
    %mul3A_3227 = arith.constant -0.0248259846 : f32
    %mul3A_3228 = vector.broadcast %mul3A_3227 : f32 to vector<128x128xf32>
    %mul3A_3229 = arith.mulf %mul3A_3228, %bitcast_convert_type3A_3226 : vector<128x128xf32>
    %add3A_3230 = arith.constant 0.26686278 : f32
    %add3A_3231 = vector.broadcast %add3A_3230 : f32 to vector<128x128xf32>
    %add3A_3232 = arith.addf %mul3A_3229, %add3A_3231 : vector<128x128xf32>
    %mul3A_3233 = arith.mulf %add3A_3232, %bitcast_convert_type3A_3226 : vector<128x128xf32>
    %add3A_3234 = arith.constant -1.23427987 : f32
    %add3A_3235 = vector.broadcast %add3A_3234 : f32 to vector<128x128xf32>
    %add3A_3236 = arith.addf %mul3A_3233, %add3A_3235 : vector<128x128xf32>
    %mul3A_3237 = arith.mulf %add3A_3236, %bitcast_convert_type3A_3226 : vector<128x128xf32>
    %add3A_3238 = arith.constant 3.218870e+00 : f32
    %add3A_3239 = vector.broadcast %add3A_3238 : f32 to vector<128x128xf32>
    %add3A_3240 = arith.addf %mul3A_3237, %add3A_3239 : vector<128x128xf32>
    %mul3A_3241 = arith.mulf %add3A_3240, %bitcast_convert_type3A_3226 : vector<128x128xf32>
    %add3A_3242 = arith.constant -5.26415539 : f32
    %add3A_3243 = vector.broadcast %add3A_3242 : f32 to vector<128x128xf32>
    %add3A_3244 = arith.addf %mul3A_3241, %add3A_3243 : vector<128x128xf32>
    %mul3A_3245 = arith.mulf %add3A_3244, %bitcast_convert_type3A_3226 : vector<128x128xf32>
    %add3A_3246 = arith.constant 6.06585884 : f32
    %add3A_3247 = vector.broadcast %add3A_3246 : f32 to vector<128x128xf32>
    %add3A_3248 = arith.addf %mul3A_3245, %add3A_3247 : vector<128x128xf32>
    %mul3A_3249 = arith.mulf %add3A_3248, %bitcast_convert_type3A_3226 : vector<128x128xf32>
    %add3A_3250 = arith.constant -3.02832508 : f32
    %add3A_3251 = vector.broadcast %add3A_3250 : f32 to vector<128x128xf32>
    %add3A_3252 = arith.addf %mul3A_3249, %add3A_3251 : vector<128x128xf32>
    %convert_element_type3A_3253 = arith.sitofp %sub3A_3219 : vector<128x128xi32> to vector<128x128xf32>
    %add3A_3254 = arith.addf %convert_element_type3A_3253, %add3A_3252 : vector<128x128xf32>
    %mul3A_3255 = arith.constant 0.693147182 : f32
    %mul3A_3256 = vector.broadcast %mul3A_3255 : f32 to vector<128x128xf32>
    %mul3A_3257 = arith.mulf %add3A_3254, %mul3A_3256 : vector<128x128xf32>
    %add3A_3258 = arith.addf %mul3A_3257, %add3A_3211 : vector<128x128xf32>
    %bitcast_convert_type3A_3259 = tpu.bitcast %get3A_3202 : vector<128x128xf32> -> vector<128x128xi32>
    %shift_right_logical3A_3260 = arith.constant 31 : i32
    %shift_right_logical3A_3261 = vector.broadcast %shift_right_logical3A_3260 : i32 to vector<128x128xi32>
    %shift_right_logical3A_3262 = arith.shrui %bitcast_convert_type3A_3259, %shift_right_logical3A_3261 : vector<128x128xi32>
    %convert_element_type3A_3263 = arith.sitofp %shift_right_logical3A_3262 : vector<128x128xi32> to vector<128x128xf32>
    %swap3A_3264 = arith.constant 0 : index
    %swap3A_3265 = arith.constant 5248 : index
    %swap3A_3266 = arith.constant 0 : index
    %swap3A_3267 = vector.load %arg5[%swap3A_3264, %swap3A_3265, %swap3A_3266] : memref<2x8192x128xf32, #tpu.memory_space<vmem>>, vector<1x128x128xf32>
    %swap3A_3268 = vector.shape_cast %swap3A_3267 : vector<1x128x128xf32> to vector<128x128xf32>
    %swap3A_3269 = vector.shape_cast %add3A_3258 : vector<128x128xf32> to vector<1x128x128xf32>
    tpu.vector_store %arg5[%swap3A_3264, %swap3A_3265, %swap3A_3266], %swap3A_3269 {strides = array<i32>} : memref<2x8192x128xf32, #tpu.memory_space<vmem>>, vector<1x128x128xf32>,
    %swap3A_3270 = arith.constant 1 : index
    %swap3A_3271 = arith.constant 5248 : index
    %swap3A_3272 = arith.constant 0 : index
    %swap3A_3273 = vector.load %arg5[%swap3A_3270, %swap3A_3271, %swap3A_3272] : memref<2x8192x128xf32, #tpu.memory_space<vmem>>, vector<1x128x128xf32>
    %swap3A_3274 = vector.shape_cast %swap3A_3273 : vector<1x128x128xf32> to vector<128x128xf32>
    %swap3A_3275 = vector.shape_cast %convert_element_type3A_3263 : vector<128x128xf32> to vector<1x128x128xf32>
    tpu.vector_store %arg5[%swap3A_3270, %swap3A_3271, %swap3A_3272], %swap3A_3275 {strides = array<i32>} : memref<2x8192x128xf32, #tpu.memory_space<vmem>>, vector<1x128x128xf32>,
    %slice3A_3276 = vector.extract_strided_slice %get3A_6 {offsets = [0, 42], sizes = [128, 1], strides = [1, 1]} : vector<128x64xf32> to vector<128x1xf32>
    %slice3A_3277 = vector.extract_strided_slice %get3A_11 {offsets = [0, 42], sizes = [128, 1], strides = [1, 1]} : vector<128x64xf32> to vector<128x1xf32>
    %get3A_3278 = arith.constant 5376 : index
    %get3A_3279 = arith.constant 0 : index
    %get3A_3280 = vector.load %arg3[%get3A_3278, %get3A_3279] : memref<8192x128xf32, #tpu.memory_space<vmem>>, vector<128x128xf32>
    %sub3A_3281 = vector.broadcast %slice3A_3276 : vector<128x1xf32> to vector<128x128xf32>
    %sub3A_3282 = vector.broadcast %get3A_1 : vector<1x128xf32> to vector<128x128xf32>
    %sub3A_3283 = arith.subf %sub3A_3281, %sub3A_3282 : vector<128x128xf32>
    %mul3A_3284 = arith.constant -3.276800e+02 : f32
    %mul3A_3285 = vector.broadcast %mul3A_3284 : f32 to vector<128x128xf32>
    %mul3A_3286 = arith.mulf %mul3A_3285, %sub3A_3283 : vector<128x128xf32>
    %mul3A_3287 = arith.mulf %mul3A_3286, %sub3A_3283 : vector<128x128xf32>
    %add3A_3288 = vector.broadcast %slice3A_3277 : vector<128x1xf32> to vector<128x128xf32>
    %add3A_3289 = arith.addf %mul3A_3287, %add3A_3288 : vector<128x128xf32>
    %abs3A_3290 = math.absf %get3A_3280 : vector<128x128xf32>
    %bitcast_convert_type3A_3291 = tpu.bitcast %abs3A_3290 : vector<128x128xf32> -> vector<128x128xi32>
    %shift_right_arithmetic3A_3292 = arith.constant 23 : i32
    %shift_right_arithmetic3A_3293 = vector.broadcast %shift_right_arithmetic3A_3292 : i32 to vector<128x128xi32>
    %shift_right_arithmetic3A_3294 = arith.shrsi %bitcast_convert_type3A_3291, %shift_right_arithmetic3A_3293 : vector<128x128xi32>
    %sub3A_3295 = arith.constant 127 : i32
    %sub3A_3296 = vector.broadcast %sub3A_3295 : i32 to vector<128x128xi32>
    %sub3A_3297 = arith.subi %shift_right_arithmetic3A_3294, %sub3A_3296 : vector<128x128xi32>
    %and3A_3298 = arith.constant 8388607 : i32
    %and3A_3299 = vector.broadcast %and3A_3298 : i32 to vector<128x128xi32>
    %and3A_3300 = arith.andi %bitcast_convert_type3A_3291, %and3A_3299 : vector<128x128xi32>
    %or3A_3301 = arith.constant 1065353216 : i32
    %or3A_3302 = vector.broadcast %or3A_3301 : i32 to vector<128x128xi32>
    %or3A_3303 = arith.ori %and3A_3300, %or3A_3302 : vector<128x128xi32>
    %bitcast_convert_type3A_3304 = tpu.bitcast %or3A_3303 : vector<128x128xi32> -> vector<128x128xf32>
    %mul3A_3305 = arith.constant -0.0248259846 : f32
    %mul3A_3306 = vector.broadcast %mul3A_3305 : f32 to vector<128x128xf32>
    %mul3A_3307 = arith.mulf %mul3A_3306, %bitcast_convert_type3A_3304 : vector<128x128xf32>
    %add3A_3308 = arith.constant 0.26686278 : f32
    %add3A_3309 = vector.broadcast %add3A_3308 : f32 to vector<128x128xf32>
    %add3A_3310 = arith.addf %mul3A_3307, %add3A_3309 : vector<128x128xf32>
    %mul3A_3311 = arith.mulf %add3A_3310, %bitcast_convert_type3A_3304 : vector<128x128xf32>
    %add3A_3312 = arith.constant -1.23427987 : f32
    %add3A_3313 = vector.broadcast %add3A_3312 : f32 to vector<128x128xf32>
    %add3A_3314 = arith.addf %mul3A_3311, %add3A_3313 : vector<128x128xf32>
    %mul3A_3315 = arith.mulf %add3A_3314, %bitcast_convert_type3A_3304 : vector<128x128xf32>
    %add3A_3316 = arith.constant 3.218870e+00 : f32
    %add3A_3317 = vector.broadcast %add3A_3316 : f32 to vector<128x128xf32>
    %add3A_3318 = arith.addf %mul3A_3315, %add3A_3317 : vector<128x128xf32>
    %mul3A_3319 = arith.mulf %add3A_3318, %bitcast_convert_type3A_3304 : vector<128x128xf32>
    %add3A_3320 = arith.constant -5.26415539 : f32
    %add3A_3321 = vector.broadcast %add3A_3320 : f32 to vector<128x128xf32>
    %add3A_3322 = arith.addf %mul3A_3319, %add3A_3321 : vector<128x128xf32>
    %mul3A_3323 = arith.mulf %add3A_3322, %bitcast_convert_type3A_3304 : vector<128x128xf32>
    %add3A_3324 = arith.constant 6.06585884 : f32
    %add3A_3325 = vector.broadcast %add3A_3324 : f32 to vector<128x128xf32>
    %add3A_3326 = arith.addf %mul3A_3323, %add3A_3325 : vector<128x128xf32>
    %mul3A_3327 = arith.mulf %add3A_3326, %bitcast_convert_type3A_3304 : vector<128x128xf32>
    %add3A_3328 = arith.constant -3.02832508 : f32
    %add3A_3329 = vector.broadcast %add3A_3328 : f32 to vector<128x128xf32>
    %add3A_3330 = arith.addf %mul3A_3327, %add3A_3329 : vector<128x128xf32>
    %convert_element_type3A_3331 = arith.sitofp %sub3A_3297 : vector<128x128xi32> to vector<128x128xf32>
    %add3A_3332 = arith.addf %convert_element_type3A_3331, %add3A_3330 : vector<128x128xf32>
    %mul3A_3333 = arith.constant 0.693147182 : f32
    %mul3A_3334 = vector.broadcast %mul3A_3333 : f32 to vector<128x128xf32>
    %mul3A_3335 = arith.mulf %add3A_3332, %mul3A_3334 : vector<128x128xf32>
    %add3A_3336 = arith.addf %mul3A_3335, %add3A_3289 : vector<128x128xf32>
    %bitcast_convert_type3A_3337 = tpu.bitcast %get3A_3280 : vector<128x128xf32> -> vector<128x128xi32>
    %shift_right_logical3A_3338 = arith.constant 31 : i32
    %shift_right_logical3A_3339 = vector.broadcast %shift_right_logical3A_3338 : i32 to vector<128x128xi32>
    %shift_right_logical3A_3340 = arith.shrui %bitcast_convert_type3A_3337, %shift_right_logical3A_3339 : vector<128x128xi32>
    %convert_element_type3A_3341 = arith.sitofp %shift_right_logical3A_3340 : vector<128x128xi32> to vector<128x128xf32>
    %swap3A_3342 = arith.constant 0 : index
    %swap3A_3343 = arith.constant 5376 : index
    %swap3A_3344 = arith.constant 0 : index
    %swap3A_3345 = vector.load %arg5[%swap3A_3342, %swap3A_3343, %swap3A_3344] : memref<2x8192x128xf32, #tpu.memory_space<vmem>>, vector<1x128x128xf32>
    %swap3A_3346 = vector.shape_cast %swap3A_3345 : vector<1x128x128xf32> to vector<128x128xf32>
    %swap3A_3347 = vector.shape_cast %add3A_3336 : vector<128x128xf32> to vector<1x128x128xf32>
    tpu.vector_store %arg5[%swap3A_3342, %swap3A_3343, %swap3A_3344], %swap3A_3347 {strides = array<i32>} : memref<2x8192x128xf32, #tpu.memory_space<vmem>>, vector<1x128x128xf32>,
    %swap3A_3348 = arith.constant 1 : index
    %swap3A_3349 = arith.constant 5376 : index
    %swap3A_3350 = arith.constant 0 : index
    %swap3A_3351 = vector.load %arg5[%swap3A_3348, %swap3A_3349, %swap3A_3350] : memref<2x8192x128xf32, #tpu.memory_space<vmem>>, vector<1x128x128xf32>
    %swap3A_3352 = vector.shape_cast %swap3A_3351 : vector<1x128x128xf32> to vector<128x128xf32>
    %swap3A_3353 = vector.shape_cast %convert_element_type3A_3341 : vector<128x128xf32> to vector<1x128x128xf32>
    tpu.vector_store %arg5[%swap3A_3348, %swap3A_3349, %swap3A_3350], %swap3A_3353 {strides = array<i32>} : memref<2x8192x128xf32, #tpu.memory_space<vmem>>, vector<1x128x128xf32>,
    %slice3A_3354 = vector.extract_strided_slice %get3A_6 {offsets = [0, 43], sizes = [128, 1], strides = [1, 1]} : vector<128x64xf32> to vector<128x1xf32>
    %slice3A_3355 = vector.extract_strided_slice %get3A_11 {offsets = [0, 43], sizes = [128, 1], strides = [1, 1]} : vector<128x64xf32> to vector<128x1xf32>
    %get3A_3356 = arith.constant 5504 : index
    %get3A_3357 = arith.constant 0 : index
    %get3A_3358 = vector.load %arg3[%get3A_3356, %get3A_3357] : memref<8192x128xf32, #tpu.memory_space<vmem>>, vector<128x128xf32>
    %sub3A_3359 = vector.broadcast %slice3A_3354 : vector<128x1xf32> to vector<128x128xf32>
    %sub3A_3360 = vector.broadcast %get3A_1 : vector<1x128xf32> to vector<128x128xf32>
    %sub3A_3361 = arith.subf %sub3A_3359, %sub3A_3360 : vector<128x128xf32>
    %mul3A_3362 = arith.constant -3.276800e+02 : f32
    %mul3A_3363 = vector.broadcast %mul3A_3362 : f32 to vector<128x128xf32>
    %mul3A_3364 = arith.mulf %mul3A_3363, %sub3A_3361 : vector<128x128xf32>
    %mul3A_3365 = arith.mulf %mul3A_3364, %sub3A_3361 : vector<128x128xf32>
    %add3A_3366 = vector.broadcast %slice3A_3355 : vector<128x1xf32> to vector<128x128xf32>
    %add3A_3367 = arith.addf %mul3A_3365, %add3A_3366 : vector<128x128xf32>
    %abs3A_3368 = math.absf %get3A_3358 : vector<128x128xf32>
    %bitcast_convert_type3A_3369 = tpu.bitcast %abs3A_3368 : vector<128x128xf32> -> vector<128x128xi32>
    %shift_right_arithmetic3A_3370 = arith.constant 23 : i32
    %shift_right_arithmetic3A_3371 = vector.broadcast %shift_right_arithmetic3A_3370 : i32 to vector<128x128xi32>
    %shift_right_arithmetic3A_3372 = arith.shrsi %bitcast_convert_type3A_3369, %shift_right_arithmetic3A_3371 : vector<128x128xi32>
    %sub3A_3373 = arith.constant 127 : i32
    %sub3A_3374 = vector.broadcast %sub3A_3373 : i32 to vector<128x128xi32>
    %sub3A_3375 = arith.subi %shift_right_arithmetic3A_3372, %sub3A_3374 : vector<128x128xi32>
    %and3A_3376 = arith.constant 8388607 : i32
    %and3A_3377 = vector.broadcast %and3A_3376 : i32 to vector<128x128xi32>
    %and3A_3378 = arith.andi %bitcast_convert_type3A_3369, %and3A_3377 : vector<128x128xi32>
    %or3A_3379 = arith.constant 1065353216 : i32
    %or3A_3380 = vector.broadcast %or3A_3379 : i32 to vector<128x128xi32>
    %or3A_3381 = arith.ori %and3A_3378, %or3A_3380 : vector<128x128xi32>
    %bitcast_convert_type3A_3382 = tpu.bitcast %or3A_3381 : vector<128x128xi32> -> vector<128x128xf32>
    %mul3A_3383 = arith.constant -0.0248259846 : f32
    %mul3A_3384 = vector.broadcast %mul3A_3383 : f32 to vector<128x128xf32>
    %mul3A_3385 = arith.mulf %mul3A_3384, %bitcast_convert_type3A_3382 : vector<128x128xf32>
    %add3A_3386 = arith.constant 0.26686278 : f32
    %add3A_3387 = vector.broadcast %add3A_3386 : f32 to vector<128x128xf32>
    %add3A_3388 = arith.addf %mul3A_3385, %add3A_3387 : vector<128x128xf32>
    %mul3A_3389 = arith.mulf %add3A_3388, %bitcast_convert_type3A_3382 : vector<128x128xf32>
    %add3A_3390 = arith.constant -1.23427987 : f32
    %add3A_3391 = vector.broadcast %add3A_3390 : f32 to vector<128x128xf32>
    %add3A_3392 = arith.addf %mul3A_3389, %add3A_3391 : vector<128x128xf32>
    %mul3A_3393 = arith.mulf %add3A_3392, %bitcast_convert_type3A_3382 : vector<128x128xf32>
    %add3A_3394 = arith.constant 3.218870e+00 : f32
    %add3A_3395 = vector.broadcast %add3A_3394 : f32 to vector<128x128xf32>
    %add3A_3396 = arith.addf %mul3A_3393, %add3A_3395 : vector<128x128xf32>
    %mul3A_3397 = arith.mulf %add3A_3396, %bitcast_convert_type3A_3382 : vector<128x128xf32>
    %add3A_3398 = arith.constant -5.26415539 : f32
    %add3A_3399 = vector.broadcast %add3A_3398 : f32 to vector<128x128xf32>
    %add3A_3400 = arith.addf %mul3A_3397, %add3A_3399 : vector<128x128xf32>
    %mul3A_3401 = arith.mulf %add3A_3400, %bitcast_convert_type3A_3382 : vector<128x128xf32>
    %add3A_3402 = arith.constant 6.06585884 : f32
    %add3A_3403 = vector.broadcast %add3A_3402 : f32 to vector<128x128xf32>
    %add3A_3404 = arith.addf %mul3A_3401, %add3A_3403 : vector<128x128xf32>
    %mul3A_3405 = arith.mulf %add3A_3404, %bitcast_convert_type3A_3382 : vector<128x128xf32>
    %add3A_3406 = arith.constant -3.02832508 : f32
    %add3A_3407 = vector.broadcast %add3A_3406 : f32 to vector<128x128xf32>
    %add3A_3408 = arith.addf %mul3A_3405, %add3A_3407 : vector<128x128xf32>
    %convert_element_type3A_3409 = arith.sitofp %sub3A_3375 : vector<128x128xi32> to vector<128x128xf32>
    %add3A_3410 = arith.addf %convert_element_type3A_3409, %add3A_3408 : vector<128x128xf32>
    %mul3A_3411 = arith.constant 0.693147182 : f32
    %mul3A_3412 = vector.broadcast %mul3A_3411 : f32 to vector<128x128xf32>
    %mul3A_3413 = arith.mulf %add3A_3410, %mul3A_3412 : vector<128x128xf32>
    %add3A_3414 = arith.addf %mul3A_3413, %add3A_3367 : vector<128x128xf32>
    %bitcast_convert_type3A_3415 = tpu.bitcast %get3A_3358 : vector<128x128xf32> -> vector<128x128xi32>
    %shift_right_logical3A_3416 = arith.constant 31 : i32
    %shift_right_logical3A_3417 = vector.broadcast %shift_right_logical3A_3416 : i32 to vector<128x128xi32>
    %shift_right_logical3A_3418 = arith.shrui %bitcast_convert_type3A_3415, %shift_right_logical3A_3417 : vector<128x128xi32>
    %convert_element_type3A_3419 = arith.sitofp %shift_right_logical3A_3418 : vector<128x128xi32> to vector<128x128xf32>
    %swap3A_3420 = arith.constant 0 : index
    %swap3A_3421 = arith.constant 5504 : index
    %swap3A_3422 = arith.constant 0 : index
    %swap3A_3423 = vector.load %arg5[%swap3A_3420, %swap3A_3421, %swap3A_3422] : memref<2x8192x128xf32, #tpu.memory_space<vmem>>, vector<1x128x128xf32>
    %swap3A_3424 = vector.shape_cast %swap3A_3423 : vector<1x128x128xf32> to vector<128x128xf32>
    %swap3A_3425 = vector.shape_cast %add3A_3414 : vector<128x128xf32> to vector<1x128x128xf32>
    tpu.vector_store %arg5[%swap3A_3420, %swap3A_3421, %swap3A_3422], %swap3A_3425 {strides = array<i32>} : memref<2x8192x128xf32, #tpu.memory_space<vmem>>, vector<1x128x128xf32>,
    %swap3A_3426 = arith.constant 1 : index
    %swap3A_3427 = arith.constant 5504 : index
    %swap3A_3428 = arith.constant 0 : index
    %swap3A_3429 = vector.load %arg5[%swap3A_3426, %swap3A_3427, %swap3A_3428] : memref<2x8192x128xf32, #tpu.memory_space<vmem>>, vector<1x128x128xf32>
    %swap3A_3430 = vector.shape_cast %swap3A_3429 : vector<1x128x128xf32> to vector<128x128xf32>
    %swap3A_3431 = vector.shape_cast %convert_element_type3A_3419 : vector<128x128xf32> to vector<1x128x128xf32>
    tpu.vector_store %arg5[%swap3A_3426, %swap3A_3427, %swap3A_3428], %swap3A_3431 {strides = array<i32>} : memref<2x8192x128xf32, #tpu.memory_space<vmem>>, vector<1x128x128xf32>,
    %slice3A_3432 = vector.extract_strided_slice %get3A_6 {offsets = [0, 44], sizes = [128, 1], strides = [1, 1]} : vector<128x64xf32> to vector<128x1xf32>
    %slice3A_3433 = vector.extract_strided_slice %get3A_11 {offsets = [0, 44], sizes = [128, 1], strides = [1, 1]} : vector<128x64xf32> to vector<128x1xf32>
    %get3A_3434 = arith.constant 5632 : index
    %get3A_3435 = arith.constant 0 : index
    %get3A_3436 = vector.load %arg3[%get3A_3434, %get3A_3435] : memref<8192x128xf32, #tpu.memory_space<vmem>>, vector<128x128xf32>
    %sub3A_3437 = vector.broadcast %slice3A_3432 : vector<128x1xf32> to vector<128x128xf32>
    %sub3A_3438 = vector.broadcast %get3A_1 : vector<1x128xf32> to vector<128x128xf32>
    %sub3A_3439 = arith.subf %sub3A_3437, %sub3A_3438 : vector<128x128xf32>
    %mul3A_3440 = arith.constant -3.276800e+02 : f32
    %mul3A_3441 = vector.broadcast %mul3A_3440 : f32 to vector<128x128xf32>
    %mul3A_3442 = arith.mulf %mul3A_3441, %sub3A_3439 : vector<128x128xf32>
    %mul3A_3443 = arith.mulf %mul3A_3442, %sub3A_3439 : vector<128x128xf32>
    %add3A_3444 = vector.broadcast %slice3A_3433 : vector<128x1xf32> to vector<128x128xf32>
    %add3A_3445 = arith.addf %mul3A_3443, %add3A_3444 : vector<128x128xf32>
    %abs3A_3446 = math.absf %get3A_3436 : vector<128x128xf32>
    %bitcast_convert_type3A_3447 = tpu.bitcast %abs3A_3446 : vector<128x128xf32> -> vector<128x128xi32>
    %shift_right_arithmetic3A_3448 = arith.constant 23 : i32
    %shift_right_arithmetic3A_3449 = vector.broadcast %shift_right_arithmetic3A_3448 : i32 to vector<128x128xi32>
    %shift_right_arithmetic3A_3450 = arith.shrsi %bitcast_convert_type3A_3447, %shift_right_arithmetic3A_3449 : vector<128x128xi32>
    %sub3A_3451 = arith.constant 127 : i32
    %sub3A_3452 = vector.broadcast %sub3A_3451 : i32 to vector<128x128xi32>
    %sub3A_3453 = arith.subi %shift_right_arithmetic3A_3450, %sub3A_3452 : vector<128x128xi32>
    %and3A_3454 = arith.constant 8388607 : i32
    %and3A_3455 = vector.broadcast %and3A_3454 : i32 to vector<128x128xi32>
    %and3A_3456 = arith.andi %bitcast_convert_type3A_3447, %and3A_3455 : vector<128x128xi32>
    %or3A_3457 = arith.constant 1065353216 : i32
    %or3A_3458 = vector.broadcast %or3A_3457 : i32 to vector<128x128xi32>
    %or3A_3459 = arith.ori %and3A_3456, %or3A_3458 : vector<128x128xi32>
    %bitcast_convert_type3A_3460 = tpu.bitcast %or3A_3459 : vector<128x128xi32> -> vector<128x128xf32>
    %mul3A_3461 = arith.constant -0.0248259846 : f32
    %mul3A_3462 = vector.broadcast %mul3A_3461 : f32 to vector<128x128xf32>
    %mul3A_3463 = arith.mulf %mul3A_3462, %bitcast_convert_type3A_3460 : vector<128x128xf32>
    %add3A_3464 = arith.constant 0.26686278 : f32
    %add3A_3465 = vector.broadcast %add3A_3464 : f32 to vector<128x128xf32>
    %add3A_3466 = arith.addf %mul3A_3463, %add3A_3465 : vector<128x128xf32>
    %mul3A_3467 = arith.mulf %add3A_3466, %bitcast_convert_type3A_3460 : vector<128x128xf32>
    %add3A_3468 = arith.constant -1.23427987 : f32
    %add3A_3469 = vector.broadcast %add3A_3468 : f32 to vector<128x128xf32>
    %add3A_3470 = arith.addf %mul3A_3467, %add3A_3469 : vector<128x128xf32>
    %mul3A_3471 = arith.mulf %add3A_3470, %bitcast_convert_type3A_3460 : vector<128x128xf32>
    %add3A_3472 = arith.constant 3.218870e+00 : f32
    %add3A_3473 = vector.broadcast %add3A_3472 : f32 to vector<128x128xf32>
    %add3A_3474 = arith.addf %mul3A_3471, %add3A_3473 : vector<128x128xf32>
    %mul3A_3475 = arith.mulf %add3A_3474, %bitcast_convert_type3A_3460 : vector<128x128xf32>
    %add3A_3476 = arith.constant -5.26415539 : f32
    %add3A_3477 = vector.broadcast %add3A_3476 : f32 to vector<128x128xf32>
    %add3A_3478 = arith.addf %mul3A_3475, %add3A_3477 : vector<128x128xf32>
    %mul3A_3479 = arith.mulf %add3A_3478, %bitcast_convert_type3A_3460 : vector<128x128xf32>
    %add3A_3480 = arith.constant 6.06585884 : f32
    %add3A_3481 = vector.broadcast %add3A_3480 : f32 to vector<128x128xf32>
    %add3A_3482 = arith.addf %mul3A_3479, %add3A_3481 : vector<128x128xf32>
    %mul3A_3483 = arith.mulf %add3A_3482, %bitcast_convert_type3A_3460 : vector<128x128xf32>
    %add3A_3484 = arith.constant -3.02832508 : f32
    %add3A_3485 = vector.broadcast %add3A_3484 : f32 to vector<128x128xf32>
    %add3A_3486 = arith.addf %mul3A_3483, %add3A_3485 : vector<128x128xf32>
    %convert_element_type3A_3487 = arith.sitofp %sub3A_3453 : vector<128x128xi32> to vector<128x128xf32>
    %add3A_3488 = arith.addf %convert_element_type3A_3487, %add3A_3486 : vector<128x128xf32>
    %mul3A_3489 = arith.constant 0.693147182 : f32
    %mul3A_3490 = vector.broadcast %mul3A_3489 : f32 to vector<128x128xf32>
    %mul3A_3491 = arith.mulf %add3A_3488, %mul3A_3490 : vector<128x128xf32>
    %add3A_3492 = arith.addf %mul3A_3491, %add3A_3445 : vector<128x128xf32>
    %bitcast_convert_type3A_3493 = tpu.bitcast %get3A_3436 : vector<128x128xf32> -> vector<128x128xi32>
    %shift_right_logical3A_3494 = arith.constant 31 : i32
    %shift_right_logical3A_3495 = vector.broadcast %shift_right_logical3A_3494 : i32 to vector<128x128xi32>
    %shift_right_logical3A_3496 = arith.shrui %bitcast_convert_type3A_3493, %shift_right_logical3A_3495 : vector<128x128xi32>
    %convert_element_type3A_3497 = arith.sitofp %shift_right_logical3A_3496 : vector<128x128xi32> to vector<128x128xf32>
    %swap3A_3498 = arith.constant 0 : index
    %swap3A_3499 = arith.constant 5632 : index
    %swap3A_3500 = arith.constant 0 : index
    %swap3A_3501 = vector.load %arg5[%swap3A_3498, %swap3A_3499, %swap3A_3500] : memref<2x8192x128xf32, #tpu.memory_space<vmem>>, vector<1x128x128xf32>
    %swap3A_3502 = vector.shape_cast %swap3A_3501 : vector<1x128x128xf32> to vector<128x128xf32>
    %swap3A_3503 = vector.shape_cast %add3A_3492 : vector<128x128xf32> to vector<1x128x128xf32>
    tpu.vector_store %arg5[%swap3A_3498, %swap3A_3499, %swap3A_3500], %swap3A_3503 {strides = array<i32>} : memref<2x8192x128xf32, #tpu.memory_space<vmem>>, vector<1x128x128xf32>,
    %swap3A_3504 = arith.constant 1 : index
    %swap3A_3505 = arith.constant 5632 : index
    %swap3A_3506 = arith.constant 0 : index
    %swap3A_3507 = vector.load %arg5[%swap3A_3504, %swap3A_3505, %swap3A_3506] : memref<2x8192x128xf32, #tpu.memory_space<vmem>>, vector<1x128x128xf32>
    %swap3A_3508 = vector.shape_cast %swap3A_3507 : vector<1x128x128xf32> to vector<128x128xf32>
    %swap3A_3509 = vector.shape_cast %convert_element_type3A_3497 : vector<128x128xf32> to vector<1x128x128xf32>
    tpu.vector_store %arg5[%swap3A_3504, %swap3A_3505, %swap3A_3506], %swap3A_3509 {strides = array<i32>} : memref<2x8192x128xf32, #tpu.memory_space<vmem>>, vector<1x128x128xf32>,
    %slice3A_3510 = vector.extract_strided_slice %get3A_6 {offsets = [0, 45], sizes = [128, 1], strides = [1, 1]} : vector<128x64xf32> to vector<128x1xf32>
    %slice3A_3511 = vector.extract_strided_slice %get3A_11 {offsets = [0, 45], sizes = [128, 1], strides = [1, 1]} : vector<128x64xf32> to vector<128x1xf32>
    %get3A_3512 = arith.constant 5760 : index
    %get3A_3513 = arith.constant 0 : index
    %get3A_3514 = vector.load %arg3[%get3A_3512, %get3A_3513] : memref<8192x128xf32, #tpu.memory_space<vmem>>, vector<128x128xf32>
    %sub3A_3515 = vector.broadcast %slice3A_3510 : vector<128x1xf32> to vector<128x128xf32>
    %sub3A_3516 = vector.broadcast %get3A_1 : vector<1x128xf32> to vector<128x128xf32>
    %sub3A_3517 = arith.subf %sub3A_3515, %sub3A_3516 : vector<128x128xf32>
    %mul3A_3518 = arith.constant -3.276800e+02 : f32
    %mul3A_3519 = vector.broadcast %mul3A_3518 : f32 to vector<128x128xf32>
    %mul3A_3520 = arith.mulf %mul3A_3519, %sub3A_3517 : vector<128x128xf32>
    %mul3A_3521 = arith.mulf %mul3A_3520, %sub3A_3517 : vector<128x128xf32>
    %add3A_3522 = vector.broadcast %slice3A_3511 : vector<128x1xf32> to vector<128x128xf32>
    %add3A_3523 = arith.addf %mul3A_3521, %add3A_3522 : vector<128x128xf32>
    %abs3A_3524 = math.absf %get3A_3514 : vector<128x128xf32>
    %bitcast_convert_type3A_3525 = tpu.bitcast %abs3A_3524 : vector<128x128xf32> -> vector<128x128xi32>
    %shift_right_arithmetic3A_3526 = arith.constant 23 : i32
    %shift_right_arithmetic3A_3527 = vector.broadcast %shift_right_arithmetic3A_3526 : i32 to vector<128x128xi32>
    %shift_right_arithmetic3A_3528 = arith.shrsi %bitcast_convert_type3A_3525, %shift_right_arithmetic3A_3527 : vector<128x128xi32>
    %sub3A_3529 = arith.constant 127 : i32
    %sub3A_3530 = vector.broadcast %sub3A_3529 : i32 to vector<128x128xi32>
    %sub3A_3531 = arith.subi %shift_right_arithmetic3A_3528, %sub3A_3530 : vector<128x128xi32>
    %and3A_3532 = arith.constant 8388607 : i32
    %and3A_3533 = vector.broadcast %and3A_3532 : i32 to vector<128x128xi32>
    %and3A_3534 = arith.andi %bitcast_convert_type3A_3525, %and3A_3533 : vector<128x128xi32>
    %or3A_3535 = arith.constant 1065353216 : i32
    %or3A_3536 = vector.broadcast %or3A_3535 : i32 to vector<128x128xi32>
    %or3A_3537 = arith.ori %and3A_3534, %or3A_3536 : vector<128x128xi32>
    %bitcast_convert_type3A_3538 = tpu.bitcast %or3A_3537 : vector<128x128xi32> -> vector<128x128xf32>
    %mul3A_3539 = arith.constant -0.0248259846 : f32
    %mul3A_3540 = vector.broadcast %mul3A_3539 : f32 to vector<128x128xf32>
    %mul3A_3541 = arith.mulf %mul3A_3540, %bitcast_convert_type3A_3538 : vector<128x128xf32>
    %add3A_3542 = arith.constant 0.26686278 : f32
    %add3A_3543 = vector.broadcast %add3A_3542 : f32 to vector<128x128xf32>
    %add3A_3544 = arith.addf %mul3A_3541, %add3A_3543 : vector<128x128xf32>
    %mul3A_3545 = arith.mulf %add3A_3544, %bitcast_convert_type3A_3538 : vector<128x128xf32>
    %add3A_3546 = arith.constant -1.23427987 : f32
    %add3A_3547 = vector.broadcast %add3A_3546 : f32 to vector<128x128xf32>
    %add3A_3548 = arith.addf %mul3A_3545, %add3A_3547 : vector<128x128xf32>
    %mul3A_3549 = arith.mulf %add3A_3548, %bitcast_convert_type3A_3538 : vector<128x128xf32>
    %add3A_3550 = arith.constant 3.218870e+00 : f32
    %add3A_3551 = vector.broadcast %add3A_3550 : f32 to vector<128x128xf32>
    %add3A_3552 = arith.addf %mul3A_3549, %add3A_3551 : vector<128x128xf32>
    %mul3A_3553 = arith.mulf %add3A_3552, %bitcast_convert_type3A_3538 : vector<128x128xf32>
    %add3A_3554 = arith.constant -5.26415539 : f32
    %add3A_3555 = vector.broadcast %add3A_3554 : f32 to vector<128x128xf32>
    %add3A_3556 = arith.addf %mul3A_3553, %add3A_3555 : vector<128x128xf32>
    %mul3A_3557 = arith.mulf %add3A_3556, %bitcast_convert_type3A_3538 : vector<128x128xf32>
    %add3A_3558 = arith.constant 6.06585884 : f32
    %add3A_3559 = vector.broadcast %add3A_3558 : f32 to vector<128x128xf32>
    %add3A_3560 = arith.addf %mul3A_3557, %add3A_3559 : vector<128x128xf32>
    %mul3A_3561 = arith.mulf %add3A_3560, %bitcast_convert_type3A_3538 : vector<128x128xf32>
    %add3A_3562 = arith.constant -3.02832508 : f32
    %add3A_3563 = vector.broadcast %add3A_3562 : f32 to vector<128x128xf32>
    %add3A_3564 = arith.addf %mul3A_3561, %add3A_3563 : vector<128x128xf32>
    %convert_element_type3A_3565 = arith.sitofp %sub3A_3531 : vector<128x128xi32> to vector<128x128xf32>
    %add3A_3566 = arith.addf %convert_element_type3A_3565, %add3A_3564 : vector<128x128xf32>
    %mul3A_3567 = arith.constant 0.693147182 : f32
    %mul3A_3568 = vector.broadcast %mul3A_3567 : f32 to vector<128x128xf32>
    %mul3A_3569 = arith.mulf %add3A_3566, %mul3A_3568 : vector<128x128xf32>
    %add3A_3570 = arith.addf %mul3A_3569, %add3A_3523 : vector<128x128xf32>
    %bitcast_convert_type3A_3571 = tpu.bitcast %get3A_3514 : vector<128x128xf32> -> vector<128x128xi32>
    %shift_right_logical3A_3572 = arith.constant 31 : i32
    %shift_right_logical3A_3573 = vector.broadcast %shift_right_logical3A_3572 : i32 to vector<128x128xi32>
    %shift_right_logical3A_3574 = arith.shrui %bitcast_convert_type3A_3571, %shift_right_logical3A_3573 : vector<128x128xi32>
    %convert_element_type3A_3575 = arith.sitofp %shift_right_logical3A_3574 : vector<128x128xi32> to vector<128x128xf32>
    %swap3A_3576 = arith.constant 0 : index
    %swap3A_3577 = arith.constant 5760 : index
    %swap3A_3578 = arith.constant 0 : index
    %swap3A_3579 = vector.load %arg5[%swap3A_3576, %swap3A_3577, %swap3A_3578] : memref<2x8192x128xf32, #tpu.memory_space<vmem>>, vector<1x128x128xf32>
    %swap3A_3580 = vector.shape_cast %swap3A_3579 : vector<1x128x128xf32> to vector<128x128xf32>
    %swap3A_3581 = vector.shape_cast %add3A_3570 : vector<128x128xf32> to vector<1x128x128xf32>
    tpu.vector_store %arg5[%swap3A_3576, %swap3A_3577, %swap3A_3578], %swap3A_3581 {strides = array<i32>} : memref<2x8192x128xf32, #tpu.memory_space<vmem>>, vector<1x128x128xf32>,
    %swap3A_3582 = arith.constant 1 : index
    %swap3A_3583 = arith.constant 5760 : index
    %swap3A_3584 = arith.constant 0 : index
    %swap3A_3585 = vector.load %arg5[%swap3A_3582, %swap3A_3583, %swap3A_3584] : memref<2x8192x128xf32, #tpu.memory_space<vmem>>, vector<1x128x128xf32>
    %swap3A_3586 = vector.shape_cast %swap3A_3585 : vector<1x128x128xf32> to vector<128x128xf32>
    %swap3A_3587 = vector.shape_cast %convert_element_type3A_3575 : vector<128x128xf32> to vector<1x128x128xf32>
    tpu.vector_store %arg5[%swap3A_3582, %swap3A_3583, %swap3A_3584], %swap3A_3587 {strides = array<i32>} : memref<2x8192x128xf32, #tpu.memory_space<vmem>>, vector<1x128x128xf32>,
    %slice3A_3588 = vector.extract_strided_slice %get3A_6 {offsets = [0, 46], sizes = [128, 1], strides = [1, 1]} : vector<128x64xf32> to vector<128x1xf32>
    %slice3A_3589 = vector.extract_strided_slice %get3A_11 {offsets = [0, 46], sizes = [128, 1], strides = [1, 1]} : vector<128x64xf32> to vector<128x1xf32>
    %get3A_3590 = arith.constant 5888 : index
    %get3A_3591 = arith.constant 0 : index
    %get3A_3592 = vector.load %arg3[%get3A_3590, %get3A_3591] : memref<8192x128xf32, #tpu.memory_space<vmem>>, vector<128x128xf32>
    %sub3A_3593 = vector.broadcast %slice3A_3588 : vector<128x1xf32> to vector<128x128xf32>
    %sub3A_3594 = vector.broadcast %get3A_1 : vector<1x128xf32> to vector<128x128xf32>
    %sub3A_3595 = arith.subf %sub3A_3593, %sub3A_3594 : vector<128x128xf32>
    %mul3A_3596 = arith.constant -3.276800e+02 : f32
    %mul3A_3597 = vector.broadcast %mul3A_3596 : f32 to vector<128x128xf32>
    %mul3A_3598 = arith.mulf %mul3A_3597, %sub3A_3595 : vector<128x128xf32>
    %mul3A_3599 = arith.mulf %mul3A_3598, %sub3A_3595 : vector<128x128xf32>
    %add3A_3600 = vector.broadcast %slice3A_3589 : vector<128x1xf32> to vector<128x128xf32>
    %add3A_3601 = arith.addf %mul3A_3599, %add3A_3600 : vector<128x128xf32>
    %abs3A_3602 = math.absf %get3A_3592 : vector<128x128xf32>
    %bitcast_convert_type3A_3603 = tpu.bitcast %abs3A_3602 : vector<128x128xf32> -> vector<128x128xi32>
    %shift_right_arithmetic3A_3604 = arith.constant 23 : i32
    %shift_right_arithmetic3A_3605 = vector.broadcast %shift_right_arithmetic3A_3604 : i32 to vector<128x128xi32>
    %shift_right_arithmetic3A_3606 = arith.shrsi %bitcast_convert_type3A_3603, %shift_right_arithmetic3A_3605 : vector<128x128xi32>
    %sub3A_3607 = arith.constant 127 : i32
    %sub3A_3608 = vector.broadcast %sub3A_3607 : i32 to vector<128x128xi32>
    %sub3A_3609 = arith.subi %shift_right_arithmetic3A_3606, %sub3A_3608 : vector<128x128xi32>
    %and3A_3610 = arith.constant 8388607 : i32
    %and3A_3611 = vector.broadcast %and3A_3610 : i32 to vector<128x128xi32>
    %and3A_3612 = arith.andi %bitcast_convert_type3A_3603, %and3A_3611 : vector<128x128xi32>
    %or3A_3613 = arith.constant 1065353216 : i32
    %or3A_3614 = vector.broadcast %or3A_3613 : i32 to vector<128x128xi32>
    %or3A_3615 = arith.ori %and3A_3612, %or3A_3614 : vector<128x128xi32>
    %bitcast_convert_type3A_3616 = tpu.bitcast %or3A_3615 : vector<128x128xi32> -> vector<128x128xf32>
    %mul3A_3617 = arith.constant -0.0248259846 : f32
    %mul3A_3618 = vector.broadcast %mul3A_3617 : f32 to vector<128x128xf32>
    %mul3A_3619 = arith.mulf %mul3A_3618, %bitcast_convert_type3A_3616 : vector<128x128xf32>
    %add3A_3620 = arith.constant 0.26686278 : f32
    %add3A_3621 = vector.broadcast %add3A_3620 : f32 to vector<128x128xf32>
    %add3A_3622 = arith.addf %mul3A_3619, %add3A_3621 : vector<128x128xf32>
    %mul3A_3623 = arith.mulf %add3A_3622, %bitcast_convert_type3A_3616 : vector<128x128xf32>
    %add3A_3624 = arith.constant -1.23427987 : f32
    %add3A_3625 = vector.broadcast %add3A_3624 : f32 to vector<128x128xf32>
    %add3A_3626 = arith.addf %mul3A_3623, %add3A_3625 : vector<128x128xf32>
    %mul3A_3627 = arith.mulf %add3A_3626, %bitcast_convert_type3A_3616 : vector<128x128xf32>
    %add3A_3628 = arith.constant 3.218870e+00 : f32
    %add3A_3629 = vector.broadcast %add3A_3628 : f32 to vector<128x128xf32>
    %add3A_3630 = arith.addf %mul3A_3627, %add3A_3629 : vector<128x128xf32>
    %mul3A_3631 = arith.mulf %add3A_3630, %bitcast_convert_type3A_3616 : vector<128x128xf32>
    %add3A_3632 = arith.constant -5.26415539 : f32
    %add3A_3633 = vector.broadcast %add3A_3632 : f32 to vector<128x128xf32>
    %add3A_3634 = arith.addf %mul3A_3631, %add3A_3633 : vector<128x128xf32>
    %mul3A_3635 = arith.mulf %add3A_3634, %bitcast_convert_type3A_3616 : vector<128x128xf32>
    %add3A_3636 = arith.constant 6.06585884 : f32
    %add3A_3637 = vector.broadcast %add3A_3636 : f32 to vector<128x128xf32>
    %add3A_3638 = arith.addf %mul3A_3635, %add3A_3637 : vector<128x128xf32>
    %mul3A_3639 = arith.mulf %add3A_3638, %bitcast_convert_type3A_3616 : vector<128x128xf32>
    %add3A_3640 = arith.constant -3.02832508 : f32
    %add3A_3641 = vector.broadcast %add3A_3640 : f32 to vector<128x128xf32>
    %add3A_3642 = arith.addf %mul3A_3639, %add3A_3641 : vector<128x128xf32>
    %convert_element_type3A_3643 = arith.sitofp %sub3A_3609 : vector<128x128xi32> to vector<128x128xf32>
    %add3A_3644 = arith.addf %convert_element_type3A_3643, %add3A_3642 : vector<128x128xf32>
    %mul3A_3645 = arith.constant 0.693147182 : f32
    %mul3A_3646 = vector.broadcast %mul3A_3645 : f32 to vector<128x128xf32>
    %mul3A_3647 = arith.mulf %add3A_3644, %mul3A_3646 : vector<128x128xf32>
    %add3A_3648 = arith.addf %mul3A_3647, %add3A_3601 : vector<128x128xf32>
    %bitcast_convert_type3A_3649 = tpu.bitcast %get3A_3592 : vector<128x128xf32> -> vector<128x128xi32>
    %shift_right_logical3A_3650 = arith.constant 31 : i32
    %shift_right_logical3A_3651 = vector.broadcast %shift_right_logical3A_3650 : i32 to vector<128x128xi32>
    %shift_right_logical3A_3652 = arith.shrui %bitcast_convert_type3A_3649, %shift_right_logical3A_3651 : vector<128x128xi32>
    %convert_element_type3A_3653 = arith.sitofp %shift_right_logical3A_3652 : vector<128x128xi32> to vector<128x128xf32>
    %swap3A_3654 = arith.constant 0 : index
    %swap3A_3655 = arith.constant 5888 : index
    %swap3A_3656 = arith.constant 0 : index
    %swap3A_3657 = vector.load %arg5[%swap3A_3654, %swap3A_3655, %swap3A_3656] : memref<2x8192x128xf32, #tpu.memory_space<vmem>>, vector<1x128x128xf32>
    %swap3A_3658 = vector.shape_cast %swap3A_3657 : vector<1x128x128xf32> to vector<128x128xf32>
    %swap3A_3659 = vector.shape_cast %add3A_3648 : vector<128x128xf32> to vector<1x128x128xf32>
    tpu.vector_store %arg5[%swap3A_3654, %swap3A_3655, %swap3A_3656], %swap3A_3659 {strides = array<i32>} : memref<2x8192x128xf32, #tpu.memory_space<vmem>>, vector<1x128x128xf32>,
    %swap3A_3660 = arith.constant 1 : index
    %swap3A_3661 = arith.constant 5888 : index
    %swap3A_3662 = arith.constant 0 : index
    %swap3A_3663 = vector.load %arg5[%swap3A_3660, %swap3A_3661, %swap3A_3662] : memref<2x8192x128xf32, #tpu.memory_space<vmem>>, vector<1x128x128xf32>
    %swap3A_3664 = vector.shape_cast %swap3A_3663 : vector<1x128x128xf32> to vector<128x128xf32>
    %swap3A_3665 = vector.shape_cast %convert_element_type3A_3653 : vector<128x128xf32> to vector<1x128x128xf32>
    tpu.vector_store %arg5[%swap3A_3660, %swap3A_3661, %swap3A_3662], %swap3A_3665 {strides = array<i32>} : memref<2x8192x128xf32, #tpu.memory_space<vmem>>, vector<1x128x128xf32>,
    %slice3A_3666 = vector.extract_strided_slice %get3A_6 {offsets = [0, 47], sizes = [128, 1], strides = [1, 1]} : vector<128x64xf32> to vector<128x1xf32>
    %slice3A_3667 = vector.extract_strided_slice %get3A_11 {offsets = [0, 47], sizes = [128, 1], strides = [1, 1]} : vector<128x64xf32> to vector<128x1xf32>
    %get3A_3668 = arith.constant 6016 : index
    %get3A_3669 = arith.constant 0 : index
    %get3A_3670 = vector.load %arg3[%get3A_3668, %get3A_3669] : memref<8192x128xf32, #tpu.memory_space<vmem>>, vector<128x128xf32>
    %sub3A_3671 = vector.broadcast %slice3A_3666 : vector<128x1xf32> to vector<128x128xf32>
    %sub3A_3672 = vector.broadcast %get3A_1 : vector<1x128xf32> to vector<128x128xf32>
    %sub3A_3673 = arith.subf %sub3A_3671, %sub3A_3672 : vector<128x128xf32>
    %mul3A_3674 = arith.constant -3.276800e+02 : f32
    %mul3A_3675 = vector.broadcast %mul3A_3674 : f32 to vector<128x128xf32>
    %mul3A_3676 = arith.mulf %mul3A_3675, %sub3A_3673 : vector<128x128xf32>
    %mul3A_3677 = arith.mulf %mul3A_3676, %sub3A_3673 : vector<128x128xf32>
    %add3A_3678 = vector.broadcast %slice3A_3667 : vector<128x1xf32> to vector<128x128xf32>
    %add3A_3679 = arith.addf %mul3A_3677, %add3A_3678 : vector<128x128xf32>
    %abs3A_3680 = math.absf %get3A_3670 : vector<128x128xf32>
    %bitcast_convert_type3A_3681 = tpu.bitcast %abs3A_3680 : vector<128x128xf32> -> vector<128x128xi32>
    %shift_right_arithmetic3A_3682 = arith.constant 23 : i32
    %shift_right_arithmetic3A_3683 = vector.broadcast %shift_right_arithmetic3A_3682 : i32 to vector<128x128xi32>
    %shift_right_arithmetic3A_3684 = arith.shrsi %bitcast_convert_type3A_3681, %shift_right_arithmetic3A_3683 : vector<128x128xi32>
    %sub3A_3685 = arith.constant 127 : i32
    %sub3A_3686 = vector.broadcast %sub3A_3685 : i32 to vector<128x128xi32>
    %sub3A_3687 = arith.subi %shift_right_arithmetic3A_3684, %sub3A_3686 : vector<128x128xi32>
    %and3A_3688 = arith.constant 8388607 : i32
    %and3A_3689 = vector.broadcast %and3A_3688 : i32 to vector<128x128xi32>
    %and3A_3690 = arith.andi %bitcast_convert_type3A_3681, %and3A_3689 : vector<128x128xi32>
    %or3A_3691 = arith.constant 1065353216 : i32
    %or3A_3692 = vector.broadcast %or3A_3691 : i32 to vector<128x128xi32>
    %or3A_3693 = arith.ori %and3A_3690, %or3A_3692 : vector<128x128xi32>
    %bitcast_convert_type3A_3694 = tpu.bitcast %or3A_3693 : vector<128x128xi32> -> vector<128x128xf32>
    %mul3A_3695 = arith.constant -0.0248259846 : f32
    %mul3A_3696 = vector.broadcast %mul3A_3695 : f32 to vector<128x128xf32>
    %mul3A_3697 = arith.mulf %mul3A_3696, %bitcast_convert_type3A_3694 : vector<128x128xf32>
    %add3A_3698 = arith.constant 0.26686278 : f32
    %add3A_3699 = vector.broadcast %add3A_3698 : f32 to vector<128x128xf32>
    %add3A_3700 = arith.addf %mul3A_3697, %add3A_3699 : vector<128x128xf32>
    %mul3A_3701 = arith.mulf %add3A_3700, %bitcast_convert_type3A_3694 : vector<128x128xf32>
    %add3A_3702 = arith.constant -1.23427987 : f32
    %add3A_3703 = vector.broadcast %add3A_3702 : f32 to vector<128x128xf32>
    %add3A_3704 = arith.addf %mul3A_3701, %add3A_3703 : vector<128x128xf32>
    %mul3A_3705 = arith.mulf %add3A_3704, %bitcast_convert_type3A_3694 : vector<128x128xf32>
    %add3A_3706 = arith.constant 3.218870e+00 : f32
    %add3A_3707 = vector.broadcast %add3A_3706 : f32 to vector<128x128xf32>
    %add3A_3708 = arith.addf %mul3A_3705, %add3A_3707 : vector<128x128xf32>
    %mul3A_3709 = arith.mulf %add3A_3708, %bitcast_convert_type3A_3694 : vector<128x128xf32>
    %add3A_3710 = arith.constant -5.26415539 : f32
    %add3A_3711 = vector.broadcast %add3A_3710 : f32 to vector<128x128xf32>
    %add3A_3712 = arith.addf %mul3A_3709, %add3A_3711 : vector<128x128xf32>
    %mul3A_3713 = arith.mulf %add3A_3712, %bitcast_convert_type3A_3694 : vector<128x128xf32>
    %add3A_3714 = arith.constant 6.06585884 : f32
    %add3A_3715 = vector.broadcast %add3A_3714 : f32 to vector<128x128xf32>
    %add3A_3716 = arith.addf %mul3A_3713, %add3A_3715 : vector<128x128xf32>
    %mul3A_3717 = arith.mulf %add3A_3716, %bitcast_convert_type3A_3694 : vector<128x128xf32>
    %add3A_3718 = arith.constant -3.02832508 : f32
    %add3A_3719 = vector.broadcast %add3A_3718 : f32 to vector<128x128xf32>
    %add3A_3720 = arith.addf %mul3A_3717, %add3A_3719 : vector<128x128xf32>
    %convert_element_type3A_3721 = arith.sitofp %sub3A_3687 : vector<128x128xi32> to vector<128x128xf32>
    %add3A_3722 = arith.addf %convert_element_type3A_3721, %add3A_3720 : vector<128x128xf32>
    %mul3A_3723 = arith.constant 0.693147182 : f32
    %mul3A_3724 = vector.broadcast %mul3A_3723 : f32 to vector<128x128xf32>
    %mul3A_3725 = arith.mulf %add3A_3722, %mul3A_3724 : vector<128x128xf32>
    %add3A_3726 = arith.addf %mul3A_3725, %add3A_3679 : vector<128x128xf32>
    %bitcast_convert_type3A_3727 = tpu.bitcast %get3A_3670 : vector<128x128xf32> -> vector<128x128xi32>
    %shift_right_logical3A_3728 = arith.constant 31 : i32
    %shift_right_logical3A_3729 = vector.broadcast %shift_right_logical3A_3728 : i32 to vector<128x128xi32>
    %shift_right_logical3A_3730 = arith.shrui %bitcast_convert_type3A_3727, %shift_right_logical3A_3729 : vector<128x128xi32>
    %convert_element_type3A_3731 = arith.sitofp %shift_right_logical3A_3730 : vector<128x128xi32> to vector<128x128xf32>
    %swap3A_3732 = arith.constant 0 : index
    %swap3A_3733 = arith.constant 6016 : index
    %swap3A_3734 = arith.constant 0 : index
    %swap3A_3735 = vector.load %arg5[%swap3A_3732, %swap3A_3733, %swap3A_3734] : memref<2x8192x128xf32, #tpu.memory_space<vmem>>, vector<1x128x128xf32>
    %swap3A_3736 = vector.shape_cast %swap3A_3735 : vector<1x128x128xf32> to vector<128x128xf32>
    %swap3A_3737 = vector.shape_cast %add3A_3726 : vector<128x128xf32> to vector<1x128x128xf32>
    tpu.vector_store %arg5[%swap3A_3732, %swap3A_3733, %swap3A_3734], %swap3A_3737 {strides = array<i32>} : memref<2x8192x128xf32, #tpu.memory_space<vmem>>, vector<1x128x128xf32>,
    %swap3A_3738 = arith.constant 1 : index
    %swap3A_3739 = arith.constant 6016 : index
    %swap3A_3740 = arith.constant 0 : index
    %swap3A_3741 = vector.load %arg5[%swap3A_3738, %swap3A_3739, %swap3A_3740] : memref<2x8192x128xf32, #tpu.memory_space<vmem>>, vector<1x128x128xf32>
    %swap3A_3742 = vector.shape_cast %swap3A_3741 : vector<1x128x128xf32> to vector<128x128xf32>
    %swap3A_3743 = vector.shape_cast %convert_element_type3A_3731 : vector<128x128xf32> to vector<1x128x128xf32>
    tpu.vector_store %arg5[%swap3A_3738, %swap3A_3739, %swap3A_3740], %swap3A_3743 {strides = array<i32>} : memref<2x8192x128xf32, #tpu.memory_space<vmem>>, vector<1x128x128xf32>,
    %slice3A_3744 = vector.extract_strided_slice %get3A_6 {offsets = [0, 48], sizes = [128, 1], strides = [1, 1]} : vector<128x64xf32> to vector<128x1xf32>
    %slice3A_3745 = vector.extract_strided_slice %get3A_11 {offsets = [0, 48], sizes = [128, 1], strides = [1, 1]} : vector<128x64xf32> to vector<128x1xf32>
    %get3A_3746 = arith.constant 6144 : index
    %get3A_3747 = arith.constant 0 : index
    %get3A_3748 = vector.load %arg3[%get3A_3746, %get3A_3747] : memref<8192x128xf32, #tpu.memory_space<vmem>>, vector<128x128xf32>
    %sub3A_3749 = vector.broadcast %slice3A_3744 : vector<128x1xf32> to vector<128x128xf32>
    %sub3A_3750 = vector.broadcast %get3A_1 : vector<1x128xf32> to vector<128x128xf32>
    %sub3A_3751 = arith.subf %sub3A_3749, %sub3A_3750 : vector<128x128xf32>
    %mul3A_3752 = arith.constant -3.276800e+02 : f32
    %mul3A_3753 = vector.broadcast %mul3A_3752 : f32 to vector<128x128xf32>
    %mul3A_3754 = arith.mulf %mul3A_3753, %sub3A_3751 : vector<128x128xf32>
    %mul3A_3755 = arith.mulf %mul3A_3754, %sub3A_3751 : vector<128x128xf32>
    %add3A_3756 = vector.broadcast %slice3A_3745 : vector<128x1xf32> to vector<128x128xf32>
    %add3A_3757 = arith.addf %mul3A_3755, %add3A_3756 : vector<128x128xf32>
    %abs3A_3758 = math.absf %get3A_3748 : vector<128x128xf32>
    %bitcast_convert_type3A_3759 = tpu.bitcast %abs3A_3758 : vector<128x128xf32> -> vector<128x128xi32>
    %shift_right_arithmetic3A_3760 = arith.constant 23 : i32
    %shift_right_arithmetic3A_3761 = vector.broadcast %shift_right_arithmetic3A_3760 : i32 to vector<128x128xi32>
    %shift_right_arithmetic3A_3762 = arith.shrsi %bitcast_convert_type3A_3759, %shift_right_arithmetic3A_3761 : vector<128x128xi32>
    %sub3A_3763 = arith.constant 127 : i32
    %sub3A_3764 = vector.broadcast %sub3A_3763 : i32 to vector<128x128xi32>
    %sub3A_3765 = arith.subi %shift_right_arithmetic3A_3762, %sub3A_3764 : vector<128x128xi32>
    %and3A_3766 = arith.constant 8388607 : i32
    %and3A_3767 = vector.broadcast %and3A_3766 : i32 to vector<128x128xi32>
    %and3A_3768 = arith.andi %bitcast_convert_type3A_3759, %and3A_3767 : vector<128x128xi32>
    %or3A_3769 = arith.constant 1065353216 : i32
    %or3A_3770 = vector.broadcast %or3A_3769 : i32 to vector<128x128xi32>
    %or3A_3771 = arith.ori %and3A_3768, %or3A_3770 : vector<128x128xi32>
    %bitcast_convert_type3A_3772 = tpu.bitcast %or3A_3771 : vector<128x128xi32> -> vector<128x128xf32>
    %mul3A_3773 = arith.constant -0.0248259846 : f32
    %mul3A_3774 = vector.broadcast %mul3A_3773 : f32 to vector<128x128xf32>
    %mul3A_3775 = arith.mulf %mul3A_3774, %bitcast_convert_type3A_3772 : vector<128x128xf32>
    %add3A_3776 = arith.constant 0.26686278 : f32
    %add3A_3777 = vector.broadcast %add3A_3776 : f32 to vector<128x128xf32>
    %add3A_3778 = arith.addf %mul3A_3775, %add3A_3777 : vector<128x128xf32>
    %mul3A_3779 = arith.mulf %add3A_3778, %bitcast_convert_type3A_3772 : vector<128x128xf32>
    %add3A_3780 = arith.constant -1.23427987 : f32
    %add3A_3781 = vector.broadcast %add3A_3780 : f32 to vector<128x128xf32>
    %add3A_3782 = arith.addf %mul3A_3779, %add3A_3781 : vector<128x128xf32>
    %mul3A_3783 = arith.mulf %add3A_3782, %bitcast_convert_type3A_3772 : vector<128x128xf32>
    %add3A_3784 = arith.constant 3.218870e+00 : f32
    %add3A_3785 = vector.broadcast %add3A_3784 : f32 to vector<128x128xf32>
    %add3A_3786 = arith.addf %mul3A_3783, %add3A_3785 : vector<128x128xf32>
    %mul3A_3787 = arith.mulf %add3A_3786, %bitcast_convert_type3A_3772 : vector<128x128xf32>
    %add3A_3788 = arith.constant -5.26415539 : f32
    %add3A_3789 = vector.broadcast %add3A_3788 : f32 to vector<128x128xf32>
    %add3A_3790 = arith.addf %mul3A_3787, %add3A_3789 : vector<128x128xf32>
    %mul3A_3791 = arith.mulf %add3A_3790, %bitcast_convert_type3A_3772 : vector<128x128xf32>
    %add3A_3792 = arith.constant 6.06585884 : f32
    %add3A_3793 = vector.broadcast %add3A_3792 : f32 to vector<128x128xf32>
    %add3A_3794 = arith.addf %mul3A_3791, %add3A_3793 : vector<128x128xf32>
    %mul3A_3795 = arith.mulf %add3A_3794, %bitcast_convert_type3A_3772 : vector<128x128xf32>
    %add3A_3796 = arith.constant -3.02832508 : f32
    %add3A_3797 = vector.broadcast %add3A_3796 : f32 to vector<128x128xf32>
    %add3A_3798 = arith.addf %mul3A_3795, %add3A_3797 : vector<128x128xf32>
    %convert_element_type3A_3799 = arith.sitofp %sub3A_3765 : vector<128x128xi32> to vector<128x128xf32>
    %add3A_3800 = arith.addf %convert_element_type3A_3799, %add3A_3798 : vector<128x128xf32>
    %mul3A_3801 = arith.constant 0.693147182 : f32
    %mul3A_3802 = vector.broadcast %mul3A_3801 : f32 to vector<128x128xf32>
    %mul3A_3803 = arith.mulf %add3A_3800, %mul3A_3802 : vector<128x128xf32>
    %add3A_3804 = arith.addf %mul3A_3803, %add3A_3757 : vector<128x128xf32>
    %bitcast_convert_type3A_3805 = tpu.bitcast %get3A_3748 : vector<128x128xf32> -> vector<128x128xi32>
    %shift_right_logical3A_3806 = arith.constant 31 : i32
    %shift_right_logical3A_3807 = vector.broadcast %shift_right_logical3A_3806 : i32 to vector<128x128xi32>
    %shift_right_logical3A_3808 = arith.shrui %bitcast_convert_type3A_3805, %shift_right_logical3A_3807 : vector<128x128xi32>
    %convert_element_type3A_3809 = arith.sitofp %shift_right_logical3A_3808 : vector<128x128xi32> to vector<128x128xf32>
    %swap3A_3810 = arith.constant 0 : index
    %swap3A_3811 = arith.constant 6144 : index
    %swap3A_3812 = arith.constant 0 : index
    %swap3A_3813 = vector.load %arg5[%swap3A_3810, %swap3A_3811, %swap3A_3812] : memref<2x8192x128xf32, #tpu.memory_space<vmem>>, vector<1x128x128xf32>
    %swap3A_3814 = vector.shape_cast %swap3A_3813 : vector<1x128x128xf32> to vector<128x128xf32>
    %swap3A_3815 = vector.shape_cast %add3A_3804 : vector<128x128xf32> to vector<1x128x128xf32>
    tpu.vector_store %arg5[%swap3A_3810, %swap3A_3811, %swap3A_3812], %swap3A_3815 {strides = array<i32>} : memref<2x8192x128xf32, #tpu.memory_space<vmem>>, vector<1x128x128xf32>,
    %swap3A_3816 = arith.constant 1 : index
    %swap3A_3817 = arith.constant 6144 : index
    %swap3A_3818 = arith.constant 0 : index
    %swap3A_3819 = vector.load %arg5[%swap3A_3816, %swap3A_3817, %swap3A_3818] : memref<2x8192x128xf32, #tpu.memory_space<vmem>>, vector<1x128x128xf32>
    %swap3A_3820 = vector.shape_cast %swap3A_3819 : vector<1x128x128xf32> to vector<128x128xf32>
    %swap3A_3821 = vector.shape_cast %convert_element_type3A_3809 : vector<128x128xf32> to vector<1x128x128xf32>
    tpu.vector_store %arg5[%swap3A_3816, %swap3A_3817, %swap3A_3818], %swap3A_3821 {strides = array<i32>} : memref<2x8192x128xf32, #tpu.memory_space<vmem>>, vector<1x128x128xf32>,
    %slice3A_3822 = vector.extract_strided_slice %get3A_6 {offsets = [0, 49], sizes = [128, 1], strides = [1, 1]} : vector<128x64xf32> to vector<128x1xf32>
    %slice3A_3823 = vector.extract_strided_slice %get3A_11 {offsets = [0, 49], sizes = [128, 1], strides = [1, 1]} : vector<128x64xf32> to vector<128x1xf32>
    %get3A_3824 = arith.constant 6272 : index
    %get3A_3825 = arith.constant 0 : index
    %get3A_3826 = vector.load %arg3[%get3A_3824, %get3A_3825] : memref<8192x128xf32, #tpu.memory_space<vmem>>, vector<128x128xf32>
    %sub3A_3827 = vector.broadcast %slice3A_3822 : vector<128x1xf32> to vector<128x128xf32>
    %sub3A_3828 = vector.broadcast %get3A_1 : vector<1x128xf32> to vector<128x128xf32>
    %sub3A_3829 = arith.subf %sub3A_3827, %sub3A_3828 : vector<128x128xf32>
    %mul3A_3830 = arith.constant -3.276800e+02 : f32
    %mul3A_3831 = vector.broadcast %mul3A_3830 : f32 to vector<128x128xf32>
    %mul3A_3832 = arith.mulf %mul3A_3831, %sub3A_3829 : vector<128x128xf32>
    %mul3A_3833 = arith.mulf %mul3A_3832, %sub3A_3829 : vector<128x128xf32>
    %add3A_3834 = vector.broadcast %slice3A_3823 : vector<128x1xf32> to vector<128x128xf32>
    %add3A_3835 = arith.addf %mul3A_3833, %add3A_3834 : vector<128x128xf32>
    %abs3A_3836 = math.absf %get3A_3826 : vector<128x128xf32>
    %bitcast_convert_type3A_3837 = tpu.bitcast %abs3A_3836 : vector<128x128xf32> -> vector<128x128xi32>
    %shift_right_arithmetic3A_3838 = arith.constant 23 : i32
    %shift_right_arithmetic3A_3839 = vector.broadcast %shift_right_arithmetic3A_3838 : i32 to vector<128x128xi32>
    %shift_right_arithmetic3A_3840 = arith.shrsi %bitcast_convert_type3A_3837, %shift_right_arithmetic3A_3839 : vector<128x128xi32>
    %sub3A_3841 = arith.constant 127 : i32
    %sub3A_3842 = vector.broadcast %sub3A_3841 : i32 to vector<128x128xi32>
    %sub3A_3843 = arith.subi %shift_right_arithmetic3A_3840, %sub3A_3842 : vector<128x128xi32>
    %and3A_3844 = arith.constant 8388607 : i32
    %and3A_3845 = vector.broadcast %and3A_3844 : i32 to vector<128x128xi32>
    %and3A_3846 = arith.andi %bitcast_convert_type3A_3837, %and3A_3845 : vector<128x128xi32>
    %or3A_3847 = arith.constant 1065353216 : i32
    %or3A_3848 = vector.broadcast %or3A_3847 : i32 to vector<128x128xi32>
    %or3A_3849 = arith.ori %and3A_3846, %or3A_3848 : vector<128x128xi32>
    %bitcast_convert_type3A_3850 = tpu.bitcast %or3A_3849 : vector<128x128xi32> -> vector<128x128xf32>
    %mul3A_3851 = arith.constant -0.0248259846 : f32
    %mul3A_3852 = vector.broadcast %mul3A_3851 : f32 to vector<128x128xf32>
    %mul3A_3853 = arith.mulf %mul3A_3852, %bitcast_convert_type3A_3850 : vector<128x128xf32>
    %add3A_3854 = arith.constant 0.26686278 : f32
    %add3A_3855 = vector.broadcast %add3A_3854 : f32 to vector<128x128xf32>
    %add3A_3856 = arith.addf %mul3A_3853, %add3A_3855 : vector<128x128xf32>
    %mul3A_3857 = arith.mulf %add3A_3856, %bitcast_convert_type3A_3850 : vector<128x128xf32>
    %add3A_3858 = arith.constant -1.23427987 : f32
    %add3A_3859 = vector.broadcast %add3A_3858 : f32 to vector<128x128xf32>
    %add3A_3860 = arith.addf %mul3A_3857, %add3A_3859 : vector<128x128xf32>
    %mul3A_3861 = arith.mulf %add3A_3860, %bitcast_convert_type3A_3850 : vector<128x128xf32>
    %add3A_3862 = arith.constant 3.218870e+00 : f32
    %add3A_3863 = vector.broadcast %add3A_3862 : f32 to vector<128x128xf32>
    %add3A_3864 = arith.addf %mul3A_3861, %add3A_3863 : vector<128x128xf32>
    %mul3A_3865 = arith.mulf %add3A_3864, %bitcast_convert_type3A_3850 : vector<128x128xf32>
    %add3A_3866 = arith.constant -5.26415539 : f32
    %add3A_3867 = vector.broadcast %add3A_3866 : f32 to vector<128x128xf32>
    %add3A_3868 = arith.addf %mul3A_3865, %add3A_3867 : vector<128x128xf32>
    %mul3A_3869 = arith.mulf %add3A_3868, %bitcast_convert_type3A_3850 : vector<128x128xf32>
    %add3A_3870 = arith.constant 6.06585884 : f32
    %add3A_3871 = vector.broadcast %add3A_3870 : f32 to vector<128x128xf32>
    %add3A_3872 = arith.addf %mul3A_3869, %add3A_3871 : vector<128x128xf32>
    %mul3A_3873 = arith.mulf %add3A_3872, %bitcast_convert_type3A_3850 : vector<128x128xf32>
    %add3A_3874 = arith.constant -3.02832508 : f32
    %add3A_3875 = vector.broadcast %add3A_3874 : f32 to vector<128x128xf32>
    %add3A_3876 = arith.addf %mul3A_3873, %add3A_3875 : vector<128x128xf32>
    %convert_element_type3A_3877 = arith.sitofp %sub3A_3843 : vector<128x128xi32> to vector<128x128xf32>
    %add3A_3878 = arith.addf %convert_element_type3A_3877, %add3A_3876 : vector<128x128xf32>
    %mul3A_3879 = arith.constant 0.693147182 : f32
    %mul3A_3880 = vector.broadcast %mul3A_3879 : f32 to vector<128x128xf32>
    %mul3A_3881 = arith.mulf %add3A_3878, %mul3A_3880 : vector<128x128xf32>
    %add3A_3882 = arith.addf %mul3A_3881, %add3A_3835 : vector<128x128xf32>
    %bitcast_convert_type3A_3883 = tpu.bitcast %get3A_3826 : vector<128x128xf32> -> vector<128x128xi32>
    %shift_right_logical3A_3884 = arith.constant 31 : i32
    %shift_right_logical3A_3885 = vector.broadcast %shift_right_logical3A_3884 : i32 to vector<128x128xi32>
    %shift_right_logical3A_3886 = arith.shrui %bitcast_convert_type3A_3883, %shift_right_logical3A_3885 : vector<128x128xi32>
    %convert_element_type3A_3887 = arith.sitofp %shift_right_logical3A_3886 : vector<128x128xi32> to vector<128x128xf32>
    %swap3A_3888 = arith.constant 0 : index
    %swap3A_3889 = arith.constant 6272 : index
    %swap3A_3890 = arith.constant 0 : index
    %swap3A_3891 = vector.load %arg5[%swap3A_3888, %swap3A_3889, %swap3A_3890] : memref<2x8192x128xf32, #tpu.memory_space<vmem>>, vector<1x128x128xf32>
    %swap3A_3892 = vector.shape_cast %swap3A_3891 : vector<1x128x128xf32> to vector<128x128xf32>
    %swap3A_3893 = vector.shape_cast %add3A_3882 : vector<128x128xf32> to vector<1x128x128xf32>
    tpu.vector_store %arg5[%swap3A_3888, %swap3A_3889, %swap3A_3890], %swap3A_3893 {strides = array<i32>} : memref<2x8192x128xf32, #tpu.memory_space<vmem>>, vector<1x128x128xf32>,
    %swap3A_3894 = arith.constant 1 : index
    %swap3A_3895 = arith.constant 6272 : index
    %swap3A_3896 = arith.constant 0 : index
    %swap3A_3897 = vector.load %arg5[%swap3A_3894, %swap3A_3895, %swap3A_3896] : memref<2x8192x128xf32, #tpu.memory_space<vmem>>, vector<1x128x128xf32>
    %swap3A_3898 = vector.shape_cast %swap3A_3897 : vector<1x128x128xf32> to vector<128x128xf32>
    %swap3A_3899 = vector.shape_cast %convert_element_type3A_3887 : vector<128x128xf32> to vector<1x128x128xf32>
    tpu.vector_store %arg5[%swap3A_3894, %swap3A_3895, %swap3A_3896], %swap3A_3899 {strides = array<i32>} : memref<2x8192x128xf32, #tpu.memory_space<vmem>>, vector<1x128x128xf32>,
    %slice3A_3900 = vector.extract_strided_slice %get3A_6 {offsets = [0, 50], sizes = [128, 1], strides = [1, 1]} : vector<128x64xf32> to vector<128x1xf32>
    %slice3A_3901 = vector.extract_strided_slice %get3A_11 {offsets = [0, 50], sizes = [128, 1], strides = [1, 1]} : vector<128x64xf32> to vector<128x1xf32>
    %get3A_3902 = arith.constant 6400 : index
    %get3A_3903 = arith.constant 0 : index
    %get3A_3904 = vector.load %arg3[%get3A_3902, %get3A_3903] : memref<8192x128xf32, #tpu.memory_space<vmem>>, vector<128x128xf32>
    %sub3A_3905 = vector.broadcast %slice3A_3900 : vector<128x1xf32> to vector<128x128xf32>
    %sub3A_3906 = vector.broadcast %get3A_1 : vector<1x128xf32> to vector<128x128xf32>
    %sub3A_3907 = arith.subf %sub3A_3905, %sub3A_3906 : vector<128x128xf32>
    %mul3A_3908 = arith.constant -3.276800e+02 : f32
    %mul3A_3909 = vector.broadcast %mul3A_3908 : f32 to vector<128x128xf32>
    %mul3A_3910 = arith.mulf %mul3A_3909, %sub3A_3907 : vector<128x128xf32>
    %mul3A_3911 = arith.mulf %mul3A_3910, %sub3A_3907 : vector<128x128xf32>
    %add3A_3912 = vector.broadcast %slice3A_3901 : vector<128x1xf32> to vector<128x128xf32>
    %add3A_3913 = arith.addf %mul3A_3911, %add3A_3912 : vector<128x128xf32>
    %abs3A_3914 = math.absf %get3A_3904 : vector<128x128xf32>
    %bitcast_convert_type3A_3915 = tpu.bitcast %abs3A_3914 : vector<128x128xf32> -> vector<128x128xi32>
    %shift_right_arithmetic3A_3916 = arith.constant 23 : i32
    %shift_right_arithmetic3A_3917 = vector.broadcast %shift_right_arithmetic3A_3916 : i32 to vector<128x128xi32>
    %shift_right_arithmetic3A_3918 = arith.shrsi %bitcast_convert_type3A_3915, %shift_right_arithmetic3A_3917 : vector<128x128xi32>
    %sub3A_3919 = arith.constant 127 : i32
    %sub3A_3920 = vector.broadcast %sub3A_3919 : i32 to vector<128x128xi32>
    %sub3A_3921 = arith.subi %shift_right_arithmetic3A_3918, %sub3A_3920 : vector<128x128xi32>
    %and3A_3922 = arith.constant 8388607 : i32
    %and3A_3923 = vector.broadcast %and3A_3922 : i32 to vector<128x128xi32>
    %and3A_3924 = arith.andi %bitcast_convert_type3A_3915, %and3A_3923 : vector<128x128xi32>
    %or3A_3925 = arith.constant 1065353216 : i32
    %or3A_3926 = vector.broadcast %or3A_3925 : i32 to vector<128x128xi32>
    %or3A_3927 = arith.ori %and3A_3924, %or3A_3926 : vector<128x128xi32>
    %bitcast_convert_type3A_3928 = tpu.bitcast %or3A_3927 : vector<128x128xi32> -> vector<128x128xf32>
    %mul3A_3929 = arith.constant -0.0248259846 : f32
    %mul3A_3930 = vector.broadcast %mul3A_3929 : f32 to vector<128x128xf32>
    %mul3A_3931 = arith.mulf %mul3A_3930, %bitcast_convert_type3A_3928 : vector<128x128xf32>
    %add3A_3932 = arith.constant 0.26686278 : f32
    %add3A_3933 = vector.broadcast %add3A_3932 : f32 to vector<128x128xf32>
    %add3A_3934 = arith.addf %mul3A_3931, %add3A_3933 : vector<128x128xf32>
    %mul3A_3935 = arith.mulf %add3A_3934, %bitcast_convert_type3A_3928 : vector<128x128xf32>
    %add3A_3936 = arith.constant -1.23427987 : f32
    %add3A_3937 = vector.broadcast %add3A_3936 : f32 to vector<128x128xf32>
    %add3A_3938 = arith.addf %mul3A_3935, %add3A_3937 : vector<128x128xf32>
    %mul3A_3939 = arith.mulf %add3A_3938, %bitcast_convert_type3A_3928 : vector<128x128xf32>
    %add3A_3940 = arith.constant 3.218870e+00 : f32
    %add3A_3941 = vector.broadcast %add3A_3940 : f32 to vector<128x128xf32>
    %add3A_3942 = arith.addf %mul3A_3939, %add3A_3941 : vector<128x128xf32>
    %mul3A_3943 = arith.mulf %add3A_3942, %bitcast_convert_type3A_3928 : vector<128x128xf32>
    %add3A_3944 = arith.constant -5.26415539 : f32
    %add3A_3945 = vector.broadcast %add3A_3944 : f32 to vector<128x128xf32>
    %add3A_3946 = arith.addf %mul3A_3943, %add3A_3945 : vector<128x128xf32>
    %mul3A_3947 = arith.mulf %add3A_3946, %bitcast_convert_type3A_3928 : vector<128x128xf32>
    %add3A_3948 = arith.constant 6.06585884 : f32
    %add3A_3949 = vector.broadcast %add3A_3948 : f32 to vector<128x128xf32>
    %add3A_3950 = arith.addf %mul3A_3947, %add3A_3949 : vector<128x128xf32>
    %mul3A_3951 = arith.mulf %add3A_3950, %bitcast_convert_type3A_3928 : vector<128x128xf32>
    %add3A_3952 = arith.constant -3.02832508 : f32
    %add3A_3953 = vector.broadcast %add3A_3952 : f32 to vector<128x128xf32>
    %add3A_3954 = arith.addf %mul3A_3951, %add3A_3953 : vector<128x128xf32>
    %convert_element_type3A_3955 = arith.sitofp %sub3A_3921 : vector<128x128xi32> to vector<128x128xf32>
    %add3A_3956 = arith.addf %convert_element_type3A_3955, %add3A_3954 : vector<128x128xf32>
    %mul3A_3957 = arith.constant 0.693147182 : f32
    %mul3A_3958 = vector.broadcast %mul3A_3957 : f32 to vector<128x128xf32>
    %mul3A_3959 = arith.mulf %add3A_3956, %mul3A_3958 : vector<128x128xf32>
    %add3A_3960 = arith.addf %mul3A_3959, %add3A_3913 : vector<128x128xf32>
    %bitcast_convert_type3A_3961 = tpu.bitcast %get3A_3904 : vector<128x128xf32> -> vector<128x128xi32>
    %shift_right_logical3A_3962 = arith.constant 31 : i32
    %shift_right_logical3A_3963 = vector.broadcast %shift_right_logical3A_3962 : i32 to vector<128x128xi32>
    %shift_right_logical3A_3964 = arith.shrui %bitcast_convert_type3A_3961, %shift_right_logical3A_3963 : vector<128x128xi32>
    %convert_element_type3A_3965 = arith.sitofp %shift_right_logical3A_3964 : vector<128x128xi32> to vector<128x128xf32>
    %swap3A_3966 = arith.constant 0 : index
    %swap3A_3967 = arith.constant 6400 : index
    %swap3A_3968 = arith.constant 0 : index
    %swap3A_3969 = vector.load %arg5[%swap3A_3966, %swap3A_3967, %swap3A_3968] : memref<2x8192x128xf32, #tpu.memory_space<vmem>>, vector<1x128x128xf32>
    %swap3A_3970 = vector.shape_cast %swap3A_3969 : vector<1x128x128xf32> to vector<128x128xf32>
    %swap3A_3971 = vector.shape_cast %add3A_3960 : vector<128x128xf32> to vector<1x128x128xf32>
    tpu.vector_store %arg5[%swap3A_3966, %swap3A_3967, %swap3A_3968], %swap3A_3971 {strides = array<i32>} : memref<2x8192x128xf32, #tpu.memory_space<vmem>>, vector<1x128x128xf32>,
    %swap3A_3972 = arith.constant 1 : index
    %swap3A_3973 = arith.constant 6400 : index
    %swap3A_3974 = arith.constant 0 : index
    %swap3A_3975 = vector.load %arg5[%swap3A_3972, %swap3A_3973, %swap3A_3974] : memref<2x8192x128xf32, #tpu.memory_space<vmem>>, vector<1x128x128xf32>
    %swap3A_3976 = vector.shape_cast %swap3A_3975 : vector<1x128x128xf32> to vector<128x128xf32>
    %swap3A_3977 = vector.shape_cast %convert_element_type3A_3965 : vector<128x128xf32> to vector<1x128x128xf32>
    tpu.vector_store %arg5[%swap3A_3972, %swap3A_3973, %swap3A_3974], %swap3A_3977 {strides = array<i32>} : memref<2x8192x128xf32, #tpu.memory_space<vmem>>, vector<1x128x128xf32>,
    %slice3A_3978 = vector.extract_strided_slice %get3A_6 {offsets = [0, 51], sizes = [128, 1], strides = [1, 1]} : vector<128x64xf32> to vector<128x1xf32>
    %slice3A_3979 = vector.extract_strided_slice %get3A_11 {offsets = [0, 51], sizes = [128, 1], strides = [1, 1]} : vector<128x64xf32> to vector<128x1xf32>
    %get3A_3980 = arith.constant 6528 : index
    %get3A_3981 = arith.constant 0 : index
    %get3A_3982 = vector.load %arg3[%get3A_3980, %get3A_3981] : memref<8192x128xf32, #tpu.memory_space<vmem>>, vector<128x128xf32>
    %sub3A_3983 = vector.broadcast %slice3A_3978 : vector<128x1xf32> to vector<128x128xf32>
    %sub3A_3984 = vector.broadcast %get3A_1 : vector<1x128xf32> to vector<128x128xf32>
    %sub3A_3985 = arith.subf %sub3A_3983, %sub3A_3984 : vector<128x128xf32>
    %mul3A_3986 = arith.constant -3.276800e+02 : f32
    %mul3A_3987 = vector.broadcast %mul3A_3986 : f32 to vector<128x128xf32>
    %mul3A_3988 = arith.mulf %mul3A_3987, %sub3A_3985 : vector<128x128xf32>
    %mul3A_3989 = arith.mulf %mul3A_3988, %sub3A_3985 : vector<128x128xf32>
    %add3A_3990 = vector.broadcast %slice3A_3979 : vector<128x1xf32> to vector<128x128xf32>
    %add3A_3991 = arith.addf %mul3A_3989, %add3A_3990 : vector<128x128xf32>
    %abs3A_3992 = math.absf %get3A_3982 : vector<128x128xf32>
    %bitcast_convert_type3A_3993 = tpu.bitcast %abs3A_3992 : vector<128x128xf32> -> vector<128x128xi32>
    %shift_right_arithmetic3A_3994 = arith.constant 23 : i32
    %shift_right_arithmetic3A_3995 = vector.broadcast %shift_right_arithmetic3A_3994 : i32 to vector<128x128xi32>
    %shift_right_arithmetic3A_3996 = arith.shrsi %bitcast_convert_type3A_3993, %shift_right_arithmetic3A_3995 : vector<128x128xi32>
    %sub3A_3997 = arith.constant 127 : i32
    %sub3A_3998 = vector.broadcast %sub3A_3997 : i32 to vector<128x128xi32>
    %sub3A_3999 = arith.subi %shift_right_arithmetic3A_3996, %sub3A_3998 : vector<128x128xi32>
    %and3A_4000 = arith.constant 8388607 : i32
    %and3A_4001 = vector.broadcast %and3A_4000 : i32 to vector<128x128xi32>
    %and3A_4002 = arith.andi %bitcast_convert_type3A_3993, %and3A_4001 : vector<128x128xi32>
    %or3A_4003 = arith.constant 1065353216 : i32
    %or3A_4004 = vector.broadcast %or3A_4003 : i32 to vector<128x128xi32>
    %or3A_4005 = arith.ori %and3A_4002, %or3A_4004 : vector<128x128xi32>
    %bitcast_convert_type3A_4006 = tpu.bitcast %or3A_4005 : vector<128x128xi32> -> vector<128x128xf32>
    %mul3A_4007 = arith.constant -0.0248259846 : f32
    %mul3A_4008 = vector.broadcast %mul3A_4007 : f32 to vector<128x128xf32>
    %mul3A_4009 = arith.mulf %mul3A_4008, %bitcast_convert_type3A_4006 : vector<128x128xf32>
    %add3A_4010 = arith.constant 0.26686278 : f32
    %add3A_4011 = vector.broadcast %add3A_4010 : f32 to vector<128x128xf32>
    %add3A_4012 = arith.addf %mul3A_4009, %add3A_4011 : vector<128x128xf32>
    %mul3A_4013 = arith.mulf %add3A_4012, %bitcast_convert_type3A_4006 : vector<128x128xf32>
    %add3A_4014 = arith.constant -1.23427987 : f32
    %add3A_4015 = vector.broadcast %add3A_4014 : f32 to vector<128x128xf32>
    %add3A_4016 = arith.addf %mul3A_4013, %add3A_4015 : vector<128x128xf32>
    %mul3A_4017 = arith.mulf %add3A_4016, %bitcast_convert_type3A_4006 : vector<128x128xf32>
    %add3A_4018 = arith.constant 3.218870e+00 : f32
    %add3A_4019 = vector.broadcast %add3A_4018 : f32 to vector<128x128xf32>
    %add3A_4020 = arith.addf %mul3A_4017, %add3A_4019 : vector<128x128xf32>
    %mul3A_4021 = arith.mulf %add3A_4020, %bitcast_convert_type3A_4006 : vector<128x128xf32>
    %add3A_4022 = arith.constant -5.26415539 : f32
    %add3A_4023 = vector.broadcast %add3A_4022 : f32 to vector<128x128xf32>
    %add3A_4024 = arith.addf %mul3A_4021, %add3A_4023 : vector<128x128xf32>
    %mul3A_4025 = arith.mulf %add3A_4024, %bitcast_convert_type3A_4006 : vector<128x128xf32>
    %add3A_4026 = arith.constant 6.06585884 : f32
    %add3A_4027 = vector.broadcast %add3A_4026 : f32 to vector<128x128xf32>
    %add3A_4028 = arith.addf %mul3A_4025, %add3A_4027 : vector<128x128xf32>
    %mul3A_4029 = arith.mulf %add3A_4028, %bitcast_convert_type3A_4006 : vector<128x128xf32>
    %add3A_4030 = arith.constant -3.02832508 : f32
    %add3A_4031 = vector.broadcast %add3A_4030 : f32 to vector<128x128xf32>
    %add3A_4032 = arith.addf %mul3A_4029, %add3A_4031 : vector<128x128xf32>
    %convert_element_type3A_4033 = arith.sitofp %sub3A_3999 : vector<128x128xi32> to vector<128x128xf32>
    %add3A_4034 = arith.addf %convert_element_type3A_4033, %add3A_4032 : vector<128x128xf32>
    %mul3A_4035 = arith.constant 0.693147182 : f32
    %mul3A_4036 = vector.broadcast %mul3A_4035 : f32 to vector<128x128xf32>
    %mul3A_4037 = arith.mulf %add3A_4034, %mul3A_4036 : vector<128x128xf32>
    %add3A_4038 = arith.addf %mul3A_4037, %add3A_3991 : vector<128x128xf32>
    %bitcast_convert_type3A_4039 = tpu.bitcast %get3A_3982 : vector<128x128xf32> -> vector<128x128xi32>
    %shift_right_logical3A_4040 = arith.constant 31 : i32
    %shift_right_logical3A_4041 = vector.broadcast %shift_right_logical3A_4040 : i32 to vector<128x128xi32>
    %shift_right_logical3A_4042 = arith.shrui %bitcast_convert_type3A_4039, %shift_right_logical3A_4041 : vector<128x128xi32>
    %convert_element_type3A_4043 = arith.sitofp %shift_right_logical3A_4042 : vector<128x128xi32> to vector<128x128xf32>
    %swap3A_4044 = arith.constant 0 : index
    %swap3A_4045 = arith.constant 6528 : index
    %swap3A_4046 = arith.constant 0 : index
    %swap3A_4047 = vector.load %arg5[%swap3A_4044, %swap3A_4045, %swap3A_4046] : memref<2x8192x128xf32, #tpu.memory_space<vmem>>, vector<1x128x128xf32>
    %swap3A_4048 = vector.shape_cast %swap3A_4047 : vector<1x128x128xf32> to vector<128x128xf32>
    %swap3A_4049 = vector.shape_cast %add3A_4038 : vector<128x128xf32> to vector<1x128x128xf32>
    tpu.vector_store %arg5[%swap3A_4044, %swap3A_4045, %swap3A_4046], %swap3A_4049 {strides = array<i32>} : memref<2x8192x128xf32, #tpu.memory_space<vmem>>, vector<1x128x128xf32>,
    %swap3A_4050 = arith.constant 1 : index
    %swap3A_4051 = arith.constant 6528 : index
    %swap3A_4052 = arith.constant 0 : index
    %swap3A_4053 = vector.load %arg5[%swap3A_4050, %swap3A_4051, %swap3A_4052] : memref<2x8192x128xf32, #tpu.memory_space<vmem>>, vector<1x128x128xf32>
    %swap3A_4054 = vector.shape_cast %swap3A_4053 : vector<1x128x128xf32> to vector<128x128xf32>
    %swap3A_4055 = vector.shape_cast %convert_element_type3A_4043 : vector<128x128xf32> to vector<1x128x128xf32>
    tpu.vector_store %arg5[%swap3A_4050, %swap3A_4051, %swap3A_4052], %swap3A_4055 {strides = array<i32>} : memref<2x8192x128xf32, #tpu.memory_space<vmem>>, vector<1x128x128xf32>,
    %slice3A_4056 = vector.extract_strided_slice %get3A_6 {offsets = [0, 52], sizes = [128, 1], strides = [1, 1]} : vector<128x64xf32> to vector<128x1xf32>
    %slice3A_4057 = vector.extract_strided_slice %get3A_11 {offsets = [0, 52], sizes = [128, 1], strides = [1, 1]} : vector<128x64xf32> to vector<128x1xf32>
    %get3A_4058 = arith.constant 6656 : index
    %get3A_4059 = arith.constant 0 : index
    %get3A_4060 = vector.load %arg3[%get3A_4058, %get3A_4059] : memref<8192x128xf32, #tpu.memory_space<vmem>>, vector<128x128xf32>
    %sub3A_4061 = vector.broadcast %slice3A_4056 : vector<128x1xf32> to vector<128x128xf32>
    %sub3A_4062 = vector.broadcast %get3A_1 : vector<1x128xf32> to vector<128x128xf32>
    %sub3A_4063 = arith.subf %sub3A_4061, %sub3A_4062 : vector<128x128xf32>
    %mul3A_4064 = arith.constant -3.276800e+02 : f32
    %mul3A_4065 = vector.broadcast %mul3A_4064 : f32 to vector<128x128xf32>
    %mul3A_4066 = arith.mulf %mul3A_4065, %sub3A_4063 : vector<128x128xf32>
    %mul3A_4067 = arith.mulf %mul3A_4066, %sub3A_4063 : vector<128x128xf32>
    %add3A_4068 = vector.broadcast %slice3A_4057 : vector<128x1xf32> to vector<128x128xf32>
    %add3A_4069 = arith.addf %mul3A_4067, %add3A_4068 : vector<128x128xf32>
    %abs3A_4070 = math.absf %get3A_4060 : vector<128x128xf32>
    %bitcast_convert_type3A_4071 = tpu.bitcast %abs3A_4070 : vector<128x128xf32> -> vector<128x128xi32>
    %shift_right_arithmetic3A_4072 = arith.constant 23 : i32
    %shift_right_arithmetic3A_4073 = vector.broadcast %shift_right_arithmetic3A_4072 : i32 to vector<128x128xi32>
    %shift_right_arithmetic3A_4074 = arith.shrsi %bitcast_convert_type3A_4071, %shift_right_arithmetic3A_4073 : vector<128x128xi32>
    %sub3A_4075 = arith.constant 127 : i32
    %sub3A_4076 = vector.broadcast %sub3A_4075 : i32 to vector<128x128xi32>
    %sub3A_4077 = arith.subi %shift_right_arithmetic3A_4074, %sub3A_4076 : vector<128x128xi32>
    %and3A_4078 = arith.constant 8388607 : i32
    %and3A_4079 = vector.broadcast %and3A_4078 : i32 to vector<128x128xi32>
    %and3A_4080 = arith.andi %bitcast_convert_type3A_4071, %and3A_4079 : vector<128x128xi32>
    %or3A_4081 = arith.constant 1065353216 : i32
    %or3A_4082 = vector.broadcast %or3A_4081 : i32 to vector<128x128xi32>
    %or3A_4083 = arith.ori %and3A_4080, %or3A_4082 : vector<128x128xi32>
    %bitcast_convert_type3A_4084 = tpu.bitcast %or3A_4083 : vector<128x128xi32> -> vector<128x128xf32>
    %mul3A_4085 = arith.constant -0.0248259846 : f32
    %mul3A_4086 = vector.broadcast %mul3A_4085 : f32 to vector<128x128xf32>
    %mul3A_4087 = arith.mulf %mul3A_4086, %bitcast_convert_type3A_4084 : vector<128x128xf32>
    %add3A_4088 = arith.constant 0.26686278 : f32
    %add3A_4089 = vector.broadcast %add3A_4088 : f32 to vector<128x128xf32>
    %add3A_4090 = arith.addf %mul3A_4087, %add3A_4089 : vector<128x128xf32>
    %mul3A_4091 = arith.mulf %add3A_4090, %bitcast_convert_type3A_4084 : vector<128x128xf32>
    %add3A_4092 = arith.constant -1.23427987 : f32
    %add3A_4093 = vector.broadcast %add3A_4092 : f32 to vector<128x128xf32>
    %add3A_4094 = arith.addf %mul3A_4091, %add3A_4093 : vector<128x128xf32>
    %mul3A_4095 = arith.mulf %add3A_4094, %bitcast_convert_type3A_4084 : vector<128x128xf32>
    %add3A_4096 = arith.constant 3.218870e+00 : f32
    %add3A_4097 = vector.broadcast %add3A_4096 : f32 to vector<128x128xf32>
    %add3A_4098 = arith.addf %mul3A_4095, %add3A_4097 : vector<128x128xf32>
    %mul3A_4099 = arith.mulf %add3A_4098, %bitcast_convert_type3A_4084 : vector<128x128xf32>
    %add3A_4100 = arith.constant -5.26415539 : f32
    %add3A_4101 = vector.broadcast %add3A_4100 : f32 to vector<128x128xf32>
    %add3A_4102 = arith.addf %mul3A_4099, %add3A_4101 : vector<128x128xf32>
    %mul3A_4103 = arith.mulf %add3A_4102, %bitcast_convert_type3A_4084 : vector<128x128xf32>
    %add3A_4104 = arith.constant 6.06585884 : f32
    %add3A_4105 = vector.broadcast %add3A_4104 : f32 to vector<128x128xf32>
    %add3A_4106 = arith.addf %mul3A_4103, %add3A_4105 : vector<128x128xf32>
    %mul3A_4107 = arith.mulf %add3A_4106, %bitcast_convert_type3A_4084 : vector<128x128xf32>
    %add3A_4108 = arith.constant -3.02832508 : f32
    %add3A_4109 = vector.broadcast %add3A_4108 : f32 to vector<128x128xf32>
    %add3A_4110 = arith.addf %mul3A_4107, %add3A_4109 : vector<128x128xf32>
    %convert_element_type3A_4111 = arith.sitofp %sub3A_4077 : vector<128x128xi32> to vector<128x128xf32>
    %add3A_4112 = arith.addf %convert_element_type3A_4111, %add3A_4110 : vector<128x128xf32>
    %mul3A_4113 = arith.constant 0.693147182 : f32
    %mul3A_4114 = vector.broadcast %mul3A_4113 : f32 to vector<128x128xf32>
    %mul3A_4115 = arith.mulf %add3A_4112, %mul3A_4114 : vector<128x128xf32>
    %add3A_4116 = arith.addf %mul3A_4115, %add3A_4069 : vector<128x128xf32>
    %bitcast_convert_type3A_4117 = tpu.bitcast %get3A_4060 : vector<128x128xf32> -> vector<128x128xi32>
    %shift_right_logical3A_4118 = arith.constant 31 : i32
    %shift_right_logical3A_4119 = vector.broadcast %shift_right_logical3A_4118 : i32 to vector<128x128xi32>
    %shift_right_logical3A_4120 = arith.shrui %bitcast_convert_type3A_4117, %shift_right_logical3A_4119 : vector<128x128xi32>
    %convert_element_type3A_4121 = arith.sitofp %shift_right_logical3A_4120 : vector<128x128xi32> to vector<128x128xf32>
    %swap3A_4122 = arith.constant 0 : index
    %swap3A_4123 = arith.constant 6656 : index
    %swap3A_4124 = arith.constant 0 : index
    %swap3A_4125 = vector.load %arg5[%swap3A_4122, %swap3A_4123, %swap3A_4124] : memref<2x8192x128xf32, #tpu.memory_space<vmem>>, vector<1x128x128xf32>
    %swap3A_4126 = vector.shape_cast %swap3A_4125 : vector<1x128x128xf32> to vector<128x128xf32>
    %swap3A_4127 = vector.shape_cast %add3A_4116 : vector<128x128xf32> to vector<1x128x128xf32>
    tpu.vector_store %arg5[%swap3A_4122, %swap3A_4123, %swap3A_4124], %swap3A_4127 {strides = array<i32>} : memref<2x8192x128xf32, #tpu.memory_space<vmem>>, vector<1x128x128xf32>,
    %swap3A_4128 = arith.constant 1 : index
    %swap3A_4129 = arith.constant 6656 : index
    %swap3A_4130 = arith.constant 0 : index
    %swap3A_4131 = vector.load %arg5[%swap3A_4128, %swap3A_4129, %swap3A_4130] : memref<2x8192x128xf32, #tpu.memory_space<vmem>>, vector<1x128x128xf32>
    %swap3A_4132 = vector.shape_cast %swap3A_4131 : vector<1x128x128xf32> to vector<128x128xf32>
    %swap3A_4133 = vector.shape_cast %convert_element_type3A_4121 : vector<128x128xf32> to vector<1x128x128xf32>
    tpu.vector_store %arg5[%swap3A_4128, %swap3A_4129, %swap3A_4130], %swap3A_4133 {strides = array<i32>} : memref<2x8192x128xf32, #tpu.memory_space<vmem>>, vector<1x128x128xf32>,
    %slice3A_4134 = vector.extract_strided_slice %get3A_6 {offsets = [0, 53], sizes = [128, 1], strides = [1, 1]} : vector<128x64xf32> to vector<128x1xf32>
    %slice3A_4135 = vector.extract_strided_slice %get3A_11 {offsets = [0, 53], sizes = [128, 1], strides = [1, 1]} : vector<128x64xf32> to vector<128x1xf32>
    %get3A_4136 = arith.constant 6784 : index
    %get3A_4137 = arith.constant 0 : index
    %get3A_4138 = vector.load %arg3[%get3A_4136, %get3A_4137] : memref<8192x128xf32, #tpu.memory_space<vmem>>, vector<128x128xf32>
    %sub3A_4139 = vector.broadcast %slice3A_4134 : vector<128x1xf32> to vector<128x128xf32>
    %sub3A_4140 = vector.broadcast %get3A_1 : vector<1x128xf32> to vector<128x128xf32>
    %sub3A_4141 = arith.subf %sub3A_4139, %sub3A_4140 : vector<128x128xf32>
    %mul3A_4142 = arith.constant -3.276800e+02 : f32
    %mul3A_4143 = vector.broadcast %mul3A_4142 : f32 to vector<128x128xf32>
    %mul3A_4144 = arith.mulf %mul3A_4143, %sub3A_4141 : vector<128x128xf32>
    %mul3A_4145 = arith.mulf %mul3A_4144, %sub3A_4141 : vector<128x128xf32>
    %add3A_4146 = vector.broadcast %slice3A_4135 : vector<128x1xf32> to vector<128x128xf32>
    %add3A_4147 = arith.addf %mul3A_4145, %add3A_4146 : vector<128x128xf32>
    %abs3A_4148 = math.absf %get3A_4138 : vector<128x128xf32>
    %bitcast_convert_type3A_4149 = tpu.bitcast %abs3A_4148 : vector<128x128xf32> -> vector<128x128xi32>
    %shift_right_arithmetic3A_4150 = arith.constant 23 : i32
    %shift_right_arithmetic3A_4151 = vector.broadcast %shift_right_arithmetic3A_4150 : i32 to vector<128x128xi32>
    %shift_right_arithmetic3A_4152 = arith.shrsi %bitcast_convert_type3A_4149, %shift_right_arithmetic3A_4151 : vector<128x128xi32>
    %sub3A_4153 = arith.constant 127 : i32
    %sub3A_4154 = vector.broadcast %sub3A_4153 : i32 to vector<128x128xi32>
    %sub3A_4155 = arith.subi %shift_right_arithmetic3A_4152, %sub3A_4154 : vector<128x128xi32>
    %and3A_4156 = arith.constant 8388607 : i32
    %and3A_4157 = vector.broadcast %and3A_4156 : i32 to vector<128x128xi32>
    %and3A_4158 = arith.andi %bitcast_convert_type3A_4149, %and3A_4157 : vector<128x128xi32>
    %or3A_4159 = arith.constant 1065353216 : i32
    %or3A_4160 = vector.broadcast %or3A_4159 : i32 to vector<128x128xi32>
    %or3A_4161 = arith.ori %and3A_4158, %or3A_4160 : vector<128x128xi32>
    %bitcast_convert_type3A_4162 = tpu.bitcast %or3A_4161 : vector<128x128xi32> -> vector<128x128xf32>
    %mul3A_4163 = arith.constant -0.0248259846 : f32
    %mul3A_4164 = vector.broadcast %mul3A_4163 : f32 to vector<128x128xf32>
    %mul3A_4165 = arith.mulf %mul3A_4164, %bitcast_convert_type3A_4162 : vector<128x128xf32>
    %add3A_4166 = arith.constant 0.26686278 : f32
    %add3A_4167 = vector.broadcast %add3A_4166 : f32 to vector<128x128xf32>
    %add3A_4168 = arith.addf %mul3A_4165, %add3A_4167 : vector<128x128xf32>
    %mul3A_4169 = arith.mulf %add3A_4168, %bitcast_convert_type3A_4162 : vector<128x128xf32>
    %add3A_4170 = arith.constant -1.23427987 : f32
    %add3A_4171 = vector.broadcast %add3A_4170 : f32 to vector<128x128xf32>
    %add3A_4172 = arith.addf %mul3A_4169, %add3A_4171 : vector<128x128xf32>
    %mul3A_4173 = arith.mulf %add3A_4172, %bitcast_convert_type3A_4162 : vector<128x128xf32>
    %add3A_4174 = arith.constant 3.218870e+00 : f32
    %add3A_4175 = vector.broadcast %add3A_4174 : f32 to vector<128x128xf32>
    %add3A_4176 = arith.addf %mul3A_4173, %add3A_4175 : vector<128x128xf32>
    %mul3A_4177 = arith.mulf %add3A_4176, %bitcast_convert_type3A_4162 : vector<128x128xf32>
    %add3A_4178 = arith.constant -5.26415539 : f32
    %add3A_4179 = vector.broadcast %add3A_4178 : f32 to vector<128x128xf32>
    %add3A_4180 = arith.addf %mul3A_4177, %add3A_4179 : vector<128x128xf32>
    %mul3A_4181 = arith.mulf %add3A_4180, %bitcast_convert_type3A_4162 : vector<128x128xf32>
    %add3A_4182 = arith.constant 6.06585884 : f32
    %add3A_4183 = vector.broadcast %add3A_4182 : f32 to vector<128x128xf32>
    %add3A_4184 = arith.addf %mul3A_4181, %add3A_4183 : vector<128x128xf32>
    %mul3A_4185 = arith.mulf %add3A_4184, %bitcast_convert_type3A_4162 : vector<128x128xf32>
    %add3A_4186 = arith.constant -3.02832508 : f32
    %add3A_4187 = vector.broadcast %add3A_4186 : f32 to vector<128x128xf32>
    %add3A_4188 = arith.addf %mul3A_4185, %add3A_4187 : vector<128x128xf32>
    %convert_element_type3A_4189 = arith.sitofp %sub3A_4155 : vector<128x128xi32> to vector<128x128xf32>
    %add3A_4190 = arith.addf %convert_element_type3A_4189, %add3A_4188 : vector<128x128xf32>
    %mul3A_4191 = arith.constant 0.693147182 : f32
    %mul3A_4192 = vector.broadcast %mul3A_4191 : f32 to vector<128x128xf32>
    %mul3A_4193 = arith.mulf %add3A_4190, %mul3A_4192 : vector<128x128xf32>
    %add3A_4194 = arith.addf %mul3A_4193, %add3A_4147 : vector<128x128xf32>
    %bitcast_convert_type3A_4195 = tpu.bitcast %get3A_4138 : vector<128x128xf32> -> vector<128x128xi32>
    %shift_right_logical3A_4196 = arith.constant 31 : i32
    %shift_right_logical3A_4197 = vector.broadcast %shift_right_logical3A_4196 : i32 to vector<128x128xi32>
    %shift_right_logical3A_4198 = arith.shrui %bitcast_convert_type3A_4195, %shift_right_logical3A_4197 : vector<128x128xi32>
    %convert_element_type3A_4199 = arith.sitofp %shift_right_logical3A_4198 : vector<128x128xi32> to vector<128x128xf32>
    %swap3A_4200 = arith.constant 0 : index
    %swap3A_4201 = arith.constant 6784 : index
    %swap3A_4202 = arith.constant 0 : index
    %swap3A_4203 = vector.load %arg5[%swap3A_4200, %swap3A_4201, %swap3A_4202] : memref<2x8192x128xf32, #tpu.memory_space<vmem>>, vector<1x128x128xf32>
    %swap3A_4204 = vector.shape_cast %swap3A_4203 : vector<1x128x128xf32> to vector<128x128xf32>
    %swap3A_4205 = vector.shape_cast %add3A_4194 : vector<128x128xf32> to vector<1x128x128xf32>
    tpu.vector_store %arg5[%swap3A_4200, %swap3A_4201, %swap3A_4202], %swap3A_4205 {strides = array<i32>} : memref<2x8192x128xf32, #tpu.memory_space<vmem>>, vector<1x128x128xf32>,
    %swap3A_4206 = arith.constant 1 : index
    %swap3A_4207 = arith.constant 6784 : index
    %swap3A_4208 = arith.constant 0 : index
    %swap3A_4209 = vector.load %arg5[%swap3A_4206, %swap3A_4207, %swap3A_4208] : memref<2x8192x128xf32, #tpu.memory_space<vmem>>, vector<1x128x128xf32>
    %swap3A_4210 = vector.shape_cast %swap3A_4209 : vector<1x128x128xf32> to vector<128x128xf32>
    %swap3A_4211 = vector.shape_cast %convert_element_type3A_4199 : vector<128x128xf32> to vector<1x128x128xf32>
    tpu.vector_store %arg5[%swap3A_4206, %swap3A_4207, %swap3A_4208], %swap3A_4211 {strides = array<i32>} : memref<2x8192x128xf32, #tpu.memory_space<vmem>>, vector<1x128x128xf32>,
    %slice3A_4212 = vector.extract_strided_slice %get3A_6 {offsets = [0, 54], sizes = [128, 1], strides = [1, 1]} : vector<128x64xf32> to vector<128x1xf32>
    %slice3A_4213 = vector.extract_strided_slice %get3A_11 {offsets = [0, 54], sizes = [128, 1], strides = [1, 1]} : vector<128x64xf32> to vector<128x1xf32>
    %get3A_4214 = arith.constant 6912 : index
    %get3A_4215 = arith.constant 0 : index
    %get3A_4216 = vector.load %arg3[%get3A_4214, %get3A_4215] : memref<8192x128xf32, #tpu.memory_space<vmem>>, vector<128x128xf32>
    %sub3A_4217 = vector.broadcast %slice3A_4212 : vector<128x1xf32> to vector<128x128xf32>
    %sub3A_4218 = vector.broadcast %get3A_1 : vector<1x128xf32> to vector<128x128xf32>
    %sub3A_4219 = arith.subf %sub3A_4217, %sub3A_4218 : vector<128x128xf32>
    %mul3A_4220 = arith.constant -3.276800e+02 : f32
    %mul3A_4221 = vector.broadcast %mul3A_4220 : f32 to vector<128x128xf32>
    %mul3A_4222 = arith.mulf %mul3A_4221, %sub3A_4219 : vector<128x128xf32>
    %mul3A_4223 = arith.mulf %mul3A_4222, %sub3A_4219 : vector<128x128xf32>
    %add3A_4224 = vector.broadcast %slice3A_4213 : vector<128x1xf32> to vector<128x128xf32>
    %add3A_4225 = arith.addf %mul3A_4223, %add3A_4224 : vector<128x128xf32>
    %abs3A_4226 = math.absf %get3A_4216 : vector<128x128xf32>
    %bitcast_convert_type3A_4227 = tpu.bitcast %abs3A_4226 : vector<128x128xf32> -> vector<128x128xi32>
    %shift_right_arithmetic3A_4228 = arith.constant 23 : i32
    %shift_right_arithmetic3A_4229 = vector.broadcast %shift_right_arithmetic3A_4228 : i32 to vector<128x128xi32>
    %shift_right_arithmetic3A_4230 = arith.shrsi %bitcast_convert_type3A_4227, %shift_right_arithmetic3A_4229 : vector<128x128xi32>
    %sub3A_4231 = arith.constant 127 : i32
    %sub3A_4232 = vector.broadcast %sub3A_4231 : i32 to vector<128x128xi32>
    %sub3A_4233 = arith.subi %shift_right_arithmetic3A_4230, %sub3A_4232 : vector<128x128xi32>
    %and3A_4234 = arith.constant 8388607 : i32
    %and3A_4235 = vector.broadcast %and3A_4234 : i32 to vector<128x128xi32>
    %and3A_4236 = arith.andi %bitcast_convert_type3A_4227, %and3A_4235 : vector<128x128xi32>
    %or3A_4237 = arith.constant 1065353216 : i32
    %or3A_4238 = vector.broadcast %or3A_4237 : i32 to vector<128x128xi32>
    %or3A_4239 = arith.ori %and3A_4236, %or3A_4238 : vector<128x128xi32>
    %bitcast_convert_type3A_4240 = tpu.bitcast %or3A_4239 : vector<128x128xi32> -> vector<128x128xf32>
    %mul3A_4241 = arith.constant -0.0248259846 : f32
    %mul3A_4242 = vector.broadcast %mul3A_4241 : f32 to vector<128x128xf32>
    %mul3A_4243 = arith.mulf %mul3A_4242, %bitcast_convert_type3A_4240 : vector<128x128xf32>
    %add3A_4244 = arith.constant 0.26686278 : f32
    %add3A_4245 = vector.broadcast %add3A_4244 : f32 to vector<128x128xf32>
    %add3A_4246 = arith.addf %mul3A_4243, %add3A_4245 : vector<128x128xf32>
    %mul3A_4247 = arith.mulf %add3A_4246, %bitcast_convert_type3A_4240 : vector<128x128xf32>
    %add3A_4248 = arith.constant -1.23427987 : f32
    %add3A_4249 = vector.broadcast %add3A_4248 : f32 to vector<128x128xf32>
    %add3A_4250 = arith.addf %mul3A_4247, %add3A_4249 : vector<128x128xf32>
    %mul3A_4251 = arith.mulf %add3A_4250, %bitcast_convert_type3A_4240 : vector<128x128xf32>
    %add3A_4252 = arith.constant 3.218870e+00 : f32
    %add3A_4253 = vector.broadcast %add3A_4252 : f32 to vector<128x128xf32>
    %add3A_4254 = arith.addf %mul3A_4251, %add3A_4253 : vector<128x128xf32>
    %mul3A_4255 = arith.mulf %add3A_4254, %bitcast_convert_type3A_4240 : vector<128x128xf32>
    %add3A_4256 = arith.constant -5.26415539 : f32
    %add3A_4257 = vector.broadcast %add3A_4256 : f32 to vector<128x128xf32>
    %add3A_4258 = arith.addf %mul3A_4255, %add3A_4257 : vector<128x128xf32>
    %mul3A_4259 = arith.mulf %add3A_4258, %bitcast_convert_type3A_4240 : vector<128x128xf32>
    %add3A_4260 = arith.constant 6.06585884 : f32
    %add3A_4261 = vector.broadcast %add3A_4260 : f32 to vector<128x128xf32>
    %add3A_4262 = arith.addf %mul3A_4259, %add3A_4261 : vector<128x128xf32>
    %mul3A_4263 = arith.mulf %add3A_4262, %bitcast_convert_type3A_4240 : vector<128x128xf32>
    %add3A_4264 = arith.constant -3.02832508 : f32
    %add3A_4265 = vector.broadcast %add3A_4264 : f32 to vector<128x128xf32>
    %add3A_4266 = arith.addf %mul3A_4263, %add3A_4265 : vector<128x128xf32>
    %convert_element_type3A_4267 = arith.sitofp %sub3A_4233 : vector<128x128xi32> to vector<128x128xf32>
    %add3A_4268 = arith.addf %convert_element_type3A_4267, %add3A_4266 : vector<128x128xf32>
    %mul3A_4269 = arith.constant 0.693147182 : f32
    %mul3A_4270 = vector.broadcast %mul3A_4269 : f32 to vector<128x128xf32>
    %mul3A_4271 = arith.mulf %add3A_4268, %mul3A_4270 : vector<128x128xf32>
    %add3A_4272 = arith.addf %mul3A_4271, %add3A_4225 : vector<128x128xf32>
    %bitcast_convert_type3A_4273 = tpu.bitcast %get3A_4216 : vector<128x128xf32> -> vector<128x128xi32>
    %shift_right_logical3A_4274 = arith.constant 31 : i32
    %shift_right_logical3A_4275 = vector.broadcast %shift_right_logical3A_4274 : i32 to vector<128x128xi32>
    %shift_right_logical3A_4276 = arith.shrui %bitcast_convert_type3A_4273, %shift_right_logical3A_4275 : vector<128x128xi32>
    %convert_element_type3A_4277 = arith.sitofp %shift_right_logical3A_4276 : vector<128x128xi32> to vector<128x128xf32>
    %swap3A_4278 = arith.constant 0 : index
    %swap3A_4279 = arith.constant 6912 : index
    %swap3A_4280 = arith.constant 0 : index
    %swap3A_4281 = vector.load %arg5[%swap3A_4278, %swap3A_4279, %swap3A_4280] : memref<2x8192x128xf32, #tpu.memory_space<vmem>>, vector<1x128x128xf32>
    %swap3A_4282 = vector.shape_cast %swap3A_4281 : vector<1x128x128xf32> to vector<128x128xf32>
    %swap3A_4283 = vector.shape_cast %add3A_4272 : vector<128x128xf32> to vector<1x128x128xf32>
    tpu.vector_store %arg5[%swap3A_4278, %swap3A_4279, %swap3A_4280], %swap3A_4283 {strides = array<i32>} : memref<2x8192x128xf32, #tpu.memory_space<vmem>>, vector<1x128x128xf32>,
    %swap3A_4284 = arith.constant 1 : index
    %swap3A_4285 = arith.constant 6912 : index
    %swap3A_4286 = arith.constant 0 : index
    %swap3A_4287 = vector.load %arg5[%swap3A_4284, %swap3A_4285, %swap3A_4286] : memref<2x8192x128xf32, #tpu.memory_space<vmem>>, vector<1x128x128xf32>
    %swap3A_4288 = vector.shape_cast %swap3A_4287 : vector<1x128x128xf32> to vector<128x128xf32>
    %swap3A_4289 = vector.shape_cast %convert_element_type3A_4277 : vector<128x128xf32> to vector<1x128x128xf32>
    tpu.vector_store %arg5[%swap3A_4284, %swap3A_4285, %swap3A_4286], %swap3A_4289 {strides = array<i32>} : memref<2x8192x128xf32, #tpu.memory_space<vmem>>, vector<1x128x128xf32>,
    %slice3A_4290 = vector.extract_strided_slice %get3A_6 {offsets = [0, 55], sizes = [128, 1], strides = [1, 1]} : vector<128x64xf32> to vector<128x1xf32>
    %slice3A_4291 = vector.extract_strided_slice %get3A_11 {offsets = [0, 55], sizes = [128, 1], strides = [1, 1]} : vector<128x64xf32> to vector<128x1xf32>
    %get3A_4292 = arith.constant 7040 : index
    %get3A_4293 = arith.constant 0 : index
    %get3A_4294 = vector.load %arg3[%get3A_4292, %get3A_4293] : memref<8192x128xf32, #tpu.memory_space<vmem>>, vector<128x128xf32>
    %sub3A_4295 = vector.broadcast %slice3A_4290 : vector<128x1xf32> to vector<128x128xf32>
    %sub3A_4296 = vector.broadcast %get3A_1 : vector<1x128xf32> to vector<128x128xf32>
    %sub3A_4297 = arith.subf %sub3A_4295, %sub3A_4296 : vector<128x128xf32>
    %mul3A_4298 = arith.constant -3.276800e+02 : f32
    %mul3A_4299 = vector.broadcast %mul3A_4298 : f32 to vector<128x128xf32>
    %mul3A_4300 = arith.mulf %mul3A_4299, %sub3A_4297 : vector<128x128xf32>
    %mul3A_4301 = arith.mulf %mul3A_4300, %sub3A_4297 : vector<128x128xf32>
    %add3A_4302 = vector.broadcast %slice3A_4291 : vector<128x1xf32> to vector<128x128xf32>
    %add3A_4303 = arith.addf %mul3A_4301, %add3A_4302 : vector<128x128xf32>
    %abs3A_4304 = math.absf %get3A_4294 : vector<128x128xf32>
    %bitcast_convert_type3A_4305 = tpu.bitcast %abs3A_4304 : vector<128x128xf32> -> vector<128x128xi32>
    %shift_right_arithmetic3A_4306 = arith.constant 23 : i32
    %shift_right_arithmetic3A_4307 = vector.broadcast %shift_right_arithmetic3A_4306 : i32 to vector<128x128xi32>
    %shift_right_arithmetic3A_4308 = arith.shrsi %bitcast_convert_type3A_4305, %shift_right_arithmetic3A_4307 : vector<128x128xi32>
    %sub3A_4309 = arith.constant 127 : i32
    %sub3A_4310 = vector.broadcast %sub3A_4309 : i32 to vector<128x128xi32>
    %sub3A_4311 = arith.subi %shift_right_arithmetic3A_4308, %sub3A_4310 : vector<128x128xi32>
    %and3A_4312 = arith.constant 8388607 : i32
    %and3A_4313 = vector.broadcast %and3A_4312 : i32 to vector<128x128xi32>
    %and3A_4314 = arith.andi %bitcast_convert_type3A_4305, %and3A_4313 : vector<128x128xi32>
    %or3A_4315 = arith.constant 1065353216 : i32
    %or3A_4316 = vector.broadcast %or3A_4315 : i32 to vector<128x128xi32>
    %or3A_4317 = arith.ori %and3A_4314, %or3A_4316 : vector<128x128xi32>
    %bitcast_convert_type3A_4318 = tpu.bitcast %or3A_4317 : vector<128x128xi32> -> vector<128x128xf32>
    %mul3A_4319 = arith.constant -0.0248259846 : f32
    %mul3A_4320 = vector.broadcast %mul3A_4319 : f32 to vector<128x128xf32>
    %mul3A_4321 = arith.mulf %mul3A_4320, %bitcast_convert_type3A_4318 : vector<128x128xf32>
    %add3A_4322 = arith.constant 0.26686278 : f32
    %add3A_4323 = vector.broadcast %add3A_4322 : f32 to vector<128x128xf32>
    %add3A_4324 = arith.addf %mul3A_4321, %add3A_4323 : vector<128x128xf32>
    %mul3A_4325 = arith.mulf %add3A_4324, %bitcast_convert_type3A_4318 : vector<128x128xf32>
    %add3A_4326 = arith.constant -1.23427987 : f32
    %add3A_4327 = vector.broadcast %add3A_4326 : f32 to vector<128x128xf32>
    %add3A_4328 = arith.addf %mul3A_4325, %add3A_4327 : vector<128x128xf32>
    %mul3A_4329 = arith.mulf %add3A_4328, %bitcast_convert_type3A_4318 : vector<128x128xf32>
    %add3A_4330 = arith.constant 3.218870e+00 : f32
    %add3A_4331 = vector.broadcast %add3A_4330 : f32 to vector<128x128xf32>
    %add3A_4332 = arith.addf %mul3A_4329, %add3A_4331 : vector<128x128xf32>
    %mul3A_4333 = arith.mulf %add3A_4332, %bitcast_convert_type3A_4318 : vector<128x128xf32>
    %add3A_4334 = arith.constant -5.26415539 : f32
    %add3A_4335 = vector.broadcast %add3A_4334 : f32 to vector<128x128xf32>
    %add3A_4336 = arith.addf %mul3A_4333, %add3A_4335 : vector<128x128xf32>
    %mul3A_4337 = arith.mulf %add3A_4336, %bitcast_convert_type3A_4318 : vector<128x128xf32>
    %add3A_4338 = arith.constant 6.06585884 : f32
    %add3A_4339 = vector.broadcast %add3A_4338 : f32 to vector<128x128xf32>
    %add3A_4340 = arith.addf %mul3A_4337, %add3A_4339 : vector<128x128xf32>
    %mul3A_4341 = arith.mulf %add3A_4340, %bitcast_convert_type3A_4318 : vector<128x128xf32>
    %add3A_4342 = arith.constant -3.02832508 : f32
    %add3A_4343 = vector.broadcast %add3A_4342 : f32 to vector<128x128xf32>
    %add3A_4344 = arith.addf %mul3A_4341, %add3A_4343 : vector<128x128xf32>
    %convert_element_type3A_4345 = arith.sitofp %sub3A_4311 : vector<128x128xi32> to vector<128x128xf32>
    %add3A_4346 = arith.addf %convert_element_type3A_4345, %add3A_4344 : vector<128x128xf32>
    %mul3A_4347 = arith.constant 0.693147182 : f32
    %mul3A_4348 = vector.broadcast %mul3A_4347 : f32 to vector<128x128xf32>
    %mul3A_4349 = arith.mulf %add3A_4346, %mul3A_4348 : vector<128x128xf32>
    %add3A_4350 = arith.addf %mul3A_4349, %add3A_4303 : vector<128x128xf32>
    %bitcast_convert_type3A_4351 = tpu.bitcast %get3A_4294 : vector<128x128xf32> -> vector<128x128xi32>
    %shift_right_logical3A_4352 = arith.constant 31 : i32
    %shift_right_logical3A_4353 = vector.broadcast %shift_right_logical3A_4352 : i32 to vector<128x128xi32>
    %shift_right_logical3A_4354 = arith.shrui %bitcast_convert_type3A_4351, %shift_right_logical3A_4353 : vector<128x128xi32>
    %convert_element_type3A_4355 = arith.sitofp %shift_right_logical3A_4354 : vector<128x128xi32> to vector<128x128xf32>
    %swap3A_4356 = arith.constant 0 : index
    %swap3A_4357 = arith.constant 7040 : index
    %swap3A_4358 = arith.constant 0 : index
    %swap3A_4359 = vector.load %arg5[%swap3A_4356, %swap3A_4357, %swap3A_4358] : memref<2x8192x128xf32, #tpu.memory_space<vmem>>, vector<1x128x128xf32>
    %swap3A_4360 = vector.shape_cast %swap3A_4359 : vector<1x128x128xf32> to vector<128x128xf32>
    %swap3A_4361 = vector.shape_cast %add3A_4350 : vector<128x128xf32> to vector<1x128x128xf32>
    tpu.vector_store %arg5[%swap3A_4356, %swap3A_4357, %swap3A_4358], %swap3A_4361 {strides = array<i32>} : memref<2x8192x128xf32, #tpu.memory_space<vmem>>, vector<1x128x128xf32>,
    %swap3A_4362 = arith.constant 1 : index
    %swap3A_4363 = arith.constant 7040 : index
    %swap3A_4364 = arith.constant 0 : index
    %swap3A_4365 = vector.load %arg5[%swap3A_4362, %swap3A_4363, %swap3A_4364] : memref<2x8192x128xf32, #tpu.memory_space<vmem>>, vector<1x128x128xf32>
    %swap3A_4366 = vector.shape_cast %swap3A_4365 : vector<1x128x128xf32> to vector<128x128xf32>
    %swap3A_4367 = vector.shape_cast %convert_element_type3A_4355 : vector<128x128xf32> to vector<1x128x128xf32>
    tpu.vector_store %arg5[%swap3A_4362, %swap3A_4363, %swap3A_4364], %swap3A_4367 {strides = array<i32>} : memref<2x8192x128xf32, #tpu.memory_space<vmem>>, vector<1x128x128xf32>,
    %slice3A_4368 = vector.extract_strided_slice %get3A_6 {offsets = [0, 56], sizes = [128, 1], strides = [1, 1]} : vector<128x64xf32> to vector<128x1xf32>
    %slice3A_4369 = vector.extract_strided_slice %get3A_11 {offsets = [0, 56], sizes = [128, 1], strides = [1, 1]} : vector<128x64xf32> to vector<128x1xf32>
    %get3A_4370 = arith.constant 7168 : index
    %get3A_4371 = arith.constant 0 : index
    %get3A_4372 = vector.load %arg3[%get3A_4370, %get3A_4371] : memref<8192x128xf32, #tpu.memory_space<vmem>>, vector<128x128xf32>
    %sub3A_4373 = vector.broadcast %slice3A_4368 : vector<128x1xf32> to vector<128x128xf32>
    %sub3A_4374 = vector.broadcast %get3A_1 : vector<1x128xf32> to vector<128x128xf32>
    %sub3A_4375 = arith.subf %sub3A_4373, %sub3A_4374 : vector<128x128xf32>
    %mul3A_4376 = arith.constant -3.276800e+02 : f32
    %mul3A_4377 = vector.broadcast %mul3A_4376 : f32 to vector<128x128xf32>
    %mul3A_4378 = arith.mulf %mul3A_4377, %sub3A_4375 : vector<128x128xf32>
    %mul3A_4379 = arith.mulf %mul3A_4378, %sub3A_4375 : vector<128x128xf32>
    %add3A_4380 = vector.broadcast %slice3A_4369 : vector<128x1xf32> to vector<128x128xf32>
    %add3A_4381 = arith.addf %mul3A_4379, %add3A_4380 : vector<128x128xf32>
    %abs3A_4382 = math.absf %get3A_4372 : vector<128x128xf32>
    %bitcast_convert_type3A_4383 = tpu.bitcast %abs3A_4382 : vector<128x128xf32> -> vector<128x128xi32>
    %shift_right_arithmetic3A_4384 = arith.constant 23 : i32
    %shift_right_arithmetic3A_4385 = vector.broadcast %shift_right_arithmetic3A_4384 : i32 to vector<128x128xi32>
    %shift_right_arithmetic3A_4386 = arith.shrsi %bitcast_convert_type3A_4383, %shift_right_arithmetic3A_4385 : vector<128x128xi32>
    %sub3A_4387 = arith.constant 127 : i32
    %sub3A_4388 = vector.broadcast %sub3A_4387 : i32 to vector<128x128xi32>
    %sub3A_4389 = arith.subi %shift_right_arithmetic3A_4386, %sub3A_4388 : vector<128x128xi32>
    %and3A_4390 = arith.constant 8388607 : i32
    %and3A_4391 = vector.broadcast %and3A_4390 : i32 to vector<128x128xi32>
    %and3A_4392 = arith.andi %bitcast_convert_type3A_4383, %and3A_4391 : vector<128x128xi32>
    %or3A_4393 = arith.constant 1065353216 : i32
    %or3A_4394 = vector.broadcast %or3A_4393 : i32 to vector<128x128xi32>
    %or3A_4395 = arith.ori %and3A_4392, %or3A_4394 : vector<128x128xi32>
    %bitcast_convert_type3A_4396 = tpu.bitcast %or3A_4395 : vector<128x128xi32> -> vector<128x128xf32>
    %mul3A_4397 = arith.constant -0.0248259846 : f32
    %mul3A_4398 = vector.broadcast %mul3A_4397 : f32 to vector<128x128xf32>
    %mul3A_4399 = arith.mulf %mul3A_4398, %bitcast_convert_type3A_4396 : vector<128x128xf32>
    %add3A_4400 = arith.constant 0.26686278 : f32
    %add3A_4401 = vector.broadcast %add3A_4400 : f32 to vector<128x128xf32>
    %add3A_4402 = arith.addf %mul3A_4399, %add3A_4401 : vector<128x128xf32>
    %mul3A_4403 = arith.mulf %add3A_4402, %bitcast_convert_type3A_4396 : vector<128x128xf32>
    %add3A_4404 = arith.constant -1.23427987 : f32
    %add3A_4405 = vector.broadcast %add3A_4404 : f32 to vector<128x128xf32>
    %add3A_4406 = arith.addf %mul3A_4403, %add3A_4405 : vector<128x128xf32>
    %mul3A_4407 = arith.mulf %add3A_4406, %bitcast_convert_type3A_4396 : vector<128x128xf32>
    %add3A_4408 = arith.constant 3.218870e+00 : f32
    %add3A_4409 = vector.broadcast %add3A_4408 : f32 to vector<128x128xf32>
    %add3A_4410 = arith.addf %mul3A_4407, %add3A_4409 : vector<128x128xf32>
    %mul3A_4411 = arith.mulf %add3A_4410, %bitcast_convert_type3A_4396 : vector<128x128xf32>
    %add3A_4412 = arith.constant -5.26415539 : f32
    %add3A_4413 = vector.broadcast %add3A_4412 : f32 to vector<128x128xf32>
    %add3A_4414 = arith.addf %mul3A_4411, %add3A_4413 : vector<128x128xf32>
    %mul3A_4415 = arith.mulf %add3A_4414, %bitcast_convert_type3A_4396 : vector<128x128xf32>
    %add3A_4416 = arith.constant 6.06585884 : f32
    %add3A_4417 = vector.broadcast %add3A_4416 : f32 to vector<128x128xf32>
    %add3A_4418 = arith.addf %mul3A_4415, %add3A_4417 : vector<128x128xf32>
    %mul3A_4419 = arith.mulf %add3A_4418, %bitcast_convert_type3A_4396 : vector<128x128xf32>
    %add3A_4420 = arith.constant -3.02832508 : f32
    %add3A_4421 = vector.broadcast %add3A_4420 : f32 to vector<128x128xf32>
    %add3A_4422 = arith.addf %mul3A_4419, %add3A_4421 : vector<128x128xf32>
    %convert_element_type3A_4423 = arith.sitofp %sub3A_4389 : vector<128x128xi32> to vector<128x128xf32>
    %add3A_4424 = arith.addf %convert_element_type3A_4423, %add3A_4422 : vector<128x128xf32>
    %mul3A_4425 = arith.constant 0.693147182 : f32
    %mul3A_4426 = vector.broadcast %mul3A_4425 : f32 to vector<128x128xf32>
    %mul3A_4427 = arith.mulf %add3A_4424, %mul3A_4426 : vector<128x128xf32>
    %add3A_4428 = arith.addf %mul3A_4427, %add3A_4381 : vector<128x128xf32>
    %bitcast_convert_type3A_4429 = tpu.bitcast %get3A_4372 : vector<128x128xf32> -> vector<128x128xi32>
    %shift_right_logical3A_4430 = arith.constant 31 : i32
    %shift_right_logical3A_4431 = vector.broadcast %shift_right_logical3A_4430 : i32 to vector<128x128xi32>
    %shift_right_logical3A_4432 = arith.shrui %bitcast_convert_type3A_4429, %shift_right_logical3A_4431 : vector<128x128xi32>
    %convert_element_type3A_4433 = arith.sitofp %shift_right_logical3A_4432 : vector<128x128xi32> to vector<128x128xf32>
    %swap3A_4434 = arith.constant 0 : index
    %swap3A_4435 = arith.constant 7168 : index
    %swap3A_4436 = arith.constant 0 : index
    %swap3A_4437 = vector.load %arg5[%swap3A_4434, %swap3A_4435, %swap3A_4436] : memref<2x8192x128xf32, #tpu.memory_space<vmem>>, vector<1x128x128xf32>
    %swap3A_4438 = vector.shape_cast %swap3A_4437 : vector<1x128x128xf32> to vector<128x128xf32>
    %swap3A_4439 = vector.shape_cast %add3A_4428 : vector<128x128xf32> to vector<1x128x128xf32>
    tpu.vector_store %arg5[%swap3A_4434, %swap3A_4435, %swap3A_4436], %swap3A_4439 {strides = array<i32>} : memref<2x8192x128xf32, #tpu.memory_space<vmem>>, vector<1x128x128xf32>,
    %swap3A_4440 = arith.constant 1 : index
    %swap3A_4441 = arith.constant 7168 : index
    %swap3A_4442 = arith.constant 0 : index
    %swap3A_4443 = vector.load %arg5[%swap3A_4440, %swap3A_4441, %swap3A_4442] : memref<2x8192x128xf32, #tpu.memory_space<vmem>>, vector<1x128x128xf32>
    %swap3A_4444 = vector.shape_cast %swap3A_4443 : vector<1x128x128xf32> to vector<128x128xf32>
    %swap3A_4445 = vector.shape_cast %convert_element_type3A_4433 : vector<128x128xf32> to vector<1x128x128xf32>
    tpu.vector_store %arg5[%swap3A_4440, %swap3A_4441, %swap3A_4442], %swap3A_4445 {strides = array<i32>} : memref<2x8192x128xf32, #tpu.memory_space<vmem>>, vector<1x128x128xf32>,
    %slice3A_4446 = vector.extract_strided_slice %get3A_6 {offsets = [0, 57], sizes = [128, 1], strides = [1, 1]} : vector<128x64xf32> to vector<128x1xf32>
    %slice3A_4447 = vector.extract_strided_slice %get3A_11 {offsets = [0, 57], sizes = [128, 1], strides = [1, 1]} : vector<128x64xf32> to vector<128x1xf32>
    %get3A_4448 = arith.constant 7296 : index
    %get3A_4449 = arith.constant 0 : index
    %get3A_4450 = vector.load %arg3[%get3A_4448, %get3A_4449] : memref<8192x128xf32, #tpu.memory_space<vmem>>, vector<128x128xf32>
    %sub3A_4451 = vector.broadcast %slice3A_4446 : vector<128x1xf32> to vector<128x128xf32>
    %sub3A_4452 = vector.broadcast %get3A_1 : vector<1x128xf32> to vector<128x128xf32>
    %sub3A_4453 = arith.subf %sub3A_4451, %sub3A_4452 : vector<128x128xf32>
    %mul3A_4454 = arith.constant -3.276800e+02 : f32
    %mul3A_4455 = vector.broadcast %mul3A_4454 : f32 to vector<128x128xf32>
    %mul3A_4456 = arith.mulf %mul3A_4455, %sub3A_4453 : vector<128x128xf32>
    %mul3A_4457 = arith.mulf %mul3A_4456, %sub3A_4453 : vector<128x128xf32>
    %add3A_4458 = vector.broadcast %slice3A_4447 : vector<128x1xf32> to vector<128x128xf32>
    %add3A_4459 = arith.addf %mul3A_4457, %add3A_4458 : vector<128x128xf32>
    %abs3A_4460 = math.absf %get3A_4450 : vector<128x128xf32>
    %bitcast_convert_type3A_4461 = tpu.bitcast %abs3A_4460 : vector<128x128xf32> -> vector<128x128xi32>
    %shift_right_arithmetic3A_4462 = arith.constant 23 : i32
    %shift_right_arithmetic3A_4463 = vector.broadcast %shift_right_arithmetic3A_4462 : i32 to vector<128x128xi32>
    %shift_right_arithmetic3A_4464 = arith.shrsi %bitcast_convert_type3A_4461, %shift_right_arithmetic3A_4463 : vector<128x128xi32>
    %sub3A_4465 = arith.constant 127 : i32
    %sub3A_4466 = vector.broadcast %sub3A_4465 : i32 to vector<128x128xi32>
    %sub3A_4467 = arith.subi %shift_right_arithmetic3A_4464, %sub3A_4466 : vector<128x128xi32>
    %and3A_4468 = arith.constant 8388607 : i32
    %and3A_4469 = vector.broadcast %and3A_4468 : i32 to vector<128x128xi32>
    %and3A_4470 = arith.andi %bitcast_convert_type3A_4461, %and3A_4469 : vector<128x128xi32>
    %or3A_4471 = arith.constant 1065353216 : i32
    %or3A_4472 = vector.broadcast %or3A_4471 : i32 to vector<128x128xi32>
    %or3A_4473 = arith.ori %and3A_4470, %or3A_4472 : vector<128x128xi32>
    %bitcast_convert_type3A_4474 = tpu.bitcast %or3A_4473 : vector<128x128xi32> -> vector<128x128xf32>
    %mul3A_4475 = arith.constant -0.0248259846 : f32
    %mul3A_4476 = vector.broadcast %mul3A_4475 : f32 to vector<128x128xf32>
    %mul3A_4477 = arith.mulf %mul3A_4476, %bitcast_convert_type3A_4474 : vector<128x128xf32>
    %add3A_4478 = arith.constant 0.26686278 : f32
    %add3A_4479 = vector.broadcast %add3A_4478 : f32 to vector<128x128xf32>
    %add3A_4480 = arith.addf %mul3A_4477, %add3A_4479 : vector<128x128xf32>
    %mul3A_4481 = arith.mulf %add3A_4480, %bitcast_convert_type3A_4474 : vector<128x128xf32>
    %add3A_4482 = arith.constant -1.23427987 : f32
    %add3A_4483 = vector.broadcast %add3A_4482 : f32 to vector<128x128xf32>
    %add3A_4484 = arith.addf %mul3A_4481, %add3A_4483 : vector<128x128xf32>
    %mul3A_4485 = arith.mulf %add3A_4484, %bitcast_convert_type3A_4474 : vector<128x128xf32>
    %add3A_4486 = arith.constant 3.218870e+00 : f32
    %add3A_4487 = vector.broadcast %add3A_4486 : f32 to vector<128x128xf32>
    %add3A_4488 = arith.addf %mul3A_4485, %add3A_4487 : vector<128x128xf32>
    %mul3A_4489 = arith.mulf %add3A_4488, %bitcast_convert_type3A_4474 : vector<128x128xf32>
    %add3A_4490 = arith.constant -5.26415539 : f32
    %add3A_4491 = vector.broadcast %add3A_4490 : f32 to vector<128x128xf32>
    %add3A_4492 = arith.addf %mul3A_4489, %add3A_4491 : vector<128x128xf32>
    %mul3A_4493 = arith.mulf %add3A_4492, %bitcast_convert_type3A_4474 : vector<128x128xf32>
    %add3A_4494 = arith.constant 6.06585884 : f32
    %add3A_4495 = vector.broadcast %add3A_4494 : f32 to vector<128x128xf32>
    %add3A_4496 = arith.addf %mul3A_4493, %add3A_4495 : vector<128x128xf32>
    %mul3A_4497 = arith.mulf %add3A_4496, %bitcast_convert_type3A_4474 : vector<128x128xf32>
    %add3A_4498 = arith.constant -3.02832508 : f32
    %add3A_4499 = vector.broadcast %add3A_4498 : f32 to vector<128x128xf32>
    %add3A_4500 = arith.addf %mul3A_4497, %add3A_4499 : vector<128x128xf32>
    %convert_element_type3A_4501 = arith.sitofp %sub3A_4467 : vector<128x128xi32> to vector<128x128xf32>
    %add3A_4502 = arith.addf %convert_element_type3A_4501, %add3A_4500 : vector<128x128xf32>
    %mul3A_4503 = arith.constant 0.693147182 : f32
    %mul3A_4504 = vector.broadcast %mul3A_4503 : f32 to vector<128x128xf32>
    %mul3A_4505 = arith.mulf %add3A_4502, %mul3A_4504 : vector<128x128xf32>
    %add3A_4506 = arith.addf %mul3A_4505, %add3A_4459 : vector<128x128xf32>
    %bitcast_convert_type3A_4507 = tpu.bitcast %get3A_4450 : vector<128x128xf32> -> vector<128x128xi32>
    %shift_right_logical3A_4508 = arith.constant 31 : i32
    %shift_right_logical3A_4509 = vector.broadcast %shift_right_logical3A_4508 : i32 to vector<128x128xi32>
    %shift_right_logical3A_4510 = arith.shrui %bitcast_convert_type3A_4507, %shift_right_logical3A_4509 : vector<128x128xi32>
    %convert_element_type3A_4511 = arith.sitofp %shift_right_logical3A_4510 : vector<128x128xi32> to vector<128x128xf32>
    %swap3A_4512 = arith.constant 0 : index
    %swap3A_4513 = arith.constant 7296 : index
    %swap3A_4514 = arith.constant 0 : index
    %swap3A_4515 = vector.load %arg5[%swap3A_4512, %swap3A_4513, %swap3A_4514] : memref<2x8192x128xf32, #tpu.memory_space<vmem>>, vector<1x128x128xf32>
    %swap3A_4516 = vector.shape_cast %swap3A_4515 : vector<1x128x128xf32> to vector<128x128xf32>
    %swap3A_4517 = vector.shape_cast %add3A_4506 : vector<128x128xf32> to vector<1x128x128xf32>
    tpu.vector_store %arg5[%swap3A_4512, %swap3A_4513, %swap3A_4514], %swap3A_4517 {strides = array<i32>} : memref<2x8192x128xf32, #tpu.memory_space<vmem>>, vector<1x128x128xf32>,
    %swap3A_4518 = arith.constant 1 : index
    %swap3A_4519 = arith.constant 7296 : index
    %swap3A_4520 = arith.constant 0 : index
    %swap3A_4521 = vector.load %arg5[%swap3A_4518, %swap3A_4519, %swap3A_4520] : memref<2x8192x128xf32, #tpu.memory_space<vmem>>, vector<1x128x128xf32>
    %swap3A_4522 = vector.shape_cast %swap3A_4521 : vector<1x128x128xf32> to vector<128x128xf32>
    %swap3A_4523 = vector.shape_cast %convert_element_type3A_4511 : vector<128x128xf32> to vector<1x128x128xf32>
    tpu.vector_store %arg5[%swap3A_4518, %swap3A_4519, %swap3A_4520], %swap3A_4523 {strides = array<i32>} : memref<2x8192x128xf32, #tpu.memory_space<vmem>>, vector<1x128x128xf32>,
    %slice3A_4524 = vector.extract_strided_slice %get3A_6 {offsets = [0, 58], sizes = [128, 1], strides = [1, 1]} : vector<128x64xf32> to vector<128x1xf32>
    %slice3A_4525 = vector.extract_strided_slice %get3A_11 {offsets = [0, 58], sizes = [128, 1], strides = [1, 1]} : vector<128x64xf32> to vector<128x1xf32>
    %get3A_4526 = arith.constant 7424 : index
    %get3A_4527 = arith.constant 0 : index
    %get3A_4528 = vector.load %arg3[%get3A_4526, %get3A_4527] : memref<8192x128xf32, #tpu.memory_space<vmem>>, vector<128x128xf32>
    %sub3A_4529 = vector.broadcast %slice3A_4524 : vector<128x1xf32> to vector<128x128xf32>
    %sub3A_4530 = vector.broadcast %get3A_1 : vector<1x128xf32> to vector<128x128xf32>
    %sub3A_4531 = arith.subf %sub3A_4529, %sub3A_4530 : vector<128x128xf32>
    %mul3A_4532 = arith.constant -3.276800e+02 : f32
    %mul3A_4533 = vector.broadcast %mul3A_4532 : f32 to vector<128x128xf32>
    %mul3A_4534 = arith.mulf %mul3A_4533, %sub3A_4531 : vector<128x128xf32>
    %mul3A_4535 = arith.mulf %mul3A_4534, %sub3A_4531 : vector<128x128xf32>
    %add3A_4536 = vector.broadcast %slice3A_4525 : vector<128x1xf32> to vector<128x128xf32>
    %add3A_4537 = arith.addf %mul3A_4535, %add3A_4536 : vector<128x128xf32>
    %abs3A_4538 = math.absf %get3A_4528 : vector<128x128xf32>
    %bitcast_convert_type3A_4539 = tpu.bitcast %abs3A_4538 : vector<128x128xf32> -> vector<128x128xi32>
    %shift_right_arithmetic3A_4540 = arith.constant 23 : i32
    %shift_right_arithmetic3A_4541 = vector.broadcast %shift_right_arithmetic3A_4540 : i32 to vector<128x128xi32>
    %shift_right_arithmetic3A_4542 = arith.shrsi %bitcast_convert_type3A_4539, %shift_right_arithmetic3A_4541 : vector<128x128xi32>
    %sub3A_4543 = arith.constant 127 : i32
    %sub3A_4544 = vector.broadcast %sub3A_4543 : i32 to vector<128x128xi32>
    %sub3A_4545 = arith.subi %shift_right_arithmetic3A_4542, %sub3A_4544 : vector<128x128xi32>
    %and3A_4546 = arith.constant 8388607 : i32
    %and3A_4547 = vector.broadcast %and3A_4546 : i32 to vector<128x128xi32>
    %and3A_4548 = arith.andi %bitcast_convert_type3A_4539, %and3A_4547 : vector<128x128xi32>
    %or3A_4549 = arith.constant 1065353216 : i32
    %or3A_4550 = vector.broadcast %or3A_4549 : i32 to vector<128x128xi32>
    %or3A_4551 = arith.ori %and3A_4548, %or3A_4550 : vector<128x128xi32>
    %bitcast_convert_type3A_4552 = tpu.bitcast %or3A_4551 : vector<128x128xi32> -> vector<128x128xf32>
    %mul3A_4553 = arith.constant -0.0248259846 : f32
    %mul3A_4554 = vector.broadcast %mul3A_4553 : f32 to vector<128x128xf32>
    %mul3A_4555 = arith.mulf %mul3A_4554, %bitcast_convert_type3A_4552 : vector<128x128xf32>
    %add3A_4556 = arith.constant 0.26686278 : f32
    %add3A_4557 = vector.broadcast %add3A_4556 : f32 to vector<128x128xf32>
    %add3A_4558 = arith.addf %mul3A_4555, %add3A_4557 : vector<128x128xf32>
    %mul3A_4559 = arith.mulf %add3A_4558, %bitcast_convert_type3A_4552 : vector<128x128xf32>
    %add3A_4560 = arith.constant -1.23427987 : f32
    %add3A_4561 = vector.broadcast %add3A_4560 : f32 to vector<128x128xf32>
    %add3A_4562 = arith.addf %mul3A_4559, %add3A_4561 : vector<128x128xf32>
    %mul3A_4563 = arith.mulf %add3A_4562, %bitcast_convert_type3A_4552 : vector<128x128xf32>
    %add3A_4564 = arith.constant 3.218870e+00 : f32
    %add3A_4565 = vector.broadcast %add3A_4564 : f32 to vector<128x128xf32>
    %add3A_4566 = arith.addf %mul3A_4563, %add3A_4565 : vector<128x128xf32>
    %mul3A_4567 = arith.mulf %add3A_4566, %bitcast_convert_type3A_4552 : vector<128x128xf32>
    %add3A_4568 = arith.constant -5.26415539 : f32
    %add3A_4569 = vector.broadcast %add3A_4568 : f32 to vector<128x128xf32>
    %add3A_4570 = arith.addf %mul3A_4567, %add3A_4569 : vector<128x128xf32>
    %mul3A_4571 = arith.mulf %add3A_4570, %bitcast_convert_type3A_4552 : vector<128x128xf32>
    %add3A_4572 = arith.constant 6.06585884 : f32
    %add3A_4573 = vector.broadcast %add3A_4572 : f32 to vector<128x128xf32>
    %add3A_4574 = arith.addf %mul3A_4571, %add3A_4573 : vector<128x128xf32>
    %mul3A_4575 = arith.mulf %add3A_4574, %bitcast_convert_type3A_4552 : vector<128x128xf32>
    %add3A_4576 = arith.constant -3.02832508 : f32
    %add3A_4577 = vector.broadcast %add3A_4576 : f32 to vector<128x128xf32>
    %add3A_4578 = arith.addf %mul3A_4575, %add3A_4577 : vector<128x128xf32>
    %convert_element_type3A_4579 = arith.sitofp %sub3A_4545 : vector<128x128xi32> to vector<128x128xf32>
    %add3A_4580 = arith.addf %convert_element_type3A_4579, %add3A_4578 : vector<128x128xf32>
    %mul3A_4581 = arith.constant 0.693147182 : f32
    %mul3A_4582 = vector.broadcast %mul3A_4581 : f32 to vector<128x128xf32>
    %mul3A_4583 = arith.mulf %add3A_4580, %mul3A_4582 : vector<128x128xf32>
    %add3A_4584 = arith.addf %mul3A_4583, %add3A_4537 : vector<128x128xf32>
    %bitcast_convert_type3A_4585 = tpu.bitcast %get3A_4528 : vector<128x128xf32> -> vector<128x128xi32>
    %shift_right_logical3A_4586 = arith.constant 31 : i32
    %shift_right_logical3A_4587 = vector.broadcast %shift_right_logical3A_4586 : i32 to vector<128x128xi32>
    %shift_right_logical3A_4588 = arith.shrui %bitcast_convert_type3A_4585, %shift_right_logical3A_4587 : vector<128x128xi32>
    %convert_element_type3A_4589 = arith.sitofp %shift_right_logical3A_4588 : vector<128x128xi32> to vector<128x128xf32>
    %swap3A_4590 = arith.constant 0 : index
    %swap3A_4591 = arith.constant 7424 : index
    %swap3A_4592 = arith.constant 0 : index
    %swap3A_4593 = vector.load %arg5[%swap3A_4590, %swap3A_4591, %swap3A_4592] : memref<2x8192x128xf32, #tpu.memory_space<vmem>>, vector<1x128x128xf32>
    %swap3A_4594 = vector.shape_cast %swap3A_4593 : vector<1x128x128xf32> to vector<128x128xf32>
    %swap3A_4595 = vector.shape_cast %add3A_4584 : vector<128x128xf32> to vector<1x128x128xf32>
    tpu.vector_store %arg5[%swap3A_4590, %swap3A_4591, %swap3A_4592], %swap3A_4595 {strides = array<i32>} : memref<2x8192x128xf32, #tpu.memory_space<vmem>>, vector<1x128x128xf32>,
    %swap3A_4596 = arith.constant 1 : index
    %swap3A_4597 = arith.constant 7424 : index
    %swap3A_4598 = arith.constant 0 : index
    %swap3A_4599 = vector.load %arg5[%swap3A_4596, %swap3A_4597, %swap3A_4598] : memref<2x8192x128xf32, #tpu.memory_space<vmem>>, vector<1x128x128xf32>
    %swap3A_4600 = vector.shape_cast %swap3A_4599 : vector<1x128x128xf32> to vector<128x128xf32>
    %swap3A_4601 = vector.shape_cast %convert_element_type3A_4589 : vector<128x128xf32> to vector<1x128x128xf32>
    tpu.vector_store %arg5[%swap3A_4596, %swap3A_4597, %swap3A_4598], %swap3A_4601 {strides = array<i32>} : memref<2x8192x128xf32, #tpu.memory_space<vmem>>, vector<1x128x128xf32>,
    %slice3A_4602 = vector.extract_strided_slice %get3A_6 {offsets = [0, 59], sizes = [128, 1], strides = [1, 1]} : vector<128x64xf32> to vector<128x1xf32>
    %slice3A_4603 = vector.extract_strided_slice %get3A_11 {offsets = [0, 59], sizes = [128, 1], strides = [1, 1]} : vector<128x64xf32> to vector<128x1xf32>
    %get3A_4604 = arith.constant 7552 : index
    %get3A_4605 = arith.constant 0 : index
    %get3A_4606 = vector.load %arg3[%get3A_4604, %get3A_4605] : memref<8192x128xf32, #tpu.memory_space<vmem>>, vector<128x128xf32>
    %sub3A_4607 = vector.broadcast %slice3A_4602 : vector<128x1xf32> to vector<128x128xf32>
    %sub3A_4608 = vector.broadcast %get3A_1 : vector<1x128xf32> to vector<128x128xf32>
    %sub3A_4609 = arith.subf %sub3A_4607, %sub3A_4608 : vector<128x128xf32>
    %mul3A_4610 = arith.constant -3.276800e+02 : f32
    %mul3A_4611 = vector.broadcast %mul3A_4610 : f32 to vector<128x128xf32>
    %mul3A_4612 = arith.mulf %mul3A_4611, %sub3A_4609 : vector<128x128xf32>
    %mul3A_4613 = arith.mulf %mul3A_4612, %sub3A_4609 : vector<128x128xf32>
    %add3A_4614 = vector.broadcast %slice3A_4603 : vector<128x1xf32> to vector<128x128xf32>
    %add3A_4615 = arith.addf %mul3A_4613, %add3A_4614 : vector<128x128xf32>
    %abs3A_4616 = math.absf %get3A_4606 : vector<128x128xf32>
    %bitcast_convert_type3A_4617 = tpu.bitcast %abs3A_4616 : vector<128x128xf32> -> vector<128x128xi32>
    %shift_right_arithmetic3A_4618 = arith.constant 23 : i32
    %shift_right_arithmetic3A_4619 = vector.broadcast %shift_right_arithmetic3A_4618 : i32 to vector<128x128xi32>
    %shift_right_arithmetic3A_4620 = arith.shrsi %bitcast_convert_type3A_4617, %shift_right_arithmetic3A_4619 : vector<128x128xi32>
    %sub3A_4621 = arith.constant 127 : i32
    %sub3A_4622 = vector.broadcast %sub3A_4621 : i32 to vector<128x128xi32>
    %sub3A_4623 = arith.subi %shift_right_arithmetic3A_4620, %sub3A_4622 : vector<128x128xi32>
    %and3A_4624 = arith.constant 8388607 : i32
    %and3A_4625 = vector.broadcast %and3A_4624 : i32 to vector<128x128xi32>
    %and3A_4626 = arith.andi %bitcast_convert_type3A_4617, %and3A_4625 : vector<128x128xi32>
    %or3A_4627 = arith.constant 1065353216 : i32
    %or3A_4628 = vector.broadcast %or3A_4627 : i32 to vector<128x128xi32>
    %or3A_4629 = arith.ori %and3A_4626, %or3A_4628 : vector<128x128xi32>
    %bitcast_convert_type3A_4630 = tpu.bitcast %or3A_4629 : vector<128x128xi32> -> vector<128x128xf32>
    %mul3A_4631 = arith.constant -0.0248259846 : f32
    %mul3A_4632 = vector.broadcast %mul3A_4631 : f32 to vector<128x128xf32>
    %mul3A_4633 = arith.mulf %mul3A_4632, %bitcast_convert_type3A_4630 : vector<128x128xf32>
    %add3A_4634 = arith.constant 0.26686278 : f32
    %add3A_4635 = vector.broadcast %add3A_4634 : f32 to vector<128x128xf32>
    %add3A_4636 = arith.addf %mul3A_4633, %add3A_4635 : vector<128x128xf32>
    %mul3A_4637 = arith.mulf %add3A_4636, %bitcast_convert_type3A_4630 : vector<128x128xf32>
    %add3A_4638 = arith.constant -1.23427987 : f32
    %add3A_4639 = vector.broadcast %add3A_4638 : f32 to vector<128x128xf32>
    %add3A_4640 = arith.addf %mul3A_4637, %add3A_4639 : vector<128x128xf32>
    %mul3A_4641 = arith.mulf %add3A_4640, %bitcast_convert_type3A_4630 : vector<128x128xf32>
    %add3A_4642 = arith.constant 3.218870e+00 : f32
    %add3A_4643 = vector.broadcast %add3A_4642 : f32 to vector<128x128xf32>
    %add3A_4644 = arith.addf %mul3A_4641, %add3A_4643 : vector<128x128xf32>
    %mul3A_4645 = arith.mulf %add3A_4644, %bitcast_convert_type3A_4630 : vector<128x128xf32>
    %add3A_4646 = arith.constant -5.26415539 : f32
    %add3A_4647 = vector.broadcast %add3A_4646 : f32 to vector<128x128xf32>
    %add3A_4648 = arith.addf %mul3A_4645, %add3A_4647 : vector<128x128xf32>
    %mul3A_4649 = arith.mulf %add3A_4648, %bitcast_convert_type3A_4630 : vector<128x128xf32>
    %add3A_4650 = arith.constant 6.06585884 : f32
    %add3A_4651 = vector.broadcast %add3A_4650 : f32 to vector<128x128xf32>
    %add3A_4652 = arith.addf %mul3A_4649, %add3A_4651 : vector<128x128xf32>
    %mul3A_4653 = arith.mulf %add3A_4652, %bitcast_convert_type3A_4630 : vector<128x128xf32>
    %add3A_4654 = arith.constant -3.02832508 : f32
    %add3A_4655 = vector.broadcast %add3A_4654 : f32 to vector<128x128xf32>
    %add3A_4656 = arith.addf %mul3A_4653, %add3A_4655 : vector<128x128xf32>
    %convert_element_type3A_4657 = arith.sitofp %sub3A_4623 : vector<128x128xi32> to vector<128x128xf32>
    %add3A_4658 = arith.addf %convert_element_type3A_4657, %add3A_4656 : vector<128x128xf32>
    %mul3A_4659 = arith.constant 0.693147182 : f32
    %mul3A_4660 = vector.broadcast %mul3A_4659 : f32 to vector<128x128xf32>
    %mul3A_4661 = arith.mulf %add3A_4658, %mul3A_4660 : vector<128x128xf32>
    %add3A_4662 = arith.addf %mul3A_4661, %add3A_4615 : vector<128x128xf32>
    %bitcast_convert_type3A_4663 = tpu.bitcast %get3A_4606 : vector<128x128xf32> -> vector<128x128xi32>
    %shift_right_logical3A_4664 = arith.constant 31 : i32
    %shift_right_logical3A_4665 = vector.broadcast %shift_right_logical3A_4664 : i32 to vector<128x128xi32>
    %shift_right_logical3A_4666 = arith.shrui %bitcast_convert_type3A_4663, %shift_right_logical3A_4665 : vector<128x128xi32>
    %convert_element_type3A_4667 = arith.sitofp %shift_right_logical3A_4666 : vector<128x128xi32> to vector<128x128xf32>
    %swap3A_4668 = arith.constant 0 : index
    %swap3A_4669 = arith.constant 7552 : index
    %swap3A_4670 = arith.constant 0 : index
    %swap3A_4671 = vector.load %arg5[%swap3A_4668, %swap3A_4669, %swap3A_4670] : memref<2x8192x128xf32, #tpu.memory_space<vmem>>, vector<1x128x128xf32>
    %swap3A_4672 = vector.shape_cast %swap3A_4671 : vector<1x128x128xf32> to vector<128x128xf32>
    %swap3A_4673 = vector.shape_cast %add3A_4662 : vector<128x128xf32> to vector<1x128x128xf32>
    tpu.vector_store %arg5[%swap3A_4668, %swap3A_4669, %swap3A_4670], %swap3A_4673 {strides = array<i32>} : memref<2x8192x128xf32, #tpu.memory_space<vmem>>, vector<1x128x128xf32>,
    %swap3A_4674 = arith.constant 1 : index
    %swap3A_4675 = arith.constant 7552 : index
    %swap3A_4676 = arith.constant 0 : index
    %swap3A_4677 = vector.load %arg5[%swap3A_4674, %swap3A_4675, %swap3A_4676] : memref<2x8192x128xf32, #tpu.memory_space<vmem>>, vector<1x128x128xf32>
    %swap3A_4678 = vector.shape_cast %swap3A_4677 : vector<1x128x128xf32> to vector<128x128xf32>
    %swap3A_4679 = vector.shape_cast %convert_element_type3A_4667 : vector<128x128xf32> to vector<1x128x128xf32>
    tpu.vector_store %arg5[%swap3A_4674, %swap3A_4675, %swap3A_4676], %swap3A_4679 {strides = array<i32>} : memref<2x8192x128xf32, #tpu.memory_space<vmem>>, vector<1x128x128xf32>,
    %slice3A_4680 = vector.extract_strided_slice %get3A_6 {offsets = [0, 60], sizes = [128, 1], strides = [1, 1]} : vector<128x64xf32> to vector<128x1xf32>
    %slice3A_4681 = vector.extract_strided_slice %get3A_11 {offsets = [0, 60], sizes = [128, 1], strides = [1, 1]} : vector<128x64xf32> to vector<128x1xf32>
    %get3A_4682 = arith.constant 7680 : index
    %get3A_4683 = arith.constant 0 : index
    %get3A_4684 = vector.load %arg3[%get3A_4682, %get3A_4683] : memref<8192x128xf32, #tpu.memory_space<vmem>>, vector<128x128xf32>
    %sub3A_4685 = vector.broadcast %slice3A_4680 : vector<128x1xf32> to vector<128x128xf32>
    %sub3A_4686 = vector.broadcast %get3A_1 : vector<1x128xf32> to vector<128x128xf32>
    %sub3A_4687 = arith.subf %sub3A_4685, %sub3A_4686 : vector<128x128xf32>
    %mul3A_4688 = arith.constant -3.276800e+02 : f32
    %mul3A_4689 = vector.broadcast %mul3A_4688 : f32 to vector<128x128xf32>
    %mul3A_4690 = arith.mulf %mul3A_4689, %sub3A_4687 : vector<128x128xf32>
    %mul3A_4691 = arith.mulf %mul3A_4690, %sub3A_4687 : vector<128x128xf32>
    %add3A_4692 = vector.broadcast %slice3A_4681 : vector<128x1xf32> to vector<128x128xf32>
    %add3A_4693 = arith.addf %mul3A_4691, %add3A_4692 : vector<128x128xf32>
    %abs3A_4694 = math.absf %get3A_4684 : vector<128x128xf32>
    %bitcast_convert_type3A_4695 = tpu.bitcast %abs3A_4694 : vector<128x128xf32> -> vector<128x128xi32>
    %shift_right_arithmetic3A_4696 = arith.constant 23 : i32
    %shift_right_arithmetic3A_4697 = vector.broadcast %shift_right_arithmetic3A_4696 : i32 to vector<128x128xi32>
    %shift_right_arithmetic3A_4698 = arith.shrsi %bitcast_convert_type3A_4695, %shift_right_arithmetic3A_4697 : vector<128x128xi32>
    %sub3A_4699 = arith.constant 127 : i32
    %sub3A_4700 = vector.broadcast %sub3A_4699 : i32 to vector<128x128xi32>
    %sub3A_4701 = arith.subi %shift_right_arithmetic3A_4698, %sub3A_4700 : vector<128x128xi32>
    %and3A_4702 = arith.constant 8388607 : i32
    %and3A_4703 = vector.broadcast %and3A_4702 : i32 to vector<128x128xi32>
    %and3A_4704 = arith.andi %bitcast_convert_type3A_4695, %and3A_4703 : vector<128x128xi32>
    %or3A_4705 = arith.constant 1065353216 : i32
    %or3A_4706 = vector.broadcast %or3A_4705 : i32 to vector<128x128xi32>
    %or3A_4707 = arith.ori %and3A_4704, %or3A_4706 : vector<128x128xi32>
    %bitcast_convert_type3A_4708 = tpu.bitcast %or3A_4707 : vector<128x128xi32> -> vector<128x128xf32>
    %mul3A_4709 = arith.constant -0.0248259846 : f32
    %mul3A_4710 = vector.broadcast %mul3A_4709 : f32 to vector<128x128xf32>
    %mul3A_4711 = arith.mulf %mul3A_4710, %bitcast_convert_type3A_4708 : vector<128x128xf32>
    %add3A_4712 = arith.constant 0.26686278 : f32
    %add3A_4713 = vector.broadcast %add3A_4712 : f32 to vector<128x128xf32>
    %add3A_4714 = arith.addf %mul3A_4711, %add3A_4713 : vector<128x128xf32>
    %mul3A_4715 = arith.mulf %add3A_4714, %bitcast_convert_type3A_4708 : vector<128x128xf32>
    %add3A_4716 = arith.constant -1.23427987 : f32
    %add3A_4717 = vector.broadcast %add3A_4716 : f32 to vector<128x128xf32>
    %add3A_4718 = arith.addf %mul3A_4715, %add3A_4717 : vector<128x128xf32>
    %mul3A_4719 = arith.mulf %add3A_4718, %bitcast_convert_type3A_4708 : vector<128x128xf32>
    %add3A_4720 = arith.constant 3.218870e+00 : f32
    %add3A_4721 = vector.broadcast %add3A_4720 : f32 to vector<128x128xf32>
    %add3A_4722 = arith.addf %mul3A_4719, %add3A_4721 : vector<128x128xf32>
    %mul3A_4723 = arith.mulf %add3A_4722, %bitcast_convert_type3A_4708 : vector<128x128xf32>
    %add3A_4724 = arith.constant -5.26415539 : f32
    %add3A_4725 = vector.broadcast %add3A_4724 : f32 to vector<128x128xf32>
    %add3A_4726 = arith.addf %mul3A_4723, %add3A_4725 : vector<128x128xf32>
    %mul3A_4727 = arith.mulf %add3A_4726, %bitcast_convert_type3A_4708 : vector<128x128xf32>
    %add3A_4728 = arith.constant 6.06585884 : f32
    %add3A_4729 = vector.broadcast %add3A_4728 : f32 to vector<128x128xf32>
    %add3A_4730 = arith.addf %mul3A_4727, %add3A_4729 : vector<128x128xf32>
    %mul3A_4731 = arith.mulf %add3A_4730, %bitcast_convert_type3A_4708 : vector<128x128xf32>
    %add3A_4732 = arith.constant -3.02832508 : f32
    %add3A_4733 = vector.broadcast %add3A_4732 : f32 to vector<128x128xf32>
    %add3A_4734 = arith.addf %mul3A_4731, %add3A_4733 : vector<128x128xf32>
    %convert_element_type3A_4735 = arith.sitofp %sub3A_4701 : vector<128x128xi32> to vector<128x128xf32>
    %add3A_4736 = arith.addf %convert_element_type3A_4735, %add3A_4734 : vector<128x128xf32>
    %mul3A_4737 = arith.constant 0.693147182 : f32
    %mul3A_4738 = vector.broadcast %mul3A_4737 : f32 to vector<128x128xf32>
    %mul3A_4739 = arith.mulf %add3A_4736, %mul3A_4738 : vector<128x128xf32>
    %add3A_4740 = arith.addf %mul3A_4739, %add3A_4693 : vector<128x128xf32>
    %bitcast_convert_type3A_4741 = tpu.bitcast %get3A_4684 : vector<128x128xf32> -> vector<128x128xi32>
    %shift_right_logical3A_4742 = arith.constant 31 : i32
    %shift_right_logical3A_4743 = vector.broadcast %shift_right_logical3A_4742 : i32 to vector<128x128xi32>
    %shift_right_logical3A_4744 = arith.shrui %bitcast_convert_type3A_4741, %shift_right_logical3A_4743 : vector<128x128xi32>
    %convert_element_type3A_4745 = arith.sitofp %shift_right_logical3A_4744 : vector<128x128xi32> to vector<128x128xf32>
    %swap3A_4746 = arith.constant 0 : index
    %swap3A_4747 = arith.constant 7680 : index
    %swap3A_4748 = arith.constant 0 : index
    %swap3A_4749 = vector.load %arg5[%swap3A_4746, %swap3A_4747, %swap3A_4748] : memref<2x8192x128xf32, #tpu.memory_space<vmem>>, vector<1x128x128xf32>
    %swap3A_4750 = vector.shape_cast %swap3A_4749 : vector<1x128x128xf32> to vector<128x128xf32>
    %swap3A_4751 = vector.shape_cast %add3A_4740 : vector<128x128xf32> to vector<1x128x128xf32>
    tpu.vector_store %arg5[%swap3A_4746, %swap3A_4747, %swap3A_4748], %swap3A_4751 {strides = array<i32>} : memref<2x8192x128xf32, #tpu.memory_space<vmem>>, vector<1x128x128xf32>,
    %swap3A_4752 = arith.constant 1 : index
    %swap3A_4753 = arith.constant 7680 : index
    %swap3A_4754 = arith.constant 0 : index
    %swap3A_4755 = vector.load %arg5[%swap3A_4752, %swap3A_4753, %swap3A_4754] : memref<2x8192x128xf32, #tpu.memory_space<vmem>>, vector<1x128x128xf32>
    %swap3A_4756 = vector.shape_cast %swap3A_4755 : vector<1x128x128xf32> to vector<128x128xf32>
    %swap3A_4757 = vector.shape_cast %convert_element_type3A_4745 : vector<128x128xf32> to vector<1x128x128xf32>
    tpu.vector_store %arg5[%swap3A_4752, %swap3A_4753, %swap3A_4754], %swap3A_4757 {strides = array<i32>} : memref<2x8192x128xf32, #tpu.memory_space<vmem>>, vector<1x128x128xf32>,
    %slice3A_4758 = vector.extract_strided_slice %get3A_6 {offsets = [0, 61], sizes = [128, 1], strides = [1, 1]} : vector<128x64xf32> to vector<128x1xf32>
    %slice3A_4759 = vector.extract_strided_slice %get3A_11 {offsets = [0, 61], sizes = [128, 1], strides = [1, 1]} : vector<128x64xf32> to vector<128x1xf32>
    %get3A_4760 = arith.constant 7808 : index
    %get3A_4761 = arith.constant 0 : index
    %get3A_4762 = vector.load %arg3[%get3A_4760, %get3A_4761] : memref<8192x128xf32, #tpu.memory_space<vmem>>, vector<128x128xf32>
    %sub3A_4763 = vector.broadcast %slice3A_4758 : vector<128x1xf32> to vector<128x128xf32>
    %sub3A_4764 = vector.broadcast %get3A_1 : vector<1x128xf32> to vector<128x128xf32>
    %sub3A_4765 = arith.subf %sub3A_4763, %sub3A_4764 : vector<128x128xf32>
    %mul3A_4766 = arith.constant -3.276800e+02 : f32
    %mul3A_4767 = vector.broadcast %mul3A_4766 : f32 to vector<128x128xf32>
    %mul3A_4768 = arith.mulf %mul3A_4767, %sub3A_4765 : vector<128x128xf32>
    %mul3A_4769 = arith.mulf %mul3A_4768, %sub3A_4765 : vector<128x128xf32>
    %add3A_4770 = vector.broadcast %slice3A_4759 : vector<128x1xf32> to vector<128x128xf32>
    %add3A_4771 = arith.addf %mul3A_4769, %add3A_4770 : vector<128x128xf32>
    %abs3A_4772 = math.absf %get3A_4762 : vector<128x128xf32>
    %bitcast_convert_type3A_4773 = tpu.bitcast %abs3A_4772 : vector<128x128xf32> -> vector<128x128xi32>
    %shift_right_arithmetic3A_4774 = arith.constant 23 : i32
    %shift_right_arithmetic3A_4775 = vector.broadcast %shift_right_arithmetic3A_4774 : i32 to vector<128x128xi32>
    %shift_right_arithmetic3A_4776 = arith.shrsi %bitcast_convert_type3A_4773, %shift_right_arithmetic3A_4775 : vector<128x128xi32>
    %sub3A_4777 = arith.constant 127 : i32
    %sub3A_4778 = vector.broadcast %sub3A_4777 : i32 to vector<128x128xi32>
    %sub3A_4779 = arith.subi %shift_right_arithmetic3A_4776, %sub3A_4778 : vector<128x128xi32>
    %and3A_4780 = arith.constant 8388607 : i32
    %and3A_4781 = vector.broadcast %and3A_4780 : i32 to vector<128x128xi32>
    %and3A_4782 = arith.andi %bitcast_convert_type3A_4773, %and3A_4781 : vector<128x128xi32>
    %or3A_4783 = arith.constant 1065353216 : i32
    %or3A_4784 = vector.broadcast %or3A_4783 : i32 to vector<128x128xi32>
    %or3A_4785 = arith.ori %and3A_4782, %or3A_4784 : vector<128x128xi32>
    %bitcast_convert_type3A_4786 = tpu.bitcast %or3A_4785 : vector<128x128xi32> -> vector<128x128xf32>
    %mul3A_4787 = arith.constant -0.0248259846 : f32
    %mul3A_4788 = vector.broadcast %mul3A_4787 : f32 to vector<128x128xf32>
    %mul3A_4789 = arith.mulf %mul3A_4788, %bitcast_convert_type3A_4786 : vector<128x128xf32>
    %add3A_4790 = arith.constant 0.26686278 : f32
    %add3A_4791 = vector.broadcast %add3A_4790 : f32 to vector<128x128xf32>
    %add3A_4792 = arith.addf %mul3A_4789, %add3A_4791 : vector<128x128xf32>
    %mul3A_4793 = arith.mulf %add3A_4792, %bitcast_convert_type3A_4786 : vector<128x128xf32>
    %add3A_4794 = arith.constant -1.23427987 : f32
    %add3A_4795 = vector.broadcast %add3A_4794 : f32 to vector<128x128xf32>
    %add3A_4796 = arith.addf %mul3A_4793, %add3A_4795 : vector<128x128xf32>
    %mul3A_4797 = arith.mulf %add3A_4796, %bitcast_convert_type3A_4786 : vector<128x128xf32>
    %add3A_4798 = arith.constant 3.218870e+00 : f32
    %add3A_4799 = vector.broadcast %add3A_4798 : f32 to vector<128x128xf32>
    %add3A_4800 = arith.addf %mul3A_4797, %add3A_4799 : vector<128x128xf32>
    %mul3A_4801 = arith.mulf %add3A_4800, %bitcast_convert_type3A_4786 : vector<128x128xf32>
    %add3A_4802 = arith.constant -5.26415539 : f32
    %add3A_4803 = vector.broadcast %add3A_4802 : f32 to vector<128x128xf32>
    %add3A_4804 = arith.addf %mul3A_4801, %add3A_4803 : vector<128x128xf32>
    %mul3A_4805 = arith.mulf %add3A_4804, %bitcast_convert_type3A_4786 : vector<128x128xf32>
    %add3A_4806 = arith.constant 6.06585884 : f32
    %add3A_4807 = vector.broadcast %add3A_4806 : f32 to vector<128x128xf32>
    %add3A_4808 = arith.addf %mul3A_4805, %add3A_4807 : vector<128x128xf32>
    %mul3A_4809 = arith.mulf %add3A_4808, %bitcast_convert_type3A_4786 : vector<128x128xf32>
    %add3A_4810 = arith.constant -3.02832508 : f32
    %add3A_4811 = vector.broadcast %add3A_4810 : f32 to vector<128x128xf32>
    %add3A_4812 = arith.addf %mul3A_4809, %add3A_4811 : vector<128x128xf32>
    %convert_element_type3A_4813 = arith.sitofp %sub3A_4779 : vector<128x128xi32> to vector<128x128xf32>
    %add3A_4814 = arith.addf %convert_element_type3A_4813, %add3A_4812 : vector<128x128xf32>
    %mul3A_4815 = arith.constant 0.693147182 : f32
    %mul3A_4816 = vector.broadcast %mul3A_4815 : f32 to vector<128x128xf32>
    %mul3A_4817 = arith.mulf %add3A_4814, %mul3A_4816 : vector<128x128xf32>
    %add3A_4818 = arith.addf %mul3A_4817, %add3A_4771 : vector<128x128xf32>
    %bitcast_convert_type3A_4819 = tpu.bitcast %get3A_4762 : vector<128x128xf32> -> vector<128x128xi32>
    %shift_right_logical3A_4820 = arith.constant 31 : i32
    %shift_right_logical3A_4821 = vector.broadcast %shift_right_logical3A_4820 : i32 to vector<128x128xi32>
    %shift_right_logical3A_4822 = arith.shrui %bitcast_convert_type3A_4819, %shift_right_logical3A_4821 : vector<128x128xi32>
    %convert_element_type3A_4823 = arith.sitofp %shift_right_logical3A_4822 : vector<128x128xi32> to vector<128x128xf32>
    %swap3A_4824 = arith.constant 0 : index
    %swap3A_4825 = arith.constant 7808 : index
    %swap3A_4826 = arith.constant 0 : index
    %swap3A_4827 = vector.load %arg5[%swap3A_4824, %swap3A_4825, %swap3A_4826] : memref<2x8192x128xf32, #tpu.memory_space<vmem>>, vector<1x128x128xf32>
    %swap3A_4828 = vector.shape_cast %swap3A_4827 : vector<1x128x128xf32> to vector<128x128xf32>
    %swap3A_4829 = vector.shape_cast %add3A_4818 : vector<128x128xf32> to vector<1x128x128xf32>
    tpu.vector_store %arg5[%swap3A_4824, %swap3A_4825, %swap3A_4826], %swap3A_4829 {strides = array<i32>} : memref<2x8192x128xf32, #tpu.memory_space<vmem>>, vector<1x128x128xf32>,
    %swap3A_4830 = arith.constant 1 : index
    %swap3A_4831 = arith.constant 7808 : index
    %swap3A_4832 = arith.constant 0 : index
    %swap3A_4833 = vector.load %arg5[%swap3A_4830, %swap3A_4831, %swap3A_4832] : memref<2x8192x128xf32, #tpu.memory_space<vmem>>, vector<1x128x128xf32>
    %swap3A_4834 = vector.shape_cast %swap3A_4833 : vector<1x128x128xf32> to vector<128x128xf32>
    %swap3A_4835 = vector.shape_cast %convert_element_type3A_4823 : vector<128x128xf32> to vector<1x128x128xf32>
    tpu.vector_store %arg5[%swap3A_4830, %swap3A_4831, %swap3A_4832], %swap3A_4835 {strides = array<i32>} : memref<2x8192x128xf32, #tpu.memory_space<vmem>>, vector<1x128x128xf32>,
    %slice3A_4836 = vector.extract_strided_slice %get3A_6 {offsets = [0, 62], sizes = [128, 1], strides = [1, 1]} : vector<128x64xf32> to vector<128x1xf32>
    %slice3A_4837 = vector.extract_strided_slice %get3A_11 {offsets = [0, 62], sizes = [128, 1], strides = [1, 1]} : vector<128x64xf32> to vector<128x1xf32>
    %get3A_4838 = arith.constant 7936 : index
    %get3A_4839 = arith.constant 0 : index
    %get3A_4840 = vector.load %arg3[%get3A_4838, %get3A_4839] : memref<8192x128xf32, #tpu.memory_space<vmem>>, vector<128x128xf32>
    %sub3A_4841 = vector.broadcast %slice3A_4836 : vector<128x1xf32> to vector<128x128xf32>
    %sub3A_4842 = vector.broadcast %get3A_1 : vector<1x128xf32> to vector<128x128xf32>
    %sub3A_4843 = arith.subf %sub3A_4841, %sub3A_4842 : vector<128x128xf32>
    %mul3A_4844 = arith.constant -3.276800e+02 : f32
    %mul3A_4845 = vector.broadcast %mul3A_4844 : f32 to vector<128x128xf32>
    %mul3A_4846 = arith.mulf %mul3A_4845, %sub3A_4843 : vector<128x128xf32>
    %mul3A_4847 = arith.mulf %mul3A_4846, %sub3A_4843 : vector<128x128xf32>
    %add3A_4848 = vector.broadcast %slice3A_4837 : vector<128x1xf32> to vector<128x128xf32>
    %add3A_4849 = arith.addf %mul3A_4847, %add3A_4848 : vector<128x128xf32>
    %abs3A_4850 = math.absf %get3A_4840 : vector<128x128xf32>
    %bitcast_convert_type3A_4851 = tpu.bitcast %abs3A_4850 : vector<128x128xf32> -> vector<128x128xi32>
    %shift_right_arithmetic3A_4852 = arith.constant 23 : i32
    %shift_right_arithmetic3A_4853 = vector.broadcast %shift_right_arithmetic3A_4852 : i32 to vector<128x128xi32>
    %shift_right_arithmetic3A_4854 = arith.shrsi %bitcast_convert_type3A_4851, %shift_right_arithmetic3A_4853 : vector<128x128xi32>
    %sub3A_4855 = arith.constant 127 : i32
    %sub3A_4856 = vector.broadcast %sub3A_4855 : i32 to vector<128x128xi32>
    %sub3A_4857 = arith.subi %shift_right_arithmetic3A_4854, %sub3A_4856 : vector<128x128xi32>
    %and3A_4858 = arith.constant 8388607 : i32
    %and3A_4859 = vector.broadcast %and3A_4858 : i32 to vector<128x128xi32>
    %and3A_4860 = arith.andi %bitcast_convert_type3A_4851, %and3A_4859 : vector<128x128xi32>
    %or3A_4861 = arith.constant 1065353216 : i32
    %or3A_4862 = vector.broadcast %or3A_4861 : i32 to vector<128x128xi32>
    %or3A_4863 = arith.ori %and3A_4860, %or3A_4862 : vector<128x128xi32>
    %bitcast_convert_type3A_4864 = tpu.bitcast %or3A_4863 : vector<128x128xi32> -> vector<128x128xf32>
    %mul3A_4865 = arith.constant -0.0248259846 : f32
    %mul3A_4866 = vector.broadcast %mul3A_4865 : f32 to vector<128x128xf32>
    %mul3A_4867 = arith.mulf %mul3A_4866, %bitcast_convert_type3A_4864 : vector<128x128xf32>
    %add3A_4868 = arith.constant 0.26686278 : f32
    %add3A_4869 = vector.broadcast %add3A_4868 : f32 to vector<128x128xf32>
    %add3A_4870 = arith.addf %mul3A_4867, %add3A_4869 : vector<128x128xf32>
    %mul3A_4871 = arith.mulf %add3A_4870, %bitcast_convert_type3A_4864 : vector<128x128xf32>
    %add3A_4872 = arith.constant -1.23427987 : f32
    %add3A_4873 = vector.broadcast %add3A_4872 : f32 to vector<128x128xf32>
    %add3A_4874 = arith.addf %mul3A_4871, %add3A_4873 : vector<128x128xf32>
    %mul3A_4875 = arith.mulf %add3A_4874, %bitcast_convert_type3A_4864 : vector<128x128xf32>
    %add3A_4876 = arith.constant 3.218870e+00 : f32
    %add3A_4877 = vector.broadcast %add3A_4876 : f32 to vector<128x128xf32>
    %add3A_4878 = arith.addf %mul3A_4875, %add3A_4877 : vector<128x128xf32>
    %mul3A_4879 = arith.mulf %add3A_4878, %bitcast_convert_type3A_4864 : vector<128x128xf32>
    %add3A_4880 = arith.constant -5.26415539 : f32
    %add3A_4881 = vector.broadcast %add3A_4880 : f32 to vector<128x128xf32>
    %add3A_4882 = arith.addf %mul3A_4879, %add3A_4881 : vector<128x128xf32>
    %mul3A_4883 = arith.mulf %add3A_4882, %bitcast_convert_type3A_4864 : vector<128x128xf32>
    %add3A_4884 = arith.constant 6.06585884 : f32
    %add3A_4885 = vector.broadcast %add3A_4884 : f32 to vector<128x128xf32>
    %add3A_4886 = arith.addf %mul3A_4883, %add3A_4885 : vector<128x128xf32>
    %mul3A_4887 = arith.mulf %add3A_4886, %bitcast_convert_type3A_4864 : vector<128x128xf32>
    %add3A_4888 = arith.constant -3.02832508 : f32
    %add3A_4889 = vector.broadcast %add3A_4888 : f32 to vector<128x128xf32>
    %add3A_4890 = arith.addf %mul3A_4887, %add3A_4889 : vector<128x128xf32>
    %convert_element_type3A_4891 = arith.sitofp %sub3A_4857 : vector<128x128xi32> to vector<128x128xf32>
    %add3A_4892 = arith.addf %convert_element_type3A_4891, %add3A_4890 : vector<128x128xf32>
    %mul3A_4893 = arith.constant 0.693147182 : f32
    %mul3A_4894 = vector.broadcast %mul3A_4893 : f32 to vector<128x128xf32>
    %mul3A_4895 = arith.mulf %add3A_4892, %mul3A_4894 : vector<128x128xf32>
    %add3A_4896 = arith.addf %mul3A_4895, %add3A_4849 : vector<128x128xf32>
    %bitcast_convert_type3A_4897 = tpu.bitcast %get3A_4840 : vector<128x128xf32> -> vector<128x128xi32>
    %shift_right_logical3A_4898 = arith.constant 31 : i32
    %shift_right_logical3A_4899 = vector.broadcast %shift_right_logical3A_4898 : i32 to vector<128x128xi32>
    %shift_right_logical3A_4900 = arith.shrui %bitcast_convert_type3A_4897, %shift_right_logical3A_4899 : vector<128x128xi32>
    %convert_element_type3A_4901 = arith.sitofp %shift_right_logical3A_4900 : vector<128x128xi32> to vector<128x128xf32>
    %swap3A_4902 = arith.constant 0 : index
    %swap3A_4903 = arith.constant 7936 : index
    %swap3A_4904 = arith.constant 0 : index
    %swap3A_4905 = vector.load %arg5[%swap3A_4902, %swap3A_4903, %swap3A_4904] : memref<2x8192x128xf32, #tpu.memory_space<vmem>>, vector<1x128x128xf32>
    %swap3A_4906 = vector.shape_cast %swap3A_4905 : vector<1x128x128xf32> to vector<128x128xf32>
    %swap3A_4907 = vector.shape_cast %add3A_4896 : vector<128x128xf32> to vector<1x128x128xf32>
    tpu.vector_store %arg5[%swap3A_4902, %swap3A_4903, %swap3A_4904], %swap3A_4907 {strides = array<i32>} : memref<2x8192x128xf32, #tpu.memory_space<vmem>>, vector<1x128x128xf32>,
    %swap3A_4908 = arith.constant 1 : index
    %swap3A_4909 = arith.constant 7936 : index
    %swap3A_4910 = arith.constant 0 : index
    %swap3A_4911 = vector.load %arg5[%swap3A_4908, %swap3A_4909, %swap3A_4910] : memref<2x8192x128xf32, #tpu.memory_space<vmem>>, vector<1x128x128xf32>
    %swap3A_4912 = vector.shape_cast %swap3A_4911 : vector<1x128x128xf32> to vector<128x128xf32>
    %swap3A_4913 = vector.shape_cast %convert_element_type3A_4901 : vector<128x128xf32> to vector<1x128x128xf32>
    tpu.vector_store %arg5[%swap3A_4908, %swap3A_4909, %swap3A_4910], %swap3A_4913 {strides = array<i32>} : memref<2x8192x128xf32, #tpu.memory_space<vmem>>, vector<1x128x128xf32>,
    %slice3A_4914 = vector.extract_strided_slice %get3A_6 {offsets = [0, 63], sizes = [128, 1], strides = [1, 1]} : vector<128x64xf32> to vector<128x1xf32>
    %slice3A_4915 = vector.extract_strided_slice %get3A_11 {offsets = [0, 63], sizes = [128, 1], strides = [1, 1]} : vector<128x64xf32> to vector<128x1xf32>
    %get3A_4916 = arith.constant 8064 : index
    %get3A_4917 = arith.constant 0 : index
    %get3A_4918 = vector.load %arg3[%get3A_4916, %get3A_4917] : memref<8192x128xf32, #tpu.memory_space<vmem>>, vector<128x128xf32>
    %sub3A_4919 = vector.broadcast %slice3A_4914 : vector<128x1xf32> to vector<128x128xf32>
    %sub3A_4920 = vector.broadcast %get3A_1 : vector<1x128xf32> to vector<128x128xf32>
    %sub3A_4921 = arith.subf %sub3A_4919, %sub3A_4920 : vector<128x128xf32>
    %mul3A_4922 = arith.constant -3.276800e+02 : f32
    %mul3A_4923 = vector.broadcast %mul3A_4922 : f32 to vector<128x128xf32>
    %mul3A_4924 = arith.mulf %mul3A_4923, %sub3A_4921 : vector<128x128xf32>
    %mul3A_4925 = arith.mulf %mul3A_4924, %sub3A_4921 : vector<128x128xf32>
    %add3A_4926 = vector.broadcast %slice3A_4915 : vector<128x1xf32> to vector<128x128xf32>
    %add3A_4927 = arith.addf %mul3A_4925, %add3A_4926 : vector<128x128xf32>
    %abs3A_4928 = math.absf %get3A_4918 : vector<128x128xf32>
    %bitcast_convert_type3A_4929 = tpu.bitcast %abs3A_4928 : vector<128x128xf32> -> vector<128x128xi32>
    %shift_right_arithmetic3A_4930 = arith.constant 23 : i32
    %shift_right_arithmetic3A_4931 = vector.broadcast %shift_right_arithmetic3A_4930 : i32 to vector<128x128xi32>
    %shift_right_arithmetic3A_4932 = arith.shrsi %bitcast_convert_type3A_4929, %shift_right_arithmetic3A_4931 : vector<128x128xi32>
    %sub3A_4933 = arith.constant 127 : i32
    %sub3A_4934 = vector.broadcast %sub3A_4933 : i32 to vector<128x128xi32>
    %sub3A_4935 = arith.subi %shift_right_arithmetic3A_4932, %sub3A_4934 : vector<128x128xi32>
    %and3A_4936 = arith.constant 8388607 : i32
    %and3A_4937 = vector.broadcast %and3A_4936 : i32 to vector<128x128xi32>
    %and3A_4938 = arith.andi %bitcast_convert_type3A_4929, %and3A_4937 : vector<128x128xi32>
    %or3A_4939 = arith.constant 1065353216 : i32
    %or3A_4940 = vector.broadcast %or3A_4939 : i32 to vector<128x128xi32>
    %or3A_4941 = arith.ori %and3A_4938, %or3A_4940 : vector<128x128xi32>
    %bitcast_convert_type3A_4942 = tpu.bitcast %or3A_4941 : vector<128x128xi32> -> vector<128x128xf32>
    %mul3A_4943 = arith.constant -0.0248259846 : f32
    %mul3A_4944 = vector.broadcast %mul3A_4943 : f32 to vector<128x128xf32>
    %mul3A_4945 = arith.mulf %mul3A_4944, %bitcast_convert_type3A_4942 : vector<128x128xf32>
    %add3A_4946 = arith.constant 0.26686278 : f32
    %add3A_4947 = vector.broadcast %add3A_4946 : f32 to vector<128x128xf32>
    %add3A_4948 = arith.addf %mul3A_4945, %add3A_4947 : vector<128x128xf32>
    %mul3A_4949 = arith.mulf %add3A_4948, %bitcast_convert_type3A_4942 : vector<128x128xf32>
    %add3A_4950 = arith.constant -1.23427987 : f32
    %add3A_4951 = vector.broadcast %add3A_4950 : f32 to vector<128x128xf32>
    %add3A_4952 = arith.addf %mul3A_4949, %add3A_4951 : vector<128x128xf32>
    %mul3A_4953 = arith.mulf %add3A_4952, %bitcast_convert_type3A_4942 : vector<128x128xf32>
    %add3A_4954 = arith.constant 3.218870e+00 : f32
    %add3A_4955 = vector.broadcast %add3A_4954 : f32 to vector<128x128xf32>
    %add3A_4956 = arith.addf %mul3A_4953, %add3A_4955 : vector<128x128xf32>
    %mul3A_4957 = arith.mulf %add3A_4956, %bitcast_convert_type3A_4942 : vector<128x128xf32>
    %add3A_4958 = arith.constant -5.26415539 : f32
    %add3A_4959 = vector.broadcast %add3A_4958 : f32 to vector<128x128xf32>
    %add3A_4960 = arith.addf %mul3A_4957, %add3A_4959 : vector<128x128xf32>
    %mul3A_4961 = arith.mulf %add3A_4960, %bitcast_convert_type3A_4942 : vector<128x128xf32>
    %add3A_4962 = arith.constant 6.06585884 : f32
    %add3A_4963 = vector.broadcast %add3A_4962 : f32 to vector<128x128xf32>
    %add3A_4964 = arith.addf %mul3A_4961, %add3A_4963 : vector<128x128xf32>
    %mul3A_4965 = arith.mulf %add3A_4964, %bitcast_convert_type3A_4942 : vector<128x128xf32>
    %add3A_4966 = arith.constant -3.02832508 : f32
    %add3A_4967 = vector.broadcast %add3A_4966 : f32 to vector<128x128xf32>
    %add3A_4968 = arith.addf %mul3A_4965, %add3A_4967 : vector<128x128xf32>
    %convert_element_type3A_4969 = arith.sitofp %sub3A_4935 : vector<128x128xi32> to vector<128x128xf32>
    %add3A_4970 = arith.addf %convert_element_type3A_4969, %add3A_4968 : vector<128x128xf32>
    %mul3A_4971 = arith.constant 0.693147182 : f32
    %mul3A_4972 = vector.broadcast %mul3A_4971 : f32 to vector<128x128xf32>
    %mul3A_4973 = arith.mulf %add3A_4970, %mul3A_4972 : vector<128x128xf32>
    %add3A_4974 = arith.addf %mul3A_4973, %add3A_4927 : vector<128x128xf32>
    %bitcast_convert_type3A_4975 = tpu.bitcast %get3A_4918 : vector<128x128xf32> -> vector<128x128xi32>
    %shift_right_logical3A_4976 = arith.constant 31 : i32
    %shift_right_logical3A_4977 = vector.broadcast %shift_right_logical3A_4976 : i32 to vector<128x128xi32>
    %shift_right_logical3A_4978 = arith.shrui %bitcast_convert_type3A_4975, %shift_right_logical3A_4977 : vector<128x128xi32>
    %convert_element_type3A_4979 = arith.sitofp %shift_right_logical3A_4978 : vector<128x128xi32> to vector<128x128xf32>
    %swap3A_4980 = arith.constant 0 : index
    %swap3A_4981 = arith.constant 8064 : index
    %swap3A_4982 = arith.constant 0 : index
    %swap3A_4983 = vector.load %arg5[%swap3A_4980, %swap3A_4981, %swap3A_4982] : memref<2x8192x128xf32, #tpu.memory_space<vmem>>, vector<1x128x128xf32>
    %swap3A_4984 = vector.shape_cast %swap3A_4983 : vector<1x128x128xf32> to vector<128x128xf32>
    %swap3A_4985 = vector.shape_cast %add3A_4974 : vector<128x128xf32> to vector<1x128x128xf32>
    tpu.vector_store %arg5[%swap3A_4980, %swap3A_4981, %swap3A_4982], %swap3A_4985 {strides = array<i32>} : memref<2x8192x128xf32, #tpu.memory_space<vmem>>, vector<1x128x128xf32>,
    %swap3A_4986 = arith.constant 1 : index
    %swap3A_4987 = arith.constant 8064 : index
    %swap3A_4988 = arith.constant 0 : index
    %swap3A_4989 = vector.load %arg5[%swap3A_4986, %swap3A_4987, %swap3A_4988] : memref<2x8192x128xf32, #tpu.memory_space<vmem>>, vector<1x128x128xf32>
    %swap3A_4990 = vector.shape_cast %swap3A_4989 : vector<1x128x128xf32> to vector<128x128xf32>
    %swap3A_4991 = vector.shape_cast %convert_element_type3A_4979 : vector<128x128xf32> to vector<1x128x128xf32>
    tpu.vector_store %arg5[%swap3A_4986, %swap3A_4987, %swap3A_4988], %swap3A_4991 {strides = array<i32>} : memref<2x8192x128xf32, #tpu.memory_space<vmem>>, vector<1x128x128xf32>,
    return
  }
  func.func @transform_0(%arg0: i32) -> (i32, i32, i32) {
    %c0_i32 = arith.constant 0 : i32
    %c0_i32_0 = arith.constant 0 : i32
    %c0_i32_1 = arith.constant 0 : i32
    return %arg0, %c0_i32, %c0_i32_0 : i32, i32, i32
  }
  func.func @transform_1(%arg0: i32) -> (i32, i32, i32) {
    %c0_i32 = arith.constant 0 : i32
    %c0_i32_0 = arith.constant 0 : i32
    %c0_i32_1 = arith.constant 0 : i32
    return %arg0, %c0_i32, %c0_i32_0 : i32, i32, i32
  }
  func.func @transform_2(%arg0: i32) -> (i32, i32) {
    %c0_i32 = arith.constant 0 : i32
    %c0_i32_0 = arith.constant 0 : i32
    return %arg0, %c0_i32 : i32, i32
  }
  func.func @transform_3(%arg0: i32) -> (i32, i32) {
    %c0_i32 = arith.constant 0 : i32
    %c0_i32_0 = arith.constant 0 : i32
    %c0_i32_1 = arith.constant 0 : i32
    return %c0_i32, %c0_i32_0 : i32, i32
  }
  func.func @transform_4(%arg0: i32) -> (i32, i32, i32) {
    %c0_i32 = arith.constant 0 : i32
    %c0_i32_0 = arith.constant 0 : i32
    %c0_i32_1 = arith.constant 0 : i32
    return %c0_i32, %arg0, %c0_i32_0 : i32, i32, i32
  }
}

</mosaic_0001>

<sc_bundles>
// kernel: kernel.6.cloned.1.call-start
scs
__scs_entry_jumppad:
0x0: {  	(pc) =	sbr.rel $0x88, $3  }
0x1: {  	(tag) =	ssettag $0x0;
	lr =	simm.s32 $0x1  }
0x2: {  	[smem:$0x3F9C] =	sst lr;
	_ =	strace $0xD0000000  }
0x3: {  	_ = 	snop  }
0x4: {  	_ = 	snop  }
0x5: {  	_ = 	snop  }
0x6: {  	_ = 	snop  }
0x7: {  	_ = 	snop  }
__scs_overlays_trampoline_lowered:
0x8: {  	[smem:$0x3FAB] =	sst s0  }
0x9: {  	[smem:$0x3FAC] =	sst s1  }
0xa: {  	[smem:$0x3FAD] =	sst s2  }
0xb: {  	[smem:$0x3FAE] =	sst s3  }
0xc: {  	[smem:$0x3FAF] =	sst s4  }
0xd: {  	[smem:$0x3FB0] =	sst s5  }
0xe: {  	[smem:$0x3FB1] =	sst s6  }
0xf: {  	[smem:$0x3FB2] =	sst s7  }
0x10: {  	[smem:$0x3FB3] =	sst s8  }
0x11: {  	[smem:$0x3FB4] =	sst s9;
	s0 =	simm.s32 @!p0 $0x0  }
0x12: {  	s1 =	sld [smem:$0x3F9A];
	s0 =	simm.s32 @p0 $0x1  }
0x13: {  	[smem:$0x3FB5] =	sst s0;
	s0 =	simm.s32 @!p1 $0x0  }
0x14: {  	s2 =	sld [smem:$0x3F99];
	s0 =	simm.s32 @p1 $0x1  }
0x15: {  	[smem:$0x3FB6] =	sst s0;
	s0 =	simm.s32 @!p2 $0x0  }
0x16: {  	s3 =	sld [smem:$0x3FDB];
	s0 =	simm.s32 @p2 $0x1  }
0x17: {  	s4 =	simm.s32 $0x1BF5;
	[smem:$0x3FB8] =	sst s0  }
0x18: {  	s0 =	sld [smem:$0x3F9B];
	_ =	swait.ge [sflag:s4], $0x0  }
0x19: {  	s7 =	sld [smem:$0x3F9C]  }
0x1a: {  	s8 =	sadd.s32 $0xFFFFE003, lr  }
0x1b: {  	s9 =	sadd.s32 $0xFFFFFEF7, lr;
	s5 =	simm.s32 $0xFFFFFFFF;
	p2 =	slt.u32 s8, $0xFFFFF086  }
0x1c: {  	p1 =	slt.u32 s9, $0xF7A;
	s5 =	simm.s32 @!p2 $0x0  }
0x1d: {  	s5 =	simm.s32 @p1 $0x1;
	p0 =	seq.s32 s7, s2  }
0x1e: {  	s7 =	smul.u32 @!p0 $0xF7A, s2;
	p2 =	seq.s32 @!p0 s5, $0x0  }
0x1f: {  	s9 =	smul.u32 $0xF7A, s1;
	s8 =	simm.s32 @!p0 $0x1BF5;
	p2 =	por !p2, p0  }
0x20: {  	[sflag:s8] =	ssyncset.s32 @!p0 $0xFFFFF086;
	s6 =	sadd.s32 @!p0 s3, s7;
	s7 =	simm.s32 @!p0 $0x108  }
0x21: {  	s3 =	sadd.s32 s3, s9;
	s6 =	sadd.s32 @!p0 $0x88, s6;
	s7 =	simm.s32 @p2 $0x1082  }
0x22: {  	[simem:s7], [sflag:s8] =	dma.local @!p0 [hbm:s6], $0xF7A  }
0x23: {  	s9 =	sor.u32 $0xD0000000, s2;
	s6 =	simm.s32 $0x108;
	_ =	swait.ge @!p0 [sflag:s8], $0x0  }
0x24: {  	s3 =	sadd.s32 $0x88, s3;
	s6 =	simm.s32 @!p1 $0x1082;
	[sflag:s4] =	ssyncset.s32 $0xFFFFF086  }
0x25: {  	[simem:s6], [sflag:s4] =	dma.local [hbm:s3], $0xF7A  }
0x26: {  	[smem:$0x3F9C] =	sst s1;
	(tag) =	ssettag s2;
	_ =	strace s9  }
0x27: {  	s1 =	sld [smem:$0x3FAC]  }
0x28: {  	s2 =	sld [smem:$0x3FAD]  }
0x29: {  	s4 =	sld [smem:$0x3FAF]  }
0x2a: {  	p0 =	seq.s32 s5, $0x0;
	s5 =	sld [smem:$0x3FB0]  }
0x2b: {  	s6 =	sld [smem:$0x3FB1]  }
0x2c: {  	s7 =	sld [smem:$0x3FB2]  }
0x2d: {  	s3 =	simm.s32 $0x108;
	s8 =	sld [smem:$0x3FB3]  }
0x2e: {  	s3 =	simm.s32 @!p0 $0x1082;
	s9 =	sld [smem:$0x3FB4]  }
0x2f: {  	lr =	sadd.s32 s0, s3;
	s0 =	sld [smem:$0x3FAB]  }
0x30: {  	s3 =	sld [smem:$0x3FAE]  }
0x31: {  	[smem:$0x3FB7] =	sst s10  }
0x32: {  	s10 =	sld [smem:$0x3FB5];
	_ =	sdelay $0x3  }
0x33: {  	p0 =	seq.s32 s10, $0x1;
	s10 =	sld [smem:$0x3FB7];
	_ =	sdelay $0x3  }
0x34: {  	[smem:$0x3FB7] =	sst s10  }
0x35: {  	s10 =	sld [smem:$0x3FB6];
	_ =	sdelay $0x3  }
0x36: {  	p1 =	seq.s32 s10, $0x1;
	s10 =	sld [smem:$0x3FB7];
	_ =	sdelay $0x3  }
0x37: {  	[smem:$0x3FB7] =	sst s10  }
0x38: {  	s10 =	sld [smem:$0x3FB8]  }
0x39: {  	_ = 	snop;
	(pc) =	sbr.ind lr, $3  }
0x3a: {  	_ = 	snop  }
0x3b: {  	_ = 	snop  }
0x3c: {  	p2 =	seq.s32 s10, $0x1;
	s10 =	sld [smem:$0x3FB7]  }
0x3d: {  	_ =	shalt  }
0x3e: {  	_ =	shalt  }
0x3f: {  	_ =	shalt  }
0x40: {  	_ =	shalt  }
0x41: {  	_ =	shalt  }
0x42: {  	_ =	shalt  }
0x43: {  	_ =	shalt  }
0x44: {  	_ =	shalt  }
0x45: {  	_ =	shalt  }
0x46: {  	_ =	shalt  }
0x47: {  	_ =	shalt  }
0x48: {  	_ =	shalt  }
0x49: {  	_ =	shalt  }
0x4a: {  	_ =	shalt  }
0x4b: {  	_ =	shalt  }
0x4c: {  	_ =	shalt  }
0x4d: {  	_ =	shalt  }
0x4e: {  	_ =	shalt  }
0x4f: {  	_ =	shalt  }
0x50: {  	_ =	shalt  }
0x51: {  	_ =	shalt  }
0x52: {  	_ =	shalt  }
0x53: {  	_ =	shalt  }
0x54: {  	_ =	shalt  }
0x55: {  	_ =	shalt  }
0x56: {  	_ =	shalt  }
0x57: {  	_ =	shalt  }
0x58: {  	_ =	shalt  }
0x59: {  	_ =	shalt  }
0x5a: {  	_ =	shalt  }
0x5b: {  	_ =	shalt  }
0x5c: {  	_ =	shalt  }
0x5d: {  	_ =	shalt  }
0x5e: {  	_ =	shalt  }
0x5f: {  	_ =	shalt  }
0x60: {  	_ =	shalt  }
0x61: {  	_ =	shalt  }
0x62: {  	_ =	shalt  }
0x63: {  	_ =	shalt  }
0x64: {  	_ =	shalt  }
0x65: {  	_ =	shalt  }
0x66: {  	_ =	shalt  }
0x67: {  	_ =	shalt  }
0x68: {  	_ =	shalt  }
0x69: {  	_ =	shalt  }
0x6a: {  	_ =	shalt  }
0x6b: {  	_ =	shalt  }
0x6c: {  	_ =	shalt  }
0x6d: {  	_ =	shalt  }
0x6e: {  	_ =	shalt  }
0x6f: {  	_ =	shalt  }
0x70: {  	_ =	shalt  }
0x71: {  	_ =	shalt  }
0x72: {  	_ =	shalt  }
0x73: {  	_ =	shalt  }
0x74: {  	_ =	shalt  }
0x75: {  	_ =	shalt  }
0x76: {  	_ =	shalt  }
0x77: {  	_ =	shalt  }
0x78: {  	_ =	shalt  }
0x79: {  	_ =	shalt  }
0x7a: {  	_ =	shalt  }
0x7b: {  	_ =	shalt  }
0x7c: {  	_ =	shalt  }
0x7d: {  	_ =	shalt  }
0x7e: {  	_ =	shalt  }
0x7f: {  	_ =	shalt  }
0x80: {  	_ =	shalt  }
0x81: {  	_ =	shalt  }
0x82: {  	_ =	shalt  }
0x83: {  	_ =	shalt  }
0x84: {  	_ =	shalt  }
0x85: {  	_ =	shalt  }
0x86: {  	_ =	shalt  }
0x87: {  	_ =	shalt  }
.Lfunc_end0:
.L_simem_size_0:
called_computation_lowered:
.L_overlay_start_0:
0x88: {  	s2 =	sld [smem:$0x3FD9]  }
0x89: {  	s3 =	sld [smem:$0x3FFE];
	_ =	sdelay $0x1  }
0x8a: {  	s1 =	srdreg.scid  }
0x8b: {  	s0 =	sand.u32 $0x1, s1  }
0x8c: {  	s17 =	sshll.u32 s0, $0xA;
	s2 =	sadd.s32 s3, s2  }
0x8d: {  	s2 =	sadd.s32 s2, s17  }
0x8e: {  	[smem:$0x3FC3] =	sst s2  }
0x8f: {  	_ = 	snop  }
0x90: {  	s2 =	sld [smem:$0x3FD0];
	(tm) =	ssettm $0x1  }
0x91: {  	s18 =	sld [smem:$0x3FFB];
	_ =	sdelay $0x3  }
0x92: {  	_ =	strace s18  }
0x93: {  	s3 =	sld [smem:$0x3FFC];
	_ =	sdelay $0x3  }
0x94: {  	_ =	strace s3  }
0x95: {  	s3 =	sld [smem:$0x3FFD];
	_ =	sdelay $0x3  }
0x96: {  	_ =	strace s3  }
0x97: {  	_ =	strace $0x8FFFFFFF  }
0x98: {  	s19 =	sld [smem:$0x3FDB];
	_ =	sdelay $0x1  }
0x99: {  	s4 =	simm.s32 $_scs_section_size  }
0x9a: {  	s5 =	simm.s32 $_size__tile_overlayer_lowered;
	s6 =	simm.s32 $_tile_overlayer_lowered  }
0x9b: {  	s22 =	simm.s32 $0x1BFF;
	s21 =	sshll.u32 s6, $0x1;
	s3 =	sadd.s32 s4, s19  }
0x9c: {  	s7 =	simm.s32 $0x0;
	s20 =	sshll.u32 s5, $0x1;
	s5 =	sadd.s32 s21, s3  }
0x9d: {  	[timem:s7], [sflag:s22] =	dma.local [hbm:s5], s20  }
0x9e: {  	_ =	swait.ge [sflag:s22], s20  }
0x9f: {  	s4 =	ssub.s32 $0x0, s20;
	[sflag:s22] =	ssyncset.done $0x0  }
0xa0: {  	[sflag:s22] =	ssyncadd.s32 s4;
	_ =	sdelay $0x1  }
0xa1: {  	s23 =	simm.s32 $0x1B8B  }
0xa2: {  	_ =	swait.ge [sflag:s23], $0x1  }
0xa3: {  	[sflag:s23] =	ssyncset.done $0x0  }
0xa4: {  	s25 =	simm.s32 $0x1B8E;
	s24 =	sld [smem:$0x3FFE];
	[sflag:s23] =	ssyncadd.s32 $0xFFFFFFFF  }
0xa5: {  	s26 =	simm.s32 $execute0_lowered;
	[smem:$0x3FD2] =	sst s25  }
0xa6: {  	s5 =	sshll.u32 s26, $0x1;
	_ =	strace $0x80000046;
	[dreg:$0x1] =	wrdreg $0xFFFFFFFF  }
0xa7: {  	s28 =	simm.s32 $_size_execute0_lowered;
	s3 =	sadd.s32 s3, s5;
	[dreg:$0x0] =	wrdreg $0x0  }
0xa8: {  	s5 =	sshll.u32 s28, $0x1;
	[dreg:$0x2] =	wrdreg s3  }
0xa9: {  	[dreg:$0x3] =	wrdreg s5  }
0xaa: {  	[dreg:$0x4] =	wrdreg $0xC0  }
0xab: {  	_ =	task [dreg:s7], $0x5FFFF  }
0xac: {  	[dreg:$0x1] =	wrdreg $0xFFFFFFFF  }
0xad: {  	[dreg:$0x0] =	wrdreg $0x60  }
0xae: {  	[dreg:$0x2] =	wrdreg s24  }
0xaf: {  	[dreg:$0x3] =	wrdreg s2  }
0xb0: {  	[dreg:$0x4] =	wrdreg $0xA8000  }
0xb1: {  	[dreg:$0x5] =	wrdreg $0x9  }
0xb2: {  	_ =	task.clear_ibuf [dreg:s7], $0x6FFFF;
	_ =	strace $0x90000046  }
0xb3: {  	s29 =	simm.s32 $0x9;
	_ =	strace $0x80000048  }
0xb4: {  	_ =	swait.ge [sflag:s29], $0x1  }
0xb5: {  	[sflag:s29] =	ssyncadd.s32 $0xFFFFFFFF  }
0xb6: {  	_ =	strace $0x90000048  }
0xb7: {  	_ =	sfence  }
0xb8: {  	s30 =	sld [smem:$0x0];
	_ =	sdelay $0x2  }
0xb9: {  	s31 =	sshll.u32 s1, $0xD;
	s1 =	sshrl.u32 s1, $0x2  }
0xba: {  	s3 =	sand.u32 $0x4000, s31;
	s1 =	sadd.s32 s1, s30  }
0xbb: {  	s0 =	sor.u32 s3, s0;
	s1 =	sshll.u32 s1, $0x11  }
0xbc: {  	s0 =	sor.u32 s1, s0  }
0xbd: {  	s0 =	sadd.s32 $0x8F2B, s0  }
0xbe: {  	[sflag:s0] =	ssyncadd.remote.s32 $0x1  }
0xbf: {  	_ =	sfence.sel $0xFFFF  }
0xc0: {  	[dreg:$0x0] =	wrdreg $0xFFFFFFFF;
	(pc) =	sbr.abs _section_cstart, $3  }
0xc1: {  	[dreg:$0x1] =	wrdreg $0xFFFFFFFF  }
0xc2: {  	_ =	task.clear_ibuf [dreg:s7], $0x2FFFF;
	_ =	strace $0x9FFFFFFF  }
0xc3: {  	(tm) =	ssettm $0x7FFFFFFF  }
tec
execute0_lowered:
.L_overlay_start_1:
0x0: {  	(tag) =	ssettag $0x1  }
0x1: {  	s0 =	rddreg [dreg:$0x0]  }
0x2: {  	s4 =	rddreg [dreg:$0x1]  }
0x3: {  	s1 =	rddreg [dreg:$0x2]  }
0x4: {  	s2 =	simm.s32 $0x0;
	s6 =	stileid.u32;
	s5 =	srdreg.scid  }
0x5: {  	s28 =	simm.s32 $0x2;
	s31 =	simm.s32 $0x0;
	s8 =	smul.u32 $0xA0, s6  }
0x6: {  	[smem:$0x7FF] =	sst s2;
	s7 =	sadd.s32 $0xA00, s0;
	s22 =	smul.u32 $0x4E000, s6  }
0x7: {  	s3 =	sadd.s32 $0x9C4A00, s0;
	s9 =	sand.u32 $0x1, s5;
	s13 =	smul.u32 $0x280000, s6  }
0x8: {  	s0 =	sadd.s32 $0x9C7200, s0;
	s24 =	sshll.u32 s6, $0x6;
	s14 =	smul.u32 $0xA00, s6  }
0x9: {  	s25 =	sadd.s32 $0x138000, s1;
	s16 =	smul.u32 $0x13800, s6;
	p0 =	sne.s32 s6, $0x0  }
0xa: {  	_ =	strace $0x80000047;
	s10 =	ssub.s32 $0x2, s9;
	s11 =	smul.u32 $0x2710000, s9  }
0xb: {  	[dreg:$0x5] =	wrdreg s25;
	s30 =	smul.u32 $0x138800, s9;
	s12 =	sshrl.u32 s10, $0x1  }
0xc: {  	s5 =	sshrl.u32 s22, $0x2;
	s23 =	ssub.s32 $0x9C4, s8;
	s14 =	sadd.s32 s4, s14  }
0xd: {  	s8 =	sadd.s32 $0x50, s8;
	s10 =	ssub.s32 s10, s12;
	s5 =	sadd.s32 s5, s1  }
0xe: {  	s18 =	sadd.s32 s13, s11;
	[dreg:$0x6] =	wrdreg s14;
	s12 =	smin.u32 s23, $0xA0  }
0xf: {  	s29 =	sshll.u32 s8, $0xE;
	s8 =	sshll.u32 s8, $0x4;
	s19 =	sadd.s32 s16, s30  }
0x10: {  	s20 =	sshrl.u32 s30, $0x3;
	[dreg:$0x4] =	wrdreg s5;
	s5 =	sor.u32 $0x1C03, s24  }
0x11: {  	s26 =	sshrl.u32 s18, $0x3;
	s11 =	sadd.s32 s11, s29;
	s9 =	sadd.s32 $0xFFFFFFB0, s12  }
0x12: {  	s4 =	sadd.s32 s4, s8;
	s12 =	sadd.s32 $0xFFFFFFAE, s12;
	s8 =	sadd.s32 s0, s20  }
0x13: {  	s22 =	sor.u32 $0x8000, s18;
	s23 =	smax.u32 s10, $0x1;
	s25 =	sor.u32 $0x4000, s18  }
0x14: {  	s29 =	sadd.s32 $0x144000, s18;
	s15 =	sadd.s32 s7, s26;
	[dreg:$0x7] =	wrdreg s4  }
0x15: {  	s17 =	sshrl.u32 s11, $0x3;
	s21 =	sadd.s32 $0x27000, s8;
	[dreg:$0xb] =	wrdreg s23  }
0x16: {  	s26 =	sadd.s32 $0x148000, s18;
	s30 =	sshrl.u32 s29, $0x3;
	s23 =	simm.s32 $0x1  }
0x17: {  	s4 =	sadd.s32 s7, s17;
	[dreg:$0xa] =	wrdreg s21;
	s16 =	smov.u32 s15  }
0x18: {  	s24 =	sadd.s32 $0x27800, s15;
	s20 =	sadd.s32 s30, s7;
	[dreg:$0x8] =	wrdreg s4  }
0x19: {  	s21 =	simm.s32 $0x3;
	s4 =	sshrl.u32 s19, $0x3;
	[dreg:$0xc] =	wrdreg s24  }
0x1a: {  	s24 =	simm.s32 $0x6800;
	s0 =	sadd.s32 s0, s4;
	s4 =	sshrl.u32 s26, $0x3  }
0x1b: {  	s26 =	simm.s32 $0x4;
	[dreg:$0x9] =	wrdreg s0;
	s0 =	sshrl.u32 s22, $0x3  }
0x1c: {  	s19 =	sadd.s32 s4, s7;
	s17 =	sadd.s32 s0, s7;
	s0 =	sshrl.u32 s25, $0x3  }
0x1d: {  	s22 =	simm.s32 $0x2800;
	s25 =	simm.s32 $0x80;
	s18 =	sadd.s32 s0, s7  }
.LBB2_1:
0x1e: {  	s0 =	rddreg [dreg:$0x4]  }
0x1f: {  	s0 =	sshrl.u32 s0, $0x3  }
0x20: {  	[spmem:s0], [sflag:s5] =	dma.local [hbm:s3], $0x2700  }
0x21: {  	_ =	swait.ge [sflag:s21], $0x2700  }
0x22: {  	[sflag:s21] =	ssyncset.done $0x0;
	s4 =	rddreg [dreg:$0x5]  }
0x23: {  	[sflag:s21] =	ssyncadd.s32 $0xFFFFD900;
	s29 =	sshrl.u32 @!p0 s4, $0x3;
	s4 =	simm.s32 @!p0 $0x3  }
0x24: {  	[spmem:s29], [sflag:s5] =	dma.local @!p0 [hbm:s3], $0x100  }
0x25: {  	_ =	swait.ge @!p0 [sflag:s4], $0x100  }
0x26: {  	[sflag:s4] =	ssyncset.done @!p0 $0x0  }
0x27: {  	[sflag:s4] =	ssyncadd.s32 @!p0 $0xFFFFFF00  }
0x28: {  	[bflag:$0x0] =	sbarrier.arrive $0xFFFF  }
0x29: {  	s13 =	rddreg [dreg:$0x6]  }
0x2a: {  	[tilespmem:s2], [sflag:$0x3] =	stream.linear.gather [hbm4b:s13+s2], $0x2800, $0x38;
	[tilespmem:$0x1E080] =	vst v63  }
0x2b: {  	_ =	swait.ge [sflag:s21], $0x2800  }
0x2c: {  	[sflag:s21] =	ssyncset.done $0x0  }
0x2d: {  	[sflag:s21] =	ssyncadd.s32 $0xFFFFD800  }
0x2e: {  	[tilespmem:s22], [sflag:$0x1] =	stream.linear.gather [hbm4b:s16+s2], $0x4000, $0x38;
	[tilespmem:$0x1E080] =	vst v63  }
0x2f: {  	_ =	swait.ge [sflag:s23], $0x4000  }
0x30: {  	[sflag:s23] =	ssyncset.done $0x0  }
0x31: {  	s14 =	sadd.s32 $0x0, s18;
	[sflag:s23] =	ssyncadd.s32 $0xFFFFC000  }
0x32: {  	[tilespmem:s24], [sflag:$0x2] =	stream.linear.gather [hbm4b:s14+s2], $0x4000, $0x38;
	[tilespmem:$0x1E080] =	vst v63  }
0x33: {  	_ = 	snop  }
0x34: {  	[spmem:s1] =	stream.indirect.scatter.add.f32 [tilespmem:s22], [sflag:$0x4], $0x80, s2, s25, $0xb8;
	[tilespmem:$0x1E080] =	vst v63  }
0x35: {  	_ =	swait.ge [sflag:s26], $0x4000  }
0x36: {  	[sflag:s26] =	ssyncset.done $0x0  }
0x37: {  	[sflag:s26] =	ssyncadd.s32 $0xFFFFC000  }
0x38: {  	_ =	swait.ge [sflag:s28], $0x4000  }
0x39: {  	[sflag:s28] =	ssyncset.done $0x0  }
0x3a: {  	s15 =	sadd.s32 $0x0, s17;
	[sflag:s28] =	ssyncadd.s32 $0xFFFFC000  }
0x3b: {  	[tilespmem:s22], [sflag:$0x1] =	stream.linear.gather [hbm4b:s15+s2], $0x4000, $0x38;
	[tilespmem:$0x1E080] =	vst v63  }
0x3c: {  	s30 =	simm.s32 $0x80  }
0x3d: {  	[spmem:s1] =	stream.indirect.scatter.add.f32 [tilespmem:s24], [sflag:$0x3], $0x80, s30, s25, $0xb8;
	[tilespmem:$0x1E080] =	vst v63  }
0x3e: {  	_ =	swait.ge [sflag:s21], $0x4000  }
0x3f: {  	s6 =	simm.s32 $0x0;
	s4 =	simm.s32 $0x1000;
	[sflag:s21] =	ssyncset.done $0x0  }
.LBB2_2:
0x40: {  	p1 =	sne.s32 s4, $0x26000;
	[sflag:s21] =	ssyncadd.s32 $0xFFFFC000;
	s6 =	sadd.s32 $0x100, s6  }
0x41: {  	s7 =	smov.u32 s4;
	s4 =	sadd.s32 $0x1000, s4  }
0x42: {  	_ =	swait.ge [sflag:s23], $0x4000  }
0x43: {  	[sflag:s23] =	ssyncset.done $0x0  }
0x44: {  	s8 =	sadd.s32 s7, s18;
	[sflag:s23] =	ssyncadd.s32 $0xFFFFC000  }
0x45: {  	[tilespmem:s24], [sflag:$0x2] =	stream.linear.gather [hbm4b:s8+s2], $0x4000, $0x38;
	[tilespmem:$0x1E080] =	vst v63  }
0x46: {  	_ = 	snop  }
0x47: {  	[spmem:s1] =	stream.indirect.scatter.add.f32 [tilespmem:s22], [sflag:$0x4], $0x80, s6, s25, $0xb8;
	[tilespmem:$0x1E080] =	vst v63  }
0x48: {  	_ =	swait.ge [sflag:s26], $0x4000  }
0x49: {  	[sflag:s26] =	ssyncset.done $0x0  }
0x4a: {  	[sflag:s26] =	ssyncadd.s32 $0xFFFFC000  }
0x4b: {  	_ =	swait.ge [sflag:s28], $0x4000  }
0x4c: {  	[sflag:s28] =	ssyncset.done $0x0  }
0x4d: {  	s7 =	sadd.s32 s7, s17;
	[sflag:s28] =	ssyncadd.s32 $0xFFFFC000  }
0x4e: {  	[tilespmem:s22], [sflag:$0x1] =	stream.linear.gather [hbm4b:s7+s2], $0x4000, $0x38;
	[tilespmem:$0x1E080] =	vst v63  }
.Ltmp0:
0x4f: {  	_ = 	snop;
	(pc) =	sbr.rel @p1 .LBB2_2-.Ltmp0, $4  }
0x50: {  	s7 =	sadd.s32 $0x80, s6  }
0x51: {  	[spmem:s1] =	stream.indirect.scatter.add.f32 [tilespmem:s24], [sflag:$0x3], $0x80, s7, s25, $0xb8;
	[tilespmem:$0x1E080] =	vst v63  }
0x52: {  	_ =	swait.ge [sflag:s21], $0x4000  }
0x53: {  	[sflag:s21] =	ssyncset.done $0x0  }
0x54: {  	[sflag:s21] =	ssyncadd.s32 $0xFFFFC000;
	s4 =	simm.s32 $0x1  }
0x55: {  	_ =	swait.ge [sflag:s4], $0x4000  }
0x56: {  	[sflag:s4] =	ssyncset.done $0x0  }
0x57: {  	s6 =	rddreg [dreg:$0xc];
	[sflag:s4] =	ssyncadd.s32 $0xFFFFC000;
	s4 =	simm.s32 $0x0  }
0x58: {  	[tilespmem:s24], [sflag:$0x2] =	stream.linear.gather [hbm4b:s6+s4], $0x4000, $0x38;
	[tilespmem:$0x1E080] =	vst v63  }
0x59: {  	s11 =	simm.s32 $0x2700  }
0x5a: {  	[spmem:s1] =	stream.indirect.scatter.add.f32 [tilespmem:s22], [sflag:$0x4], $0x80, s11, s25, $0xb8;
	[tilespmem:$0x1E080] =	vst v63  }
0x5b: {  	_ =	swait.ge [sflag:s26], $0x4000  }
0x5c: {  	[sflag:s26] =	ssyncset.done $0x0  }
0x5d: {  	[sflag:s26] =	ssyncadd.s32 $0xFFFFC000  }
0x5e: {  	_ =	swait.ge [sflag:s28], $0x4000  }
0x5f: {  	[sflag:s28] =	ssyncset.done $0x0  }
0x60: {  	s13 =	simm.s32 $0x2780;
	[sflag:s28] =	ssyncadd.s32 $0xFFFFC000  }
0x61: {  	[spmem:s1] =	stream.indirect.scatter.add.f32 [tilespmem:s24], [sflag:$0x3], $0x80, s13, s25, $0xb8;
	[tilespmem:$0x1E080] =	vst v63  }
0x62: {  	_ =	swait.ge [sflag:s21], $0x4000  }
0x63: {  	[sflag:s21] =	ssyncset.done $0x0  }
0x64: {  	s14 =	rddreg [dreg:$0x7];
	[sflag:s21] =	ssyncadd.s32 $0xFFFFC000  }
0x65: {  	[tilespmem:s4], [sflag:$0x3] =	stream.linear.gather [hbm4b:s14+s4], $0x2800, $0x38;
	[tilespmem:$0x1E080] =	vst v63  }
0x66: {  	_ =	swait.ge [sflag:s21], $0x2800  }
0x67: {  	p1 =	sle.u32 s9, $0x0;
	[sflag:s21] =	ssyncset.done $0x0  }
0x68: {  	s6 =	simm.s32 @!p1 $0x1;
	s15 =	rddreg [dreg:$0x8];
	[sflag:s21] =	ssyncadd.s32 $0xFFFFD800  }
0x69: {  	[tilespmem:s22], [sflag:$0x1] =	stream.linear.gather [hbm4b:s15+s4], $0x4000, $0x38;
	[tilespmem:$0x1E080] =	vst v63  }
0x6a: {  	p4 =	sle.u32 @!p1 s9, $0x1;
	_ =	swait.ge @!p1 [sflag:s6], $0x4000  }
0x6b: {  	p2 =	por !p4, p1;
	p3 =	por p4, p1;
	[sflag:s6] =	ssyncset.done @!p1 $0x0  }
0x6c: {  	s7 =	simm.s32 @!p2 $0x80;
	s8 =	simm.s32 @!p2 $0x2800;
	[sflag:s6] =	ssyncadd.s32 @!p1 $0xFFFFC000  }
0x6d: {  	[spmem:s1] =	stream.indirect.scatter.add.f32 @!p2 [tilespmem:s8], [sflag:$0x4], $0x80, s4, s7, $0xb8;
	[tilespmem:$0x1E080] =	vst v63  }
0x6e: {  	s6 =	simm.s32 @!p3 $0x0;
	s7 =	simm.s32 @!p3 $0x6800  }
0x6f: {  	[tilespmem:s7], [sflag:$0x2] =	stream.linear.gather @!p3 [hbm4b:s20+s6], $0x4000, $0x38;
	[tilespmem:$0x1E080] =	vst v63  }
0x70: {  	s11 =	simm.s32 @!p3 $0x80;
	s8 =	simm.s32 @!p3 $0x4;
	s6 =	simm.s32 @!p3 $0x2800  }
0x71: {  	[spmem:s1] =	stream.indirect.scatter.add.f32 @!p3 [tilespmem:s6], [sflag:$0x4], $0x80, s4, s11, $0xb8;
	[tilespmem:$0x1E080] =	vst v63  }
0x72: {  	_ =	swait.ge @!p3 [sflag:s8], $0x4000  }
0x73: {  	p5 =	sle.u32 @!p3 s12, $0x0;
	[sflag:s8] =	ssyncset.done @!p3 $0x0  }
0x74: {  	p4 =	por @!p1 p5, p4;
	s4 =	simm.s32 @!p3 $0x2;
	[sflag:s8] =	ssyncadd.s32 @!p3 $0xFFFFC000  }
0x75: {  	p4 =	por p4, p1;
	_ =	swait.ge @!p3 [sflag:s4], $0x4000  }
0x76: {  	s30 =	sadd.s32 $0x1000, s19;
	s10 =	simm.s32 @!p4 $0x2800;
	[sflag:s4] =	ssyncset.done @!p3 $0x0  }
0x77: {  	s8 =	simm.s32 @!p2 $0x4;
	[sflag:s4] =	ssyncadd.s32 @!p3 $0xFFFFC000;
	s4 =	simm.s32 @!p4 $0x0  }
0x78: {  	[tilespmem:s10], [sflag:$0x1] =	stream.linear.gather @!p4 [hbm4b:s19+s4], $0x4000, $0x38;
	[tilespmem:$0x1E080] =	vst v63  }
0x79: {  	s6 =	simm.s32 $0x3;
	s8 =	simm.s32 @p2 $0x3;
	s4 =	simm.s32 @!p3 $0x80  }
0x7a: {  	[spmem:s1] =	stream.indirect.scatter.add.f32 @!p3 [tilespmem:s7], [sflag:$0x3], $0x80, s4, s11, $0xb8;
	[tilespmem:$0x1E080] =	vst v63  }
0x7b: {  	s10 =	simm.s32 $0x5;
	s7 =	sadd.s32 $0x1000, s20;
	_ =	swait.ge @!p1 [sflag:s8], $0x4000  }
0x7c: {  	s11 =	simm.s32 $0x2;
	s4 =	simm.s32 $0x100;
	[sflag:s8] =	ssyncset.done @!p1 $0x0  }
.LBB2_4:
0x7d: {  	[sflag:s8] =	ssyncadd.s32 @!p1 $0xFFFFC000  }
0x7e: {  	p1 =	sge.u32 s11, s9;
	s8 =	smov.u32 s10;
	s10 =	sadd.s32 $0x2, s10  }
0x7f: {  	p2 =	sne.s32 s10, $0x51;
	s13 =	simm.s32 @!p1 $0x1;
	p5 =	sge.u32 @!p1 s6, s9  }
0x80: {  	s6 =	smov.u32 s8;
	_ =	swait.ge @!p1 [sflag:s13], $0x4000;
	p3 =	por !p5, p1  }
0x81: {  	[sflag:s13] =	ssyncset.done @!p1 $0x0;
	s14 =	simm.s32 @!p3 $0x80;
	s15 =	simm.s32 @!p3 $0x2800  }
0x82: {  	p4 =	por p5, p1;
	s8 =	simm.s32 @!p3 $0x4;
	[sflag:s13] =	ssyncadd.s32 @!p1 $0xFFFFC000  }
0x83: {  	[spmem:s1] =	stream.indirect.scatter.add.f32 @!p3 [tilespmem:s15], [sflag:$0x4], $0x80, s4, s14, $0xb8;
	[tilespmem:$0x1E080] =	vst v63  }
0x84: {  	p6 =	sge.u32 @!p4 s11, s12;
	s13 =	simm.s32 @!p4 $0x0;
	s14 =	simm.s32 @!p4 $0x6800  }
0x85: {  	[tilespmem:s14], [sflag:$0x2] =	stream.linear.gather @!p4 [hbm4b:s7+s13], $0x4000, $0x38;
	[tilespmem:$0x1E080] =	vst v63  }
0x86: {  	s11 =	simm.s32 @!p4 $0x80;
	s15 =	simm.s32 @!p4 $0x4;
	s13 =	simm.s32 @!p4 $0x2800  }
0x87: {  	[spmem:s1] =	stream.indirect.scatter.add.f32 @!p4 [tilespmem:s13], [sflag:$0x4], $0x80, s4, s11, $0xb8;
	[tilespmem:$0x1E080] =	vst v63  }
0x88: {  	p5 =	por @!p1 p6, p5;
	_ =	swait.ge @!p4 [sflag:s15], $0x4000  }
0x89: {  	p5 =	por p5, p1;
	[sflag:s15] =	ssyncset.done @!p4 $0x0  }
0x8a: {  	s13 =	simm.s32 @!p4 $0x2;
	[sflag:s15] =	ssyncadd.s32 @!p4 $0xFFFFC000  }
0x8b: {  	_ =	swait.ge @!p4 [sflag:s13], $0x4000  }
0x8c: {  	[sflag:s13] =	ssyncset.done @!p4 $0x0  }
0x8d: {  	s15 =	simm.s32 @!p5 $0x2800;
	[sflag:s13] =	ssyncadd.s32 @!p4 $0xFFFFC000;
	s13 =	simm.s32 @!p5 $0x0  }
0x8e: {  	[tilespmem:s15], [sflag:$0x1] =	stream.linear.gather @!p5 [hbm4b:s30+s13], $0x4000, $0x38;
	[tilespmem:$0x1E080] =	vst v63  }
.Ltmp1:
0x8f: {  	_ = 	snop;
	(pc) =	sbr.rel @p2 .LBB2_4-.Ltmp1, $4  }
0x90: {  	s8 =	simm.s32 @p3 $0x3;
	s13 =	sadd.s32 @!p4 $0x80, s4  }
0x91: {  	[spmem:s1] =	stream.indirect.scatter.add.f32 @!p4 [tilespmem:s14], [sflag:$0x3], $0x80, s13, s11, $0xb8;
	[tilespmem:$0x1E080] =	vst v63  }
0x92: {  	s7 =	sadd.s32 $0x1000, s7;
	s30 =	sadd.s32 $0x1000, s30;
	_ =	swait.ge @!p1 [sflag:s8], $0x4000  }
0x93: {  	s4 =	sadd.s32 $0x100, s4;
	s11 =	sadd.s32 $0xFFFFFFFF, s6;
	[sflag:s8] =	ssyncset.done @!p1 $0x0  }
0x94: {  	p2 =	sge.u32 s11, s9  }
0x95: {  	[sflag:s8] =	ssyncadd.s32 @!p1 $0xFFFFC000;
	s8 =	simm.s32 @!p2 $0x1  }
0x96: {  	p4 =	sge.u32 @!p2 s6, s9;
	_ =	swait.ge @!p2 [sflag:s8], $0x4000  }
0x97: {  	p1 =	por !p4, p2;
	p3 =	por p4, p2;
	[sflag:s8] =	ssyncset.done @!p2 $0x0  }
0x98: {  	s6 =	simm.s32 @!p1 $0x80;
	s10 =	simm.s32 @!p1 $0x2800;
	[sflag:s8] =	ssyncadd.s32 @!p2 $0xFFFFC000  }
0x99: {  	[spmem:s1] =	stream.indirect.scatter.add.f32 @!p1 [tilespmem:s10], [sflag:$0x4], $0x80, s4, s6, $0xb8;
	[tilespmem:$0x1E080] =	vst v63  }
0x9a: {  	s8 =	simm.s32 @!p3 $0x6800;
	s6 =	simm.s32 @!p3 $0x0  }
0x9b: {  	[tilespmem:s8], [sflag:$0x2] =	stream.linear.gather @!p3 [hbm4b:s7+s6], $0x4000, $0x38;
	[tilespmem:$0x1E080] =	vst v63  }
0x9c: {  	s10 =	simm.s32 @!p3 $0x4;
	s6 =	simm.s32 @!p3 $0x80;
	s7 =	simm.s32 @!p3 $0x2800  }
0x9d: {  	[spmem:s1] =	stream.indirect.scatter.add.f32 @!p3 [tilespmem:s7], [sflag:$0x4], $0x80, s4, s6, $0xb8;
	[tilespmem:$0x1E080] =	vst v63  }
0x9e: {  	_ =	swait.ge @!p3 [sflag:s10], $0x4000  }
0x9f: {  	p5 =	sge.u32 @!p3 s11, s12;
	[sflag:s10] =	ssyncset.done @!p3 $0x0  }
0xa0: {  	p4 =	por @!p2 p5, p4;
	s7 =	simm.s32 @!p3 $0x2;
	[sflag:s10] =	ssyncadd.s32 @!p3 $0xFFFFC000  }
0xa1: {  	p4 =	por p4, p2;
	_ =	swait.ge @!p3 [sflag:s7], $0x4000  }
0xa2: {  	s11 =	simm.s32 @!p4 $0x2800;
	[sflag:s7] =	ssyncset.done @!p3 $0x0  }
0xa3: {  	s10 =	simm.s32 @!p1 $0x4;
	[sflag:s7] =	ssyncadd.s32 @!p3 $0xFFFFC000;
	s7 =	simm.s32 @!p4 $0x0  }
0xa4: {  	[tilespmem:s11], [sflag:$0x1] =	stream.linear.gather @!p4 [hbm4b:s30+s7], $0x4000, $0x38;
	[tilespmem:$0x1E080] =	vst v63  }
0xa5: {  	s4 =	sadd.s32 @!p3 $0x80, s4;
	s10 =	simm.s32 @p1 $0x3  }
0xa6: {  	[spmem:s1] =	stream.indirect.scatter.add.f32 @!p3 [tilespmem:s8], [sflag:$0x3], $0x80, s4, s6, $0xb8;
	[tilespmem:$0x1E080] =	vst v63  }
0xa7: {  	_ =	swait.ge @!p2 [sflag:s10], $0x4000  }
0xa8: {  	[sflag:s10] =	ssyncset.done @!p2 $0x0  }
0xa9: {  	[sflag:s10] =	ssyncadd.s32 @!p2 $0xFFFFC000  }
0xaa: {  	[bflag:$0x0] =	sbarrier.arrive $0xFFFF  }
0xab: {  	s15 =	rddreg [dreg:$0x9]  }
0xac: {  	[hbm:s15], [sflag:s5] =	dma.local [spmem:s0], $0x2700  }
0xad: {  	_ =	swait.ge [sflag:s21], $0x2700  }
0xae: {  	[sflag:s21] =	ssyncset.done $0x0  }
0xaf: {  	s0 =	rddreg [dreg:$0xa];
	[sflag:s21] =	ssyncadd.s32 $0xFFFFD900  }
0xb0: {  	[hbm:s0], [sflag:s5] =	dma.local @!p0 [spmem:s29], $0x100  }
0xb1: {  	s0 =	simm.s32 @!p0 $0x3  }
0xb2: {  	_ =	swait.ge @!p0 [sflag:s0], $0x100  }
0xb3: {  	s31 =	sadd.s32 $0x1, s31;
	s30 =	rddreg [dreg:$0xb]  }
0xb4: {  	p1 =	sne.s32 s31, s30  }
.Ltmp2:
0xb5: {  	_ = 	snop;
	(pc) =	sbr.rel @p1 .LBB2_1-.Ltmp2, $3  }
0xb6: {  	_ =	sdelay $0x1  }
0xb7: {  	[sflag:s0] =	ssyncset.done @!p0 $0x0  }
0xb8: {  	[sflag:s0] =	ssyncadd.s32 @!p0 $0xFFFFFF00  }
0xb9: {  	_ =	sfence.sel $0x180000  }
0xba: {  	[bflag:$0x0] =	sbarrier.arrive $0xFFFF  }
0xbb: {  	_ =	strace $0x90000047  }
0xbc: {  	[bflag:$0x2] =	sbarrier.arrive $0xFFFF  }
0xbd: {  	s0 =	rddreg [dreg:$0x3]  }
0xbe: {  	s0 =	sadd.s32 @!p0 $0x100000, s0  }
0xbf: {  	[sflag:s0] =	ssyncadd.tile.s32 @!p0 $0x1;
	_ =	shalt  }
.Lfunc_end2:
_tile_overlayer_lowered:
.L_overlay_start_2:
0xc0: {  	(tag) =	ssettag $0x2  }
0xc1: {  	s0 =	rddreg [dreg:$0x0];
	s2 =	stileid.u32  }
0xc2: {  	s1 =	rddreg [dreg:$0x1];
	p0 =	sne.s32 s2, $0x0  }
0xc3: {  	s3 =	rddreg [dreg:$0x2];
	[bflag:$0x3] =	sbarrier.arrive $0xFFFF;
	s2 =	simm.s32 @!p0 $0x1C03  }
0xc4: {  	[timem:s3], [sflag:s2] =	dma.local @!p0 [hbm:s0], s1  }
0xc5: {  	s0 =	simm.s32 @!p0 $0x3  }
0xc6: {  	_ =	swait.ge @!p0 [sflag:s0], s1  }
0xc7: {  	s1 =	ssub.s32 @!p0 $0x0, s1;
	[sflag:s0] =	ssyncset.done @!p0 $0x0  }
0xc8: {  	[sflag:s0] =	ssyncadd.s32 @!p0 s1  }
0xc9: {  	[bflag:$0x3] =	sbarrier.arrive $0xFFFF  }
0xca: {  	_ =	shalt  }

</sc_bundles>
